<compile_context>
chip_gen: v7x
topology: tpu7x:2x2x1
jax: 0.10.2.dev20260603
libtpu: 0.0.44.dev20260713+nightly
codegen_flags: <defaults>
</compile_context>

<pallas_src>
import functools

import jax
import jax.numpy as jnp
from jax import lax
from jax.experimental import pallas as pl
from jax.experimental.pallas import tpu as pltpu
from jax.experimental.pallas import tpu_sc as plsc

N = 10000
E = 320000
D = 128
H = 128
C = 40
BN_EPS = 1e-5

NC = 2
NS = 16
NW = NC * NS

ROW = 128
SB = 16
HSB = SB // 2
EP = 327680
R = EP // ROW
NSB = R // SB
ITERS = NSB // NW
NP = 10240
RPS = NP // NS

_mesh = plsc.VectorSubcoreMesh(core_axis_name="c", subcore_axis_name="s")


@functools.partial(
    pl.kernel,
    mesh=_mesh,
    out_type=jax.ShapeDtypeStruct((NC, NP, D), jnp.float32),
    scratch_types=[
        pltpu.VMEM((SB, ROW), jnp.int32),
        pltpu.VMEM((SB, ROW), jnp.int32),
        pltpu.VMEM((2 * ROW, D), jnp.float32),
        pltpu.VMEM_SHARED((NP, D), jnp.float32),
        pltpu.SemaphoreType.DMA,
        pltpu.SemaphoreType.DMA,
        pltpu.SemaphoreType.DMA,
        pltpu.SemaphoreType.DMA,
    ],
)
def _segsum_sc(x_hbm, src_hbm, dst_hbm, zeros_hbm, out_hbm,
               sidx, didx, rows, acc, gsem0, gsem1, ssem0, ssem1):
    cid = lax.axis_index("c")
    sid = lax.axis_index("s")
    wid = sid * NC + cid
    gsems = (gsem0, gsem1)
    ssems = (ssem0, ssem1)

    pltpu.sync_copy(zeros_hbm, acc.at[pl.ds(sid * RPS, RPS)])
    plsc.subcore_barrier()

    @pl.loop(0, ITERS)
    def _(i):
        base = (wid + NW * i) * SB
        pltpu.sync_copy(src_hbm.at[pl.ds(base, SB)], sidx)
        pltpu.sync_copy(dst_hbm.at[pl.ds(base, SB)], didx)

        def slot(j):
            return rows.at[pl.ds((j % 2) * ROW, ROW)]

        @pl.loop(0, 2)
        def _(h):
            b = h * HSB
            gd = [None] * HSB
            sd = [None] * HSB
            for j in range(2):
                gd[j] = pltpu.async_copy(x_hbm.at[sidx.at[b + j]], slot(j),
                                         gsems[j % 2])
            for j in range(HSB):
                gd[j].wait()
                sd[j] = pltpu.async_copy(slot(j), acc.at[didx.at[b + j]],
                                         ssems[j % 2], add=True)
                if j + 2 < HSB:
                    sd[j].wait()
                    gd[j + 2] = pltpu.async_copy(
                        x_hbm.at[sidx.at[b + j + 2]], slot(j + 2),
                        gsems[j % 2])
            sd[HSB - 2].wait()
            sd[HSB - 1].wait()

    plsc.subcore_barrier()

    pltpu.sync_copy(acc.at[pl.ds(sid * RPS, RPS)],
                    out_hbm.at[cid].at[pl.ds(sid * RPS, RPS)])


def _mlp_bn_relu_body(x_ref, p_ref, w_ref, b_ref, g_ref, be_ref, o_ref):
    h = x_ref[...] + p_ref[0][:N] + p_ref[1][:N]
    z = lax.dot_general(h, w_ref[...], (((1,), (1,)), ((), ())),
                        precision=lax.Precision.HIGHEST,
                        preferred_element_type=jnp.float32)
    z = z + b_ref[...]
    mu = jnp.mean(z, axis=0, keepdims=True)
    zc = z - mu
    var = jnp.mean(zc * zc, axis=0, keepdims=True)
    zn = g_ref[...] * (zc * lax.rsqrt(var + BN_EPS)) + be_ref[...]
    o_ref[...] = jnp.maximum(zn, 0.0)


def _final_body(x_ref, p_ref, w_ref, b_ref, o_ref):
    h = x_ref[...] + p_ref[0][:N] + p_ref[1][:N]
    z = lax.dot_general(h, w_ref[...], (((1,), (1,)), ((), ())),
                        precision=lax.Precision.HIGHEST,
                        preferred_element_type=jnp.float32)
    o_ref[...] = z + b_ref[...]


_mlp_bn_relu = pl.pallas_call(
    _mlp_bn_relu_body,
    out_shape=jax.ShapeDtypeStruct((N, H), jnp.float32),
)

_final = pl.pallas_call(
    _final_body,
    out_shape=jax.ShapeDtypeStruct((N, C), jnp.float32),
)


def kernel(x, edge_index, W1, b1, gamma1, beta1, W2, b2, gamma2, beta2,
           W3, b3):
    pad = EP - E
    src = jnp.concatenate(
        [edge_index[0], jnp.zeros((pad,), jnp.int32)]).reshape(R, ROW)
    dst = jnp.concatenate(
        [edge_index[1], jnp.full((pad,), NP - 1, jnp.int32)]).reshape(R, ROW)
    zeros = jnp.zeros((RPS, D), dtype=jnp.float32)

    p = _segsum_sc(x, src, dst, zeros)
    h = _mlp_bn_relu(x, p, W1, b1.reshape(1, H), gamma1.reshape(1, H),
                     beta1.reshape(1, H))
    p = _segsum_sc(h, src, dst, zeros)
    h = _mlp_bn_relu(h, p, W2, b2.reshape(1, H), gamma2.reshape(1, H),
                     beta2.reshape(1, H))
    p = _segsum_sc(h, src, dst, zeros)
    out = _final(h, p, W3, b3.reshape(1, C))
    return out

# --- scband reference (transcript-rebuilt; emitter-appended) ---
"""Pipeline reference for scband-gin-3layer-48266842472562 (READ-ONLY COPY).

The authoritative reference and input builder live on the scoring server;
editing this copy changes nothing except your own understanding.
"""

import jax, jax.numpy as jnp
import numpy as np

N = 10000
E = 320000
D = 128
H = 128
C = 40
BN_EPS = 1e-5


def setup_inputs(seed: int = 0) -> dict:
    key = jax.random.key(seed)
    ks = jax.random.split(key, 12)
    x = jax.random.normal(ks[0], (N, D), dtype=jnp.float32)
    edge_index = jax.random.randint(ks[1], (2, E), 0, N, dtype=jnp.int32)
    W1 = jax.random.normal(ks[2], (H, D), dtype=jnp.float32) * (1.0 / np.sqrt(D))
    b1 = jnp.zeros((H,), dtype=jnp.float32)
    gamma1 = jnp.ones((H,), dtype=jnp.float32)
    beta1 = jnp.zeros((H,), dtype=jnp.float32)
    W2 = jax.random.normal(ks[3], (H, H), dtype=jnp.float32) * (1.0 / np.sqrt(H))
    b2 = jnp.zeros((H,), dtype=jnp.float32)
    gamma2 = jnp.ones((H,), dtype=jnp.float32)
    beta2 = jnp.zeros((H,), dtype=jnp.float32)
    W3 = jax.random.normal(ks[4], (C, H), dtype=jnp.float32) * (1.0 / np.sqrt(H))
    b3 = jnp.zeros((C,), dtype=jnp.float32)
    return {
        "x": x, "edge_index": edge_index,
        "W1": W1, "b1": b1, "gamma1": gamma1, "beta1": beta1,
        "W2": W2, "b2": b2, "gamma2": gamma2, "beta2": beta2,
        "W3": W3, "b3": b3,
    }


def _gin_conv(x, src, dst, W, b):
    # GINConv with eps=0: out = Linear(x + sum_{j->i} x_j)
    msgs = jnp.take(x, src, axis=0)
    agg = jax.ops.segment_sum(msgs, dst, num_segments=N)
    h = x + agg
    return h @ W.T + b


def _batch_norm(x, gamma, beta):
    mu = jnp.mean(x, axis=0)
    var = jnp.var(x, axis=0)  # biased variance, matches BatchNorm1d training normalization
    return gamma * (x - mu) / jnp.sqrt(var + BN_EPS) + beta


def reference(x, edge_index, W1, b1, gamma1, beta1, W2, b2, gamma2, beta2, W3, b3):
    src = edge_index[0]
    dst = edge_index[1]
    h = _gin_conv(x, src, dst, W1, b1)
    h = _batch_norm(h, gamma1, beta1)
    h = jax.nn.relu(h)
    h = _gin_conv(h, src, dst, W2, b2)
    h = _batch_norm(h, gamma2, beta2)
    h = jax.nn.relu(h)
    out = _gin_conv(h, src, dst, W3, b3)
    return out

if __name__ == "__main__":
    import jax
    _d = setup_inputs()
    print(jax.jit(kernel)(*tuple(_d.values())))

</pallas_src>

<mosaic_0001>
#map = affine_map<(d0, d1) -> (0, 0)>
#map1 = affine_map<(d0, d1) -> (0, 0, 0)>
module attributes {stable_mosaic.version = 14 : i64} {
  func.func @_segsum_sc(%arg0: i32, %arg1: i32, %arg2: memref<10000x128xf32, #tpu.memory_space<hbm>>, %arg3: memref<2560x128xi32, #tpu.memory_space<hbm>>, %arg4: memref<2560x128xi32, #tpu.memory_space<hbm>>, %arg5: memref<640x128xf32, #tpu.memory_space<hbm>>, %arg6: memref<2x10240x128xf32, #tpu.memory_space<hbm>>, %arg7: memref<16x128xi32, #tpu.memory_space<vmem>>, %arg8: memref<16x128xi32, #tpu.memory_space<vmem>>, %arg9: memref<256x128xf32, #tpu.memory_space<vmem>>, %arg10: memref<10240x128xf32, #tpu.memory_space<vmem_shared>>, %arg11: memref<!tpu.dma_semaphore, #tpu.memory_space<semaphore_mem>>, %arg12: memref<!tpu.dma_semaphore, #tpu.memory_space<semaphore_mem>>, %arg13: memref<!tpu.dma_semaphore, #tpu.memory_space<semaphore_mem>>, %arg14: memref<!tpu.dma_semaphore, #tpu.memory_space<semaphore_mem>>) attributes {dimension_semantics = [#tpu.dimension_semantics<core_parallel>, #tpu.dimension_semantics<subcore_parallel>], iteration_bounds = array<i64: 2, 16>, scalar_prefetch = 0 : i64, scratch_operands = 8 : i64, tpu.core_type = #tpu.core_type<sc_vector_subcore>, window_params = [{transform_indices = #map}, {transform_indices = #map}, {transform_indices = #map}, {transform_indices = #map}, {transform_indices = #map1}]} {
    %mul3A = arith.constant 2 : i32
    %mul3A_0 = arith.muli %arg1, %mul3A : i32
    %add3A = arith.addi %mul3A_0, %arg0 : i32
    %mul3A_1 = arith.constant 640 : i32
    %mul3A_2 = arith.muli %arg1, %mul3A_1 : i32
    "tpu.region"() ({
      %run_scoped3A = tpu.sem_alloc : memref<!tpu.dma_semaphore, #tpu.memory_space<semaphore_mem>>
      %dma_start3A = arith.constant 0 : i32
      %dma_start3A_12 = tpu.memref_slice %arg10[%mul3A_2, %dma_start3A] : memref<10240x128xf32, #tpu.memory_space<vmem_shared>> -> memref<640x128xf32, #tpu.memory_space<vmem_shared>>
      tpu.enqueue_dma source(%arg5 : memref<640x128xf32, #tpu.memory_space<hbm>>) target(%dma_start3A_12 : memref<640x128xf32, #tpu.memory_space<vmem_shared>>) target_semaphore(%run_scoped3A : memref<!tpu.dma_semaphore, #tpu.memory_space<semaphore_mem>>)
      %dma_wait3A = arith.constant 0 : i32
      %dma_wait3A_13 = tpu.memref_slice %arg10[%mul3A_2, %dma_wait3A] : memref<10240x128xf32, #tpu.memory_space<vmem_shared>> -> memref<640x128xf32, #tpu.memory_space<vmem_shared>>
      tpu.wait_dma2 semaphore(%run_scoped3A : memref<!tpu.dma_semaphore, #tpu.memory_space<semaphore_mem>>) src(%arg5 : memref<640x128xf32, #tpu.memory_space<hbm>>) dst(%dma_wait3A_13 : memref<640x128xf32, #tpu.memory_space<vmem_shared>>)
      tpu.yield
    }) : () -> ()
    %barrier3A = arith.constant 0 : index
    tpu.barrier barrier_id(%barrier3A)
    %scan3A = arith.constant 0 : i32
    %scan3A_3 = arith.constant 5 : i32
    %scan3A_4 = arith.addi %scan3A, %scan3A_3 : i32
    %scan3A_5 = arith.constant 1 : i32
    scf.for %scan3A_12 = %scan3A to %scan3A_4 step %scan3A_5  : i32 {
      %mul3A_13 = arith.constant 1 : i32
      %mul3A_14 = arith.muli %scan3A_12, %mul3A_13 : i32
      %add3A_15 = arith.constant 0 : i32
      %add3A_16 = arith.addi %add3A_15, %mul3A_14 : i32
      %mul3A_17 = arith.constant 32 : i32
      %mul3A_18 = arith.muli %mul3A_17, %add3A_16 : i32
      %add3A_19 = arith.addi %add3A, %mul3A_18 : i32
      %mul3A_20 = arith.constant 16 : i32
      %mul3A_21 = arith.muli %add3A_19, %mul3A_20 : i32
      "tpu.region"() ({
        %run_scoped3A = tpu.sem_alloc : memref<!tpu.dma_semaphore, #tpu.memory_space<semaphore_mem>>
        %dma_start3A = arith.constant 0 : i32
        %dma_start3A_27 = tpu.memref_slice %arg3[%mul3A_21, %dma_start3A] : memref<2560x128xi32, #tpu.memory_space<hbm>> -> memref<16x128xi32, #tpu.memory_space<hbm>>
        %dma_start3A_28 = arith.constant 0 : i32
        %dma_start3A_29 = tpu.memref_slice %arg3[%mul3A_21, %dma_start3A_28] : memref<2560x128xi32, #tpu.memory_space<hbm>> -> memref<16x128xi32, #tpu.memory_space<hbm>>
        tpu.enqueue_dma source(%dma_start3A_29 : memref<16x128xi32, #tpu.memory_space<hbm>>) target(%arg7 : memref<16x128xi32, #tpu.memory_space<vmem>>) target_semaphore(%run_scoped3A : memref<!tpu.dma_semaphore, #tpu.memory_space<semaphore_mem>>)
        %dma_wait3A = arith.constant 0 : i32
        %dma_wait3A_30 = tpu.memref_slice %arg3[%mul3A_21, %dma_wait3A] : memref<2560x128xi32, #tpu.memory_space<hbm>> -> memref<16x128xi32, #tpu.memory_space<hbm>>
        %dma_wait3A_31 = arith.constant 0 : i32
        %dma_wait3A_32 = tpu.memref_slice %arg3[%mul3A_21, %dma_wait3A_31] : memref<2560x128xi32, #tpu.memory_space<hbm>> -> memref<16x128xi32, #tpu.memory_space<hbm>>
        tpu.wait_dma2 semaphore(%run_scoped3A : memref<!tpu.dma_semaphore, #tpu.memory_space<semaphore_mem>>) src(%dma_wait3A_32 : memref<16x128xi32, #tpu.memory_space<hbm>>) dst(%arg7 : memref<16x128xi32, #tpu.memory_space<vmem>>)
        tpu.yield
      }) : () -> ()
      "tpu.region"() ({
        %run_scoped3A = tpu.sem_alloc : memref<!tpu.dma_semaphore, #tpu.memory_space<semaphore_mem>>
        %dma_start3A = arith.constant 0 : i32
        %dma_start3A_27 = tpu.memref_slice %arg4[%mul3A_21, %dma_start3A] : memref<2560x128xi32, #tpu.memory_space<hbm>> -> memref<16x128xi32, #tpu.memory_space<hbm>>
        %dma_start3A_28 = arith.constant 0 : i32
        %dma_start3A_29 = tpu.memref_slice %arg4[%mul3A_21, %dma_start3A_28] : memref<2560x128xi32, #tpu.memory_space<hbm>> -> memref<16x128xi32, #tpu.memory_space<hbm>>
        tpu.enqueue_dma source(%dma_start3A_29 : memref<16x128xi32, #tpu.memory_space<hbm>>) target(%arg8 : memref<16x128xi32, #tpu.memory_space<vmem>>) target_semaphore(%run_scoped3A : memref<!tpu.dma_semaphore, #tpu.memory_space<semaphore_mem>>)
        %dma_wait3A = arith.constant 0 : i32
        %dma_wait3A_30 = tpu.memref_slice %arg4[%mul3A_21, %dma_wait3A] : memref<2560x128xi32, #tpu.memory_space<hbm>> -> memref<16x128xi32, #tpu.memory_space<hbm>>
        %dma_wait3A_31 = arith.constant 0 : i32
        %dma_wait3A_32 = tpu.memref_slice %arg4[%mul3A_21, %dma_wait3A_31] : memref<2560x128xi32, #tpu.memory_space<hbm>> -> memref<16x128xi32, #tpu.memory_space<hbm>>
        tpu.wait_dma2 semaphore(%run_scoped3A : memref<!tpu.dma_semaphore, #tpu.memory_space<semaphore_mem>>) src(%dma_wait3A_32 : memref<16x128xi32, #tpu.memory_space<hbm>>) dst(%arg8 : memref<16x128xi32, #tpu.memory_space<vmem>>)
        tpu.yield
      }) : () -> ()
      %scan3A_22 = arith.constant 0 : i32
      %scan3A_23 = arith.constant 2 : i32
      %scan3A_24 = arith.addi %scan3A_22, %scan3A_23 : i32
      %scan3A_25 = arith.constant 1 : i32
      scf.for %scan3A_27 = %scan3A_22 to %scan3A_24 step %scan3A_25  : i32 {
        %mul3A_28 = arith.constant 1 : i32
        %mul3A_29 = arith.muli %scan3A_27, %mul3A_28 : i32
        %add3A_30 = arith.constant 0 : i32
        %add3A_31 = arith.addi %add3A_30, %mul3A_29 : i32
        %mul3A_32 = arith.constant 8 : i32
        %mul3A_33 = arith.muli %add3A_31, %mul3A_32 : i32
        %add3A_34 = arith.constant 0 : i32
        %add3A_35 = arith.addi %mul3A_33, %add3A_34 : i32
        %dma_start3A = arith.constant 0 : i32
        %dma_start3A_36 = arith.constant 0 : i32
        %dma_start3A_37 = tpu.memref_slice %arg9[%dma_start3A, %dma_start3A_36] : memref<256x128xf32, #tpu.memory_space<vmem>> -> memref<128x128xf32, #tpu.memory_space<vmem>>
        %dma_start3A_38 = arith.constant 0 : i32
        %dma_start3A_39 = tpu.memref_slice %arg7[%add3A_35, %dma_start3A_38] : memref<16x128xi32, #tpu.memory_space<vmem>> -> memref<1x128xi32, #tpu.memory_space<vmem>>
        %dma_start3A_40 = tpu.memref_squeeze %dma_start3A_39 : memref<1x128xi32, #tpu.memory_space<vmem>> -> memref<128xi32, #tpu.memory_space<vmem>>
        %dma_start3A_41 = arith.constant 0 : i32
        %dma_start3A_42 = arith.constant 0 : i32
        %dma_start3A_43 = tpu.memref_slice %arg2[%dma_start3A_41, %dma_start3A_42] : memref<10000x128xf32, #tpu.memory_space<hbm>> -> memref<10000x128xf32, #tpu.memory_space<hbm>>
        tpu.enqueue_indirect_dma source(%dma_start3A_43 : memref<10000x128xf32, #tpu.memory_space<hbm>>) target(%dma_start3A_37 : memref<128x128xf32, #tpu.memory_space<vmem>>) offsets(%dma_start3A_40 : memref<128xi32, #tpu.memory_space<vmem>>) semaphore(%arg11 : memref<!tpu.dma_semaphore, #tpu.memory_space<semaphore_mem>>)
        %add3A_44 = arith.constant 1 : i32
        %add3A_45 = arith.addi %mul3A_33, %add3A_44 : i32
        %dma_start3A_46 = arith.constant 128 : i32
        %dma_start3A_47 = arith.constant 0 : i32
        %dma_start3A_48 = tpu.memref_slice %arg9[%dma_start3A_46, %dma_start3A_47] : memref<256x128xf32, #tpu.memory_space<vmem>> -> memref<128x128xf32, #tpu.memory_space<vmem>>
        %dma_start3A_49 = arith.constant 0 : i32
        %dma_start3A_50 = tpu.memref_slice %arg7[%add3A_45, %dma_start3A_49] : memref<16x128xi32, #tpu.memory_space<vmem>> -> memref<1x128xi32, #tpu.memory_space<vmem>>
        %dma_start3A_51 = tpu.memref_squeeze %dma_start3A_50 : memref<1x128xi32, #tpu.memory_space<vmem>> -> memref<128xi32, #tpu.memory_space<vmem>>
        %dma_start3A_52 = arith.constant 0 : i32
        %dma_start3A_53 = arith.constant 0 : i32
        %dma_start3A_54 = tpu.memref_slice %arg2[%dma_start3A_52, %dma_start3A_53] : memref<10000x128xf32, #tpu.memory_space<hbm>> -> memref<10000x128xf32, #tpu.memory_space<hbm>>
        tpu.enqueue_indirect_dma source(%dma_start3A_54 : memref<10000x128xf32, #tpu.memory_space<hbm>>) target(%dma_start3A_48 : memref<128x128xf32, #tpu.memory_space<vmem>>) offsets(%dma_start3A_51 : memref<128xi32, #tpu.memory_space<vmem>>) semaphore(%arg12 : memref<!tpu.dma_semaphore, #tpu.memory_space<semaphore_mem>>)
        %dma_wait3A = arith.constant 0 : i32
        %dma_wait3A_55 = arith.constant 0 : i32
        %dma_wait3A_56 = tpu.memref_slice %arg9[%dma_wait3A, %dma_wait3A_55] : memref<256x128xf32, #tpu.memory_space<vmem>> -> memref<128x128xf32, #tpu.memory_space<vmem>>
        %dma_wait3A_57 = arith.constant 0 : i32
        %dma_wait3A_58 = tpu.memref_slice %arg7[%add3A_35, %dma_wait3A_57] : memref<16x128xi32, #tpu.memory_space<vmem>> -> memref<1x128xi32, #tpu.memory_space<vmem>>
        %dma_wait3A_59 = tpu.memref_squeeze %dma_wait3A_58 : memref<1x128xi32, #tpu.memory_space<vmem>> -> memref<128xi32, #tpu.memory_space<vmem>>
        %dma_wait3A_60 = arith.constant 0 : i32
        %dma_wait3A_61 = arith.constant 0 : i32
        %dma_wait3A_62 = tpu.memref_slice %arg2[%dma_wait3A_60, %dma_wait3A_61] : memref<10000x128xf32, #tpu.memory_space<hbm>> -> memref<10000x128xf32, #tpu.memory_space<hbm>>
        tpu.wait_indirect_dma semaphore(%arg11 : memref<!tpu.dma_semaphore, #tpu.memory_space<semaphore_mem>>) src(%dma_wait3A_62 : memref<10000x128xf32, #tpu.memory_space<hbm>>) dst(%dma_wait3A_56 : memref<128x128xf32, #tpu.memory_space<vmem>>)
        %add3A_63 = arith.constant 0 : i32
        %add3A_64 = arith.addi %mul3A_33, %add3A_63 : i32
        %dma_start3A_65 = arith.constant 0 : i32
        %dma_start3A_66 = arith.constant 0 : i32
        %dma_start3A_67 = tpu.memref_slice %arg9[%dma_start3A_65, %dma_start3A_66] : memref<256x128xf32, #tpu.memory_space<vmem>> -> memref<128x128xf32, #tpu.memory_space<vmem>>
        %dma_start3A_68 = arith.constant 0 : i32
        %dma_start3A_69 = tpu.memref_slice %arg8[%add3A_64, %dma_start3A_68] : memref<16x128xi32, #tpu.memory_space<vmem>> -> memref<1x128xi32, #tpu.memory_space<vmem>>
        %dma_start3A_70 = tpu.memref_squeeze %dma_start3A_69 : memref<1x128xi32, #tpu.memory_space<vmem>> -> memref<128xi32, #tpu.memory_space<vmem>>
        %dma_start3A_71 = arith.constant 0 : i32
        %dma_start3A_72 = arith.constant 0 : i32
        %dma_start3A_73 = tpu.memref_slice %arg10[%dma_start3A_71, %dma_start3A_72] : memref<10240x128xf32, #tpu.memory_space<vmem_shared>> -> memref<10240x128xf32, #tpu.memory_space<vmem_shared>>
        tpu.enqueue_indirect_dma source(%dma_start3A_67 : memref<128x128xf32, #tpu.memory_space<vmem>>) target(%dma_start3A_73 : memref<10240x128xf32, #tpu.memory_space<vmem_shared>>) offsets(%dma_start3A_70 : memref<128xi32, #tpu.memory_space<vmem>>) semaphore(%arg13 : memref<!tpu.dma_semaphore, #tpu.memory_space<semaphore_mem>>) {add = true}
        %dma_wait3A_74 = arith.constant 0 : i32
        %dma_wait3A_75 = arith.constant 0 : i32
        %dma_wait3A_76 = tpu.memref_slice %arg9[%dma_wait3A_74, %dma_wait3A_75] : memref<256x128xf32, #tpu.memory_space<vmem>> -> memref<128x128xf32, #tpu.memory_space<vmem>>
        %dma_wait3A_77 = arith.constant 0 : i32
        %dma_wait3A_78 = tpu.memref_slice %arg8[%add3A_64, %dma_wait3A_77] : memref<16x128xi32, #tpu.memory_space<vmem>> -> memref<1x128xi32, #tpu.memory_space<vmem>>
        %dma_wait3A_79 = tpu.memref_squeeze %dma_wait3A_78 : memref<1x128xi32, #tpu.memory_space<vmem>> -> memref<128xi32, #tpu.memory_space<vmem>>
        %dma_wait3A_80 = arith.constant 0 : i32
        %dma_wait3A_81 = arith.constant 0 : i32
        %dma_wait3A_82 = tpu.memref_slice %arg10[%dma_wait3A_80, %dma_wait3A_81] : memref<10240x128xf32, #tpu.memory_space<vmem_shared>> -> memref<10240x128xf32, #tpu.memory_space<vmem_shared>>
        tpu.wait_indirect_dma semaphore(%arg13 : memref<!tpu.dma_semaphore, #tpu.memory_space<semaphore_mem>>) src(%dma_wait3A_76 : memref<128x128xf32, #tpu.memory_space<vmem>>) dst(%dma_wait3A_82 : memref<10240x128xf32, #tpu.memory_space<vmem_shared>>)
        %add3A_83 = arith.constant 0 : i32
        %add3A_84 = arith.addi %mul3A_33, %add3A_83 : i32
        %add3A_85 = arith.constant 2 : i32
        %add3A_86 = arith.addi %add3A_84, %add3A_85 : i32
        %dma_start3A_87 = arith.constant 0 : i32
        %dma_start3A_88 = arith.constant 0 : i32
        %dma_start3A_89 = tpu.memref_slice %arg9[%dma_start3A_87, %dma_start3A_88] : memref<256x128xf32, #tpu.memory_space<vmem>> -> memref<128x128xf32, #tpu.memory_space<vmem>>
        %dma_start3A_90 = arith.constant 0 : i32
        %dma_start3A_91 = tpu.memref_slice %arg7[%add3A_86, %dma_start3A_90] : memref<16x128xi32, #tpu.memory_space<vmem>> -> memref<1x128xi32, #tpu.memory_space<vmem>>
        %dma_start3A_92 = tpu.memref_squeeze %dma_start3A_91 : memref<1x128xi32, #tpu.memory_space<vmem>> -> memref<128xi32, #tpu.memory_space<vmem>>
        %dma_start3A_93 = arith.constant 0 : i32
        %dma_start3A_94 = arith.constant 0 : i32
        %dma_start3A_95 = tpu.memref_slice %arg2[%dma_start3A_93, %dma_start3A_94] : memref<10000x128xf32, #tpu.memory_space<hbm>> -> memref<10000x128xf32, #tpu.memory_space<hbm>>
        tpu.enqueue_indirect_dma source(%dma_start3A_95 : memref<10000x128xf32, #tpu.memory_space<hbm>>) target(%dma_start3A_89 : memref<128x128xf32, #tpu.memory_space<vmem>>) offsets(%dma_start3A_92 : memref<128xi32, #tpu.memory_space<vmem>>) semaphore(%arg11 : memref<!tpu.dma_semaphore, #tpu.memory_space<semaphore_mem>>)
        %dma_wait3A_96 = arith.constant 128 : i32
        %dma_wait3A_97 = arith.constant 0 : i32
        %dma_wait3A_98 = tpu.memref_slice %arg9[%dma_wait3A_96, %dma_wait3A_97] : memref<256x128xf32, #tpu.memory_space<vmem>> -> memref<128x128xf32, #tpu.memory_space<vmem>>
        %dma_wait3A_99 = arith.constant 0 : i32
        %dma_wait3A_100 = tpu.memref_slice %arg7[%add3A_45, %dma_wait3A_99] : memref<16x128xi32, #tpu.memory_space<vmem>> -> memref<1x128xi32, #tpu.memory_space<vmem>>
        %dma_wait3A_101 = tpu.memref_squeeze %dma_wait3A_100 : memref<1x128xi32, #tpu.memory_space<vmem>> -> memref<128xi32, #tpu.memory_space<vmem>>
        %dma_wait3A_102 = arith.constant 0 : i32
        %dma_wait3A_103 = arith.constant 0 : i32
        %dma_wait3A_104 = tpu.memref_slice %arg2[%dma_wait3A_102, %dma_wait3A_103] : memref<10000x128xf32, #tpu.memory_space<hbm>> -> memref<10000x128xf32, #tpu.memory_space<hbm>>
        tpu.wait_indirect_dma semaphore(%arg12 : memref<!tpu.dma_semaphore, #tpu.memory_space<semaphore_mem>>) src(%dma_wait3A_104 : memref<10000x128xf32, #tpu.memory_space<hbm>>) dst(%dma_wait3A_98 : memref<128x128xf32, #tpu.memory_space<vmem>>)
        %add3A_105 = arith.constant 1 : i32
        %add3A_106 = arith.addi %mul3A_33, %add3A_105 : i32
        %dma_start3A_107 = arith.constant 128 : i32
        %dma_start3A_108 = arith.constant 0 : i32
        %dma_start3A_109 = tpu.memref_slice %arg9[%dma_start3A_107, %dma_start3A_108] : memref<256x128xf32, #tpu.memory_space<vmem>> -> memref<128x128xf32, #tpu.memory_space<vmem>>
        %dma_start3A_110 = arith.constant 0 : i32
        %dma_start3A_111 = tpu.memref_slice %arg8[%add3A_106, %dma_start3A_110] : memref<16x128xi32, #tpu.memory_space<vmem>> -> memref<1x128xi32, #tpu.memory_space<vmem>>
        %dma_start3A_112 = tpu.memref_squeeze %dma_start3A_111 : memref<1x128xi32, #tpu.memory_space<vmem>> -> memref<128xi32, #tpu.memory_space<vmem>>
        %dma_start3A_113 = arith.constant 0 : i32
        %dma_start3A_114 = arith.constant 0 : i32
        %dma_start3A_115 = tpu.memref_slice %arg10[%dma_start3A_113, %dma_start3A_114] : memref<10240x128xf32, #tpu.memory_space<vmem_shared>> -> memref<10240x128xf32, #tpu.memory_space<vmem_shared>>
        tpu.enqueue_indirect_dma source(%dma_start3A_109 : memref<128x128xf32, #tpu.memory_space<vmem>>) target(%dma_start3A_115 : memref<10240x128xf32, #tpu.memory_space<vmem_shared>>) offsets(%dma_start3A_112 : memref<128xi32, #tpu.memory_space<vmem>>) semaphore(%arg14 : memref<!tpu.dma_semaphore, #tpu.memory_space<semaphore_mem>>) {add = true}
        %dma_wait3A_116 = arith.constant 128 : i32
        %dma_wait3A_117 = arith.constant 0 : i32
        %dma_wait3A_118 = tpu.memref_slice %arg9[%dma_wait3A_116, %dma_wait3A_117] : memref<256x128xf32, #tpu.memory_space<vmem>> -> memref<128x128xf32, #tpu.memory_space<vmem>>
        %dma_wait3A_119 = arith.constant 0 : i32
        %dma_wait3A_120 = tpu.memref_slice %arg8[%add3A_106, %dma_wait3A_119] : memref<16x128xi32, #tpu.memory_space<vmem>> -> memref<1x128xi32, #tpu.memory_space<vmem>>
        %dma_wait3A_121 = tpu.memref_squeeze %dma_wait3A_120 : memref<1x128xi32, #tpu.memory_space<vmem>> -> memref<128xi32, #tpu.memory_space<vmem>>
        %dma_wait3A_122 = arith.constant 0 : i32
        %dma_wait3A_123 = arith.constant 0 : i32
        %dma_wait3A_124 = tpu.memref_slice %arg10[%dma_wait3A_122, %dma_wait3A_123] : memref<10240x128xf32, #tpu.memory_space<vmem_shared>> -> memref<10240x128xf32, #tpu.memory_space<vmem_shared>>
        tpu.wait_indirect_dma semaphore(%arg14 : memref<!tpu.dma_semaphore, #tpu.memory_space<semaphore_mem>>) src(%dma_wait3A_118 : memref<128x128xf32, #tpu.memory_space<vmem>>) dst(%dma_wait3A_124 : memref<10240x128xf32, #tpu.memory_space<vmem_shared>>)
        %add3A_125 = arith.constant 1 : i32
        %add3A_126 = arith.addi %mul3A_33, %add3A_125 : i32
        %add3A_127 = arith.constant 2 : i32
        %add3A_128 = arith.addi %add3A_126, %add3A_127 : i32
        %dma_start3A_129 = arith.constant 128 : i32
        %dma_start3A_130 = arith.constant 0 : i32
        %dma_start3A_131 = tpu.memref_slice %arg9[%dma_start3A_129, %dma_start3A_130] : memref<256x128xf32, #tpu.memory_space<vmem>> -> memref<128x128xf32, #tpu.memory_space<vmem>>
        %dma_start3A_132 = arith.constant 0 : i32
        %dma_start3A_133 = tpu.memref_slice %arg7[%add3A_128, %dma_start3A_132] : memref<16x128xi32, #tpu.memory_space<vmem>> -> memref<1x128xi32, #tpu.memory_space<vmem>>
        %dma_start3A_134 = tpu.memref_squeeze %dma_start3A_133 : memref<1x128xi32, #tpu.memory_space<vmem>> -> memref<128xi32, #tpu.memory_space<vmem>>
        %dma_start3A_135 = arith.constant 0 : i32
        %dma_start3A_136 = arith.constant 0 : i32
        %dma_start3A_137 = tpu.memref_slice %arg2[%dma_start3A_135, %dma_start3A_136] : memref<10000x128xf32, #tpu.memory_space<hbm>> -> memref<10000x128xf32, #tpu.memory_space<hbm>>
        tpu.enqueue_indirect_dma source(%dma_start3A_137 : memref<10000x128xf32, #tpu.memory_space<hbm>>) target(%dma_start3A_131 : memref<128x128xf32, #tpu.memory_space<vmem>>) offsets(%dma_start3A_134 : memref<128xi32, #tpu.memory_space<vmem>>) semaphore(%arg12 : memref<!tpu.dma_semaphore, #tpu.memory_space<semaphore_mem>>)
        %dma_wait3A_138 = arith.constant 0 : i32
        %dma_wait3A_139 = arith.constant 0 : i32
        %dma_wait3A_140 = tpu.memref_slice %arg9[%dma_wait3A_138, %dma_wait3A_139] : memref<256x128xf32, #tpu.memory_space<vmem>> -> memref<128x128xf32, #tpu.memory_space<vmem>>
        %dma_wait3A_141 = arith.constant 0 : i32
        %dma_wait3A_142 = tpu.memref_slice %arg7[%add3A_86, %dma_wait3A_141] : memref<16x128xi32, #tpu.memory_space<vmem>> -> memref<1x128xi32, #tpu.memory_space<vmem>>
        %dma_wait3A_143 = tpu.memref_squeeze %dma_wait3A_142 : memref<1x128xi32, #tpu.memory_space<vmem>> -> memref<128xi32, #tpu.memory_space<vmem>>
        %dma_wait3A_144 = arith.constant 0 : i32
        %dma_wait3A_145 = arith.constant 0 : i32
        %dma_wait3A_146 = tpu.memref_slice %arg2[%dma_wait3A_144, %dma_wait3A_145] : memref<10000x128xf32, #tpu.memory_space<hbm>> -> memref<10000x128xf32, #tpu.memory_space<hbm>>
        tpu.wait_indirect_dma semaphore(%arg11 : memref<!tpu.dma_semaphore, #tpu.memory_space<semaphore_mem>>) src(%dma_wait3A_146 : memref<10000x128xf32, #tpu.memory_space<hbm>>) dst(%dma_wait3A_140 : memref<128x128xf32, #tpu.memory_space<vmem>>)
        %add3A_147 = arith.constant 2 : i32
        %add3A_148 = arith.addi %mul3A_33, %add3A_147 : i32
        %dma_start3A_149 = arith.constant 0 : i32
        %dma_start3A_150 = arith.constant 0 : i32
        %dma_start3A_151 = tpu.memref_slice %arg9[%dma_start3A_149, %dma_start3A_150] : memref<256x128xf32, #tpu.memory_space<vmem>> -> memref<128x128xf32, #tpu.memory_space<vmem>>
        %dma_start3A_152 = arith.constant 0 : i32
        %dma_start3A_153 = tpu.memref_slice %arg8[%add3A_148, %dma_start3A_152] : memref<16x128xi32, #tpu.memory_space<vmem>> -> memref<1x128xi32, #tpu.memory_space<vmem>>
        %dma_start3A_154 = tpu.memref_squeeze %dma_start3A_153 : memref<1x128xi32, #tpu.memory_space<vmem>> -> memref<128xi32, #tpu.memory_space<vmem>>
        %dma_start3A_155 = arith.constant 0 : i32
        %dma_start3A_156 = arith.constant 0 : i32
        %dma_start3A_157 = tpu.memref_slice %arg10[%dma_start3A_155, %dma_start3A_156] : memref<10240x128xf32, #tpu.memory_space<vmem_shared>> -> memref<10240x128xf32, #tpu.memory_space<vmem_shared>>
        tpu.enqueue_indirect_dma source(%dma_start3A_151 : memref<128x128xf32, #tpu.memory_space<vmem>>) target(%dma_start3A_157 : memref<10240x128xf32, #tpu.memory_space<vmem_shared>>) offsets(%dma_start3A_154 : memref<128xi32, #tpu.memory_space<vmem>>) semaphore(%arg13 : memref<!tpu.dma_semaphore, #tpu.memory_space<semaphore_mem>>) {add = true}
        %dma_wait3A_158 = arith.constant 0 : i32
        %dma_wait3A_159 = arith.constant 0 : i32
        %dma_wait3A_160 = tpu.memref_slice %arg9[%dma_wait3A_158, %dma_wait3A_159] : memref<256x128xf32, #tpu.memory_space<vmem>> -> memref<128x128xf32, #tpu.memory_space<vmem>>
        %dma_wait3A_161 = arith.constant 0 : i32
        %dma_wait3A_162 = tpu.memref_slice %arg8[%add3A_148, %dma_wait3A_161] : memref<16x128xi32, #tpu.memory_space<vmem>> -> memref<1x128xi32, #tpu.memory_space<vmem>>
        %dma_wait3A_163 = tpu.memref_squeeze %dma_wait3A_162 : memref<1x128xi32, #tpu.memory_space<vmem>> -> memref<128xi32, #tpu.memory_space<vmem>>
        %dma_wait3A_164 = arith.constant 0 : i32
        %dma_wait3A_165 = arith.constant 0 : i32
        %dma_wait3A_166 = tpu.memref_slice %arg10[%dma_wait3A_164, %dma_wait3A_165] : memref<10240x128xf32, #tpu.memory_space<vmem_shared>> -> memref<10240x128xf32, #tpu.memory_space<vmem_shared>>
        tpu.wait_indirect_dma semaphore(%arg13 : memref<!tpu.dma_semaphore, #tpu.memory_space<semaphore_mem>>) src(%dma_wait3A_160 : memref<128x128xf32, #tpu.memory_space<vmem>>) dst(%dma_wait3A_166 : memref<10240x128xf32, #tpu.memory_space<vmem_shared>>)
        %add3A_167 = arith.constant 2 : i32
        %add3A_168 = arith.addi %mul3A_33, %add3A_167 : i32
        %add3A_169 = arith.constant 2 : i32
        %add3A_170 = arith.addi %add3A_168, %add3A_169 : i32
        %dma_start3A_171 = arith.constant 0 : i32
        %dma_start3A_172 = arith.constant 0 : i32
        %dma_start3A_173 = tpu.memref_slice %arg9[%dma_start3A_171, %dma_start3A_172] : memref<256x128xf32, #tpu.memory_space<vmem>> -> memref<128x128xf32, #tpu.memory_space<vmem>>
        %dma_start3A_174 = arith.constant 0 : i32
        %dma_start3A_175 = tpu.memref_slice %arg7[%add3A_170, %dma_start3A_174] : memref<16x128xi32, #tpu.memory_space<vmem>> -> memref<1x128xi32, #tpu.memory_space<vmem>>
        %dma_start3A_176 = tpu.memref_squeeze %dma_start3A_175 : memref<1x128xi32, #tpu.memory_space<vmem>> -> memref<128xi32, #tpu.memory_space<vmem>>
        %dma_start3A_177 = arith.constant 0 : i32
        %dma_start3A_178 = arith.constant 0 : i32
        %dma_start3A_179 = tpu.memref_slice %arg2[%dma_start3A_177, %dma_start3A_178] : memref<10000x128xf32, #tpu.memory_space<hbm>> -> memref<10000x128xf32, #tpu.memory_space<hbm>>
        tpu.enqueue_indirect_dma source(%dma_start3A_179 : memref<10000x128xf32, #tpu.memory_space<hbm>>) target(%dma_start3A_173 : memref<128x128xf32, #tpu.memory_space<vmem>>) offsets(%dma_start3A_176 : memref<128xi32, #tpu.memory_space<vmem>>) semaphore(%arg11 : memref<!tpu.dma_semaphore, #tpu.memory_space<semaphore_mem>>)
        %dma_wait3A_180 = arith.constant 128 : i32
        %dma_wait3A_181 = arith.constant 0 : i32
        %dma_wait3A_182 = tpu.memref_slice %arg9[%dma_wait3A_180, %dma_wait3A_181] : memref<256x128xf32, #tpu.memory_space<vmem>> -> memref<128x128xf32, #tpu.memory_space<vmem>>
        %dma_wait3A_183 = arith.constant 0 : i32
        %dma_wait3A_184 = tpu.memref_slice %arg7[%add3A_128, %dma_wait3A_183] : memref<16x128xi32, #tpu.memory_space<vmem>> -> memref<1x128xi32, #tpu.memory_space<vmem>>
        %dma_wait3A_185 = tpu.memref_squeeze %dma_wait3A_184 : memref<1x128xi32, #tpu.memory_space<vmem>> -> memref<128xi32, #tpu.memory_space<vmem>>
        %dma_wait3A_186 = arith.constant 0 : i32
        %dma_wait3A_187 = arith.constant 0 : i32
        %dma_wait3A_188 = tpu.memref_slice %arg2[%dma_wait3A_186, %dma_wait3A_187] : memref<10000x128xf32, #tpu.memory_space<hbm>> -> memref<10000x128xf32, #tpu.memory_space<hbm>>
        tpu.wait_indirect_dma semaphore(%arg12 : memref<!tpu.dma_semaphore, #tpu.memory_space<semaphore_mem>>) src(%dma_wait3A_188 : memref<10000x128xf32, #tpu.memory_space<hbm>>) dst(%dma_wait3A_182 : memref<128x128xf32, #tpu.memory_space<vmem>>)
        %add3A_189 = arith.constant 3 : i32
        %add3A_190 = arith.addi %mul3A_33, %add3A_189 : i32
        %dma_start3A_191 = arith.constant 128 : i32
        %dma_start3A_192 = arith.constant 0 : i32
        %dma_start3A_193 = tpu.memref_slice %arg9[%dma_start3A_191, %dma_start3A_192] : memref<256x128xf32, #tpu.memory_space<vmem>> -> memref<128x128xf32, #tpu.memory_space<vmem>>
        %dma_start3A_194 = arith.constant 0 : i32
        %dma_start3A_195 = tpu.memref_slice %arg8[%add3A_190, %dma_start3A_194] : memref<16x128xi32, #tpu.memory_space<vmem>> -> memref<1x128xi32, #tpu.memory_space<vmem>>
        %dma_start3A_196 = tpu.memref_squeeze %dma_start3A_195 : memref<1x128xi32, #tpu.memory_space<vmem>> -> memref<128xi32, #tpu.memory_space<vmem>>
        %dma_start3A_197 = arith.constant 0 : i32
        %dma_start3A_198 = arith.constant 0 : i32
        %dma_start3A_199 = tpu.memref_slice %arg10[%dma_start3A_197, %dma_start3A_198] : memref<10240x128xf32, #tpu.memory_space<vmem_shared>> -> memref<10240x128xf32, #tpu.memory_space<vmem_shared>>
        tpu.enqueue_indirect_dma source(%dma_start3A_193 : memref<128x128xf32, #tpu.memory_space<vmem>>) target(%dma_start3A_199 : memref<10240x128xf32, #tpu.memory_space<vmem_shared>>) offsets(%dma_start3A_196 : memref<128xi32, #tpu.memory_space<vmem>>) semaphore(%arg14 : memref<!tpu.dma_semaphore, #tpu.memory_space<semaphore_mem>>) {add = true}
        %dma_wait3A_200 = arith.constant 128 : i32
        %dma_wait3A_201 = arith.constant 0 : i32
        %dma_wait3A_202 = tpu.memref_slice %arg9[%dma_wait3A_200, %dma_wait3A_201] : memref<256x128xf32, #tpu.memory_space<vmem>> -> memref<128x128xf32, #tpu.memory_space<vmem>>
        %dma_wait3A_203 = arith.constant 0 : i32
        %dma_wait3A_204 = tpu.memref_slice %arg8[%add3A_190, %dma_wait3A_203] : memref<16x128xi32, #tpu.memory_space<vmem>> -> memref<1x128xi32, #tpu.memory_space<vmem>>
        %dma_wait3A_205 = tpu.memref_squeeze %dma_wait3A_204 : memref<1x128xi32, #tpu.memory_space<vmem>> -> memref<128xi32, #tpu.memory_space<vmem>>
        %dma_wait3A_206 = arith.constant 0 : i32
        %dma_wait3A_207 = arith.constant 0 : i32
        %dma_wait3A_208 = tpu.memref_slice %arg10[%dma_wait3A_206, %dma_wait3A_207] : memref<10240x128xf32, #tpu.memory_space<vmem_shared>> -> memref<10240x128xf32, #tpu.memory_space<vmem_shared>>
        tpu.wait_indirect_dma semaphore(%arg14 : memref<!tpu.dma_semaphore, #tpu.memory_space<semaphore_mem>>) src(%dma_wait3A_202 : memref<128x128xf32, #tpu.memory_space<vmem>>) dst(%dma_wait3A_208 : memref<10240x128xf32, #tpu.memory_space<vmem_shared>>)
        %add3A_209 = arith.constant 3 : i32
        %add3A_210 = arith.addi %mul3A_33, %add3A_209 : i32
        %add3A_211 = arith.constant 2 : i32
        %add3A_212 = arith.addi %add3A_210, %add3A_211 : i32
        %dma_start3A_213 = arith.constant 128 : i32
        %dma_start3A_214 = arith.constant 0 : i32
        %dma_start3A_215 = tpu.memref_slice %arg9[%dma_start3A_213, %dma_start3A_214] : memref<256x128xf32, #tpu.memory_space<vmem>> -> memref<128x128xf32, #tpu.memory_space<vmem>>
        %dma_start3A_216 = arith.constant 0 : i32
        %dma_start3A_217 = tpu.memref_slice %arg7[%add3A_212, %dma_start3A_216] : memref<16x128xi32, #tpu.memory_space<vmem>> -> memref<1x128xi32, #tpu.memory_space<vmem>>
        %dma_start3A_218 = tpu.memref_squeeze %dma_start3A_217 : memref<1x128xi32, #tpu.memory_space<vmem>> -> memref<128xi32, #tpu.memory_space<vmem>>
        %dma_start3A_219 = arith.constant 0 : i32
        %dma_start3A_220 = arith.constant 0 : i32
        %dma_start3A_221 = tpu.memref_slice %arg2[%dma_start3A_219, %dma_start3A_220] : memref<10000x128xf32, #tpu.memory_space<hbm>> -> memref<10000x128xf32, #tpu.memory_space<hbm>>
        tpu.enqueue_indirect_dma source(%dma_start3A_221 : memref<10000x128xf32, #tpu.memory_space<hbm>>) target(%dma_start3A_215 : memref<128x128xf32, #tpu.memory_space<vmem>>) offsets(%dma_start3A_218 : memref<128xi32, #tpu.memory_space<vmem>>) semaphore(%arg12 : memref<!tpu.dma_semaphore, #tpu.memory_space<semaphore_mem>>)
        %dma_wait3A_222 = arith.constant 0 : i32
        %dma_wait3A_223 = arith.constant 0 : i32
        %dma_wait3A_224 = tpu.memref_slice %arg9[%dma_wait3A_222, %dma_wait3A_223] : memref<256x128xf32, #tpu.memory_space<vmem>> -> memref<128x128xf32, #tpu.memory_space<vmem>>
        %dma_wait3A_225 = arith.constant 0 : i32
        %dma_wait3A_226 = tpu.memref_slice %arg7[%add3A_170, %dma_wait3A_225] : memref<16x128xi32, #tpu.memory_space<vmem>> -> memref<1x128xi32, #tpu.memory_space<vmem>>
        %dma_wait3A_227 = tpu.memref_squeeze %dma_wait3A_226 : memref<1x128xi32, #tpu.memory_space<vmem>> -> memref<128xi32, #tpu.memory_space<vmem>>
        %dma_wait3A_228 = arith.constant 0 : i32
        %dma_wait3A_229 = arith.constant 0 : i32
        %dma_wait3A_230 = tpu.memref_slice %arg2[%dma_wait3A_228, %dma_wait3A_229] : memref<10000x128xf32, #tpu.memory_space<hbm>> -> memref<10000x128xf32, #tpu.memory_space<hbm>>
        tpu.wait_indirect_dma semaphore(%arg11 : memref<!tpu.dma_semaphore, #tpu.memory_space<semaphore_mem>>) src(%dma_wait3A_230 : memref<10000x128xf32, #tpu.memory_space<hbm>>) dst(%dma_wait3A_224 : memref<128x128xf32, #tpu.memory_space<vmem>>)
        %add3A_231 = arith.constant 4 : i32
        %add3A_232 = arith.addi %mul3A_33, %add3A_231 : i32
        %dma_start3A_233 = arith.constant 0 : i32
        %dma_start3A_234 = arith.constant 0 : i32
        %dma_start3A_235 = tpu.memref_slice %arg9[%dma_start3A_233, %dma_start3A_234] : memref<256x128xf32, #tpu.memory_space<vmem>> -> memref<128x128xf32, #tpu.memory_space<vmem>>
        %dma_start3A_236 = arith.constant 0 : i32
        %dma_start3A_237 = tpu.memref_slice %arg8[%add3A_232, %dma_start3A_236] : memref<16x128xi32, #tpu.memory_space<vmem>> -> memref<1x128xi32, #tpu.memory_space<vmem>>
        %dma_start3A_238 = tpu.memref_squeeze %dma_start3A_237 : memref<1x128xi32, #tpu.memory_space<vmem>> -> memref<128xi32, #tpu.memory_space<vmem>>
        %dma_start3A_239 = arith.constant 0 : i32
        %dma_start3A_240 = arith.constant 0 : i32
        %dma_start3A_241 = tpu.memref_slice %arg10[%dma_start3A_239, %dma_start3A_240] : memref<10240x128xf32, #tpu.memory_space<vmem_shared>> -> memref<10240x128xf32, #tpu.memory_space<vmem_shared>>
        tpu.enqueue_indirect_dma source(%dma_start3A_235 : memref<128x128xf32, #tpu.memory_space<vmem>>) target(%dma_start3A_241 : memref<10240x128xf32, #tpu.memory_space<vmem_shared>>) offsets(%dma_start3A_238 : memref<128xi32, #tpu.memory_space<vmem>>) semaphore(%arg13 : memref<!tpu.dma_semaphore, #tpu.memory_space<semaphore_mem>>) {add = true}
        %dma_wait3A_242 = arith.constant 0 : i32
        %dma_wait3A_243 = arith.constant 0 : i32
        %dma_wait3A_244 = tpu.memref_slice %arg9[%dma_wait3A_242, %dma_wait3A_243] : memref<256x128xf32, #tpu.memory_space<vmem>> -> memref<128x128xf32, #tpu.memory_space<vmem>>
        %dma_wait3A_245 = arith.constant 0 : i32
        %dma_wait3A_246 = tpu.memref_slice %arg8[%add3A_232, %dma_wait3A_245] : memref<16x128xi32, #tpu.memory_space<vmem>> -> memref<1x128xi32, #tpu.memory_space<vmem>>
        %dma_wait3A_247 = tpu.memref_squeeze %dma_wait3A_246 : memref<1x128xi32, #tpu.memory_space<vmem>> -> memref<128xi32, #tpu.memory_space<vmem>>
        %dma_wait3A_248 = arith.constant 0 : i32
        %dma_wait3A_249 = arith.constant 0 : i32
        %dma_wait3A_250 = tpu.memref_slice %arg10[%dma_wait3A_248, %dma_wait3A_249] : memref<10240x128xf32, #tpu.memory_space<vmem_shared>> -> memref<10240x128xf32, #tpu.memory_space<vmem_shared>>
        tpu.wait_indirect_dma semaphore(%arg13 : memref<!tpu.dma_semaphore, #tpu.memory_space<semaphore_mem>>) src(%dma_wait3A_244 : memref<128x128xf32, #tpu.memory_space<vmem>>) dst(%dma_wait3A_250 : memref<10240x128xf32, #tpu.memory_space<vmem_shared>>)
        %add3A_251 = arith.constant 4 : i32
        %add3A_252 = arith.addi %mul3A_33, %add3A_251 : i32
        %add3A_253 = arith.constant 2 : i32
        %add3A_254 = arith.addi %add3A_252, %add3A_253 : i32
        %dma_start3A_255 = arith.constant 0 : i32
        %dma_start3A_256 = arith.constant 0 : i32
        %dma_start3A_257 = tpu.memref_slice %arg9[%dma_start3A_255, %dma_start3A_256] : memref<256x128xf32, #tpu.memory_space<vmem>> -> memref<128x128xf32, #tpu.memory_space<vmem>>
        %dma_start3A_258 = arith.constant 0 : i32
        %dma_start3A_259 = tpu.memref_slice %arg7[%add3A_254, %dma_start3A_258] : memref<16x128xi32, #tpu.memory_space<vmem>> -> memref<1x128xi32, #tpu.memory_space<vmem>>
        %dma_start3A_260 = tpu.memref_squeeze %dma_start3A_259 : memref<1x128xi32, #tpu.memory_space<vmem>> -> memref<128xi32, #tpu.memory_space<vmem>>
        %dma_start3A_261 = arith.constant 0 : i32
        %dma_start3A_262 = arith.constant 0 : i32
        %dma_start3A_263 = tpu.memref_slice %arg2[%dma_start3A_261, %dma_start3A_262] : memref<10000x128xf32, #tpu.memory_space<hbm>> -> memref<10000x128xf32, #tpu.memory_space<hbm>>
        tpu.enqueue_indirect_dma source(%dma_start3A_263 : memref<10000x128xf32, #tpu.memory_space<hbm>>) target(%dma_start3A_257 : memref<128x128xf32, #tpu.memory_space<vmem>>) offsets(%dma_start3A_260 : memref<128xi32, #tpu.memory_space<vmem>>) semaphore(%arg11 : memref<!tpu.dma_semaphore, #tpu.memory_space<semaphore_mem>>)
        %dma_wait3A_264 = arith.constant 128 : i32
        %dma_wait3A_265 = arith.constant 0 : i32
        %dma_wait3A_266 = tpu.memref_slice %arg9[%dma_wait3A_264, %dma_wait3A_265] : memref<256x128xf32, #tpu.memory_space<vmem>> -> memref<128x128xf32, #tpu.memory_space<vmem>>
        %dma_wait3A_267 = arith.constant 0 : i32
        %dma_wait3A_268 = tpu.memref_slice %arg7[%add3A_212, %dma_wait3A_267] : memref<16x128xi32, #tpu.memory_space<vmem>> -> memref<1x128xi32, #tpu.memory_space<vmem>>
        %dma_wait3A_269 = tpu.memref_squeeze %dma_wait3A_268 : memref<1x128xi32, #tpu.memory_space<vmem>> -> memref<128xi32, #tpu.memory_space<vmem>>
        %dma_wait3A_270 = arith.constant 0 : i32
        %dma_wait3A_271 = arith.constant 0 : i32
        %dma_wait3A_272 = tpu.memref_slice %arg2[%dma_wait3A_270, %dma_wait3A_271] : memref<10000x128xf32, #tpu.memory_space<hbm>> -> memref<10000x128xf32, #tpu.memory_space<hbm>>
        tpu.wait_indirect_dma semaphore(%arg12 : memref<!tpu.dma_semaphore, #tpu.memory_space<semaphore_mem>>) src(%dma_wait3A_272 : memref<10000x128xf32, #tpu.memory_space<hbm>>) dst(%dma_wait3A_266 : memref<128x128xf32, #tpu.memory_space<vmem>>)
        %add3A_273 = arith.constant 5 : i32
        %add3A_274 = arith.addi %mul3A_33, %add3A_273 : i32
        %dma_start3A_275 = arith.constant 128 : i32
        %dma_start3A_276 = arith.constant 0 : i32
        %dma_start3A_277 = tpu.memref_slice %arg9[%dma_start3A_275, %dma_start3A_276] : memref<256x128xf32, #tpu.memory_space<vmem>> -> memref<128x128xf32, #tpu.memory_space<vmem>>
        %dma_start3A_278 = arith.constant 0 : i32
        %dma_start3A_279 = tpu.memref_slice %arg8[%add3A_274, %dma_start3A_278] : memref<16x128xi32, #tpu.memory_space<vmem>> -> memref<1x128xi32, #tpu.memory_space<vmem>>
        %dma_start3A_280 = tpu.memref_squeeze %dma_start3A_279 : memref<1x128xi32, #tpu.memory_space<vmem>> -> memref<128xi32, #tpu.memory_space<vmem>>
        %dma_start3A_281 = arith.constant 0 : i32
        %dma_start3A_282 = arith.constant 0 : i32
        %dma_start3A_283 = tpu.memref_slice %arg10[%dma_start3A_281, %dma_start3A_282] : memref<10240x128xf32, #tpu.memory_space<vmem_shared>> -> memref<10240x128xf32, #tpu.memory_space<vmem_shared>>
        tpu.enqueue_indirect_dma source(%dma_start3A_277 : memref<128x128xf32, #tpu.memory_space<vmem>>) target(%dma_start3A_283 : memref<10240x128xf32, #tpu.memory_space<vmem_shared>>) offsets(%dma_start3A_280 : memref<128xi32, #tpu.memory_space<vmem>>) semaphore(%arg14 : memref<!tpu.dma_semaphore, #tpu.memory_space<semaphore_mem>>) {add = true}
        %dma_wait3A_284 = arith.constant 128 : i32
        %dma_wait3A_285 = arith.constant 0 : i32
        %dma_wait3A_286 = tpu.memref_slice %arg9[%dma_wait3A_284, %dma_wait3A_285] : memref<256x128xf32, #tpu.memory_space<vmem>> -> memref<128x128xf32, #tpu.memory_space<vmem>>
        %dma_wait3A_287 = arith.constant 0 : i32
        %dma_wait3A_288 = tpu.memref_slice %arg8[%add3A_274, %dma_wait3A_287] : memref<16x128xi32, #tpu.memory_space<vmem>> -> memref<1x128xi32, #tpu.memory_space<vmem>>
        %dma_wait3A_289 = tpu.memref_squeeze %dma_wait3A_288 : memref<1x128xi32, #tpu.memory_space<vmem>> -> memref<128xi32, #tpu.memory_space<vmem>>
        %dma_wait3A_290 = arith.constant 0 : i32
        %dma_wait3A_291 = arith.constant 0 : i32
        %dma_wait3A_292 = tpu.memref_slice %arg10[%dma_wait3A_290, %dma_wait3A_291] : memref<10240x128xf32, #tpu.memory_space<vmem_shared>> -> memref<10240x128xf32, #tpu.memory_space<vmem_shared>>
        tpu.wait_indirect_dma semaphore(%arg14 : memref<!tpu.dma_semaphore, #tpu.memory_space<semaphore_mem>>) src(%dma_wait3A_286 : memref<128x128xf32, #tpu.memory_space<vmem>>) dst(%dma_wait3A_292 : memref<10240x128xf32, #tpu.memory_space<vmem_shared>>)
        %add3A_293 = arith.constant 5 : i32
        %add3A_294 = arith.addi %mul3A_33, %add3A_293 : i32
        %add3A_295 = arith.constant 2 : i32
        %add3A_296 = arith.addi %add3A_294, %add3A_295 : i32
        %dma_start3A_297 = arith.constant 128 : i32
        %dma_start3A_298 = arith.constant 0 : i32
        %dma_start3A_299 = tpu.memref_slice %arg9[%dma_start3A_297, %dma_start3A_298] : memref<256x128xf32, #tpu.memory_space<vmem>> -> memref<128x128xf32, #tpu.memory_space<vmem>>
        %dma_start3A_300 = arith.constant 0 : i32
        %dma_start3A_301 = tpu.memref_slice %arg7[%add3A_296, %dma_start3A_300] : memref<16x128xi32, #tpu.memory_space<vmem>> -> memref<1x128xi32, #tpu.memory_space<vmem>>
        %dma_start3A_302 = tpu.memref_squeeze %dma_start3A_301 : memref<1x128xi32, #tpu.memory_space<vmem>> -> memref<128xi32, #tpu.memory_space<vmem>>
        %dma_start3A_303 = arith.constant 0 : i32
        %dma_start3A_304 = arith.constant 0 : i32
        %dma_start3A_305 = tpu.memref_slice %arg2[%dma_start3A_303, %dma_start3A_304] : memref<10000x128xf32, #tpu.memory_space<hbm>> -> memref<10000x128xf32, #tpu.memory_space<hbm>>
        tpu.enqueue_indirect_dma source(%dma_start3A_305 : memref<10000x128xf32, #tpu.memory_space<hbm>>) target(%dma_start3A_299 : memref<128x128xf32, #tpu.memory_space<vmem>>) offsets(%dma_start3A_302 : memref<128xi32, #tpu.memory_space<vmem>>) semaphore(%arg12 : memref<!tpu.dma_semaphore, #tpu.memory_space<semaphore_mem>>)
        %dma_wait3A_306 = arith.constant 0 : i32
        %dma_wait3A_307 = arith.constant 0 : i32
        %dma_wait3A_308 = tpu.memref_slice %arg9[%dma_wait3A_306, %dma_wait3A_307] : memref<256x128xf32, #tpu.memory_space<vmem>> -> memref<128x128xf32, #tpu.memory_space<vmem>>
        %dma_wait3A_309 = arith.constant 0 : i32
        %dma_wait3A_310 = tpu.memref_slice %arg7[%add3A_254, %dma_wait3A_309] : memref<16x128xi32, #tpu.memory_space<vmem>> -> memref<1x128xi32, #tpu.memory_space<vmem>>
        %dma_wait3A_311 = tpu.memref_squeeze %dma_wait3A_310 : memref<1x128xi32, #tpu.memory_space<vmem>> -> memref<128xi32, #tpu.memory_space<vmem>>
        %dma_wait3A_312 = arith.constant 0 : i32
        %dma_wait3A_313 = arith.constant 0 : i32
        %dma_wait3A_314 = tpu.memref_slice %arg2[%dma_wait3A_312, %dma_wait3A_313] : memref<10000x128xf32, #tpu.memory_space<hbm>> -> memref<10000x128xf32, #tpu.memory_space<hbm>>
        tpu.wait_indirect_dma semaphore(%arg11 : memref<!tpu.dma_semaphore, #tpu.memory_space<semaphore_mem>>) src(%dma_wait3A_314 : memref<10000x128xf32, #tpu.memory_space<hbm>>) dst(%dma_wait3A_308 : memref<128x128xf32, #tpu.memory_space<vmem>>)
        %add3A_315 = arith.constant 6 : i32
        %add3A_316 = arith.addi %mul3A_33, %add3A_315 : i32
        %dma_start3A_317 = arith.constant 0 : i32
        %dma_start3A_318 = arith.constant 0 : i32
        %dma_start3A_319 = tpu.memref_slice %arg9[%dma_start3A_317, %dma_start3A_318] : memref<256x128xf32, #tpu.memory_space<vmem>> -> memref<128x128xf32, #tpu.memory_space<vmem>>
        %dma_start3A_320 = arith.constant 0 : i32
        %dma_start3A_321 = tpu.memref_slice %arg8[%add3A_316, %dma_start3A_320] : memref<16x128xi32, #tpu.memory_space<vmem>> -> memref<1x128xi32, #tpu.memory_space<vmem>>
        %dma_start3A_322 = tpu.memref_squeeze %dma_start3A_321 : memref<1x128xi32, #tpu.memory_space<vmem>> -> memref<128xi32, #tpu.memory_space<vmem>>
        %dma_start3A_323 = arith.constant 0 : i32
        %dma_start3A_324 = arith.constant 0 : i32
        %dma_start3A_325 = tpu.memref_slice %arg10[%dma_start3A_323, %dma_start3A_324] : memref<10240x128xf32, #tpu.memory_space<vmem_shared>> -> memref<10240x128xf32, #tpu.memory_space<vmem_shared>>
        tpu.enqueue_indirect_dma source(%dma_start3A_319 : memref<128x128xf32, #tpu.memory_space<vmem>>) target(%dma_start3A_325 : memref<10240x128xf32, #tpu.memory_space<vmem_shared>>) offsets(%dma_start3A_322 : memref<128xi32, #tpu.memory_space<vmem>>) semaphore(%arg13 : memref<!tpu.dma_semaphore, #tpu.memory_space<semaphore_mem>>) {add = true}
        %dma_wait3A_326 = arith.constant 128 : i32
        %dma_wait3A_327 = arith.constant 0 : i32
        %dma_wait3A_328 = tpu.memref_slice %arg9[%dma_wait3A_326, %dma_wait3A_327] : memref<256x128xf32, #tpu.memory_space<vmem>> -> memref<128x128xf32, #tpu.memory_space<vmem>>
        %dma_wait3A_329 = arith.constant 0 : i32
        %dma_wait3A_330 = tpu.memref_slice %arg7[%add3A_296, %dma_wait3A_329] : memref<16x128xi32, #tpu.memory_space<vmem>> -> memref<1x128xi32, #tpu.memory_space<vmem>>
        %dma_wait3A_331 = tpu.memref_squeeze %dma_wait3A_330 : memref<1x128xi32, #tpu.memory_space<vmem>> -> memref<128xi32, #tpu.memory_space<vmem>>
        %dma_wait3A_332 = arith.constant 0 : i32
        %dma_wait3A_333 = arith.constant 0 : i32
        %dma_wait3A_334 = tpu.memref_slice %arg2[%dma_wait3A_332, %dma_wait3A_333] : memref<10000x128xf32, #tpu.memory_space<hbm>> -> memref<10000x128xf32, #tpu.memory_space<hbm>>
        tpu.wait_indirect_dma semaphore(%arg12 : memref<!tpu.dma_semaphore, #tpu.memory_space<semaphore_mem>>) src(%dma_wait3A_334 : memref<10000x128xf32, #tpu.memory_space<hbm>>) dst(%dma_wait3A_328 : memref<128x128xf32, #tpu.memory_space<vmem>>)
        %add3A_335 = arith.constant 7 : i32
        %add3A_336 = arith.addi %mul3A_33, %add3A_335 : i32
        %dma_start3A_337 = arith.constant 128 : i32
        %dma_start3A_338 = arith.constant 0 : i32
        %dma_start3A_339 = tpu.memref_slice %arg9[%dma_start3A_337, %dma_start3A_338] : memref<256x128xf32, #tpu.memory_space<vmem>> -> memref<128x128xf32, #tpu.memory_space<vmem>>
        %dma_start3A_340 = arith.constant 0 : i32
        %dma_start3A_341 = tpu.memref_slice %arg8[%add3A_336, %dma_start3A_340] : memref<16x128xi32, #tpu.memory_space<vmem>> -> memref<1x128xi32, #tpu.memory_space<vmem>>
        %dma_start3A_342 = tpu.memref_squeeze %dma_start3A_341 : memref<1x128xi32, #tpu.memory_space<vmem>> -> memref<128xi32, #tpu.memory_space<vmem>>
        %dma_start3A_343 = arith.constant 0 : i32
        %dma_start3A_344 = arith.constant 0 : i32
        %dma_start3A_345 = tpu.memref_slice %arg10[%dma_start3A_343, %dma_start3A_344] : memref<10240x128xf32, #tpu.memory_space<vmem_shared>> -> memref<10240x128xf32, #tpu.memory_space<vmem_shared>>
        tpu.enqueue_indirect_dma source(%dma_start3A_339 : memref<128x128xf32, #tpu.memory_space<vmem>>) target(%dma_start3A_345 : memref<10240x128xf32, #tpu.memory_space<vmem_shared>>) offsets(%dma_start3A_342 : memref<128xi32, #tpu.memory_space<vmem>>) semaphore(%arg14 : memref<!tpu.dma_semaphore, #tpu.memory_space<semaphore_mem>>) {add = true}
        %dma_wait3A_346 = arith.constant 0 : i32
        %dma_wait3A_347 = arith.constant 0 : i32
        %dma_wait3A_348 = tpu.memref_slice %arg9[%dma_wait3A_346, %dma_wait3A_347] : memref<256x128xf32, #tpu.memory_space<vmem>> -> memref<128x128xf32, #tpu.memory_space<vmem>>
        %dma_wait3A_349 = arith.constant 0 : i32
        %dma_wait3A_350 = tpu.memref_slice %arg8[%add3A_316, %dma_wait3A_349] : memref<16x128xi32, #tpu.memory_space<vmem>> -> memref<1x128xi32, #tpu.memory_space<vmem>>
        %dma_wait3A_351 = tpu.memref_squeeze %dma_wait3A_350 : memref<1x128xi32, #tpu.memory_space<vmem>> -> memref<128xi32, #tpu.memory_space<vmem>>
        %dma_wait3A_352 = arith.constant 0 : i32
        %dma_wait3A_353 = arith.constant 0 : i32
        %dma_wait3A_354 = tpu.memref_slice %arg10[%dma_wait3A_352, %dma_wait3A_353] : memref<10240x128xf32, #tpu.memory_space<vmem_shared>> -> memref<10240x128xf32, #tpu.memory_space<vmem_shared>>
        tpu.wait_indirect_dma semaphore(%arg13 : memref<!tpu.dma_semaphore, #tpu.memory_space<semaphore_mem>>) src(%dma_wait3A_348 : memref<128x128xf32, #tpu.memory_space<vmem>>) dst(%dma_wait3A_354 : memref<10240x128xf32, #tpu.memory_space<vmem_shared>>)
        %dma_wait3A_355 = arith.constant 128 : i32
        %dma_wait3A_356 = arith.constant 0 : i32
        %dma_wait3A_357 = tpu.memref_slice %arg9[%dma_wait3A_355, %dma_wait3A_356] : memref<256x128xf32, #tpu.memory_space<vmem>> -> memref<128x128xf32, #tpu.memory_space<vmem>>
        %dma_wait3A_358 = arith.constant 0 : i32
        %dma_wait3A_359 = tpu.memref_slice %arg8[%add3A_336, %dma_wait3A_358] : memref<16x128xi32, #tpu.memory_space<vmem>> -> memref<1x128xi32, #tpu.memory_space<vmem>>
        %dma_wait3A_360 = tpu.memref_squeeze %dma_wait3A_359 : memref<1x128xi32, #tpu.memory_space<vmem>> -> memref<128xi32, #tpu.memory_space<vmem>>
        %dma_wait3A_361 = arith.constant 0 : i32
        %dma_wait3A_362 = arith.constant 0 : i32
        %dma_wait3A_363 = tpu.memref_slice %arg10[%dma_wait3A_361, %dma_wait3A_362] : memref<10240x128xf32, #tpu.memory_space<vmem_shared>> -> memref<10240x128xf32, #tpu.memory_space<vmem_shared>>
        tpu.wait_indirect_dma semaphore(%arg14 : memref<!tpu.dma_semaphore, #tpu.memory_space<semaphore_mem>>) src(%dma_wait3A_357 : memref<128x128xf32, #tpu.memory_space<vmem>>) dst(%dma_wait3A_363 : memref<10240x128xf32, #tpu.memory_space<vmem_shared>>)
      }
      %scan3A_26 = arith.constant 2 : i32
    }
    %scan3A_6 = arith.constant 5 : i32
    %barrier3A_7 = arith.constant 0 : index
    tpu.barrier barrier_id(%barrier3A_7)
    %mul3A_8 = arith.constant 640 : i32
    %mul3A_9 = arith.muli %arg1, %mul3A_8 : i32
    %mul3A_10 = arith.constant 640 : i32
    %mul3A_11 = arith.muli %arg1, %mul3A_10 : i32
    "tpu.region"() ({
      %run_scoped3A = tpu.sem_alloc : memref<!tpu.dma_semaphore, #tpu.memory_space<semaphore_mem>>
      %dma_start3A = arith.constant 0 : i32
      %dma_start3A_12 = arith.constant 0 : i32
      %dma_start3A_13 = tpu.memref_slice %arg6[%arg0, %dma_start3A, %dma_start3A_12] : memref<2x10240x128xf32, #tpu.memory_space<hbm>> -> memref<1x10240x128xf32, #tpu.memory_space<hbm>>
      %dma_start3A_14 = tpu.memref_squeeze %dma_start3A_13 : memref<1x10240x128xf32, #tpu.memory_space<hbm>> -> memref<10240x128xf32, #tpu.memory_space<hbm>>
      %dma_start3A_15 = arith.constant 0 : i32
      %dma_start3A_16 = tpu.memref_slice %dma_start3A_14[%mul3A_11, %dma_start3A_15] : memref<10240x128xf32, #tpu.memory_space<hbm>> -> memref<640x128xf32, #tpu.memory_space<hbm>>
      %dma_start3A_17 = arith.constant 0 : i32
      %dma_start3A_18 = tpu.memref_slice %arg10[%mul3A_9, %dma_start3A_17] : memref<10240x128xf32, #tpu.memory_space<vmem_shared>> -> memref<640x128xf32, #tpu.memory_space<vmem_shared>>
      tpu.enqueue_dma source(%dma_start3A_18 : memref<640x128xf32, #tpu.memory_space<vmem_shared>>) target(%dma_start3A_16 : memref<640x128xf32, #tpu.memory_space<hbm>>) target_semaphore(%run_scoped3A : memref<!tpu.dma_semaphore, #tpu.memory_space<semaphore_mem>>)
      %dma_wait3A = arith.constant 0 : i32
      %dma_wait3A_19 = arith.constant 0 : i32
      %dma_wait3A_20 = tpu.memref_slice %arg6[%arg0, %dma_wait3A, %dma_wait3A_19] : memref<2x10240x128xf32, #tpu.memory_space<hbm>> -> memref<1x10240x128xf32, #tpu.memory_space<hbm>>
      %dma_wait3A_21 = tpu.memref_squeeze %dma_wait3A_20 : memref<1x10240x128xf32, #tpu.memory_space<hbm>> -> memref<10240x128xf32, #tpu.memory_space<hbm>>
      %dma_wait3A_22 = arith.constant 0 : i32
      %dma_wait3A_23 = tpu.memref_slice %dma_wait3A_21[%mul3A_11, %dma_wait3A_22] : memref<10240x128xf32, #tpu.memory_space<hbm>> -> memref<640x128xf32, #tpu.memory_space<hbm>>
      %dma_wait3A_24 = arith.constant 0 : i32
      %dma_wait3A_25 = tpu.memref_slice %arg10[%mul3A_9, %dma_wait3A_24] : memref<10240x128xf32, #tpu.memory_space<vmem_shared>> -> memref<640x128xf32, #tpu.memory_space<vmem_shared>>
      tpu.wait_dma2 semaphore(%run_scoped3A : memref<!tpu.dma_semaphore, #tpu.memory_space<semaphore_mem>>) src(%dma_wait3A_25 : memref<640x128xf32, #tpu.memory_space<vmem_shared>>) dst(%dma_wait3A_23 : memref<640x128xf32, #tpu.memory_space<hbm>>)
      tpu.yield
    }) : () -> ()
    return
  }
}

#map = affine_map<(d0, d1) -> (0, 0)>
#map1 = affine_map<(d0, d1) -> (0, 0, 0)>
module attributes {stable_mosaic.version = 14 : i64} {
  func.func @_segsum_sc(%arg0: i32, %arg1: i32, %arg2: memref<10000x128xf32, #tpu.memory_space<hbm>>, %arg3: memref<2560x128xi32, #tpu.memory_space<hbm>>, %arg4: memref<2560x128xi32, #tpu.memory_space<hbm>>, %arg5: memref<640x128xf32, #tpu.memory_space<hbm>>, %arg6: memref<2x10240x128xf32, #tpu.memory_space<hbm>>, %arg7: memref<16x128xi32, #tpu.memory_space<vmem>>, %arg8: memref<16x128xi32, #tpu.memory_space<vmem>>, %arg9: memref<256x128xf32, #tpu.memory_space<vmem>>, %arg10: memref<10240x128xf32, #tpu.memory_space<vmem_shared>>, %arg11: memref<!tpu.dma_semaphore, #tpu.memory_space<semaphore_mem>>, %arg12: memref<!tpu.dma_semaphore, #tpu.memory_space<semaphore_mem>>, %arg13: memref<!tpu.dma_semaphore, #tpu.memory_space<semaphore_mem>>, %arg14: memref<!tpu.dma_semaphore, #tpu.memory_space<semaphore_mem>>) attributes {dimension_semantics = [#tpu.dimension_semantics<core_parallel>, #tpu.dimension_semantics<subcore_parallel>], iteration_bounds = array<i64: 2, 16>, scalar_prefetch = 0 : i64, scratch_operands = 8 : i64, tpu.core_type = #tpu.core_type<sc_vector_subcore>, window_params = [{transform_indices = #map}, {transform_indices = #map}, {transform_indices = #map}, {transform_indices = #map}, {transform_indices = #map1}]} {
    %mul3A = arith.constant 2 : i32
    %mul3A_0 = arith.muli %arg1, %mul3A : i32
    %add3A = arith.addi %mul3A_0, %arg0 : i32
    %mul3A_1 = arith.constant 640 : i32
    %mul3A_2 = arith.muli %arg1, %mul3A_1 : i32
    "tpu.region"() ({
      %run_scoped3A = tpu.sem_alloc : memref<!tpu.dma_semaphore, #tpu.memory_space<semaphore_mem>>
      %dma_start3A = arith.constant 0 : i32
      %dma_start3A_12 = tpu.memref_slice %arg10[%mul3A_2, %dma_start3A] : memref<10240x128xf32, #tpu.memory_space<vmem_shared>> -> memref<640x128xf32, #tpu.memory_space<vmem_shared>>
      tpu.enqueue_dma source(%arg5 : memref<640x128xf32, #tpu.memory_space<hbm>>) target(%dma_start3A_12 : memref<640x128xf32, #tpu.memory_space<vmem_shared>>) target_semaphore(%run_scoped3A : memref<!tpu.dma_semaphore, #tpu.memory_space<semaphore_mem>>)
      %dma_wait3A = arith.constant 0 : i32
      %dma_wait3A_13 = tpu.memref_slice %arg10[%mul3A_2, %dma_wait3A] : memref<10240x128xf32, #tpu.memory_space<vmem_shared>> -> memref<640x128xf32, #tpu.memory_space<vmem_shared>>
      tpu.wait_dma2 semaphore(%run_scoped3A : memref<!tpu.dma_semaphore, #tpu.memory_space<semaphore_mem>>) src(%arg5 : memref<640x128xf32, #tpu.memory_space<hbm>>) dst(%dma_wait3A_13 : memref<640x128xf32, #tpu.memory_space<vmem_shared>>)
      tpu.yield
    }) : () -> ()
    %barrier3A = arith.constant 0 : index
    tpu.barrier barrier_id(%barrier3A)
    %scan3A = arith.constant 0 : i32
    %scan3A_3 = arith.constant 5 : i32
    %scan3A_4 = arith.addi %scan3A, %scan3A_3 : i32
    %scan3A_5 = arith.constant 1 : i32
    scf.for %scan3A_12 = %scan3A to %scan3A_4 step %scan3A_5  : i32 {
      %mul3A_13 = arith.constant 1 : i32
      %mul3A_14 = arith.muli %scan3A_12, %mul3A_13 : i32
      %add3A_15 = arith.constant 0 : i32
      %add3A_16 = arith.addi %add3A_15, %mul3A_14 : i32
      %mul3A_17 = arith.constant 32 : i32
      %mul3A_18 = arith.muli %mul3A_17, %add3A_16 : i32
      %add3A_19 = arith.addi %add3A, %mul3A_18 : i32
      %mul3A_20 = arith.constant 16 : i32
      %mul3A_21 = arith.muli %add3A_19, %mul3A_20 : i32
      "tpu.region"() ({
        %run_scoped3A = tpu.sem_alloc : memref<!tpu.dma_semaphore, #tpu.memory_space<semaphore_mem>>
        %dma_start3A = arith.constant 0 : i32
        %dma_start3A_27 = tpu.memref_slice %arg3[%mul3A_21, %dma_start3A] : memref<2560x128xi32, #tpu.memory_space<hbm>> -> memref<16x128xi32, #tpu.memory_space<hbm>>
        %dma_start3A_28 = arith.constant 0 : i32
        %dma_start3A_29 = tpu.memref_slice %arg3[%mul3A_21, %dma_start3A_28] : memref<2560x128xi32, #tpu.memory_space<hbm>> -> memref<16x128xi32, #tpu.memory_space<hbm>>
        tpu.enqueue_dma source(%dma_start3A_29 : memref<16x128xi32, #tpu.memory_space<hbm>>) target(%arg7 : memref<16x128xi32, #tpu.memory_space<vmem>>) target_semaphore(%run_scoped3A : memref<!tpu.dma_semaphore, #tpu.memory_space<semaphore_mem>>)
        %dma_wait3A = arith.constant 0 : i32
        %dma_wait3A_30 = tpu.memref_slice %arg3[%mul3A_21, %dma_wait3A] : memref<2560x128xi32, #tpu.memory_space<hbm>> -> memref<16x128xi32, #tpu.memory_space<hbm>>
        %dma_wait3A_31 = arith.constant 0 : i32
        %dma_wait3A_32 = tpu.memref_slice %arg3[%mul3A_21, %dma_wait3A_31] : memref<2560x128xi32, #tpu.memory_space<hbm>> -> memref<16x128xi32, #tpu.memory_space<hbm>>
        tpu.wait_dma2 semaphore(%run_scoped3A : memref<!tpu.dma_semaphore, #tpu.memory_space<semaphore_mem>>) src(%dma_wait3A_32 : memref<16x128xi32, #tpu.memory_space<hbm>>) dst(%arg7 : memref<16x128xi32, #tpu.memory_space<vmem>>)
        tpu.yield
      }) : () -> ()
      "tpu.region"() ({
        %run_scoped3A = tpu.sem_alloc : memref<!tpu.dma_semaphore, #tpu.memory_space<semaphore_mem>>
        %dma_start3A = arith.constant 0 : i32
        %dma_start3A_27 = tpu.memref_slice %arg4[%mul3A_21, %dma_start3A] : memref<2560x128xi32, #tpu.memory_space<hbm>> -> memref<16x128xi32, #tpu.memory_space<hbm>>
        %dma_start3A_28 = arith.constant 0 : i32
        %dma_start3A_29 = tpu.memref_slice %arg4[%mul3A_21, %dma_start3A_28] : memref<2560x128xi32, #tpu.memory_space<hbm>> -> memref<16x128xi32, #tpu.memory_space<hbm>>
        tpu.enqueue_dma source(%dma_start3A_29 : memref<16x128xi32, #tpu.memory_space<hbm>>) target(%arg8 : memref<16x128xi32, #tpu.memory_space<vmem>>) target_semaphore(%run_scoped3A : memref<!tpu.dma_semaphore, #tpu.memory_space<semaphore_mem>>)
        %dma_wait3A = arith.constant 0 : i32
        %dma_wait3A_30 = tpu.memref_slice %arg4[%mul3A_21, %dma_wait3A] : memref<2560x128xi32, #tpu.memory_space<hbm>> -> memref<16x128xi32, #tpu.memory_space<hbm>>
        %dma_wait3A_31 = arith.constant 0 : i32
        %dma_wait3A_32 = tpu.memref_slice %arg4[%mul3A_21, %dma_wait3A_31] : memref<2560x128xi32, #tpu.memory_space<hbm>> -> memref<16x128xi32, #tpu.memory_space<hbm>>
        tpu.wait_dma2 semaphore(%run_scoped3A : memref<!tpu.dma_semaphore, #tpu.memory_space<semaphore_mem>>) src(%dma_wait3A_32 : memref<16x128xi32, #tpu.memory_space<hbm>>) dst(%arg8 : memref<16x128xi32, #tpu.memory_space<vmem>>)
        tpu.yield
      }) : () -> ()
      %scan3A_22 = arith.constant 0 : i32
      %scan3A_23 = arith.constant 2 : i32
      %scan3A_24 = arith.addi %scan3A_22, %scan3A_23 : i32
      %scan3A_25 = arith.constant 1 : i32
      scf.for %scan3A_27 = %scan3A_22 to %scan3A_24 step %scan3A_25  : i32 {
        %mul3A_28 = arith.constant 1 : i32
        %mul3A_29 = arith.muli %scan3A_27, %mul3A_28 : i32
        %add3A_30 = arith.constant 0 : i32
        %add3A_31 = arith.addi %add3A_30, %mul3A_29 : i32
        %mul3A_32 = arith.constant 8 : i32
        %mul3A_33 = arith.muli %add3A_31, %mul3A_32 : i32
        %add3A_34 = arith.constant 0 : i32
        %add3A_35 = arith.addi %mul3A_33, %add3A_34 : i32
        %dma_start3A = arith.constant 0 : i32
        %dma_start3A_36 = arith.constant 0 : i32
        %dma_start3A_37 = tpu.memref_slice %arg9[%dma_start3A, %dma_start3A_36] : memref<256x128xf32, #tpu.memory_space<vmem>> -> memref<128x128xf32, #tpu.memory_space<vmem>>
        %dma_start3A_38 = arith.constant 0 : i32
        %dma_start3A_39 = tpu.memref_slice %arg7[%add3A_35, %dma_start3A_38] : memref<16x128xi32, #tpu.memory_space<vmem>> -> memref<1x128xi32, #tpu.memory_space<vmem>>
        %dma_start3A_40 = tpu.memref_squeeze %dma_start3A_39 : memref<1x128xi32, #tpu.memory_space<vmem>> -> memref<128xi32, #tpu.memory_space<vmem>>
        %dma_start3A_41 = arith.constant 0 : i32
        %dma_start3A_42 = arith.constant 0 : i32
        %dma_start3A_43 = tpu.memref_slice %arg2[%dma_start3A_41, %dma_start3A_42] : memref<10000x128xf32, #tpu.memory_space<hbm>> -> memref<10000x128xf32, #tpu.memory_space<hbm>>
        tpu.enqueue_indirect_dma source(%dma_start3A_43 : memref<10000x128xf32, #tpu.memory_space<hbm>>) target(%dma_start3A_37 : memref<128x128xf32, #tpu.memory_space<vmem>>) offsets(%dma_start3A_40 : memref<128xi32, #tpu.memory_space<vmem>>) semaphore(%arg11 : memref<!tpu.dma_semaphore, #tpu.memory_space<semaphore_mem>>)
        %add3A_44 = arith.constant 1 : i32
        %add3A_45 = arith.addi %mul3A_33, %add3A_44 : i32
        %dma_start3A_46 = arith.constant 128 : i32
        %dma_start3A_47 = arith.constant 0 : i32
        %dma_start3A_48 = tpu.memref_slice %arg9[%dma_start3A_46, %dma_start3A_47] : memref<256x128xf32, #tpu.memory_space<vmem>> -> memref<128x128xf32, #tpu.memory_space<vmem>>
        %dma_start3A_49 = arith.constant 0 : i32
        %dma_start3A_50 = tpu.memref_slice %arg7[%add3A_45, %dma_start3A_49] : memref<16x128xi32, #tpu.memory_space<vmem>> -> memref<1x128xi32, #tpu.memory_space<vmem>>
        %dma_start3A_51 = tpu.memref_squeeze %dma_start3A_50 : memref<1x128xi32, #tpu.memory_space<vmem>> -> memref<128xi32, #tpu.memory_space<vmem>>
        %dma_start3A_52 = arith.constant 0 : i32
        %dma_start3A_53 = arith.constant 0 : i32
        %dma_start3A_54 = tpu.memref_slice %arg2[%dma_start3A_52, %dma_start3A_53] : memref<10000x128xf32, #tpu.memory_space<hbm>> -> memref<10000x128xf32, #tpu.memory_space<hbm>>
        tpu.enqueue_indirect_dma source(%dma_start3A_54 : memref<10000x128xf32, #tpu.memory_space<hbm>>) target(%dma_start3A_48 : memref<128x128xf32, #tpu.memory_space<vmem>>) offsets(%dma_start3A_51 : memref<128xi32, #tpu.memory_space<vmem>>) semaphore(%arg12 : memref<!tpu.dma_semaphore, #tpu.memory_space<semaphore_mem>>)
        %dma_wait3A = arith.constant 0 : i32
        %dma_wait3A_55 = arith.constant 0 : i32
        %dma_wait3A_56 = tpu.memref_slice %arg9[%dma_wait3A, %dma_wait3A_55] : memref<256x128xf32, #tpu.memory_space<vmem>> -> memref<128x128xf32, #tpu.memory_space<vmem>>
        %dma_wait3A_57 = arith.constant 0 : i32
        %dma_wait3A_58 = tpu.memref_slice %arg7[%add3A_35, %dma_wait3A_57] : memref<16x128xi32, #tpu.memory_space<vmem>> -> memref<1x128xi32, #tpu.memory_space<vmem>>
        %dma_wait3A_59 = tpu.memref_squeeze %dma_wait3A_58 : memref<1x128xi32, #tpu.memory_space<vmem>> -> memref<128xi32, #tpu.memory_space<vmem>>
        %dma_wait3A_60 = arith.constant 0 : i32
        %dma_wait3A_61 = arith.constant 0 : i32
        %dma_wait3A_62 = tpu.memref_slice %arg2[%dma_wait3A_60, %dma_wait3A_61] : memref<10000x128xf32, #tpu.memory_space<hbm>> -> memref<10000x128xf32, #tpu.memory_space<hbm>>
        tpu.wait_indirect_dma semaphore(%arg11 : memref<!tpu.dma_semaphore, #tpu.memory_space<semaphore_mem>>) src(%dma_wait3A_62 : memref<10000x128xf32, #tpu.memory_space<hbm>>) dst(%dma_wait3A_56 : memref<128x128xf32, #tpu.memory_space<vmem>>)
        %add3A_63 = arith.constant 0 : i32
        %add3A_64 = arith.addi %mul3A_33, %add3A_63 : i32
        %dma_start3A_65 = arith.constant 0 : i32
        %dma_start3A_66 = arith.constant 0 : i32
        %dma_start3A_67 = tpu.memref_slice %arg9[%dma_start3A_65, %dma_start3A_66] : memref<256x128xf32, #tpu.memory_space<vmem>> -> memref<128x128xf32, #tpu.memory_space<vmem>>
        %dma_start3A_68 = arith.constant 0 : i32
        %dma_start3A_69 = tpu.memref_slice %arg8[%add3A_64, %dma_start3A_68] : memref<16x128xi32, #tpu.memory_space<vmem>> -> memref<1x128xi32, #tpu.memory_space<vmem>>
        %dma_start3A_70 = tpu.memref_squeeze %dma_start3A_69 : memref<1x128xi32, #tpu.memory_space<vmem>> -> memref<128xi32, #tpu.memory_space<vmem>>
        %dma_start3A_71 = arith.constant 0 : i32
        %dma_start3A_72 = arith.constant 0 : i32
        %dma_start3A_73 = tpu.memref_slice %arg10[%dma_start3A_71, %dma_start3A_72] : memref<10240x128xf32, #tpu.memory_space<vmem_shared>> -> memref<10240x128xf32, #tpu.memory_space<vmem_shared>>
        tpu.enqueue_indirect_dma source(%dma_start3A_67 : memref<128x128xf32, #tpu.memory_space<vmem>>) target(%dma_start3A_73 : memref<10240x128xf32, #tpu.memory_space<vmem_shared>>) offsets(%dma_start3A_70 : memref<128xi32, #tpu.memory_space<vmem>>) semaphore(%arg13 : memref<!tpu.dma_semaphore, #tpu.memory_space<semaphore_mem>>) {add = true}
        %dma_wait3A_74 = arith.constant 0 : i32
        %dma_wait3A_75 = arith.constant 0 : i32
        %dma_wait3A_76 = tpu.memref_slice %arg9[%dma_wait3A_74, %dma_wait3A_75] : memref<256x128xf32, #tpu.memory_space<vmem>> -> memref<128x128xf32, #tpu.memory_space<vmem>>
        %dma_wait3A_77 = arith.constant 0 : i32
        %dma_wait3A_78 = tpu.memref_slice %arg8[%add3A_64, %dma_wait3A_77] : memref<16x128xi32, #tpu.memory_space<vmem>> -> memref<1x128xi32, #tpu.memory_space<vmem>>
        %dma_wait3A_79 = tpu.memref_squeeze %dma_wait3A_78 : memref<1x128xi32, #tpu.memory_space<vmem>> -> memref<128xi32, #tpu.memory_space<vmem>>
        %dma_wait3A_80 = arith.constant 0 : i32
        %dma_wait3A_81 = arith.constant 0 : i32
        %dma_wait3A_82 = tpu.memref_slice %arg10[%dma_wait3A_80, %dma_wait3A_81] : memref<10240x128xf32, #tpu.memory_space<vmem_shared>> -> memref<10240x128xf32, #tpu.memory_space<vmem_shared>>
        tpu.wait_indirect_dma semaphore(%arg13 : memref<!tpu.dma_semaphore, #tpu.memory_space<semaphore_mem>>) src(%dma_wait3A_76 : memref<128x128xf32, #tpu.memory_space<vmem>>) dst(%dma_wait3A_82 : memref<10240x128xf32, #tpu.memory_space<vmem_shared>>)
        %add3A_83 = arith.constant 0 : i32
        %add3A_84 = arith.addi %mul3A_33, %add3A_83 : i32
        %add3A_85 = arith.constant 2 : i32
        %add3A_86 = arith.addi %add3A_84, %add3A_85 : i32
        %dma_start3A_87 = arith.constant 0 : i32
        %dma_start3A_88 = arith.constant 0 : i32
        %dma_start3A_89 = tpu.memref_slice %arg9[%dma_start3A_87, %dma_start3A_88] : memref<256x128xf32, #tpu.memory_space<vmem>> -> memref<128x128xf32, #tpu.memory_space<vmem>>
        %dma_start3A_90 = arith.constant 0 : i32
        %dma_start3A_91 = tpu.memref_slice %arg7[%add3A_86, %dma_start3A_90] : memref<16x128xi32, #tpu.memory_space<vmem>> -> memref<1x128xi32, #tpu.memory_space<vmem>>
        %dma_start3A_92 = tpu.memref_squeeze %dma_start3A_91 : memref<1x128xi32, #tpu.memory_space<vmem>> -> memref<128xi32, #tpu.memory_space<vmem>>
        %dma_start3A_93 = arith.constant 0 : i32
        %dma_start3A_94 = arith.constant 0 : i32
        %dma_start3A_95 = tpu.memref_slice %arg2[%dma_start3A_93, %dma_start3A_94] : memref<10000x128xf32, #tpu.memory_space<hbm>> -> memref<10000x128xf32, #tpu.memory_space<hbm>>
        tpu.enqueue_indirect_dma source(%dma_start3A_95 : memref<10000x128xf32, #tpu.memory_space<hbm>>) target(%dma_start3A_89 : memref<128x128xf32, #tpu.memory_space<vmem>>) offsets(%dma_start3A_92 : memref<128xi32, #tpu.memory_space<vmem>>) semaphore(%arg11 : memref<!tpu.dma_semaphore, #tpu.memory_space<semaphore_mem>>)
        %dma_wait3A_96 = arith.constant 128 : i32
        %dma_wait3A_97 = arith.constant 0 : i32
        %dma_wait3A_98 = tpu.memref_slice %arg9[%dma_wait3A_96, %dma_wait3A_97] : memref<256x128xf32, #tpu.memory_space<vmem>> -> memref<128x128xf32, #tpu.memory_space<vmem>>
        %dma_wait3A_99 = arith.constant 0 : i32
        %dma_wait3A_100 = tpu.memref_slice %arg7[%add3A_45, %dma_wait3A_99] : memref<16x128xi32, #tpu.memory_space<vmem>> -> memref<1x128xi32, #tpu.memory_space<vmem>>
        %dma_wait3A_101 = tpu.memref_squeeze %dma_wait3A_100 : memref<1x128xi32, #tpu.memory_space<vmem>> -> memref<128xi32, #tpu.memory_space<vmem>>
        %dma_wait3A_102 = arith.constant 0 : i32
        %dma_wait3A_103 = arith.constant 0 : i32
        %dma_wait3A_104 = tpu.memref_slice %arg2[%dma_wait3A_102, %dma_wait3A_103] : memref<10000x128xf32, #tpu.memory_space<hbm>> -> memref<10000x128xf32, #tpu.memory_space<hbm>>
        tpu.wait_indirect_dma semaphore(%arg12 : memref<!tpu.dma_semaphore, #tpu.memory_space<semaphore_mem>>) src(%dma_wait3A_104 : memref<10000x128xf32, #tpu.memory_space<hbm>>) dst(%dma_wait3A_98 : memref<128x128xf32, #tpu.memory_space<vmem>>)
        %add3A_105 = arith.constant 1 : i32
        %add3A_106 = arith.addi %mul3A_33, %add3A_105 : i32
        %dma_start3A_107 = arith.constant 128 : i32
        %dma_start3A_108 = arith.constant 0 : i32
        %dma_start3A_109 = tpu.memref_slice %arg9[%dma_start3A_107, %dma_start3A_108] : memref<256x128xf32, #tpu.memory_space<vmem>> -> memref<128x128xf32, #tpu.memory_space<vmem>>
        %dma_start3A_110 = arith.constant 0 : i32
        %dma_start3A_111 = tpu.memref_slice %arg8[%add3A_106, %dma_start3A_110] : memref<16x128xi32, #tpu.memory_space<vmem>> -> memref<1x128xi32, #tpu.memory_space<vmem>>
        %dma_start3A_112 = tpu.memref_squeeze %dma_start3A_111 : memref<1x128xi32, #tpu.memory_space<vmem>> -> memref<128xi32, #tpu.memory_space<vmem>>
        %dma_start3A_113 = arith.constant 0 : i32
        %dma_start3A_114 = arith.constant 0 : i32
        %dma_start3A_115 = tpu.memref_slice %arg10[%dma_start3A_113, %dma_start3A_114] : memref<10240x128xf32, #tpu.memory_space<vmem_shared>> -> memref<10240x128xf32, #tpu.memory_space<vmem_shared>>
        tpu.enqueue_indirect_dma source(%dma_start3A_109 : memref<128x128xf32, #tpu.memory_space<vmem>>) target(%dma_start3A_115 : memref<10240x128xf32, #tpu.memory_space<vmem_shared>>) offsets(%dma_start3A_112 : memref<128xi32, #tpu.memory_space<vmem>>) semaphore(%arg14 : memref<!tpu.dma_semaphore, #tpu.memory_space<semaphore_mem>>) {add = true}
        %dma_wait3A_116 = arith.constant 128 : i32
        %dma_wait3A_117 = arith.constant 0 : i32
        %dma_wait3A_118 = tpu.memref_slice %arg9[%dma_wait3A_116, %dma_wait3A_117] : memref<256x128xf32, #tpu.memory_space<vmem>> -> memref<128x128xf32, #tpu.memory_space<vmem>>
        %dma_wait3A_119 = arith.constant 0 : i32
        %dma_wait3A_120 = tpu.memref_slice %arg8[%add3A_106, %dma_wait3A_119] : memref<16x128xi32, #tpu.memory_space<vmem>> -> memref<1x128xi32, #tpu.memory_space<vmem>>
        %dma_wait3A_121 = tpu.memref_squeeze %dma_wait3A_120 : memref<1x128xi32, #tpu.memory_space<vmem>> -> memref<128xi32, #tpu.memory_space<vmem>>
        %dma_wait3A_122 = arith.constant 0 : i32
        %dma_wait3A_123 = arith.constant 0 : i32
        %dma_wait3A_124 = tpu.memref_slice %arg10[%dma_wait3A_122, %dma_wait3A_123] : memref<10240x128xf32, #tpu.memory_space<vmem_shared>> -> memref<10240x128xf32, #tpu.memory_space<vmem_shared>>
        tpu.wait_indirect_dma semaphore(%arg14 : memref<!tpu.dma_semaphore, #tpu.memory_space<semaphore_mem>>) src(%dma_wait3A_118 : memref<128x128xf32, #tpu.memory_space<vmem>>) dst(%dma_wait3A_124 : memref<10240x128xf32, #tpu.memory_space<vmem_shared>>)
        %add3A_125 = arith.constant 1 : i32
        %add3A_126 = arith.addi %mul3A_33, %add3A_125 : i32
        %add3A_127 = arith.constant 2 : i32
        %add3A_128 = arith.addi %add3A_126, %add3A_127 : i32
        %dma_start3A_129 = arith.constant 128 : i32
        %dma_start3A_130 = arith.constant 0 : i32
        %dma_start3A_131 = tpu.memref_slice %arg9[%dma_start3A_129, %dma_start3A_130] : memref<256x128xf32, #tpu.memory_space<vmem>> -> memref<128x128xf32, #tpu.memory_space<vmem>>
        %dma_start3A_132 = arith.constant 0 : i32
        %dma_start3A_133 = tpu.memref_slice %arg7[%add3A_128, %dma_start3A_132] : memref<16x128xi32, #tpu.memory_space<vmem>> -> memref<1x128xi32, #tpu.memory_space<vmem>>
        %dma_start3A_134 = tpu.memref_squeeze %dma_start3A_133 : memref<1x128xi32, #tpu.memory_space<vmem>> -> memref<128xi32, #tpu.memory_space<vmem>>
        %dma_start3A_135 = arith.constant 0 : i32
        %dma_start3A_136 = arith.constant 0 : i32
        %dma_start3A_137 = tpu.memref_slice %arg2[%dma_start3A_135, %dma_start3A_136] : memref<10000x128xf32, #tpu.memory_space<hbm>> -> memref<10000x128xf32, #tpu.memory_space<hbm>>
        tpu.enqueue_indirect_dma source(%dma_start3A_137 : memref<10000x128xf32, #tpu.memory_space<hbm>>) target(%dma_start3A_131 : memref<128x128xf32, #tpu.memory_space<vmem>>) offsets(%dma_start3A_134 : memref<128xi32, #tpu.memory_space<vmem>>) semaphore(%arg12 : memref<!tpu.dma_semaphore, #tpu.memory_space<semaphore_mem>>)
        %dma_wait3A_138 = arith.constant 0 : i32
        %dma_wait3A_139 = arith.constant 0 : i32
        %dma_wait3A_140 = tpu.memref_slice %arg9[%dma_wait3A_138, %dma_wait3A_139] : memref<256x128xf32, #tpu.memory_space<vmem>> -> memref<128x128xf32, #tpu.memory_space<vmem>>
        %dma_wait3A_141 = arith.constant 0 : i32
        %dma_wait3A_142 = tpu.memref_slice %arg7[%add3A_86, %dma_wait3A_141] : memref<16x128xi32, #tpu.memory_space<vmem>> -> memref<1x128xi32, #tpu.memory_space<vmem>>
        %dma_wait3A_143 = tpu.memref_squeeze %dma_wait3A_142 : memref<1x128xi32, #tpu.memory_space<vmem>> -> memref<128xi32, #tpu.memory_space<vmem>>
        %dma_wait3A_144 = arith.constant 0 : i32
        %dma_wait3A_145 = arith.constant 0 : i32
        %dma_wait3A_146 = tpu.memref_slice %arg2[%dma_wait3A_144, %dma_wait3A_145] : memref<10000x128xf32, #tpu.memory_space<hbm>> -> memref<10000x128xf32, #tpu.memory_space<hbm>>
        tpu.wait_indirect_dma semaphore(%arg11 : memref<!tpu.dma_semaphore, #tpu.memory_space<semaphore_mem>>) src(%dma_wait3A_146 : memref<10000x128xf32, #tpu.memory_space<hbm>>) dst(%dma_wait3A_140 : memref<128x128xf32, #tpu.memory_space<vmem>>)
        %add3A_147 = arith.constant 2 : i32
        %add3A_148 = arith.addi %mul3A_33, %add3A_147 : i32
        %dma_start3A_149 = arith.constant 0 : i32
        %dma_start3A_150 = arith.constant 0 : i32
        %dma_start3A_151 = tpu.memref_slice %arg9[%dma_start3A_149, %dma_start3A_150] : memref<256x128xf32, #tpu.memory_space<vmem>> -> memref<128x128xf32, #tpu.memory_space<vmem>>
        %dma_start3A_152 = arith.constant 0 : i32
        %dma_start3A_153 = tpu.memref_slice %arg8[%add3A_148, %dma_start3A_152] : memref<16x128xi32, #tpu.memory_space<vmem>> -> memref<1x128xi32, #tpu.memory_space<vmem>>
        %dma_start3A_154 = tpu.memref_squeeze %dma_start3A_153 : memref<1x128xi32, #tpu.memory_space<vmem>> -> memref<128xi32, #tpu.memory_space<vmem>>
        %dma_start3A_155 = arith.constant 0 : i32
        %dma_start3A_156 = arith.constant 0 : i32
        %dma_start3A_157 = tpu.memref_slice %arg10[%dma_start3A_155, %dma_start3A_156] : memref<10240x128xf32, #tpu.memory_space<vmem_shared>> -> memref<10240x128xf32, #tpu.memory_space<vmem_shared>>
        tpu.enqueue_indirect_dma source(%dma_start3A_151 : memref<128x128xf32, #tpu.memory_space<vmem>>) target(%dma_start3A_157 : memref<10240x128xf32, #tpu.memory_space<vmem_shared>>) offsets(%dma_start3A_154 : memref<128xi32, #tpu.memory_space<vmem>>) semaphore(%arg13 : memref<!tpu.dma_semaphore, #tpu.memory_space<semaphore_mem>>) {add = true}
        %dma_wait3A_158 = arith.constant 0 : i32
        %dma_wait3A_159 = arith.constant 0 : i32
        %dma_wait3A_160 = tpu.memref_slice %arg9[%dma_wait3A_158, %dma_wait3A_159] : memref<256x128xf32, #tpu.memory_space<vmem>> -> memref<128x128xf32, #tpu.memory_space<vmem>>
        %dma_wait3A_161 = arith.constant 0 : i32
        %dma_wait3A_162 = tpu.memref_slice %arg8[%add3A_148, %dma_wait3A_161] : memref<16x128xi32, #tpu.memory_space<vmem>> -> memref<1x128xi32, #tpu.memory_space<vmem>>
        %dma_wait3A_163 = tpu.memref_squeeze %dma_wait3A_162 : memref<1x128xi32, #tpu.memory_space<vmem>> -> memref<128xi32, #tpu.memory_space<vmem>>
        %dma_wait3A_164 = arith.constant 0 : i32
        %dma_wait3A_165 = arith.constant 0 : i32
        %dma_wait3A_166 = tpu.memref_slice %arg10[%dma_wait3A_164, %dma_wait3A_165] : memref<10240x128xf32, #tpu.memory_space<vmem_shared>> -> memref<10240x128xf32, #tpu.memory_space<vmem_shared>>
        tpu.wait_indirect_dma semaphore(%arg13 : memref<!tpu.dma_semaphore, #tpu.memory_space<semaphore_mem>>) src(%dma_wait3A_160 : memref<128x128xf32, #tpu.memory_space<vmem>>) dst(%dma_wait3A_166 : memref<10240x128xf32, #tpu.memory_space<vmem_shared>>)
        %add3A_167 = arith.constant 2 : i32
        %add3A_168 = arith.addi %mul3A_33, %add3A_167 : i32
        %add3A_169 = arith.constant 2 : i32
        %add3A_170 = arith.addi %add3A_168, %add3A_169 : i32
        %dma_start3A_171 = arith.constant 0 : i32
        %dma_start3A_172 = arith.constant 0 : i32
        %dma_start3A_173 = tpu.memref_slice %arg9[%dma_start3A_171, %dma_start3A_172] : memref<256x128xf32, #tpu.memory_space<vmem>> -> memref<128x128xf32, #tpu.memory_space<vmem>>
        %dma_start3A_174 = arith.constant 0 : i32
        %dma_start3A_175 = tpu.memref_slice %arg7[%add3A_170, %dma_start3A_174] : memref<16x128xi32, #tpu.memory_space<vmem>> -> memref<1x128xi32, #tpu.memory_space<vmem>>
        %dma_start3A_176 = tpu.memref_squeeze %dma_start3A_175 : memref<1x128xi32, #tpu.memory_space<vmem>> -> memref<128xi32, #tpu.memory_space<vmem>>
        %dma_start3A_177 = arith.constant 0 : i32
        %dma_start3A_178 = arith.constant 0 : i32
        %dma_start3A_179 = tpu.memref_slice %arg2[%dma_start3A_177, %dma_start3A_178] : memref<10000x128xf32, #tpu.memory_space<hbm>> -> memref<10000x128xf32, #tpu.memory_space<hbm>>
        tpu.enqueue_indirect_dma source(%dma_start3A_179 : memref<10000x128xf32, #tpu.memory_space<hbm>>) target(%dma_start3A_173 : memref<128x128xf32, #tpu.memory_space<vmem>>) offsets(%dma_start3A_176 : memref<128xi32, #tpu.memory_space<vmem>>) semaphore(%arg11 : memref<!tpu.dma_semaphore, #tpu.memory_space<semaphore_mem>>)
        %dma_wait3A_180 = arith.constant 128 : i32
        %dma_wait3A_181 = arith.constant 0 : i32
        %dma_wait3A_182 = tpu.memref_slice %arg9[%dma_wait3A_180, %dma_wait3A_181] : memref<256x128xf32, #tpu.memory_space<vmem>> -> memref<128x128xf32, #tpu.memory_space<vmem>>
        %dma_wait3A_183 = arith.constant 0 : i32
        %dma_wait3A_184 = tpu.memref_slice %arg7[%add3A_128, %dma_wait3A_183] : memref<16x128xi32, #tpu.memory_space<vmem>> -> memref<1x128xi32, #tpu.memory_space<vmem>>
        %dma_wait3A_185 = tpu.memref_squeeze %dma_wait3A_184 : memref<1x128xi32, #tpu.memory_space<vmem>> -> memref<128xi32, #tpu.memory_space<vmem>>
        %dma_wait3A_186 = arith.constant 0 : i32
        %dma_wait3A_187 = arith.constant 0 : i32
        %dma_wait3A_188 = tpu.memref_slice %arg2[%dma_wait3A_186, %dma_wait3A_187] : memref<10000x128xf32, #tpu.memory_space<hbm>> -> memref<10000x128xf32, #tpu.memory_space<hbm>>
        tpu.wait_indirect_dma semaphore(%arg12 : memref<!tpu.dma_semaphore, #tpu.memory_space<semaphore_mem>>) src(%dma_wait3A_188 : memref<10000x128xf32, #tpu.memory_space<hbm>>) dst(%dma_wait3A_182 : memref<128x128xf32, #tpu.memory_space<vmem>>)
        %add3A_189 = arith.constant 3 : i32
        %add3A_190 = arith.addi %mul3A_33, %add3A_189 : i32
        %dma_start3A_191 = arith.constant 128 : i32
        %dma_start3A_192 = arith.constant 0 : i32
        %dma_start3A_193 = tpu.memref_slice %arg9[%dma_start3A_191, %dma_start3A_192] : memref<256x128xf32, #tpu.memory_space<vmem>> -> memref<128x128xf32, #tpu.memory_space<vmem>>
        %dma_start3A_194 = arith.constant 0 : i32
        %dma_start3A_195 = tpu.memref_slice %arg8[%add3A_190, %dma_start3A_194] : memref<16x128xi32, #tpu.memory_space<vmem>> -> memref<1x128xi32, #tpu.memory_space<vmem>>
        %dma_start3A_196 = tpu.memref_squeeze %dma_start3A_195 : memref<1x128xi32, #tpu.memory_space<vmem>> -> memref<128xi32, #tpu.memory_space<vmem>>
        %dma_start3A_197 = arith.constant 0 : i32
        %dma_start3A_198 = arith.constant 0 : i32
        %dma_start3A_199 = tpu.memref_slice %arg10[%dma_start3A_197, %dma_start3A_198] : memref<10240x128xf32, #tpu.memory_space<vmem_shared>> -> memref<10240x128xf32, #tpu.memory_space<vmem_shared>>
        tpu.enqueue_indirect_dma source(%dma_start3A_193 : memref<128x128xf32, #tpu.memory_space<vmem>>) target(%dma_start3A_199 : memref<10240x128xf32, #tpu.memory_space<vmem_shared>>) offsets(%dma_start3A_196 : memref<128xi32, #tpu.memory_space<vmem>>) semaphore(%arg14 : memref<!tpu.dma_semaphore, #tpu.memory_space<semaphore_mem>>) {add = true}
        %dma_wait3A_200 = arith.constant 128 : i32
        %dma_wait3A_201 = arith.constant 0 : i32
        %dma_wait3A_202 = tpu.memref_slice %arg9[%dma_wait3A_200, %dma_wait3A_201] : memref<256x128xf32, #tpu.memory_space<vmem>> -> memref<128x128xf32, #tpu.memory_space<vmem>>
        %dma_wait3A_203 = arith.constant 0 : i32
        %dma_wait3A_204 = tpu.memref_slice %arg8[%add3A_190, %dma_wait3A_203] : memref<16x128xi32, #tpu.memory_space<vmem>> -> memref<1x128xi32, #tpu.memory_space<vmem>>
        %dma_wait3A_205 = tpu.memref_squeeze %dma_wait3A_204 : memref<1x128xi32, #tpu.memory_space<vmem>> -> memref<128xi32, #tpu.memory_space<vmem>>
        %dma_wait3A_206 = arith.constant 0 : i32
        %dma_wait3A_207 = arith.constant 0 : i32
        %dma_wait3A_208 = tpu.memref_slice %arg10[%dma_wait3A_206, %dma_wait3A_207] : memref<10240x128xf32, #tpu.memory_space<vmem_shared>> -> memref<10240x128xf32, #tpu.memory_space<vmem_shared>>
        tpu.wait_indirect_dma semaphore(%arg14 : memref<!tpu.dma_semaphore, #tpu.memory_space<semaphore_mem>>) src(%dma_wait3A_202 : memref<128x128xf32, #tpu.memory_space<vmem>>) dst(%dma_wait3A_208 : memref<10240x128xf32, #tpu.memory_space<vmem_shared>>)
        %add3A_209 = arith.constant 3 : i32
        %add3A_210 = arith.addi %mul3A_33, %add3A_209 : i32
        %add3A_211 = arith.constant 2 : i32
        %add3A_212 = arith.addi %add3A_210, %add3A_211 : i32
        %dma_start3A_213 = arith.constant 128 : i32
        %dma_start3A_214 = arith.constant 0 : i32
        %dma_start3A_215 = tpu.memref_slice %arg9[%dma_start3A_213, %dma_start3A_214] : memref<256x128xf32, #tpu.memory_space<vmem>> -> memref<128x128xf32, #tpu.memory_space<vmem>>
        %dma_start3A_216 = arith.constant 0 : i32
        %dma_start3A_217 = tpu.memref_slice %arg7[%add3A_212, %dma_start3A_216] : memref<16x128xi32, #tpu.memory_space<vmem>> -> memref<1x128xi32, #tpu.memory_space<vmem>>
        %dma_start3A_218 = tpu.memref_squeeze %dma_start3A_217 : memref<1x128xi32, #tpu.memory_space<vmem>> -> memref<128xi32, #tpu.memory_space<vmem>>
        %dma_start3A_219 = arith.constant 0 : i32
        %dma_start3A_220 = arith.constant 0 : i32
        %dma_start3A_221 = tpu.memref_slice %arg2[%dma_start3A_219, %dma_start3A_220] : memref<10000x128xf32, #tpu.memory_space<hbm>> -> memref<10000x128xf32, #tpu.memory_space<hbm>>
        tpu.enqueue_indirect_dma source(%dma_start3A_221 : memref<10000x128xf32, #tpu.memory_space<hbm>>) target(%dma_start3A_215 : memref<128x128xf32, #tpu.memory_space<vmem>>) offsets(%dma_start3A_218 : memref<128xi32, #tpu.memory_space<vmem>>) semaphore(%arg12 : memref<!tpu.dma_semaphore, #tpu.memory_space<semaphore_mem>>)
        %dma_wait3A_222 = arith.constant 0 : i32
        %dma_wait3A_223 = arith.constant 0 : i32
        %dma_wait3A_224 = tpu.memref_slice %arg9[%dma_wait3A_222, %dma_wait3A_223] : memref<256x128xf32, #tpu.memory_space<vmem>> -> memref<128x128xf32, #tpu.memory_space<vmem>>
        %dma_wait3A_225 = arith.constant 0 : i32
        %dma_wait3A_226 = tpu.memref_slice %arg7[%add3A_170, %dma_wait3A_225] : memref<16x128xi32, #tpu.memory_space<vmem>> -> memref<1x128xi32, #tpu.memory_space<vmem>>
        %dma_wait3A_227 = tpu.memref_squeeze %dma_wait3A_226 : memref<1x128xi32, #tpu.memory_space<vmem>> -> memref<128xi32, #tpu.memory_space<vmem>>
        %dma_wait3A_228 = arith.constant 0 : i32
        %dma_wait3A_229 = arith.constant 0 : i32
        %dma_wait3A_230 = tpu.memref_slice %arg2[%dma_wait3A_228, %dma_wait3A_229] : memref<10000x128xf32, #tpu.memory_space<hbm>> -> memref<10000x128xf32, #tpu.memory_space<hbm>>
        tpu.wait_indirect_dma semaphore(%arg11 : memref<!tpu.dma_semaphore, #tpu.memory_space<semaphore_mem>>) src(%dma_wait3A_230 : memref<10000x128xf32, #tpu.memory_space<hbm>>) dst(%dma_wait3A_224 : memref<128x128xf32, #tpu.memory_space<vmem>>)
        %add3A_231 = arith.constant 4 : i32
        %add3A_232 = arith.addi %mul3A_33, %add3A_231 : i32
        %dma_start3A_233 = arith.constant 0 : i32
        %dma_start3A_234 = arith.constant 0 : i32
        %dma_start3A_235 = tpu.memref_slice %arg9[%dma_start3A_233, %dma_start3A_234] : memref<256x128xf32, #tpu.memory_space<vmem>> -> memref<128x128xf32, #tpu.memory_space<vmem>>
        %dma_start3A_236 = arith.constant 0 : i32
        %dma_start3A_237 = tpu.memref_slice %arg8[%add3A_232, %dma_start3A_236] : memref<16x128xi32, #tpu.memory_space<vmem>> -> memref<1x128xi32, #tpu.memory_space<vmem>>
        %dma_start3A_238 = tpu.memref_squeeze %dma_start3A_237 : memref<1x128xi32, #tpu.memory_space<vmem>> -> memref<128xi32, #tpu.memory_space<vmem>>
        %dma_start3A_239 = arith.constant 0 : i32
        %dma_start3A_240 = arith.constant 0 : i32
        %dma_start3A_241 = tpu.memref_slice %arg10[%dma_start3A_239, %dma_start3A_240] : memref<10240x128xf32, #tpu.memory_space<vmem_shared>> -> memref<10240x128xf32, #tpu.memory_space<vmem_shared>>
        tpu.enqueue_indirect_dma source(%dma_start3A_235 : memref<128x128xf32, #tpu.memory_space<vmem>>) target(%dma_start3A_241 : memref<10240x128xf32, #tpu.memory_space<vmem_shared>>) offsets(%dma_start3A_238 : memref<128xi32, #tpu.memory_space<vmem>>) semaphore(%arg13 : memref<!tpu.dma_semaphore, #tpu.memory_space<semaphore_mem>>) {add = true}
        %dma_wait3A_242 = arith.constant 0 : i32
        %dma_wait3A_243 = arith.constant 0 : i32
        %dma_wait3A_244 = tpu.memref_slice %arg9[%dma_wait3A_242, %dma_wait3A_243] : memref<256x128xf32, #tpu.memory_space<vmem>> -> memref<128x128xf32, #tpu.memory_space<vmem>>
        %dma_wait3A_245 = arith.constant 0 : i32
        %dma_wait3A_246 = tpu.memref_slice %arg8[%add3A_232, %dma_wait3A_245] : memref<16x128xi32, #tpu.memory_space<vmem>> -> memref<1x128xi32, #tpu.memory_space<vmem>>
        %dma_wait3A_247 = tpu.memref_squeeze %dma_wait3A_246 : memref<1x128xi32, #tpu.memory_space<vmem>> -> memref<128xi32, #tpu.memory_space<vmem>>
        %dma_wait3A_248 = arith.constant 0 : i32
        %dma_wait3A_249 = arith.constant 0 : i32
        %dma_wait3A_250 = tpu.memref_slice %arg10[%dma_wait3A_248, %dma_wait3A_249] : memref<10240x128xf32, #tpu.memory_space<vmem_shared>> -> memref<10240x128xf32, #tpu.memory_space<vmem_shared>>
        tpu.wait_indirect_dma semaphore(%arg13 : memref<!tpu.dma_semaphore, #tpu.memory_space<semaphore_mem>>) src(%dma_wait3A_244 : memref<128x128xf32, #tpu.memory_space<vmem>>) dst(%dma_wait3A_250 : memref<10240x128xf32, #tpu.memory_space<vmem_shared>>)
        %add3A_251 = arith.constant 4 : i32
        %add3A_252 = arith.addi %mul3A_33, %add3A_251 : i32
        %add3A_253 = arith.constant 2 : i32
        %add3A_254 = arith.addi %add3A_252, %add3A_253 : i32
        %dma_start3A_255 = arith.constant 0 : i32
        %dma_start3A_256 = arith.constant 0 : i32
        %dma_start3A_257 = tpu.memref_slice %arg9[%dma_start3A_255, %dma_start3A_256] : memref<256x128xf32, #tpu.memory_space<vmem>> -> memref<128x128xf32, #tpu.memory_space<vmem>>
        %dma_start3A_258 = arith.constant 0 : i32
        %dma_start3A_259 = tpu.memref_slice %arg7[%add3A_254, %dma_start3A_258] : memref<16x128xi32, #tpu.memory_space<vmem>> -> memref<1x128xi32, #tpu.memory_space<vmem>>
        %dma_start3A_260 = tpu.memref_squeeze %dma_start3A_259 : memref<1x128xi32, #tpu.memory_space<vmem>> -> memref<128xi32, #tpu.memory_space<vmem>>
        %dma_start3A_261 = arith.constant 0 : i32
        %dma_start3A_262 = arith.constant 0 : i32
        %dma_start3A_263 = tpu.memref_slice %arg2[%dma_start3A_261, %dma_start3A_262] : memref<10000x128xf32, #tpu.memory_space<hbm>> -> memref<10000x128xf32, #tpu.memory_space<hbm>>
        tpu.enqueue_indirect_dma source(%dma_start3A_263 : memref<10000x128xf32, #tpu.memory_space<hbm>>) target(%dma_start3A_257 : memref<128x128xf32, #tpu.memory_space<vmem>>) offsets(%dma_start3A_260 : memref<128xi32, #tpu.memory_space<vmem>>) semaphore(%arg11 : memref<!tpu.dma_semaphore, #tpu.memory_space<semaphore_mem>>)
        %dma_wait3A_264 = arith.constant 128 : i32
        %dma_wait3A_265 = arith.constant 0 : i32
        %dma_wait3A_266 = tpu.memref_slice %arg9[%dma_wait3A_264, %dma_wait3A_265] : memref<256x128xf32, #tpu.memory_space<vmem>> -> memref<128x128xf32, #tpu.memory_space<vmem>>
        %dma_wait3A_267 = arith.constant 0 : i32
        %dma_wait3A_268 = tpu.memref_slice %arg7[%add3A_212, %dma_wait3A_267] : memref<16x128xi32, #tpu.memory_space<vmem>> -> memref<1x128xi32, #tpu.memory_space<vmem>>
        %dma_wait3A_269 = tpu.memref_squeeze %dma_wait3A_268 : memref<1x128xi32, #tpu.memory_space<vmem>> -> memref<128xi32, #tpu.memory_space<vmem>>
        %dma_wait3A_270 = arith.constant 0 : i32
        %dma_wait3A_271 = arith.constant 0 : i32
        %dma_wait3A_272 = tpu.memref_slice %arg2[%dma_wait3A_270, %dma_wait3A_271] : memref<10000x128xf32, #tpu.memory_space<hbm>> -> memref<10000x128xf32, #tpu.memory_space<hbm>>
        tpu.wait_indirect_dma semaphore(%arg12 : memref<!tpu.dma_semaphore, #tpu.memory_space<semaphore_mem>>) src(%dma_wait3A_272 : memref<10000x128xf32, #tpu.memory_space<hbm>>) dst(%dma_wait3A_266 : memref<128x128xf32, #tpu.memory_space<vmem>>)
        %add3A_273 = arith.constant 5 : i32
        %add3A_274 = arith.addi %mul3A_33, %add3A_273 : i32
        %dma_start3A_275 = arith.constant 128 : i32
        %dma_start3A_276 = arith.constant 0 : i32
        %dma_start3A_277 = tpu.memref_slice %arg9[%dma_start3A_275, %dma_start3A_276] : memref<256x128xf32, #tpu.memory_space<vmem>> -> memref<128x128xf32, #tpu.memory_space<vmem>>
        %dma_start3A_278 = arith.constant 0 : i32
        %dma_start3A_279 = tpu.memref_slice %arg8[%add3A_274, %dma_start3A_278] : memref<16x128xi32, #tpu.memory_space<vmem>> -> memref<1x128xi32, #tpu.memory_space<vmem>>
        %dma_start3A_280 = tpu.memref_squeeze %dma_start3A_279 : memref<1x128xi32, #tpu.memory_space<vmem>> -> memref<128xi32, #tpu.memory_space<vmem>>
        %dma_start3A_281 = arith.constant 0 : i32
        %dma_start3A_282 = arith.constant 0 : i32
        %dma_start3A_283 = tpu.memref_slice %arg10[%dma_start3A_281, %dma_start3A_282] : memref<10240x128xf32, #tpu.memory_space<vmem_shared>> -> memref<10240x128xf32, #tpu.memory_space<vmem_shared>>
        tpu.enqueue_indirect_dma source(%dma_start3A_277 : memref<128x128xf32, #tpu.memory_space<vmem>>) target(%dma_start3A_283 : memref<10240x128xf32, #tpu.memory_space<vmem_shared>>) offsets(%dma_start3A_280 : memref<128xi32, #tpu.memory_space<vmem>>) semaphore(%arg14 : memref<!tpu.dma_semaphore, #tpu.memory_space<semaphore_mem>>) {add = true}
        %dma_wait3A_284 = arith.constant 128 : i32
        %dma_wait3A_285 = arith.constant 0 : i32
        %dma_wait3A_286 = tpu.memref_slice %arg9[%dma_wait3A_284, %dma_wait3A_285] : memref<256x128xf32, #tpu.memory_space<vmem>> -> memref<128x128xf32, #tpu.memory_space<vmem>>
        %dma_wait3A_287 = arith.constant 0 : i32
        %dma_wait3A_288 = tpu.memref_slice %arg8[%add3A_274, %dma_wait3A_287] : memref<16x128xi32, #tpu.memory_space<vmem>> -> memref<1x128xi32, #tpu.memory_space<vmem>>
        %dma_wait3A_289 = tpu.memref_squeeze %dma_wait3A_288 : memref<1x128xi32, #tpu.memory_space<vmem>> -> memref<128xi32, #tpu.memory_space<vmem>>
        %dma_wait3A_290 = arith.constant 0 : i32
        %dma_wait3A_291 = arith.constant 0 : i32
        %dma_wait3A_292 = tpu.memref_slice %arg10[%dma_wait3A_290, %dma_wait3A_291] : memref<10240x128xf32, #tpu.memory_space<vmem_shared>> -> memref<10240x128xf32, #tpu.memory_space<vmem_shared>>
        tpu.wait_indirect_dma semaphore(%arg14 : memref<!tpu.dma_semaphore, #tpu.memory_space<semaphore_mem>>) src(%dma_wait3A_286 : memref<128x128xf32, #tpu.memory_space<vmem>>) dst(%dma_wait3A_292 : memref<10240x128xf32, #tpu.memory_space<vmem_shared>>)
        %add3A_293 = arith.constant 5 : i32
        %add3A_294 = arith.addi %mul3A_33, %add3A_293 : i32
        %add3A_295 = arith.constant 2 : i32
        %add3A_296 = arith.addi %add3A_294, %add3A_295 : i32
        %dma_start3A_297 = arith.constant 128 : i32
        %dma_start3A_298 = arith.constant 0 : i32
        %dma_start3A_299 = tpu.memref_slice %arg9[%dma_start3A_297, %dma_start3A_298] : memref<256x128xf32, #tpu.memory_space<vmem>> -> memref<128x128xf32, #tpu.memory_space<vmem>>
        %dma_start3A_300 = arith.constant 0 : i32
        %dma_start3A_301 = tpu.memref_slice %arg7[%add3A_296, %dma_start3A_300] : memref<16x128xi32, #tpu.memory_space<vmem>> -> memref<1x128xi32, #tpu.memory_space<vmem>>
        %dma_start3A_302 = tpu.memref_squeeze %dma_start3A_301 : memref<1x128xi32, #tpu.memory_space<vmem>> -> memref<128xi32, #tpu.memory_space<vmem>>
        %dma_start3A_303 = arith.constant 0 : i32
        %dma_start3A_304 = arith.constant 0 : i32
        %dma_start3A_305 = tpu.memref_slice %arg2[%dma_start3A_303, %dma_start3A_304] : memref<10000x128xf32, #tpu.memory_space<hbm>> -> memref<10000x128xf32, #tpu.memory_space<hbm>>
        tpu.enqueue_indirect_dma source(%dma_start3A_305 : memref<10000x128xf32, #tpu.memory_space<hbm>>) target(%dma_start3A_299 : memref<128x128xf32, #tpu.memory_space<vmem>>) offsets(%dma_start3A_302 : memref<128xi32, #tpu.memory_space<vmem>>) semaphore(%arg12 : memref<!tpu.dma_semaphore, #tpu.memory_space<semaphore_mem>>)
        %dma_wait3A_306 = arith.constant 0 : i32
        %dma_wait3A_307 = arith.constant 0 : i32
        %dma_wait3A_308 = tpu.memref_slice %arg9[%dma_wait3A_306, %dma_wait3A_307] : memref<256x128xf32, #tpu.memory_space<vmem>> -> memref<128x128xf32, #tpu.memory_space<vmem>>
        %dma_wait3A_309 = arith.constant 0 : i32
        %dma_wait3A_310 = tpu.memref_slice %arg7[%add3A_254, %dma_wait3A_309] : memref<16x128xi32, #tpu.memory_space<vmem>> -> memref<1x128xi32, #tpu.memory_space<vmem>>
        %dma_wait3A_311 = tpu.memref_squeeze %dma_wait3A_310 : memref<1x128xi32, #tpu.memory_space<vmem>> -> memref<128xi32, #tpu.memory_space<vmem>>
        %dma_wait3A_312 = arith.constant 0 : i32
        %dma_wait3A_313 = arith.constant 0 : i32
        %dma_wait3A_314 = tpu.memref_slice %arg2[%dma_wait3A_312, %dma_wait3A_313] : memref<10000x128xf32, #tpu.memory_space<hbm>> -> memref<10000x128xf32, #tpu.memory_space<hbm>>
        tpu.wait_indirect_dma semaphore(%arg11 : memref<!tpu.dma_semaphore, #tpu.memory_space<semaphore_mem>>) src(%dma_wait3A_314 : memref<10000x128xf32, #tpu.memory_space<hbm>>) dst(%dma_wait3A_308 : memref<128x128xf32, #tpu.memory_space<vmem>>)
        %add3A_315 = arith.constant 6 : i32
        %add3A_316 = arith.addi %mul3A_33, %add3A_315 : i32
        %dma_start3A_317 = arith.constant 0 : i32
        %dma_start3A_318 = arith.constant 0 : i32
        %dma_start3A_319 = tpu.memref_slice %arg9[%dma_start3A_317, %dma_start3A_318] : memref<256x128xf32, #tpu.memory_space<vmem>> -> memref<128x128xf32, #tpu.memory_space<vmem>>
        %dma_start3A_320 = arith.constant 0 : i32
        %dma_start3A_321 = tpu.memref_slice %arg8[%add3A_316, %dma_start3A_320] : memref<16x128xi32, #tpu.memory_space<vmem>> -> memref<1x128xi32, #tpu.memory_space<vmem>>
        %dma_start3A_322 = tpu.memref_squeeze %dma_start3A_321 : memref<1x128xi32, #tpu.memory_space<vmem>> -> memref<128xi32, #tpu.memory_space<vmem>>
        %dma_start3A_323 = arith.constant 0 : i32
        %dma_start3A_324 = arith.constant 0 : i32
        %dma_start3A_325 = tpu.memref_slice %arg10[%dma_start3A_323, %dma_start3A_324] : memref<10240x128xf32, #tpu.memory_space<vmem_shared>> -> memref<10240x128xf32, #tpu.memory_space<vmem_shared>>
        tpu.enqueue_indirect_dma source(%dma_start3A_319 : memref<128x128xf32, #tpu.memory_space<vmem>>) target(%dma_start3A_325 : memref<10240x128xf32, #tpu.memory_space<vmem_shared>>) offsets(%dma_start3A_322 : memref<128xi32, #tpu.memory_space<vmem>>) semaphore(%arg13 : memref<!tpu.dma_semaphore, #tpu.memory_space<semaphore_mem>>) {add = true}
        %dma_wait3A_326 = arith.constant 128 : i32
        %dma_wait3A_327 = arith.constant 0 : i32
        %dma_wait3A_328 = tpu.memref_slice %arg9[%dma_wait3A_326, %dma_wait3A_327] : memref<256x128xf32, #tpu.memory_space<vmem>> -> memref<128x128xf32, #tpu.memory_space<vmem>>
        %dma_wait3A_329 = arith.constant 0 : i32
        %dma_wait3A_330 = tpu.memref_slice %arg7[%add3A_296, %dma_wait3A_329] : memref<16x128xi32, #tpu.memory_space<vmem>> -> memref<1x128xi32, #tpu.memory_space<vmem>>
        %dma_wait3A_331 = tpu.memref_squeeze %dma_wait3A_330 : memref<1x128xi32, #tpu.memory_space<vmem>> -> memref<128xi32, #tpu.memory_space<vmem>>
        %dma_wait3A_332 = arith.constant 0 : i32
        %dma_wait3A_333 = arith.constant 0 : i32
        %dma_wait3A_334 = tpu.memref_slice %arg2[%dma_wait3A_332, %dma_wait3A_333] : memref<10000x128xf32, #tpu.memory_space<hbm>> -> memref<10000x128xf32, #tpu.memory_space<hbm>>
        tpu.wait_indirect_dma semaphore(%arg12 : memref<!tpu.dma_semaphore, #tpu.memory_space<semaphore_mem>>) src(%dma_wait3A_334 : memref<10000x128xf32, #tpu.memory_space<hbm>>) dst(%dma_wait3A_328 : memref<128x128xf32, #tpu.memory_space<vmem>>)
        %add3A_335 = arith.constant 7 : i32
        %add3A_336 = arith.addi %mul3A_33, %add3A_335 : i32
        %dma_start3A_337 = arith.constant 128 : i32
        %dma_start3A_338 = arith.constant 0 : i32
        %dma_start3A_339 = tpu.memref_slice %arg9[%dma_start3A_337, %dma_start3A_338] : memref<256x128xf32, #tpu.memory_space<vmem>> -> memref<128x128xf32, #tpu.memory_space<vmem>>
        %dma_start3A_340 = arith.constant 0 : i32
        %dma_start3A_341 = tpu.memref_slice %arg8[%add3A_336, %dma_start3A_340] : memref<16x128xi32, #tpu.memory_space<vmem>> -> memref<1x128xi32, #tpu.memory_space<vmem>>
        %dma_start3A_342 = tpu.memref_squeeze %dma_start3A_341 : memref<1x128xi32, #tpu.memory_space<vmem>> -> memref<128xi32, #tpu.memory_space<vmem>>
        %dma_start3A_343 = arith.constant 0 : i32
        %dma_start3A_344 = arith.constant 0 : i32
        %dma_start3A_345 = tpu.memref_slice %arg10[%dma_start3A_343, %dma_start3A_344] : memref<10240x128xf32, #tpu.memory_space<vmem_shared>> -> memref<10240x128xf32, #tpu.memory_space<vmem_shared>>
        tpu.enqueue_indirect_dma source(%dma_start3A_339 : memref<128x128xf32, #tpu.memory_space<vmem>>) target(%dma_start3A_345 : memref<10240x128xf32, #tpu.memory_space<vmem_shared>>) offsets(%dma_start3A_342 : memref<128xi32, #tpu.memory_space<vmem>>) semaphore(%arg14 : memref<!tpu.dma_semaphore, #tpu.memory_space<semaphore_mem>>) {add = true}
        %dma_wait3A_346 = arith.constant 0 : i32
        %dma_wait3A_347 = arith.constant 0 : i32
        %dma_wait3A_348 = tpu.memref_slice %arg9[%dma_wait3A_346, %dma_wait3A_347] : memref<256x128xf32, #tpu.memory_space<vmem>> -> memref<128x128xf32, #tpu.memory_space<vmem>>
        %dma_wait3A_349 = arith.constant 0 : i32
        %dma_wait3A_350 = tpu.memref_slice %arg8[%add3A_316, %dma_wait3A_349] : memref<16x128xi32, #tpu.memory_space<vmem>> -> memref<1x128xi32, #tpu.memory_space<vmem>>
        %dma_wait3A_351 = tpu.memref_squeeze %dma_wait3A_350 : memref<1x128xi32, #tpu.memory_space<vmem>> -> memref<128xi32, #tpu.memory_space<vmem>>
        %dma_wait3A_352 = arith.constant 0 : i32
        %dma_wait3A_353 = arith.constant 0 : i32
        %dma_wait3A_354 = tpu.memref_slice %arg10[%dma_wait3A_352, %dma_wait3A_353] : memref<10240x128xf32, #tpu.memory_space<vmem_shared>> -> memref<10240x128xf32, #tpu.memory_space<vmem_shared>>
        tpu.wait_indirect_dma semaphore(%arg13 : memref<!tpu.dma_semaphore, #tpu.memory_space<semaphore_mem>>) src(%dma_wait3A_348 : memref<128x128xf32, #tpu.memory_space<vmem>>) dst(%dma_wait3A_354 : memref<10240x128xf32, #tpu.memory_space<vmem_shared>>)
        %dma_wait3A_355 = arith.constant 128 : i32
        %dma_wait3A_356 = arith.constant 0 : i32
        %dma_wait3A_357 = tpu.memref_slice %arg9[%dma_wait3A_355, %dma_wait3A_356] : memref<256x128xf32, #tpu.memory_space<vmem>> -> memref<128x128xf32, #tpu.memory_space<vmem>>
        %dma_wait3A_358 = arith.constant 0 : i32
        %dma_wait3A_359 = tpu.memref_slice %arg8[%add3A_336, %dma_wait3A_358] : memref<16x128xi32, #tpu.memory_space<vmem>> -> memref<1x128xi32, #tpu.memory_space<vmem>>
        %dma_wait3A_360 = tpu.memref_squeeze %dma_wait3A_359 : memref<1x128xi32, #tpu.memory_space<vmem>> -> memref<128xi32, #tpu.memory_space<vmem>>
        %dma_wait3A_361 = arith.constant 0 : i32
        %dma_wait3A_362 = arith.constant 0 : i32
        %dma_wait3A_363 = tpu.memref_slice %arg10[%dma_wait3A_361, %dma_wait3A_362] : memref<10240x128xf32, #tpu.memory_space<vmem_shared>> -> memref<10240x128xf32, #tpu.memory_space<vmem_shared>>
        tpu.wait_indirect_dma semaphore(%arg14 : memref<!tpu.dma_semaphore, #tpu.memory_space<semaphore_mem>>) src(%dma_wait3A_357 : memref<128x128xf32, #tpu.memory_space<vmem>>) dst(%dma_wait3A_363 : memref<10240x128xf32, #tpu.memory_space<vmem_shared>>)
      }
      %scan3A_26 = arith.constant 2 : i32
    }
    %scan3A_6 = arith.constant 5 : i32
    %barrier3A_7 = arith.constant 0 : index
    tpu.barrier barrier_id(%barrier3A_7)
    %mul3A_8 = arith.constant 640 : i32
    %mul3A_9 = arith.muli %arg1, %mul3A_8 : i32
    %mul3A_10 = arith.constant 640 : i32
    %mul3A_11 = arith.muli %arg1, %mul3A_10 : i32
    "tpu.region"() ({
      %run_scoped3A = tpu.sem_alloc : memref<!tpu.dma_semaphore, #tpu.memory_space<semaphore_mem>>
      %dma_start3A = arith.constant 0 : i32
      %dma_start3A_12 = arith.constant 0 : i32
      %dma_start3A_13 = tpu.memref_slice %arg6[%arg0, %dma_start3A, %dma_start3A_12] : memref<2x10240x128xf32, #tpu.memory_space<hbm>> -> memref<1x10240x128xf32, #tpu.memory_space<hbm>>
      %dma_start3A_14 = tpu.memref_squeeze %dma_start3A_13 : memref<1x10240x128xf32, #tpu.memory_space<hbm>> -> memref<10240x128xf32, #tpu.memory_space<hbm>>
      %dma_start3A_15 = arith.constant 0 : i32
      %dma_start3A_16 = tpu.memref_slice %dma_start3A_14[%mul3A_11, %dma_start3A_15] : memref<10240x128xf32, #tpu.memory_space<hbm>> -> memref<640x128xf32, #tpu.memory_space<hbm>>
      %dma_start3A_17 = arith.constant 0 : i32
      %dma_start3A_18 = tpu.memref_slice %arg10[%mul3A_9, %dma_start3A_17] : memref<10240x128xf32, #tpu.memory_space<vmem_shared>> -> memref<640x128xf32, #tpu.memory_space<vmem_shared>>
      tpu.enqueue_dma source(%dma_start3A_18 : memref<640x128xf32, #tpu.memory_space<vmem_shared>>) target(%dma_start3A_16 : memref<640x128xf32, #tpu.memory_space<hbm>>) target_semaphore(%run_scoped3A : memref<!tpu.dma_semaphore, #tpu.memory_space<semaphore_mem>>)
      %dma_wait3A = arith.constant 0 : i32
      %dma_wait3A_19 = arith.constant 0 : i32
      %dma_wait3A_20 = tpu.memref_slice %arg6[%arg0, %dma_wait3A, %dma_wait3A_19] : memref<2x10240x128xf32, #tpu.memory_space<hbm>> -> memref<1x10240x128xf32, #tpu.memory_space<hbm>>
      %dma_wait3A_21 = tpu.memref_squeeze %dma_wait3A_20 : memref<1x10240x128xf32, #tpu.memory_space<hbm>> -> memref<10240x128xf32, #tpu.memory_space<hbm>>
      %dma_wait3A_22 = arith.constant 0 : i32
      %dma_wait3A_23 = tpu.memref_slice %dma_wait3A_21[%mul3A_11, %dma_wait3A_22] : memref<10240x128xf32, #tpu.memory_space<hbm>> -> memref<640x128xf32, #tpu.memory_space<hbm>>
      %dma_wait3A_24 = arith.constant 0 : i32
      %dma_wait3A_25 = tpu.memref_slice %arg10[%mul3A_9, %dma_wait3A_24] : memref<10240x128xf32, #tpu.memory_space<vmem_shared>> -> memref<640x128xf32, #tpu.memory_space<vmem_shared>>
      tpu.wait_dma2 semaphore(%run_scoped3A : memref<!tpu.dma_semaphore, #tpu.memory_space<semaphore_mem>>) src(%dma_wait3A_25 : memref<640x128xf32, #tpu.memory_space<vmem_shared>>) dst(%dma_wait3A_23 : memref<640x128xf32, #tpu.memory_space<hbm>>)
      tpu.yield
    }) : () -> ()
    return
  }
}

#map = affine_map<(d0, d1) -> (0, 0)>
#map1 = affine_map<(d0, d1) -> (0, 0, 0)>
module attributes {stable_mosaic.version = 14 : i64} {
  func.func @_segsum_sc(%arg0: i32, %arg1: i32, %arg2: memref<10000x128xf32, #tpu.memory_space<hbm>>, %arg3: memref<2560x128xi32, #tpu.memory_space<hbm>>, %arg4: memref<2560x128xi32, #tpu.memory_space<hbm>>, %arg5: memref<640x128xf32, #tpu.memory_space<hbm>>, %arg6: memref<2x10240x128xf32, #tpu.memory_space<hbm>>, %arg7: memref<16x128xi32, #tpu.memory_space<vmem>>, %arg8: memref<16x128xi32, #tpu.memory_space<vmem>>, %arg9: memref<256x128xf32, #tpu.memory_space<vmem>>, %arg10: memref<10240x128xf32, #tpu.memory_space<vmem_shared>>, %arg11: memref<!tpu.dma_semaphore, #tpu.memory_space<semaphore_mem>>, %arg12: memref<!tpu.dma_semaphore, #tpu.memory_space<semaphore_mem>>, %arg13: memref<!tpu.dma_semaphore, #tpu.memory_space<semaphore_mem>>, %arg14: memref<!tpu.dma_semaphore, #tpu.memory_space<semaphore_mem>>) attributes {dimension_semantics = [#tpu.dimension_semantics<core_parallel>, #tpu.dimension_semantics<subcore_parallel>], iteration_bounds = array<i64: 2, 16>, scalar_prefetch = 0 : i64, scratch_operands = 8 : i64, tpu.core_type = #tpu.core_type<sc_vector_subcore>, window_params = [{transform_indices = #map}, {transform_indices = #map}, {transform_indices = #map}, {transform_indices = #map}, {transform_indices = #map1}]} {
    %mul3A = arith.constant 2 : i32
    %mul3A_0 = arith.muli %arg1, %mul3A : i32
    %add3A = arith.addi %mul3A_0, %arg0 : i32
    %mul3A_1 = arith.constant 640 : i32
    %mul3A_2 = arith.muli %arg1, %mul3A_1 : i32
    "tpu.region"() ({
      %run_scoped3A = tpu.sem_alloc : memref<!tpu.dma_semaphore, #tpu.memory_space<semaphore_mem>>
      %dma_start3A = arith.constant 0 : i32
      %dma_start3A_12 = tpu.memref_slice %arg10[%mul3A_2, %dma_start3A] : memref<10240x128xf32, #tpu.memory_space<vmem_shared>> -> memref<640x128xf32, #tpu.memory_space<vmem_shared>>
      tpu.enqueue_dma source(%arg5 : memref<640x128xf32, #tpu.memory_space<hbm>>) target(%dma_start3A_12 : memref<640x128xf32, #tpu.memory_space<vmem_shared>>) target_semaphore(%run_scoped3A : memref<!tpu.dma_semaphore, #tpu.memory_space<semaphore_mem>>)
      %dma_wait3A = arith.constant 0 : i32
      %dma_wait3A_13 = tpu.memref_slice %arg10[%mul3A_2, %dma_wait3A] : memref<10240x128xf32, #tpu.memory_space<vmem_shared>> -> memref<640x128xf32, #tpu.memory_space<vmem_shared>>
      tpu.wait_dma2 semaphore(%run_scoped3A : memref<!tpu.dma_semaphore, #tpu.memory_space<semaphore_mem>>) src(%arg5 : memref<640x128xf32, #tpu.memory_space<hbm>>) dst(%dma_wait3A_13 : memref<640x128xf32, #tpu.memory_space<vmem_shared>>)
      tpu.yield
    }) : () -> ()
    %barrier3A = arith.constant 0 : index
    tpu.barrier barrier_id(%barrier3A)
    %scan3A = arith.constant 0 : i32
    %scan3A_3 = arith.constant 5 : i32
    %scan3A_4 = arith.addi %scan3A, %scan3A_3 : i32
    %scan3A_5 = arith.constant 1 : i32
    scf.for %scan3A_12 = %scan3A to %scan3A_4 step %scan3A_5  : i32 {
      %mul3A_13 = arith.constant 1 : i32
      %mul3A_14 = arith.muli %scan3A_12, %mul3A_13 : i32
      %add3A_15 = arith.constant 0 : i32
      %add3A_16 = arith.addi %add3A_15, %mul3A_14 : i32
      %mul3A_17 = arith.constant 32 : i32
      %mul3A_18 = arith.muli %mul3A_17, %add3A_16 : i32
      %add3A_19 = arith.addi %add3A, %mul3A_18 : i32
      %mul3A_20 = arith.constant 16 : i32
      %mul3A_21 = arith.muli %add3A_19, %mul3A_20 : i32
      "tpu.region"() ({
        %run_scoped3A = tpu.sem_alloc : memref<!tpu.dma_semaphore, #tpu.memory_space<semaphore_mem>>
        %dma_start3A = arith.constant 0 : i32
        %dma_start3A_27 = tpu.memref_slice %arg3[%mul3A_21, %dma_start3A] : memref<2560x128xi32, #tpu.memory_space<hbm>> -> memref<16x128xi32, #tpu.memory_space<hbm>>
        %dma_start3A_28 = arith.constant 0 : i32
        %dma_start3A_29 = tpu.memref_slice %arg3[%mul3A_21, %dma_start3A_28] : memref<2560x128xi32, #tpu.memory_space<hbm>> -> memref<16x128xi32, #tpu.memory_space<hbm>>
        tpu.enqueue_dma source(%dma_start3A_29 : memref<16x128xi32, #tpu.memory_space<hbm>>) target(%arg7 : memref<16x128xi32, #tpu.memory_space<vmem>>) target_semaphore(%run_scoped3A : memref<!tpu.dma_semaphore, #tpu.memory_space<semaphore_mem>>)
        %dma_wait3A = arith.constant 0 : i32
        %dma_wait3A_30 = tpu.memref_slice %arg3[%mul3A_21, %dma_wait3A] : memref<2560x128xi32, #tpu.memory_space<hbm>> -> memref<16x128xi32, #tpu.memory_space<hbm>>
        %dma_wait3A_31 = arith.constant 0 : i32
        %dma_wait3A_32 = tpu.memref_slice %arg3[%mul3A_21, %dma_wait3A_31] : memref<2560x128xi32, #tpu.memory_space<hbm>> -> memref<16x128xi32, #tpu.memory_space<hbm>>
        tpu.wait_dma2 semaphore(%run_scoped3A : memref<!tpu.dma_semaphore, #tpu.memory_space<semaphore_mem>>) src(%dma_wait3A_32 : memref<16x128xi32, #tpu.memory_space<hbm>>) dst(%arg7 : memref<16x128xi32, #tpu.memory_space<vmem>>)
        tpu.yield
      }) : () -> ()
      "tpu.region"() ({
        %run_scoped3A = tpu.sem_alloc : memref<!tpu.dma_semaphore, #tpu.memory_space<semaphore_mem>>
        %dma_start3A = arith.constant 0 : i32
        %dma_start3A_27 = tpu.memref_slice %arg4[%mul3A_21, %dma_start3A] : memref<2560x128xi32, #tpu.memory_space<hbm>> -> memref<16x128xi32, #tpu.memory_space<hbm>>
        %dma_start3A_28 = arith.constant 0 : i32
        %dma_start3A_29 = tpu.memref_slice %arg4[%mul3A_21, %dma_start3A_28] : memref<2560x128xi32, #tpu.memory_space<hbm>> -> memref<16x128xi32, #tpu.memory_space<hbm>>
        tpu.enqueue_dma source(%dma_start3A_29 : memref<16x128xi32, #tpu.memory_space<hbm>>) target(%arg8 : memref<16x128xi32, #tpu.memory_space<vmem>>) target_semaphore(%run_scoped3A : memref<!tpu.dma_semaphore, #tpu.memory_space<semaphore_mem>>)
        %dma_wait3A = arith.constant 0 : i32
        %dma_wait3A_30 = tpu.memref_slice %arg4[%mul3A_21, %dma_wait3A] : memref<2560x128xi32, #tpu.memory_space<hbm>> -> memref<16x128xi32, #tpu.memory_space<hbm>>
        %dma_wait3A_31 = arith.constant 0 : i32
        %dma_wait3A_32 = tpu.memref_slice %arg4[%mul3A_21, %dma_wait3A_31] : memref<2560x128xi32, #tpu.memory_space<hbm>> -> memref<16x128xi32, #tpu.memory_space<hbm>>
        tpu.wait_dma2 semaphore(%run_scoped3A : memref<!tpu.dma_semaphore, #tpu.memory_space<semaphore_mem>>) src(%dma_wait3A_32 : memref<16x128xi32, #tpu.memory_space<hbm>>) dst(%arg8 : memref<16x128xi32, #tpu.memory_space<vmem>>)
        tpu.yield
      }) : () -> ()
      %scan3A_22 = arith.constant 0 : i32
      %scan3A_23 = arith.constant 2 : i32
      %scan3A_24 = arith.addi %scan3A_22, %scan3A_23 : i32
      %scan3A_25 = arith.constant 1 : i32
      scf.for %scan3A_27 = %scan3A_22 to %scan3A_24 step %scan3A_25  : i32 {
        %mul3A_28 = arith.constant 1 : i32
        %mul3A_29 = arith.muli %scan3A_27, %mul3A_28 : i32
        %add3A_30 = arith.constant 0 : i32
        %add3A_31 = arith.addi %add3A_30, %mul3A_29 : i32
        %mul3A_32 = arith.constant 8 : i32
        %mul3A_33 = arith.muli %add3A_31, %mul3A_32 : i32
        %add3A_34 = arith.constant 0 : i32
        %add3A_35 = arith.addi %mul3A_33, %add3A_34 : i32
        %dma_start3A = arith.constant 0 : i32
        %dma_start3A_36 = arith.constant 0 : i32
        %dma_start3A_37 = tpu.memref_slice %arg9[%dma_start3A, %dma_start3A_36] : memref<256x128xf32, #tpu.memory_space<vmem>> -> memref<128x128xf32, #tpu.memory_space<vmem>>
        %dma_start3A_38 = arith.constant 0 : i32
        %dma_start3A_39 = tpu.memref_slice %arg7[%add3A_35, %dma_start3A_38] : memref<16x128xi32, #tpu.memory_space<vmem>> -> memref<1x128xi32, #tpu.memory_space<vmem>>
        %dma_start3A_40 = tpu.memref_squeeze %dma_start3A_39 : memref<1x128xi32, #tpu.memory_space<vmem>> -> memref<128xi32, #tpu.memory_space<vmem>>
        %dma_start3A_41 = arith.constant 0 : i32
        %dma_start3A_42 = arith.constant 0 : i32
        %dma_start3A_43 = tpu.memref_slice %arg2[%dma_start3A_41, %dma_start3A_42] : memref<10000x128xf32, #tpu.memory_space<hbm>> -> memref<10000x128xf32, #tpu.memory_space<hbm>>
        tpu.enqueue_indirect_dma source(%dma_start3A_43 : memref<10000x128xf32, #tpu.memory_space<hbm>>) target(%dma_start3A_37 : memref<128x128xf32, #tpu.memory_space<vmem>>) offsets(%dma_start3A_40 : memref<128xi32, #tpu.memory_space<vmem>>) semaphore(%arg11 : memref<!tpu.dma_semaphore, #tpu.memory_space<semaphore_mem>>)
        %add3A_44 = arith.constant 1 : i32
        %add3A_45 = arith.addi %mul3A_33, %add3A_44 : i32
        %dma_start3A_46 = arith.constant 128 : i32
        %dma_start3A_47 = arith.constant 0 : i32
        %dma_start3A_48 = tpu.memref_slice %arg9[%dma_start3A_46, %dma_start3A_47] : memref<256x128xf32, #tpu.memory_space<vmem>> -> memref<128x128xf32, #tpu.memory_space<vmem>>
        %dma_start3A_49 = arith.constant 0 : i32
        %dma_start3A_50 = tpu.memref_slice %arg7[%add3A_45, %dma_start3A_49] : memref<16x128xi32, #tpu.memory_space<vmem>> -> memref<1x128xi32, #tpu.memory_space<vmem>>
        %dma_start3A_51 = tpu.memref_squeeze %dma_start3A_50 : memref<1x128xi32, #tpu.memory_space<vmem>> -> memref<128xi32, #tpu.memory_space<vmem>>
        %dma_start3A_52 = arith.constant 0 : i32
        %dma_start3A_53 = arith.constant 0 : i32
        %dma_start3A_54 = tpu.memref_slice %arg2[%dma_start3A_52, %dma_start3A_53] : memref<10000x128xf32, #tpu.memory_space<hbm>> -> memref<10000x128xf32, #tpu.memory_space<hbm>>
        tpu.enqueue_indirect_dma source(%dma_start3A_54 : memref<10000x128xf32, #tpu.memory_space<hbm>>) target(%dma_start3A_48 : memref<128x128xf32, #tpu.memory_space<vmem>>) offsets(%dma_start3A_51 : memref<128xi32, #tpu.memory_space<vmem>>) semaphore(%arg12 : memref<!tpu.dma_semaphore, #tpu.memory_space<semaphore_mem>>)
        %dma_wait3A = arith.constant 0 : i32
        %dma_wait3A_55 = arith.constant 0 : i32
        %dma_wait3A_56 = tpu.memref_slice %arg9[%dma_wait3A, %dma_wait3A_55] : memref<256x128xf32, #tpu.memory_space<vmem>> -> memref<128x128xf32, #tpu.memory_space<vmem>>
        %dma_wait3A_57 = arith.constant 0 : i32
        %dma_wait3A_58 = tpu.memref_slice %arg7[%add3A_35, %dma_wait3A_57] : memref<16x128xi32, #tpu.memory_space<vmem>> -> memref<1x128xi32, #tpu.memory_space<vmem>>
        %dma_wait3A_59 = tpu.memref_squeeze %dma_wait3A_58 : memref<1x128xi32, #tpu.memory_space<vmem>> -> memref<128xi32, #tpu.memory_space<vmem>>
        %dma_wait3A_60 = arith.constant 0 : i32
        %dma_wait3A_61 = arith.constant 0 : i32
        %dma_wait3A_62 = tpu.memref_slice %arg2[%dma_wait3A_60, %dma_wait3A_61] : memref<10000x128xf32, #tpu.memory_space<hbm>> -> memref<10000x128xf32, #tpu.memory_space<hbm>>
        tpu.wait_indirect_dma semaphore(%arg11 : memref<!tpu.dma_semaphore, #tpu.memory_space<semaphore_mem>>) src(%dma_wait3A_62 : memref<10000x128xf32, #tpu.memory_space<hbm>>) dst(%dma_wait3A_56 : memref<128x128xf32, #tpu.memory_space<vmem>>)
        %add3A_63 = arith.constant 0 : i32
        %add3A_64 = arith.addi %mul3A_33, %add3A_63 : i32
        %dma_start3A_65 = arith.constant 0 : i32
        %dma_start3A_66 = arith.constant 0 : i32
        %dma_start3A_67 = tpu.memref_slice %arg9[%dma_start3A_65, %dma_start3A_66] : memref<256x128xf32, #tpu.memory_space<vmem>> -> memref<128x128xf32, #tpu.memory_space<vmem>>
        %dma_start3A_68 = arith.constant 0 : i32
        %dma_start3A_69 = tpu.memref_slice %arg8[%add3A_64, %dma_start3A_68] : memref<16x128xi32, #tpu.memory_space<vmem>> -> memref<1x128xi32, #tpu.memory_space<vmem>>
        %dma_start3A_70 = tpu.memref_squeeze %dma_start3A_69 : memref<1x128xi32, #tpu.memory_space<vmem>> -> memref<128xi32, #tpu.memory_space<vmem>>
        %dma_start3A_71 = arith.constant 0 : i32
        %dma_start3A_72 = arith.constant 0 : i32
        %dma_start3A_73 = tpu.memref_slice %arg10[%dma_start3A_71, %dma_start3A_72] : memref<10240x128xf32, #tpu.memory_space<vmem_shared>> -> memref<10240x128xf32, #tpu.memory_space<vmem_shared>>
        tpu.enqueue_indirect_dma source(%dma_start3A_67 : memref<128x128xf32, #tpu.memory_space<vmem>>) target(%dma_start3A_73 : memref<10240x128xf32, #tpu.memory_space<vmem_shared>>) offsets(%dma_start3A_70 : memref<128xi32, #tpu.memory_space<vmem>>) semaphore(%arg13 : memref<!tpu.dma_semaphore, #tpu.memory_space<semaphore_mem>>) {add = true}
        %dma_wait3A_74 = arith.constant 0 : i32
        %dma_wait3A_75 = arith.constant 0 : i32
        %dma_wait3A_76 = tpu.memref_slice %arg9[%dma_wait3A_74, %dma_wait3A_75] : memref<256x128xf32, #tpu.memory_space<vmem>> -> memref<128x128xf32, #tpu.memory_space<vmem>>
        %dma_wait3A_77 = arith.constant 0 : i32
        %dma_wait3A_78 = tpu.memref_slice %arg8[%add3A_64, %dma_wait3A_77] : memref<16x128xi32, #tpu.memory_space<vmem>> -> memref<1x128xi32, #tpu.memory_space<vmem>>
        %dma_wait3A_79 = tpu.memref_squeeze %dma_wait3A_78 : memref<1x128xi32, #tpu.memory_space<vmem>> -> memref<128xi32, #tpu.memory_space<vmem>>
        %dma_wait3A_80 = arith.constant 0 : i32
        %dma_wait3A_81 = arith.constant 0 : i32
        %dma_wait3A_82 = tpu.memref_slice %arg10[%dma_wait3A_80, %dma_wait3A_81] : memref<10240x128xf32, #tpu.memory_space<vmem_shared>> -> memref<10240x128xf32, #tpu.memory_space<vmem_shared>>
        tpu.wait_indirect_dma semaphore(%arg13 : memref<!tpu.dma_semaphore, #tpu.memory_space<semaphore_mem>>) src(%dma_wait3A_76 : memref<128x128xf32, #tpu.memory_space<vmem>>) dst(%dma_wait3A_82 : memref<10240x128xf32, #tpu.memory_space<vmem_shared>>)
        %add3A_83 = arith.constant 0 : i32
        %add3A_84 = arith.addi %mul3A_33, %add3A_83 : i32
        %add3A_85 = arith.constant 2 : i32
        %add3A_86 = arith.addi %add3A_84, %add3A_85 : i32
        %dma_start3A_87 = arith.constant 0 : i32
        %dma_start3A_88 = arith.constant 0 : i32
        %dma_start3A_89 = tpu.memref_slice %arg9[%dma_start3A_87, %dma_start3A_88] : memref<256x128xf32, #tpu.memory_space<vmem>> -> memref<128x128xf32, #tpu.memory_space<vmem>>
        %dma_start3A_90 = arith.constant 0 : i32
        %dma_start3A_91 = tpu.memref_slice %arg7[%add3A_86, %dma_start3A_90] : memref<16x128xi32, #tpu.memory_space<vmem>> -> memref<1x128xi32, #tpu.memory_space<vmem>>
        %dma_start3A_92 = tpu.memref_squeeze %dma_start3A_91 : memref<1x128xi32, #tpu.memory_space<vmem>> -> memref<128xi32, #tpu.memory_space<vmem>>
        %dma_start3A_93 = arith.constant 0 : i32
        %dma_start3A_94 = arith.constant 0 : i32
        %dma_start3A_95 = tpu.memref_slice %arg2[%dma_start3A_93, %dma_start3A_94] : memref<10000x128xf32, #tpu.memory_space<hbm>> -> memref<10000x128xf32, #tpu.memory_space<hbm>>
        tpu.enqueue_indirect_dma source(%dma_start3A_95 : memref<10000x128xf32, #tpu.memory_space<hbm>>) target(%dma_start3A_89 : memref<128x128xf32, #tpu.memory_space<vmem>>) offsets(%dma_start3A_92 : memref<128xi32, #tpu.memory_space<vmem>>) semaphore(%arg11 : memref<!tpu.dma_semaphore, #tpu.memory_space<semaphore_mem>>)
        %dma_wait3A_96 = arith.constant 128 : i32
        %dma_wait3A_97 = arith.constant 0 : i32
        %dma_wait3A_98 = tpu.memref_slice %arg9[%dma_wait3A_96, %dma_wait3A_97] : memref<256x128xf32, #tpu.memory_space<vmem>> -> memref<128x128xf32, #tpu.memory_space<vmem>>
        %dma_wait3A_99 = arith.constant 0 : i32
        %dma_wait3A_100 = tpu.memref_slice %arg7[%add3A_45, %dma_wait3A_99] : memref<16x128xi32, #tpu.memory_space<vmem>> -> memref<1x128xi32, #tpu.memory_space<vmem>>
        %dma_wait3A_101 = tpu.memref_squeeze %dma_wait3A_100 : memref<1x128xi32, #tpu.memory_space<vmem>> -> memref<128xi32, #tpu.memory_space<vmem>>
        %dma_wait3A_102 = arith.constant 0 : i32
        %dma_wait3A_103 = arith.constant 0 : i32
        %dma_wait3A_104 = tpu.memref_slice %arg2[%dma_wait3A_102, %dma_wait3A_103] : memref<10000x128xf32, #tpu.memory_space<hbm>> -> memref<10000x128xf32, #tpu.memory_space<hbm>>
        tpu.wait_indirect_dma semaphore(%arg12 : memref<!tpu.dma_semaphore, #tpu.memory_space<semaphore_mem>>) src(%dma_wait3A_104 : memref<10000x128xf32, #tpu.memory_space<hbm>>) dst(%dma_wait3A_98 : memref<128x128xf32, #tpu.memory_space<vmem>>)
        %add3A_105 = arith.constant 1 : i32
        %add3A_106 = arith.addi %mul3A_33, %add3A_105 : i32
        %dma_start3A_107 = arith.constant 128 : i32
        %dma_start3A_108 = arith.constant 0 : i32
        %dma_start3A_109 = tpu.memref_slice %arg9[%dma_start3A_107, %dma_start3A_108] : memref<256x128xf32, #tpu.memory_space<vmem>> -> memref<128x128xf32, #tpu.memory_space<vmem>>
        %dma_start3A_110 = arith.constant 0 : i32
        %dma_start3A_111 = tpu.memref_slice %arg8[%add3A_106, %dma_start3A_110] : memref<16x128xi32, #tpu.memory_space<vmem>> -> memref<1x128xi32, #tpu.memory_space<vmem>>
        %dma_start3A_112 = tpu.memref_squeeze %dma_start3A_111 : memref<1x128xi32, #tpu.memory_space<vmem>> -> memref<128xi32, #tpu.memory_space<vmem>>
        %dma_start3A_113 = arith.constant 0 : i32
        %dma_start3A_114 = arith.constant 0 : i32
        %dma_start3A_115 = tpu.memref_slice %arg10[%dma_start3A_113, %dma_start3A_114] : memref<10240x128xf32, #tpu.memory_space<vmem_shared>> -> memref<10240x128xf32, #tpu.memory_space<vmem_shared>>
        tpu.enqueue_indirect_dma source(%dma_start3A_109 : memref<128x128xf32, #tpu.memory_space<vmem>>) target(%dma_start3A_115 : memref<10240x128xf32, #tpu.memory_space<vmem_shared>>) offsets(%dma_start3A_112 : memref<128xi32, #tpu.memory_space<vmem>>) semaphore(%arg14 : memref<!tpu.dma_semaphore, #tpu.memory_space<semaphore_mem>>) {add = true}
        %dma_wait3A_116 = arith.constant 128 : i32
        %dma_wait3A_117 = arith.constant 0 : i32
        %dma_wait3A_118 = tpu.memref_slice %arg9[%dma_wait3A_116, %dma_wait3A_117] : memref<256x128xf32, #tpu.memory_space<vmem>> -> memref<128x128xf32, #tpu.memory_space<vmem>>
        %dma_wait3A_119 = arith.constant 0 : i32
        %dma_wait3A_120 = tpu.memref_slice %arg8[%add3A_106, %dma_wait3A_119] : memref<16x128xi32, #tpu.memory_space<vmem>> -> memref<1x128xi32, #tpu.memory_space<vmem>>
        %dma_wait3A_121 = tpu.memref_squeeze %dma_wait3A_120 : memref<1x128xi32, #tpu.memory_space<vmem>> -> memref<128xi32, #tpu.memory_space<vmem>>
        %dma_wait3A_122 = arith.constant 0 : i32
        %dma_wait3A_123 = arith.constant 0 : i32
        %dma_wait3A_124 = tpu.memref_slice %arg10[%dma_wait3A_122, %dma_wait3A_123] : memref<10240x128xf32, #tpu.memory_space<vmem_shared>> -> memref<10240x128xf32, #tpu.memory_space<vmem_shared>>
        tpu.wait_indirect_dma semaphore(%arg14 : memref<!tpu.dma_semaphore, #tpu.memory_space<semaphore_mem>>) src(%dma_wait3A_118 : memref<128x128xf32, #tpu.memory_space<vmem>>) dst(%dma_wait3A_124 : memref<10240x128xf32, #tpu.memory_space<vmem_shared>>)
        %add3A_125 = arith.constant 1 : i32
        %add3A_126 = arith.addi %mul3A_33, %add3A_125 : i32
        %add3A_127 = arith.constant 2 : i32
        %add3A_128 = arith.addi %add3A_126, %add3A_127 : i32
        %dma_start3A_129 = arith.constant 128 : i32
        %dma_start3A_130 = arith.constant 0 : i32
        %dma_start3A_131 = tpu.memref_slice %arg9[%dma_start3A_129, %dma_start3A_130] : memref<256x128xf32, #tpu.memory_space<vmem>> -> memref<128x128xf32, #tpu.memory_space<vmem>>
        %dma_start3A_132 = arith.constant 0 : i32
        %dma_start3A_133 = tpu.memref_slice %arg7[%add3A_128, %dma_start3A_132] : memref<16x128xi32, #tpu.memory_space<vmem>> -> memref<1x128xi32, #tpu.memory_space<vmem>>
        %dma_start3A_134 = tpu.memref_squeeze %dma_start3A_133 : memref<1x128xi32, #tpu.memory_space<vmem>> -> memref<128xi32, #tpu.memory_space<vmem>>
        %dma_start3A_135 = arith.constant 0 : i32
        %dma_start3A_136 = arith.constant 0 : i32
        %dma_start3A_137 = tpu.memref_slice %arg2[%dma_start3A_135, %dma_start3A_136] : memref<10000x128xf32, #tpu.memory_space<hbm>> -> memref<10000x128xf32, #tpu.memory_space<hbm>>
        tpu.enqueue_indirect_dma source(%dma_start3A_137 : memref<10000x128xf32, #tpu.memory_space<hbm>>) target(%dma_start3A_131 : memref<128x128xf32, #tpu.memory_space<vmem>>) offsets(%dma_start3A_134 : memref<128xi32, #tpu.memory_space<vmem>>) semaphore(%arg12 : memref<!tpu.dma_semaphore, #tpu.memory_space<semaphore_mem>>)
        %dma_wait3A_138 = arith.constant 0 : i32
        %dma_wait3A_139 = arith.constant 0 : i32
        %dma_wait3A_140 = tpu.memref_slice %arg9[%dma_wait3A_138, %dma_wait3A_139] : memref<256x128xf32, #tpu.memory_space<vmem>> -> memref<128x128xf32, #tpu.memory_space<vmem>>
        %dma_wait3A_141 = arith.constant 0 : i32
        %dma_wait3A_142 = tpu.memref_slice %arg7[%add3A_86, %dma_wait3A_141] : memref<16x128xi32, #tpu.memory_space<vmem>> -> memref<1x128xi32, #tpu.memory_space<vmem>>
        %dma_wait3A_143 = tpu.memref_squeeze %dma_wait3A_142 : memref<1x128xi32, #tpu.memory_space<vmem>> -> memref<128xi32, #tpu.memory_space<vmem>>
        %dma_wait3A_144 = arith.constant 0 : i32
        %dma_wait3A_145 = arith.constant 0 : i32
        %dma_wait3A_146 = tpu.memref_slice %arg2[%dma_wait3A_144, %dma_wait3A_145] : memref<10000x128xf32, #tpu.memory_space<hbm>> -> memref<10000x128xf32, #tpu.memory_space<hbm>>
        tpu.wait_indirect_dma semaphore(%arg11 : memref<!tpu.dma_semaphore, #tpu.memory_space<semaphore_mem>>) src(%dma_wait3A_146 : memref<10000x128xf32, #tpu.memory_space<hbm>>) dst(%dma_wait3A_140 : memref<128x128xf32, #tpu.memory_space<vmem>>)
        %add3A_147 = arith.constant 2 : i32
        %add3A_148 = arith.addi %mul3A_33, %add3A_147 : i32
        %dma_start3A_149 = arith.constant 0 : i32
        %dma_start3A_150 = arith.constant 0 : i32
        %dma_start3A_151 = tpu.memref_slice %arg9[%dma_start3A_149, %dma_start3A_150] : memref<256x128xf32, #tpu.memory_space<vmem>> -> memref<128x128xf32, #tpu.memory_space<vmem>>
        %dma_start3A_152 = arith.constant 0 : i32
        %dma_start3A_153 = tpu.memref_slice %arg8[%add3A_148, %dma_start3A_152] : memref<16x128xi32, #tpu.memory_space<vmem>> -> memref<1x128xi32, #tpu.memory_space<vmem>>
        %dma_start3A_154 = tpu.memref_squeeze %dma_start3A_153 : memref<1x128xi32, #tpu.memory_space<vmem>> -> memref<128xi32, #tpu.memory_space<vmem>>
        %dma_start3A_155 = arith.constant 0 : i32
        %dma_start3A_156 = arith.constant 0 : i32
        %dma_start3A_157 = tpu.memref_slice %arg10[%dma_start3A_155, %dma_start3A_156] : memref<10240x128xf32, #tpu.memory_space<vmem_shared>> -> memref<10240x128xf32, #tpu.memory_space<vmem_shared>>
        tpu.enqueue_indirect_dma source(%dma_start3A_151 : memref<128x128xf32, #tpu.memory_space<vmem>>) target(%dma_start3A_157 : memref<10240x128xf32, #tpu.memory_space<vmem_shared>>) offsets(%dma_start3A_154 : memref<128xi32, #tpu.memory_space<vmem>>) semaphore(%arg13 : memref<!tpu.dma_semaphore, #tpu.memory_space<semaphore_mem>>) {add = true}
        %dma_wait3A_158 = arith.constant 0 : i32
        %dma_wait3A_159 = arith.constant 0 : i32
        %dma_wait3A_160 = tpu.memref_slice %arg9[%dma_wait3A_158, %dma_wait3A_159] : memref<256x128xf32, #tpu.memory_space<vmem>> -> memref<128x128xf32, #tpu.memory_space<vmem>>
        %dma_wait3A_161 = arith.constant 0 : i32
        %dma_wait3A_162 = tpu.memref_slice %arg8[%add3A_148, %dma_wait3A_161] : memref<16x128xi32, #tpu.memory_space<vmem>> -> memref<1x128xi32, #tpu.memory_space<vmem>>
        %dma_wait3A_163 = tpu.memref_squeeze %dma_wait3A_162 : memref<1x128xi32, #tpu.memory_space<vmem>> -> memref<128xi32, #tpu.memory_space<vmem>>
        %dma_wait3A_164 = arith.constant 0 : i32
        %dma_wait3A_165 = arith.constant 0 : i32
        %dma_wait3A_166 = tpu.memref_slice %arg10[%dma_wait3A_164, %dma_wait3A_165] : memref<10240x128xf32, #tpu.memory_space<vmem_shared>> -> memref<10240x128xf32, #tpu.memory_space<vmem_shared>>
        tpu.wait_indirect_dma semaphore(%arg13 : memref<!tpu.dma_semaphore, #tpu.memory_space<semaphore_mem>>) src(%dma_wait3A_160 : memref<128x128xf32, #tpu.memory_space<vmem>>) dst(%dma_wait3A_166 : memref<10240x128xf32, #tpu.memory_space<vmem_shared>>)
        %add3A_167 = arith.constant 2 : i32
        %add3A_168 = arith.addi %mul3A_33, %add3A_167 : i32
        %add3A_169 = arith.constant 2 : i32
        %add3A_170 = arith.addi %add3A_168, %add3A_169 : i32
        %dma_start3A_171 = arith.constant 0 : i32
        %dma_start3A_172 = arith.constant 0 : i32
        %dma_start3A_173 = tpu.memref_slice %arg9[%dma_start3A_171, %dma_start3A_172] : memref<256x128xf32, #tpu.memory_space<vmem>> -> memref<128x128xf32, #tpu.memory_space<vmem>>
        %dma_start3A_174 = arith.constant 0 : i32
        %dma_start3A_175 = tpu.memref_slice %arg7[%add3A_170, %dma_start3A_174] : memref<16x128xi32, #tpu.memory_space<vmem>> -> memref<1x128xi32, #tpu.memory_space<vmem>>
        %dma_start3A_176 = tpu.memref_squeeze %dma_start3A_175 : memref<1x128xi32, #tpu.memory_space<vmem>> -> memref<128xi32, #tpu.memory_space<vmem>>
        %dma_start3A_177 = arith.constant 0 : i32
        %dma_start3A_178 = arith.constant 0 : i32
        %dma_start3A_179 = tpu.memref_slice %arg2[%dma_start3A_177, %dma_start3A_178] : memref<10000x128xf32, #tpu.memory_space<hbm>> -> memref<10000x128xf32, #tpu.memory_space<hbm>>
        tpu.enqueue_indirect_dma source(%dma_start3A_179 : memref<10000x128xf32, #tpu.memory_space<hbm>>) target(%dma_start3A_173 : memref<128x128xf32, #tpu.memory_space<vmem>>) offsets(%dma_start3A_176 : memref<128xi32, #tpu.memory_space<vmem>>) semaphore(%arg11 : memref<!tpu.dma_semaphore, #tpu.memory_space<semaphore_mem>>)
        %dma_wait3A_180 = arith.constant 128 : i32
        %dma_wait3A_181 = arith.constant 0 : i32
        %dma_wait3A_182 = tpu.memref_slice %arg9[%dma_wait3A_180, %dma_wait3A_181] : memref<256x128xf32, #tpu.memory_space<vmem>> -> memref<128x128xf32, #tpu.memory_space<vmem>>
        %dma_wait3A_183 = arith.constant 0 : i32
        %dma_wait3A_184 = tpu.memref_slice %arg7[%add3A_128, %dma_wait3A_183] : memref<16x128xi32, #tpu.memory_space<vmem>> -> memref<1x128xi32, #tpu.memory_space<vmem>>
        %dma_wait3A_185 = tpu.memref_squeeze %dma_wait3A_184 : memref<1x128xi32, #tpu.memory_space<vmem>> -> memref<128xi32, #tpu.memory_space<vmem>>
        %dma_wait3A_186 = arith.constant 0 : i32
        %dma_wait3A_187 = arith.constant 0 : i32
        %dma_wait3A_188 = tpu.memref_slice %arg2[%dma_wait3A_186, %dma_wait3A_187] : memref<10000x128xf32, #tpu.memory_space<hbm>> -> memref<10000x128xf32, #tpu.memory_space<hbm>>
        tpu.wait_indirect_dma semaphore(%arg12 : memref<!tpu.dma_semaphore, #tpu.memory_space<semaphore_mem>>) src(%dma_wait3A_188 : memref<10000x128xf32, #tpu.memory_space<hbm>>) dst(%dma_wait3A_182 : memref<128x128xf32, #tpu.memory_space<vmem>>)
        %add3A_189 = arith.constant 3 : i32
        %add3A_190 = arith.addi %mul3A_33, %add3A_189 : i32
        %dma_start3A_191 = arith.constant 128 : i32
        %dma_start3A_192 = arith.constant 0 : i32
        %dma_start3A_193 = tpu.memref_slice %arg9[%dma_start3A_191, %dma_start3A_192] : memref<256x128xf32, #tpu.memory_space<vmem>> -> memref<128x128xf32, #tpu.memory_space<vmem>>
        %dma_start3A_194 = arith.constant 0 : i32
        %dma_start3A_195 = tpu.memref_slice %arg8[%add3A_190, %dma_start3A_194] : memref<16x128xi32, #tpu.memory_space<vmem>> -> memref<1x128xi32, #tpu.memory_space<vmem>>
        %dma_start3A_196 = tpu.memref_squeeze %dma_start3A_195 : memref<1x128xi32, #tpu.memory_space<vmem>> -> memref<128xi32, #tpu.memory_space<vmem>>
        %dma_start3A_197 = arith.constant 0 : i32
        %dma_start3A_198 = arith.constant 0 : i32
        %dma_start3A_199 = tpu.memref_slice %arg10[%dma_start3A_197, %dma_start3A_198] : memref<10240x128xf32, #tpu.memory_space<vmem_shared>> -> memref<10240x128xf32, #tpu.memory_space<vmem_shared>>
        tpu.enqueue_indirect_dma source(%dma_start3A_193 : memref<128x128xf32, #tpu.memory_space<vmem>>) target(%dma_start3A_199 : memref<10240x128xf32, #tpu.memory_space<vmem_shared>>) offsets(%dma_start3A_196 : memref<128xi32, #tpu.memory_space<vmem>>) semaphore(%arg14 : memref<!tpu.dma_semaphore, #tpu.memory_space<semaphore_mem>>) {add = true}
        %dma_wait3A_200 = arith.constant 128 : i32
        %dma_wait3A_201 = arith.constant 0 : i32
        %dma_wait3A_202 = tpu.memref_slice %arg9[%dma_wait3A_200, %dma_wait3A_201] : memref<256x128xf32, #tpu.memory_space<vmem>> -> memref<128x128xf32, #tpu.memory_space<vmem>>
        %dma_wait3A_203 = arith.constant 0 : i32
        %dma_wait3A_204 = tpu.memref_slice %arg8[%add3A_190, %dma_wait3A_203] : memref<16x128xi32, #tpu.memory_space<vmem>> -> memref<1x128xi32, #tpu.memory_space<vmem>>
        %dma_wait3A_205 = tpu.memref_squeeze %dma_wait3A_204 : memref<1x128xi32, #tpu.memory_space<vmem>> -> memref<128xi32, #tpu.memory_space<vmem>>
        %dma_wait3A_206 = arith.constant 0 : i32
        %dma_wait3A_207 = arith.constant 0 : i32
        %dma_wait3A_208 = tpu.memref_slice %arg10[%dma_wait3A_206, %dma_wait3A_207] : memref<10240x128xf32, #tpu.memory_space<vmem_shared>> -> memref<10240x128xf32, #tpu.memory_space<vmem_shared>>
        tpu.wait_indirect_dma semaphore(%arg14 : memref<!tpu.dma_semaphore, #tpu.memory_space<semaphore_mem>>) src(%dma_wait3A_202 : memref<128x128xf32, #tpu.memory_space<vmem>>) dst(%dma_wait3A_208 : memref<10240x128xf32, #tpu.memory_space<vmem_shared>>)
        %add3A_209 = arith.constant 3 : i32
        %add3A_210 = arith.addi %mul3A_33, %add3A_209 : i32
        %add3A_211 = arith.constant 2 : i32
        %add3A_212 = arith.addi %add3A_210, %add3A_211 : i32
        %dma_start3A_213 = arith.constant 128 : i32
        %dma_start3A_214 = arith.constant 0 : i32
        %dma_start3A_215 = tpu.memref_slice %arg9[%dma_start3A_213, %dma_start3A_214] : memref<256x128xf32, #tpu.memory_space<vmem>> -> memref<128x128xf32, #tpu.memory_space<vmem>>
        %dma_start3A_216 = arith.constant 0 : i32
        %dma_start3A_217 = tpu.memref_slice %arg7[%add3A_212, %dma_start3A_216] : memref<16x128xi32, #tpu.memory_space<vmem>> -> memref<1x128xi32, #tpu.memory_space<vmem>>
        %dma_start3A_218 = tpu.memref_squeeze %dma_start3A_217 : memref<1x128xi32, #tpu.memory_space<vmem>> -> memref<128xi32, #tpu.memory_space<vmem>>
        %dma_start3A_219 = arith.constant 0 : i32
        %dma_start3A_220 = arith.constant 0 : i32
        %dma_start3A_221 = tpu.memref_slice %arg2[%dma_start3A_219, %dma_start3A_220] : memref<10000x128xf32, #tpu.memory_space<hbm>> -> memref<10000x128xf32, #tpu.memory_space<hbm>>
        tpu.enqueue_indirect_dma source(%dma_start3A_221 : memref<10000x128xf32, #tpu.memory_space<hbm>>) target(%dma_start3A_215 : memref<128x128xf32, #tpu.memory_space<vmem>>) offsets(%dma_start3A_218 : memref<128xi32, #tpu.memory_space<vmem>>) semaphore(%arg12 : memref<!tpu.dma_semaphore, #tpu.memory_space<semaphore_mem>>)
        %dma_wait3A_222 = arith.constant 0 : i32
        %dma_wait3A_223 = arith.constant 0 : i32
        %dma_wait3A_224 = tpu.memref_slice %arg9[%dma_wait3A_222, %dma_wait3A_223] : memref<256x128xf32, #tpu.memory_space<vmem>> -> memref<128x128xf32, #tpu.memory_space<vmem>>
        %dma_wait3A_225 = arith.constant 0 : i32
        %dma_wait3A_226 = tpu.memref_slice %arg7[%add3A_170, %dma_wait3A_225] : memref<16x128xi32, #tpu.memory_space<vmem>> -> memref<1x128xi32, #tpu.memory_space<vmem>>
        %dma_wait3A_227 = tpu.memref_squeeze %dma_wait3A_226 : memref<1x128xi32, #tpu.memory_space<vmem>> -> memref<128xi32, #tpu.memory_space<vmem>>
        %dma_wait3A_228 = arith.constant 0 : i32
        %dma_wait3A_229 = arith.constant 0 : i32
        %dma_wait3A_230 = tpu.memref_slice %arg2[%dma_wait3A_228, %dma_wait3A_229] : memref<10000x128xf32, #tpu.memory_space<hbm>> -> memref<10000x128xf32, #tpu.memory_space<hbm>>
        tpu.wait_indirect_dma semaphore(%arg11 : memref<!tpu.dma_semaphore, #tpu.memory_space<semaphore_mem>>) src(%dma_wait3A_230 : memref<10000x128xf32, #tpu.memory_space<hbm>>) dst(%dma_wait3A_224 : memref<128x128xf32, #tpu.memory_space<vmem>>)
        %add3A_231 = arith.constant 4 : i32
        %add3A_232 = arith.addi %mul3A_33, %add3A_231 : i32
        %dma_start3A_233 = arith.constant 0 : i32
        %dma_start3A_234 = arith.constant 0 : i32
        %dma_start3A_235 = tpu.memref_slice %arg9[%dma_start3A_233, %dma_start3A_234] : memref<256x128xf32, #tpu.memory_space<vmem>> -> memref<128x128xf32, #tpu.memory_space<vmem>>
        %dma_start3A_236 = arith.constant 0 : i32
        %dma_start3A_237 = tpu.memref_slice %arg8[%add3A_232, %dma_start3A_236] : memref<16x128xi32, #tpu.memory_space<vmem>> -> memref<1x128xi32, #tpu.memory_space<vmem>>
        %dma_start3A_238 = tpu.memref_squeeze %dma_start3A_237 : memref<1x128xi32, #tpu.memory_space<vmem>> -> memref<128xi32, #tpu.memory_space<vmem>>
        %dma_start3A_239 = arith.constant 0 : i32
        %dma_start3A_240 = arith.constant 0 : i32
        %dma_start3A_241 = tpu.memref_slice %arg10[%dma_start3A_239, %dma_start3A_240] : memref<10240x128xf32, #tpu.memory_space<vmem_shared>> -> memref<10240x128xf32, #tpu.memory_space<vmem_shared>>
        tpu.enqueue_indirect_dma source(%dma_start3A_235 : memref<128x128xf32, #tpu.memory_space<vmem>>) target(%dma_start3A_241 : memref<10240x128xf32, #tpu.memory_space<vmem_shared>>) offsets(%dma_start3A_238 : memref<128xi32, #tpu.memory_space<vmem>>) semaphore(%arg13 : memref<!tpu.dma_semaphore, #tpu.memory_space<semaphore_mem>>) {add = true}
        %dma_wait3A_242 = arith.constant 0 : i32
        %dma_wait3A_243 = arith.constant 0 : i32
        %dma_wait3A_244 = tpu.memref_slice %arg9[%dma_wait3A_242, %dma_wait3A_243] : memref<256x128xf32, #tpu.memory_space<vmem>> -> memref<128x128xf32, #tpu.memory_space<vmem>>
        %dma_wait3A_245 = arith.constant 0 : i32
        %dma_wait3A_246 = tpu.memref_slice %arg8[%add3A_232, %dma_wait3A_245] : memref<16x128xi32, #tpu.memory_space<vmem>> -> memref<1x128xi32, #tpu.memory_space<vmem>>
        %dma_wait3A_247 = tpu.memref_squeeze %dma_wait3A_246 : memref<1x128xi32, #tpu.memory_space<vmem>> -> memref<128xi32, #tpu.memory_space<vmem>>
        %dma_wait3A_248 = arith.constant 0 : i32
        %dma_wait3A_249 = arith.constant 0 : i32
        %dma_wait3A_250 = tpu.memref_slice %arg10[%dma_wait3A_248, %dma_wait3A_249] : memref<10240x128xf32, #tpu.memory_space<vmem_shared>> -> memref<10240x128xf32, #tpu.memory_space<vmem_shared>>
        tpu.wait_indirect_dma semaphore(%arg13 : memref<!tpu.dma_semaphore, #tpu.memory_space<semaphore_mem>>) src(%dma_wait3A_244 : memref<128x128xf32, #tpu.memory_space<vmem>>) dst(%dma_wait3A_250 : memref<10240x128xf32, #tpu.memory_space<vmem_shared>>)
        %add3A_251 = arith.constant 4 : i32
        %add3A_252 = arith.addi %mul3A_33, %add3A_251 : i32
        %add3A_253 = arith.constant 2 : i32
        %add3A_254 = arith.addi %add3A_252, %add3A_253 : i32
        %dma_start3A_255 = arith.constant 0 : i32
        %dma_start3A_256 = arith.constant 0 : i32
        %dma_start3A_257 = tpu.memref_slice %arg9[%dma_start3A_255, %dma_start3A_256] : memref<256x128xf32, #tpu.memory_space<vmem>> -> memref<128x128xf32, #tpu.memory_space<vmem>>
        %dma_start3A_258 = arith.constant 0 : i32
        %dma_start3A_259 = tpu.memref_slice %arg7[%add3A_254, %dma_start3A_258] : memref<16x128xi32, #tpu.memory_space<vmem>> -> memref<1x128xi32, #tpu.memory_space<vmem>>
        %dma_start3A_260 = tpu.memref_squeeze %dma_start3A_259 : memref<1x128xi32, #tpu.memory_space<vmem>> -> memref<128xi32, #tpu.memory_space<vmem>>
        %dma_start3A_261 = arith.constant 0 : i32
        %dma_start3A_262 = arith.constant 0 : i32
        %dma_start3A_263 = tpu.memref_slice %arg2[%dma_start3A_261, %dma_start3A_262] : memref<10000x128xf32, #tpu.memory_space<hbm>> -> memref<10000x128xf32, #tpu.memory_space<hbm>>
        tpu.enqueue_indirect_dma source(%dma_start3A_263 : memref<10000x128xf32, #tpu.memory_space<hbm>>) target(%dma_start3A_257 : memref<128x128xf32, #tpu.memory_space<vmem>>) offsets(%dma_start3A_260 : memref<128xi32, #tpu.memory_space<vmem>>) semaphore(%arg11 : memref<!tpu.dma_semaphore, #tpu.memory_space<semaphore_mem>>)
        %dma_wait3A_264 = arith.constant 128 : i32
        %dma_wait3A_265 = arith.constant 0 : i32
        %dma_wait3A_266 = tpu.memref_slice %arg9[%dma_wait3A_264, %dma_wait3A_265] : memref<256x128xf32, #tpu.memory_space<vmem>> -> memref<128x128xf32, #tpu.memory_space<vmem>>
        %dma_wait3A_267 = arith.constant 0 : i32
        %dma_wait3A_268 = tpu.memref_slice %arg7[%add3A_212, %dma_wait3A_267] : memref<16x128xi32, #tpu.memory_space<vmem>> -> memref<1x128xi32, #tpu.memory_space<vmem>>
        %dma_wait3A_269 = tpu.memref_squeeze %dma_wait3A_268 : memref<1x128xi32, #tpu.memory_space<vmem>> -> memref<128xi32, #tpu.memory_space<vmem>>
        %dma_wait3A_270 = arith.constant 0 : i32
        %dma_wait3A_271 = arith.constant 0 : i32
        %dma_wait3A_272 = tpu.memref_slice %arg2[%dma_wait3A_270, %dma_wait3A_271] : memref<10000x128xf32, #tpu.memory_space<hbm>> -> memref<10000x128xf32, #tpu.memory_space<hbm>>
        tpu.wait_indirect_dma semaphore(%arg12 : memref<!tpu.dma_semaphore, #tpu.memory_space<semaphore_mem>>) src(%dma_wait3A_272 : memref<10000x128xf32, #tpu.memory_space<hbm>>) dst(%dma_wait3A_266 : memref<128x128xf32, #tpu.memory_space<vmem>>)
        %add3A_273 = arith.constant 5 : i32
        %add3A_274 = arith.addi %mul3A_33, %add3A_273 : i32
        %dma_start3A_275 = arith.constant 128 : i32
        %dma_start3A_276 = arith.constant 0 : i32
        %dma_start3A_277 = tpu.memref_slice %arg9[%dma_start3A_275, %dma_start3A_276] : memref<256x128xf32, #tpu.memory_space<vmem>> -> memref<128x128xf32, #tpu.memory_space<vmem>>
        %dma_start3A_278 = arith.constant 0 : i32
        %dma_start3A_279 = tpu.memref_slice %arg8[%add3A_274, %dma_start3A_278] : memref<16x128xi32, #tpu.memory_space<vmem>> -> memref<1x128xi32, #tpu.memory_space<vmem>>
        %dma_start3A_280 = tpu.memref_squeeze %dma_start3A_279 : memref<1x128xi32, #tpu.memory_space<vmem>> -> memref<128xi32, #tpu.memory_space<vmem>>
        %dma_start3A_281 = arith.constant 0 : i32
        %dma_start3A_282 = arith.constant 0 : i32
        %dma_start3A_283 = tpu.memref_slice %arg10[%dma_start3A_281, %dma_start3A_282] : memref<10240x128xf32, #tpu.memory_space<vmem_shared>> -> memref<10240x128xf32, #tpu.memory_space<vmem_shared>>
        tpu.enqueue_indirect_dma source(%dma_start3A_277 : memref<128x128xf32, #tpu.memory_space<vmem>>) target(%dma_start3A_283 : memref<10240x128xf32, #tpu.memory_space<vmem_shared>>) offsets(%dma_start3A_280 : memref<128xi32, #tpu.memory_space<vmem>>) semaphore(%arg14 : memref<!tpu.dma_semaphore, #tpu.memory_space<semaphore_mem>>) {add = true}
        %dma_wait3A_284 = arith.constant 128 : i32
        %dma_wait3A_285 = arith.constant 0 : i32
        %dma_wait3A_286 = tpu.memref_slice %arg9[%dma_wait3A_284, %dma_wait3A_285] : memref<256x128xf32, #tpu.memory_space<vmem>> -> memref<128x128xf32, #tpu.memory_space<vmem>>
        %dma_wait3A_287 = arith.constant 0 : i32
        %dma_wait3A_288 = tpu.memref_slice %arg8[%add3A_274, %dma_wait3A_287] : memref<16x128xi32, #tpu.memory_space<vmem>> -> memref<1x128xi32, #tpu.memory_space<vmem>>
        %dma_wait3A_289 = tpu.memref_squeeze %dma_wait3A_288 : memref<1x128xi32, #tpu.memory_space<vmem>> -> memref<128xi32, #tpu.memory_space<vmem>>
        %dma_wait3A_290 = arith.constant 0 : i32
        %dma_wait3A_291 = arith.constant 0 : i32
        %dma_wait3A_292 = tpu.memref_slice %arg10[%dma_wait3A_290, %dma_wait3A_291] : memref<10240x128xf32, #tpu.memory_space<vmem_shared>> -> memref<10240x128xf32, #tpu.memory_space<vmem_shared>>
        tpu.wait_indirect_dma semaphore(%arg14 : memref<!tpu.dma_semaphore, #tpu.memory_space<semaphore_mem>>) src(%dma_wait3A_286 : memref<128x128xf32, #tpu.memory_space<vmem>>) dst(%dma_wait3A_292 : memref<10240x128xf32, #tpu.memory_space<vmem_shared>>)
        %add3A_293 = arith.constant 5 : i32
        %add3A_294 = arith.addi %mul3A_33, %add3A_293 : i32
        %add3A_295 = arith.constant 2 : i32
        %add3A_296 = arith.addi %add3A_294, %add3A_295 : i32
        %dma_start3A_297 = arith.constant 128 : i32
        %dma_start3A_298 = arith.constant 0 : i32
        %dma_start3A_299 = tpu.memref_slice %arg9[%dma_start3A_297, %dma_start3A_298] : memref<256x128xf32, #tpu.memory_space<vmem>> -> memref<128x128xf32, #tpu.memory_space<vmem>>
        %dma_start3A_300 = arith.constant 0 : i32
        %dma_start3A_301 = tpu.memref_slice %arg7[%add3A_296, %dma_start3A_300] : memref<16x128xi32, #tpu.memory_space<vmem>> -> memref<1x128xi32, #tpu.memory_space<vmem>>
        %dma_start3A_302 = tpu.memref_squeeze %dma_start3A_301 : memref<1x128xi32, #tpu.memory_space<vmem>> -> memref<128xi32, #tpu.memory_space<vmem>>
        %dma_start3A_303 = arith.constant 0 : i32
        %dma_start3A_304 = arith.constant 0 : i32
        %dma_start3A_305 = tpu.memref_slice %arg2[%dma_start3A_303, %dma_start3A_304] : memref<10000x128xf32, #tpu.memory_space<hbm>> -> memref<10000x128xf32, #tpu.memory_space<hbm>>
        tpu.enqueue_indirect_dma source(%dma_start3A_305 : memref<10000x128xf32, #tpu.memory_space<hbm>>) target(%dma_start3A_299 : memref<128x128xf32, #tpu.memory_space<vmem>>) offsets(%dma_start3A_302 : memref<128xi32, #tpu.memory_space<vmem>>) semaphore(%arg12 : memref<!tpu.dma_semaphore, #tpu.memory_space<semaphore_mem>>)
        %dma_wait3A_306 = arith.constant 0 : i32
        %dma_wait3A_307 = arith.constant 0 : i32
        %dma_wait3A_308 = tpu.memref_slice %arg9[%dma_wait3A_306, %dma_wait3A_307] : memref<256x128xf32, #tpu.memory_space<vmem>> -> memref<128x128xf32, #tpu.memory_space<vmem>>
        %dma_wait3A_309 = arith.constant 0 : i32
        %dma_wait3A_310 = tpu.memref_slice %arg7[%add3A_254, %dma_wait3A_309] : memref<16x128xi32, #tpu.memory_space<vmem>> -> memref<1x128xi32, #tpu.memory_space<vmem>>
        %dma_wait3A_311 = tpu.memref_squeeze %dma_wait3A_310 : memref<1x128xi32, #tpu.memory_space<vmem>> -> memref<128xi32, #tpu.memory_space<vmem>>
        %dma_wait3A_312 = arith.constant 0 : i32
        %dma_wait3A_313 = arith.constant 0 : i32
        %dma_wait3A_314 = tpu.memref_slice %arg2[%dma_wait3A_312, %dma_wait3A_313] : memref<10000x128xf32, #tpu.memory_space<hbm>> -> memref<10000x128xf32, #tpu.memory_space<hbm>>
        tpu.wait_indirect_dma semaphore(%arg11 : memref<!tpu.dma_semaphore, #tpu.memory_space<semaphore_mem>>) src(%dma_wait3A_314 : memref<10000x128xf32, #tpu.memory_space<hbm>>) dst(%dma_wait3A_308 : memref<128x128xf32, #tpu.memory_space<vmem>>)
        %add3A_315 = arith.constant 6 : i32
        %add3A_316 = arith.addi %mul3A_33, %add3A_315 : i32
        %dma_start3A_317 = arith.constant 0 : i32
        %dma_start3A_318 = arith.constant 0 : i32
        %dma_start3A_319 = tpu.memref_slice %arg9[%dma_start3A_317, %dma_start3A_318] : memref<256x128xf32, #tpu.memory_space<vmem>> -> memref<128x128xf32, #tpu.memory_space<vmem>>
        %dma_start3A_320 = arith.constant 0 : i32
        %dma_start3A_321 = tpu.memref_slice %arg8[%add3A_316, %dma_start3A_320] : memref<16x128xi32, #tpu.memory_space<vmem>> -> memref<1x128xi32, #tpu.memory_space<vmem>>
        %dma_start3A_322 = tpu.memref_squeeze %dma_start3A_321 : memref<1x128xi32, #tpu.memory_space<vmem>> -> memref<128xi32, #tpu.memory_space<vmem>>
        %dma_start3A_323 = arith.constant 0 : i32
        %dma_start3A_324 = arith.constant 0 : i32
        %dma_start3A_325 = tpu.memref_slice %arg10[%dma_start3A_323, %dma_start3A_324] : memref<10240x128xf32, #tpu.memory_space<vmem_shared>> -> memref<10240x128xf32, #tpu.memory_space<vmem_shared>>
        tpu.enqueue_indirect_dma source(%dma_start3A_319 : memref<128x128xf32, #tpu.memory_space<vmem>>) target(%dma_start3A_325 : memref<10240x128xf32, #tpu.memory_space<vmem_shared>>) offsets(%dma_start3A_322 : memref<128xi32, #tpu.memory_space<vmem>>) semaphore(%arg13 : memref<!tpu.dma_semaphore, #tpu.memory_space<semaphore_mem>>) {add = true}
        %dma_wait3A_326 = arith.constant 128 : i32
        %dma_wait3A_327 = arith.constant 0 : i32
        %dma_wait3A_328 = tpu.memref_slice %arg9[%dma_wait3A_326, %dma_wait3A_327] : memref<256x128xf32, #tpu.memory_space<vmem>> -> memref<128x128xf32, #tpu.memory_space<vmem>>
        %dma_wait3A_329 = arith.constant 0 : i32
        %dma_wait3A_330 = tpu.memref_slice %arg7[%add3A_296, %dma_wait3A_329] : memref<16x128xi32, #tpu.memory_space<vmem>> -> memref<1x128xi32, #tpu.memory_space<vmem>>
        %dma_wait3A_331 = tpu.memref_squeeze %dma_wait3A_330 : memref<1x128xi32, #tpu.memory_space<vmem>> -> memref<128xi32, #tpu.memory_space<vmem>>
        %dma_wait3A_332 = arith.constant 0 : i32
        %dma_wait3A_333 = arith.constant 0 : i32
        %dma_wait3A_334 = tpu.memref_slice %arg2[%dma_wait3A_332, %dma_wait3A_333] : memref<10000x128xf32, #tpu.memory_space<hbm>> -> memref<10000x128xf32, #tpu.memory_space<hbm>>
        tpu.wait_indirect_dma semaphore(%arg12 : memref<!tpu.dma_semaphore, #tpu.memory_space<semaphore_mem>>) src(%dma_wait3A_334 : memref<10000x128xf32, #tpu.memory_space<hbm>>) dst(%dma_wait3A_328 : memref<128x128xf32, #tpu.memory_space<vmem>>)
        %add3A_335 = arith.constant 7 : i32
        %add3A_336 = arith.addi %mul3A_33, %add3A_335 : i32
        %dma_start3A_337 = arith.constant 128 : i32
        %dma_start3A_338 = arith.constant 0 : i32
        %dma_start3A_339 = tpu.memref_slice %arg9[%dma_start3A_337, %dma_start3A_338] : memref<256x128xf32, #tpu.memory_space<vmem>> -> memref<128x128xf32, #tpu.memory_space<vmem>>
        %dma_start3A_340 = arith.constant 0 : i32
        %dma_start3A_341 = tpu.memref_slice %arg8[%add3A_336, %dma_start3A_340] : memref<16x128xi32, #tpu.memory_space<vmem>> -> memref<1x128xi32, #tpu.memory_space<vmem>>
        %dma_start3A_342 = tpu.memref_squeeze %dma_start3A_341 : memref<1x128xi32, #tpu.memory_space<vmem>> -> memref<128xi32, #tpu.memory_space<vmem>>
        %dma_start3A_343 = arith.constant 0 : i32
        %dma_start3A_344 = arith.constant 0 : i32
        %dma_start3A_345 = tpu.memref_slice %arg10[%dma_start3A_343, %dma_start3A_344] : memref<10240x128xf32, #tpu.memory_space<vmem_shared>> -> memref<10240x128xf32, #tpu.memory_space<vmem_shared>>
        tpu.enqueue_indirect_dma source(%dma_start3A_339 : memref<128x128xf32, #tpu.memory_space<vmem>>) target(%dma_start3A_345 : memref<10240x128xf32, #tpu.memory_space<vmem_shared>>) offsets(%dma_start3A_342 : memref<128xi32, #tpu.memory_space<vmem>>) semaphore(%arg14 : memref<!tpu.dma_semaphore, #tpu.memory_space<semaphore_mem>>) {add = true}
        %dma_wait3A_346 = arith.constant 0 : i32
        %dma_wait3A_347 = arith.constant 0 : i32
        %dma_wait3A_348 = tpu.memref_slice %arg9[%dma_wait3A_346, %dma_wait3A_347] : memref<256x128xf32, #tpu.memory_space<vmem>> -> memref<128x128xf32, #tpu.memory_space<vmem>>
        %dma_wait3A_349 = arith.constant 0 : i32
        %dma_wait3A_350 = tpu.memref_slice %arg8[%add3A_316, %dma_wait3A_349] : memref<16x128xi32, #tpu.memory_space<vmem>> -> memref<1x128xi32, #tpu.memory_space<vmem>>
        %dma_wait3A_351 = tpu.memref_squeeze %dma_wait3A_350 : memref<1x128xi32, #tpu.memory_space<vmem>> -> memref<128xi32, #tpu.memory_space<vmem>>
        %dma_wait3A_352 = arith.constant 0 : i32
        %dma_wait3A_353 = arith.constant 0 : i32
        %dma_wait3A_354 = tpu.memref_slice %arg10[%dma_wait3A_352, %dma_wait3A_353] : memref<10240x128xf32, #tpu.memory_space<vmem_shared>> -> memref<10240x128xf32, #tpu.memory_space<vmem_shared>>
        tpu.wait_indirect_dma semaphore(%arg13 : memref<!tpu.dma_semaphore, #tpu.memory_space<semaphore_mem>>) src(%dma_wait3A_348 : memref<128x128xf32, #tpu.memory_space<vmem>>) dst(%dma_wait3A_354 : memref<10240x128xf32, #tpu.memory_space<vmem_shared>>)
        %dma_wait3A_355 = arith.constant 128 : i32
        %dma_wait3A_356 = arith.constant 0 : i32
        %dma_wait3A_357 = tpu.memref_slice %arg9[%dma_wait3A_355, %dma_wait3A_356] : memref<256x128xf32, #tpu.memory_space<vmem>> -> memref<128x128xf32, #tpu.memory_space<vmem>>
        %dma_wait3A_358 = arith.constant 0 : i32
        %dma_wait3A_359 = tpu.memref_slice %arg8[%add3A_336, %dma_wait3A_358] : memref<16x128xi32, #tpu.memory_space<vmem>> -> memref<1x128xi32, #tpu.memory_space<vmem>>
        %dma_wait3A_360 = tpu.memref_squeeze %dma_wait3A_359 : memref<1x128xi32, #tpu.memory_space<vmem>> -> memref<128xi32, #tpu.memory_space<vmem>>
        %dma_wait3A_361 = arith.constant 0 : i32
        %dma_wait3A_362 = arith.constant 0 : i32
        %dma_wait3A_363 = tpu.memref_slice %arg10[%dma_wait3A_361, %dma_wait3A_362] : memref<10240x128xf32, #tpu.memory_space<vmem_shared>> -> memref<10240x128xf32, #tpu.memory_space<vmem_shared>>
        tpu.wait_indirect_dma semaphore(%arg14 : memref<!tpu.dma_semaphore, #tpu.memory_space<semaphore_mem>>) src(%dma_wait3A_357 : memref<128x128xf32, #tpu.memory_space<vmem>>) dst(%dma_wait3A_363 : memref<10240x128xf32, #tpu.memory_space<vmem_shared>>)
      }
      %scan3A_26 = arith.constant 2 : i32
    }
    %scan3A_6 = arith.constant 5 : i32
    %barrier3A_7 = arith.constant 0 : index
    tpu.barrier barrier_id(%barrier3A_7)
    %mul3A_8 = arith.constant 640 : i32
    %mul3A_9 = arith.muli %arg1, %mul3A_8 : i32
    %mul3A_10 = arith.constant 640 : i32
    %mul3A_11 = arith.muli %arg1, %mul3A_10 : i32
    "tpu.region"() ({
      %run_scoped3A = tpu.sem_alloc : memref<!tpu.dma_semaphore, #tpu.memory_space<semaphore_mem>>
      %dma_start3A = arith.constant 0 : i32
      %dma_start3A_12 = arith.constant 0 : i32
      %dma_start3A_13 = tpu.memref_slice %arg6[%arg0, %dma_start3A, %dma_start3A_12] : memref<2x10240x128xf32, #tpu.memory_space<hbm>> -> memref<1x10240x128xf32, #tpu.memory_space<hbm>>
      %dma_start3A_14 = tpu.memref_squeeze %dma_start3A_13 : memref<1x10240x128xf32, #tpu.memory_space<hbm>> -> memref<10240x128xf32, #tpu.memory_space<hbm>>
      %dma_start3A_15 = arith.constant 0 : i32
      %dma_start3A_16 = tpu.memref_slice %dma_start3A_14[%mul3A_11, %dma_start3A_15] : memref<10240x128xf32, #tpu.memory_space<hbm>> -> memref<640x128xf32, #tpu.memory_space<hbm>>
      %dma_start3A_17 = arith.constant 0 : i32
      %dma_start3A_18 = tpu.memref_slice %arg10[%mul3A_9, %dma_start3A_17] : memref<10240x128xf32, #tpu.memory_space<vmem_shared>> -> memref<640x128xf32, #tpu.memory_space<vmem_shared>>
      tpu.enqueue_dma source(%dma_start3A_18 : memref<640x128xf32, #tpu.memory_space<vmem_shared>>) target(%dma_start3A_16 : memref<640x128xf32, #tpu.memory_space<hbm>>) target_semaphore(%run_scoped3A : memref<!tpu.dma_semaphore, #tpu.memory_space<semaphore_mem>>)
      %dma_wait3A = arith.constant 0 : i32
      %dma_wait3A_19 = arith.constant 0 : i32
      %dma_wait3A_20 = tpu.memref_slice %arg6[%arg0, %dma_wait3A, %dma_wait3A_19] : memref<2x10240x128xf32, #tpu.memory_space<hbm>> -> memref<1x10240x128xf32, #tpu.memory_space<hbm>>
      %dma_wait3A_21 = tpu.memref_squeeze %dma_wait3A_20 : memref<1x10240x128xf32, #tpu.memory_space<hbm>> -> memref<10240x128xf32, #tpu.memory_space<hbm>>
      %dma_wait3A_22 = arith.constant 0 : i32
      %dma_wait3A_23 = tpu.memref_slice %dma_wait3A_21[%mul3A_11, %dma_wait3A_22] : memref<10240x128xf32, #tpu.memory_space<hbm>> -> memref<640x128xf32, #tpu.memory_space<hbm>>
      %dma_wait3A_24 = arith.constant 0 : i32
      %dma_wait3A_25 = tpu.memref_slice %arg10[%mul3A_9, %dma_wait3A_24] : memref<10240x128xf32, #tpu.memory_space<vmem_shared>> -> memref<640x128xf32, #tpu.memory_space<vmem_shared>>
      tpu.wait_dma2 semaphore(%run_scoped3A : memref<!tpu.dma_semaphore, #tpu.memory_space<semaphore_mem>>) src(%dma_wait3A_25 : memref<640x128xf32, #tpu.memory_space<vmem_shared>>) dst(%dma_wait3A_23 : memref<640x128xf32, #tpu.memory_space<hbm>>)
      tpu.yield
    }) : () -> ()
    return
  }
}

module attributes {stable_mosaic.version = 14 : i64} {
  func.func @_mlp_bn_relu_body(%arg0: memref<10000x128xf32, #tpu.memory_space<vmem>>, %arg1: memref<2x10240x128xf32, #tpu.memory_space<vmem>>, %arg2: memref<128x128xf32, #tpu.memory_space<vmem>>, %arg3: memref<1x128xf32, #tpu.memory_space<vmem>>, %arg4: memref<1x128xf32, #tpu.memory_space<vmem>>, %arg5: memref<1x128xf32, #tpu.memory_space<vmem>>, %arg6: memref<10000x128xf32, #tpu.memory_space<vmem>>) attributes {dimension_semantics = [], scalar_prefetch = 0 : i64, scratch_operands = 0 : i64, tpu.core_type = #tpu.core_type<tc>} {
    %get3A = arith.constant 0 : index
    %get3A_0 = arith.constant 0 : index
    %get3A_1 = vector.load %arg0[%get3A, %get3A_0] : memref<10000x128xf32, #tpu.memory_space<vmem>>, vector<10000x128xf32>
    %get3A_2 = arith.constant 0 : index
    %get3A_3 = arith.constant 0 : index
    %get3A_4 = arith.constant 0 : index
    %get3A_5 = vector.load %arg1[%get3A_2, %get3A_3, %get3A_4] : memref<2x10240x128xf32, #tpu.memory_space<vmem>>, vector<1x10240x128xf32>
    %get3A_6 = vector.shape_cast %get3A_5 : vector<1x10240x128xf32> to vector<10240x128xf32>
    %slice3A = vector.extract_strided_slice %get3A_6 {offsets = [0, 0], sizes = [10000, 128], strides = [1, 1]} : vector<10240x128xf32> to vector<10000x128xf32>
    %add3A = arith.addf %get3A_1, %slice3A : vector<10000x128xf32>
    %get3A_7 = arith.constant 1 : index
    %get3A_8 = arith.constant 0 : index
    %get3A_9 = arith.constant 0 : index
    %get3A_10 = vector.load %arg1[%get3A_7, %get3A_8, %get3A_9] : memref<2x10240x128xf32, #tpu.memory_space<vmem>>, vector<1x10240x128xf32>
    %get3A_11 = vector.shape_cast %get3A_10 : vector<1x10240x128xf32> to vector<10240x128xf32>
    %slice3A_12 = vector.extract_strided_slice %get3A_11 {offsets = [0, 0], sizes = [10000, 128], strides = [1, 1]} : vector<10240x128xf32> to vector<10000x128xf32>
    %add3A_13 = arith.addf %add3A, %slice3A_12 : vector<10000x128xf32>
    %get3A_14 = arith.constant 0 : index
    %get3A_15 = arith.constant 0 : index
    %get3A_16 = vector.load %arg2[%get3A_14, %get3A_15] : memref<128x128xf32, #tpu.memory_space<vmem>>, vector<128x128xf32>
    %dot_general3A = arith.constant dense<0.000000e+00> : vector<10000x128xf32>
    %dot_general3A_17 = tpu.matmul %add3A_13, %get3A_16, %dot_general3A {dimension_numbers = #tpu.dot_dimension_numbers<[1], [1], [0], [0], [0, 0, 1, 0], [], []>, precision = #tpu.contract_precision<fp32>, transpose_lhs_hint = false} : vector<10000x128xf32>, vector<128x128xf32>, vector<10000x128xf32> -> vector<10000x128xf32>
    %get3A_18 = arith.constant 0 : index
    %get3A_19 = arith.constant 0 : index
    %get3A_20 = vector.load %arg3[%get3A_18, %get3A_19] : memref<1x128xf32, #tpu.memory_space<vmem>>, vector<1x128xf32>
    %add3A_21 = vector.broadcast %get3A_20 : vector<1x128xf32> to vector<10000x128xf32>
    %add3A_22 = arith.addf %dot_general3A_17, %add3A_21 : vector<10000x128xf32>
    %reduce_sum3A = arith.constant dense<0.000000e+00> : vector<128xf32>
    %reduce_sum3A_23 = vector.multi_reduction <add>, %add3A_22, %reduce_sum3A [0] : vector<10000x128xf32> to vector<128xf32>
    %broadcast_in_dim3A = vector.shape_cast %reduce_sum3A_23 : vector<128xf32> to vector<1x128xf32>
    %div3A = arith.constant 1.000000e+04 : f32
    %div3A_24 = vector.broadcast %div3A : f32 to vector<1x128xf32>
    %div3A_25 = arith.divf %broadcast_in_dim3A, %div3A_24 : vector<1x128xf32>
    %sub3A = vector.broadcast %div3A_25 : vector<1x128xf32> to vector<10000x128xf32>
    %sub3A_26 = arith.subf %add3A_22, %sub3A : vector<10000x128xf32>
    %mul3A = arith.mulf %sub3A_26, %sub3A_26 : vector<10000x128xf32>
    %reduce_sum3A_27 = arith.constant dense<0.000000e+00> : vector<128xf32>
    %reduce_sum3A_28 = vector.multi_reduction <add>, %mul3A, %reduce_sum3A_27 [0] : vector<10000x128xf32> to vector<128xf32>
    %broadcast_in_dim3A_29 = vector.shape_cast %reduce_sum3A_28 : vector<128xf32> to vector<1x128xf32>
    %div3A_30 = arith.constant 1.000000e+04 : f32
    %div3A_31 = vector.broadcast %div3A_30 : f32 to vector<1x128xf32>
    %div3A_32 = arith.divf %broadcast_in_dim3A_29, %div3A_31 : vector<1x128xf32>
    %get3A_33 = arith.constant 0 : index
    %get3A_34 = arith.constant 0 : index
    %get3A_35 = vector.load %arg4[%get3A_33, %get3A_34] : memref<1x128xf32, #tpu.memory_space<vmem>>, vector<1x128xf32>
    %add3A_36 = arith.constant 9.99999974E-6 : f32
    %add3A_37 = vector.broadcast %add3A_36 : f32 to vector<1x128xf32>
    %add3A_38 = arith.addf %div3A_32, %add3A_37 : vector<1x128xf32>
    %rsqrt3A = math.rsqrt %add3A_38 : vector<1x128xf32>
    %mul3A_39 = vector.broadcast %rsqrt3A : vector<1x128xf32> to vector<10000x128xf32>
    %mul3A_40 = arith.mulf %sub3A_26, %mul3A_39 : vector<10000x128xf32>
    %mul3A_41 = vector.broadcast %get3A_35 : vector<1x128xf32> to vector<10000x128xf32>
    %mul3A_42 = arith.mulf %mul3A_41, %mul3A_40 : vector<10000x128xf32>
    %get3A_43 = arith.constant 0 : index
    %get3A_44 = arith.constant 0 : index
    %get3A_45 = vector.load %arg5[%get3A_43, %get3A_44] : memref<1x128xf32, #tpu.memory_space<vmem>>, vector<1x128xf32>
    %add3A_46 = vector.broadcast %get3A_45 : vector<1x128xf32> to vector<10000x128xf32>
    %add3A_47 = arith.addf %mul3A_42, %add3A_46 : vector<10000x128xf32>
    %max3A = arith.constant 0.000000e+00 : f32
    %max3A_48 = vector.broadcast %max3A : f32 to vector<10000x128xf32>
    %max3A_49 = arith.maximumf %add3A_47, %max3A_48 : vector<10000x128xf32>
    %swap3A = arith.constant 0 : index
    %swap3A_50 = arith.constant 0 : index
    %swap3A_51 = vector.load %arg6[%swap3A, %swap3A_50] : memref<10000x128xf32, #tpu.memory_space<vmem>>, vector<10000x128xf32>
    tpu.vector_store %arg6[%swap3A, %swap3A_50], %max3A_49 {strides = array<i32>} : memref<10000x128xf32, #tpu.memory_space<vmem>>, vector<10000x128xf32>,
    return
  }
}

module attributes {stable_mosaic.version = 14 : i64} {
  func.func @_final_body(%arg0: memref<10000x128xf32, #tpu.memory_space<vmem>>, %arg1: memref<2x10240x128xf32, #tpu.memory_space<vmem>>, %arg2: memref<40x128xf32, #tpu.memory_space<vmem>>, %arg3: memref<1x40xf32, #tpu.memory_space<vmem>>, %arg4: memref<10000x40xf32, #tpu.memory_space<vmem>>) attributes {dimension_semantics = [], scalar_prefetch = 0 : i64, scratch_operands = 0 : i64, tpu.core_type = #tpu.core_type<tc>} {
    %get3A = arith.constant 0 : index
    %get3A_0 = arith.constant 0 : index
    %get3A_1 = vector.load %arg0[%get3A, %get3A_0] : memref<10000x128xf32, #tpu.memory_space<vmem>>, vector<10000x128xf32>
    %get3A_2 = arith.constant 0 : index
    %get3A_3 = arith.constant 0 : index
    %get3A_4 = arith.constant 0 : index
    %get3A_5 = vector.load %arg1[%get3A_2, %get3A_3, %get3A_4] : memref<2x10240x128xf32, #tpu.memory_space<vmem>>, vector<1x10240x128xf32>
    %get3A_6 = vector.shape_cast %get3A_5 : vector<1x10240x128xf32> to vector<10240x128xf32>
    %slice3A = vector.extract_strided_slice %get3A_6 {offsets = [0, 0], sizes = [10000, 128], strides = [1, 1]} : vector<10240x128xf32> to vector<10000x128xf32>
    %add3A = arith.addf %get3A_1, %slice3A : vector<10000x128xf32>
    %get3A_7 = arith.constant 1 : index
    %get3A_8 = arith.constant 0 : index
    %get3A_9 = arith.constant 0 : index
    %get3A_10 = vector.load %arg1[%get3A_7, %get3A_8, %get3A_9] : memref<2x10240x128xf32, #tpu.memory_space<vmem>>, vector<1x10240x128xf32>
    %get3A_11 = vector.shape_cast %get3A_10 : vector<1x10240x128xf32> to vector<10240x128xf32>
    %slice3A_12 = vector.extract_strided_slice %get3A_11 {offsets = [0, 0], sizes = [10000, 128], strides = [1, 1]} : vector<10240x128xf32> to vector<10000x128xf32>
    %add3A_13 = arith.addf %add3A, %slice3A_12 : vector<10000x128xf32>
    %get3A_14 = arith.constant 0 : index
    %get3A_15 = arith.constant 0 : index
    %get3A_16 = vector.load %arg2[%get3A_14, %get3A_15] : memref<40x128xf32, #tpu.memory_space<vmem>>, vector<40x128xf32>
    %dot_general3A = arith.constant dense<0.000000e+00> : vector<10000x40xf32>
    %dot_general3A_17 = tpu.matmul %add3A_13, %get3A_16, %dot_general3A {dimension_numbers = #tpu.dot_dimension_numbers<[1], [1], [0], [0], [0, 0, 1, 0], [], []>, precision = #tpu.contract_precision<fp32>, transpose_lhs_hint = false} : vector<10000x128xf32>, vector<40x128xf32>, vector<10000x40xf32> -> vector<10000x40xf32>
    %get3A_18 = arith.constant 0 : index
    %get3A_19 = arith.constant 0 : index
    %get3A_20 = vector.load %arg3[%get3A_18, %get3A_19] : memref<1x40xf32, #tpu.memory_space<vmem>>, vector<1x40xf32>
    %add3A_21 = vector.broadcast %get3A_20 : vector<1x40xf32> to vector<10000x40xf32>
    %add3A_22 = arith.addf %dot_general3A_17, %add3A_21 : vector<10000x40xf32>
    %swap3A = arith.constant 0 : index
    %swap3A_23 = arith.constant 0 : index
    %swap3A_24 = vector.load %arg4[%swap3A, %swap3A_23] : memref<10000x40xf32, #tpu.memory_space<vmem>>, vector<10000x40xf32>
    tpu.vector_store %arg4[%swap3A, %swap3A_23], %add3A_22 {strides = array<i32>} : memref<10000x40xf32, #tpu.memory_space<vmem>>, vector<10000x40xf32>,
    return
  }
}

</mosaic_0001>

<sc_bundles>
// kernel: kernel.11.cloned.1.call-start
scs
__scs_entry_jumppad:
0x0: {  	(pc) =	sbr.rel $0x88, $3  }
0x1: {  	(tag) =	ssettag $0x0;
	lr =	simm.s32 $0x1  }
0x2: {  	[smem:$0x3F95] =	sst lr;
	_ =	strace $0xD0000000  }
0x3: {  	_ = 	snop  }
0x4: {  	_ = 	snop  }
0x5: {  	_ = 	snop  }
0x6: {  	_ = 	snop  }
0x7: {  	_ = 	snop  }
__scs_overlays_trampoline_lowered:
0x8: {  	[smem:$0x3FA4] =	sst s0  }
0x9: {  	[smem:$0x3FA5] =	sst s1  }
0xa: {  	[smem:$0x3FA6] =	sst s2  }
0xb: {  	[smem:$0x3FA7] =	sst s3  }
0xc: {  	[smem:$0x3FA8] =	sst s4  }
0xd: {  	[smem:$0x3FA9] =	sst s5  }
0xe: {  	[smem:$0x3FAA] =	sst s6  }
0xf: {  	[smem:$0x3FAB] =	sst s7  }
0x10: {  	[smem:$0x3FAC] =	sst s8  }
0x11: {  	[smem:$0x3FAD] =	sst s9;
	s0 =	simm.s32 @!p0 $0x0  }
0x12: {  	s1 =	sld [smem:$0x3F93];
	s0 =	simm.s32 @p0 $0x1  }
0x13: {  	[smem:$0x3FAE] =	sst s0;
	s0 =	simm.s32 @!p1 $0x0  }
0x14: {  	s2 =	sld [smem:$0x3F92];
	s0 =	simm.s32 @p1 $0x1  }
0x15: {  	[smem:$0x3FAF] =	sst s0;
	s0 =	simm.s32 @!p2 $0x0  }
0x16: {  	s3 =	sld [smem:$0x3FDB];
	s0 =	simm.s32 @p2 $0x1  }
0x17: {  	s4 =	simm.s32 $0x1BF5;
	[smem:$0x3FB1] =	sst s0  }
0x18: {  	s0 =	sld [smem:$0x3F94];
	_ =	swait.ge [sflag:s4], $0x0  }
0x19: {  	s7 =	sld [smem:$0x3F95]  }
0x1a: {  	s8 =	sadd.s32 $0xFFFFE003, lr  }
0x1b: {  	s9 =	sadd.s32 $0xFFFFFEF7, lr;
	s5 =	simm.s32 $0xFFFFFFFF;
	p2 =	slt.u32 s8, $0xFFFFF086  }
0x1c: {  	p1 =	slt.u32 s9, $0xF7A;
	s5 =	simm.s32 @!p2 $0x0  }
0x1d: {  	s5 =	simm.s32 @p1 $0x1;
	p0 =	seq.s32 s7, s2  }
0x1e: {  	s7 =	smul.u32 @!p0 $0xF7A, s2;
	p2 =	seq.s32 @!p0 s5, $0x0  }
0x1f: {  	s9 =	smul.u32 $0xF7A, s1;
	s8 =	simm.s32 @!p0 $0x1BF5;
	p2 =	por !p2, p0  }
0x20: {  	[sflag:s8] =	ssyncset.s32 @!p0 $0xFFFFF086;
	s6 =	sadd.s32 @!p0 s3, s7;
	s7 =	simm.s32 @!p0 $0x108  }
0x21: {  	s3 =	sadd.s32 s3, s9;
	s6 =	sadd.s32 @!p0 $0x88, s6;
	s7 =	simm.s32 @p2 $0x1082  }
0x22: {  	[simem:s7], [sflag:s8] =	dma.local @!p0 [hbm:s6], $0xF7A  }
0x23: {  	s9 =	sor.u32 $0xD0000000, s2;
	s6 =	simm.s32 $0x108;
	_ =	swait.ge @!p0 [sflag:s8], $0x0  }
0x24: {  	s3 =	sadd.s32 $0x88, s3;
	s6 =	simm.s32 @!p1 $0x1082;
	[sflag:s4] =	ssyncset.s32 $0xFFFFF086  }
0x25: {  	[simem:s6], [sflag:s4] =	dma.local [hbm:s3], $0xF7A  }
0x26: {  	[smem:$0x3F95] =	sst s1;
	(tag) =	ssettag s2;
	_ =	strace s9  }
0x27: {  	s1 =	sld [smem:$0x3FA5]  }
0x28: {  	s2 =	sld [smem:$0x3FA6]  }
0x29: {  	s4 =	sld [smem:$0x3FA8]  }
0x2a: {  	p0 =	seq.s32 s5, $0x0;
	s5 =	sld [smem:$0x3FA9]  }
0x2b: {  	s6 =	sld [smem:$0x3FAA]  }
0x2c: {  	s7 =	sld [smem:$0x3FAB]  }
0x2d: {  	s3 =	simm.s32 $0x108;
	s8 =	sld [smem:$0x3FAC]  }
0x2e: {  	s3 =	simm.s32 @!p0 $0x1082;
	s9 =	sld [smem:$0x3FAD]  }
0x2f: {  	lr =	sadd.s32 s0, s3;
	s0 =	sld [smem:$0x3FA4]  }
0x30: {  	s3 =	sld [smem:$0x3FA7]  }
0x31: {  	[smem:$0x3FB0] =	sst s10  }
0x32: {  	s10 =	sld [smem:$0x3FAE];
	_ =	sdelay $0x3  }
0x33: {  	p0 =	seq.s32 s10, $0x1;
	s10 =	sld [smem:$0x3FB0];
	_ =	sdelay $0x3  }
0x34: {  	[smem:$0x3FB0] =	sst s10  }
0x35: {  	s10 =	sld [smem:$0x3FAF];
	_ =	sdelay $0x3  }
0x36: {  	p1 =	seq.s32 s10, $0x1;
	s10 =	sld [smem:$0x3FB0];
	_ =	sdelay $0x3  }
0x37: {  	[smem:$0x3FB0] =	sst s10  }
0x38: {  	s10 =	sld [smem:$0x3FB1]  }
0x39: {  	_ = 	snop;
	(pc) =	sbr.ind lr, $3  }
0x3a: {  	_ = 	snop  }
0x3b: {  	_ = 	snop  }
0x3c: {  	p2 =	seq.s32 s10, $0x1;
	s10 =	sld [smem:$0x3FB0]  }
0x3d: {  	_ =	shalt  }
0x3e: {  	_ =	shalt  }
0x3f: {  	_ =	shalt  }
0x40: {  	_ =	shalt  }
0x41: {  	_ =	shalt  }
0x42: {  	_ =	shalt  }
0x43: {  	_ =	shalt  }
0x44: {  	_ =	shalt  }
0x45: {  	_ =	shalt  }
0x46: {  	_ =	shalt  }
0x47: {  	_ =	shalt  }
0x48: {  	_ =	shalt  }
0x49: {  	_ =	shalt  }
0x4a: {  	_ =	shalt  }
0x4b: {  	_ =	shalt  }
0x4c: {  	_ =	shalt  }
0x4d: {  	_ =	shalt  }
0x4e: {  	_ =	shalt  }
0x4f: {  	_ =	shalt  }
0x50: {  	_ =	shalt  }
0x51: {  	_ =	shalt  }
0x52: {  	_ =	shalt  }
0x53: {  	_ =	shalt  }
0x54: {  	_ =	shalt  }
0x55: {  	_ =	shalt  }
0x56: {  	_ =	shalt  }
0x57: {  	_ =	shalt  }
0x58: {  	_ =	shalt  }
0x59: {  	_ =	shalt  }
0x5a: {  	_ =	shalt  }
0x5b: {  	_ =	shalt  }
0x5c: {  	_ =	shalt  }
0x5d: {  	_ =	shalt  }
0x5e: {  	_ =	shalt  }
0x5f: {  	_ =	shalt  }
0x60: {  	_ =	shalt  }
0x61: {  	_ =	shalt  }
0x62: {  	_ =	shalt  }
0x63: {  	_ =	shalt  }
0x64: {  	_ =	shalt  }
0x65: {  	_ =	shalt  }
0x66: {  	_ =	shalt  }
0x67: {  	_ =	shalt  }
0x68: {  	_ =	shalt  }
0x69: {  	_ =	shalt  }
0x6a: {  	_ =	shalt  }
0x6b: {  	_ =	shalt  }
0x6c: {  	_ =	shalt  }
0x6d: {  	_ =	shalt  }
0x6e: {  	_ =	shalt  }
0x6f: {  	_ =	shalt  }
0x70: {  	_ =	shalt  }
0x71: {  	_ =	shalt  }
0x72: {  	_ =	shalt  }
0x73: {  	_ =	shalt  }
0x74: {  	_ =	shalt  }
0x75: {  	_ =	shalt  }
0x76: {  	_ =	shalt  }
0x77: {  	_ =	shalt  }
0x78: {  	_ =	shalt  }
0x79: {  	_ =	shalt  }
0x7a: {  	_ =	shalt  }
0x7b: {  	_ =	shalt  }
0x7c: {  	_ =	shalt  }
0x7d: {  	_ =	shalt  }
0x7e: {  	_ =	shalt  }
0x7f: {  	_ =	shalt  }
0x80: {  	_ =	shalt  }
0x81: {  	_ =	shalt  }
0x82: {  	_ =	shalt  }
0x83: {  	_ =	shalt  }
0x84: {  	_ =	shalt  }
0x85: {  	_ =	shalt  }
0x86: {  	_ =	shalt  }
0x87: {  	_ =	shalt  }
.Lfunc_end0:
.L_simem_size_0:
called_computation.1_lowered:
.L_overlay_start_0:
0x88: {  	s2 =	sld [smem:$0x3FD9]  }
0x89: {  	s3 =	sld [smem:$0x3FFE];
	_ =	sdelay $0x1  }
0x8a: {  	s1 =	srdreg.scid  }
0x8b: {  	s0 =	sand.u32 $0x1, s1  }
0x8c: {  	s17 =	sshll.u32 s0, $0xA;
	s2 =	sadd.s32 s3, s2  }
0x8d: {  	s2 =	sadd.s32 s2, s17  }
0x8e: {  	[smem:$0x3FBC] =	sst s2  }
0x8f: {  	_ = 	snop  }
0x90: {  	s2 =	sld [smem:$0x3FD0];
	(tm) =	ssettm $0x1  }
0x91: {  	s18 =	sld [smem:$0x3FFB];
	_ =	sdelay $0x3  }
0x92: {  	_ =	strace s18  }
0x93: {  	s3 =	sld [smem:$0x3FFC];
	_ =	sdelay $0x3  }
0x94: {  	_ =	strace s3  }
0x95: {  	s3 =	sld [smem:$0x3FFD];
	_ =	sdelay $0x3  }
0x96: {  	_ =	strace s3  }
0x97: {  	_ =	strace $0x8FFFFFFF  }
0x98: {  	s19 =	sld [smem:$0x3FDB];
	_ =	sdelay $0x1  }
0x99: {  	s4 =	simm.s32 $_scs_section_size  }
0x9a: {  	s5 =	simm.s32 $_size__tile_overlayer_lowered;
	s6 =	simm.s32 $_tile_overlayer_lowered  }
0x9b: {  	s22 =	simm.s32 $0x1BFF;
	s21 =	sshll.u32 s6, $0x1;
	s3 =	sadd.s32 s4, s19  }
0x9c: {  	s7 =	simm.s32 $0x0;
	s20 =	sshll.u32 s5, $0x1;
	s5 =	sadd.s32 s21, s3  }
0x9d: {  	[timem:s7], [sflag:s22] =	dma.local [hbm:s5], s20  }
0x9e: {  	_ =	swait.ge [sflag:s22], s20  }
0x9f: {  	s4 =	ssub.s32 $0x0, s20;
	[sflag:s22] =	ssyncset.done $0x0  }
0xa0: {  	[sflag:s22] =	ssyncadd.s32 s4;
	_ =	sdelay $0x1  }
0xa1: {  	s23 =	simm.s32 $0x1B8B  }
0xa2: {  	_ =	swait.ge [sflag:s23], $0x1  }
0xa3: {  	[sflag:s23] =	ssyncset.done $0x0  }
0xa4: {  	s25 =	simm.s32 $0x1B8E;
	s24 =	sld [smem:$0x3FFE];
	[sflag:s23] =	ssyncadd.s32 $0xFFFFFFFF  }
0xa5: {  	s26 =	simm.s32 $execute0_lowered;
	[smem:$0x3FD2] =	sst s25  }
0xa6: {  	s5 =	sshll.u32 s26, $0x1;
	_ =	strace $0x80000049;
	[dreg:$0x1] =	wrdreg $0xFFFFFFFF  }
0xa7: {  	s28 =	simm.s32 $_size_execute0_lowered;
	s3 =	sadd.s32 s3, s5;
	[dreg:$0x0] =	wrdreg $0x0  }
0xa8: {  	s5 =	sshll.u32 s28, $0x1;
	[dreg:$0x2] =	wrdreg s3  }
0xa9: {  	[dreg:$0x3] =	wrdreg s5  }
0xaa: {  	[dreg:$0x4] =	wrdreg $0xC0  }
0xab: {  	_ =	task [dreg:s7], $0x5FFFF  }
0xac: {  	[dreg:$0x1] =	wrdreg $0xFFFFFFFF  }
0xad: {  	[dreg:$0x0] =	wrdreg $0x60  }
0xae: {  	[dreg:$0x2] =	wrdreg s24  }
0xaf: {  	[dreg:$0x3] =	wrdreg s2  }
0xb0: {  	[dreg:$0x4] =	wrdreg $0x90000  }
0xb1: {  	[dreg:$0x5] =	wrdreg $0x9  }
0xb2: {  	_ =	task.clear_ibuf [dreg:s7], $0x6FFFF;
	_ =	strace $0x90000049  }
0xb3: {  	s29 =	simm.s32 $0x9;
	_ =	strace $0x8000004B  }
0xb4: {  	_ =	swait.ge [sflag:s29], $0x1  }
0xb5: {  	[sflag:s29] =	ssyncadd.s32 $0xFFFFFFFF  }
0xb6: {  	_ =	strace $0x9000004B  }
0xb7: {  	_ =	sfence  }
0xb8: {  	s30 =	sld [smem:$0x0];
	_ =	sdelay $0x2  }
0xb9: {  	s31 =	sshll.u32 s1, $0xD;
	s1 =	sshrl.u32 s1, $0x2  }
0xba: {  	s3 =	sand.u32 $0x4000, s31;
	s1 =	sadd.s32 s1, s30  }
0xbb: {  	s0 =	sor.u32 s3, s0;
	s1 =	sshll.u32 s1, $0x11  }
0xbc: {  	s0 =	sor.u32 s1, s0  }
0xbd: {  	s0 =	sadd.s32 $0x8F2B, s0  }
0xbe: {  	[sflag:s0] =	ssyncadd.remote.s32 $0x1  }
0xbf: {  	_ =	sfence.sel $0xFFFF  }
0xc0: {  	[dreg:$0x0] =	wrdreg $0xFFFFFFFF;
	(pc) =	sbr.abs _section_cstart, $3  }
0xc1: {  	[dreg:$0x1] =	wrdreg $0xFFFFFFFF  }
0xc2: {  	_ =	task.clear_ibuf [dreg:s7], $0x2FFFF;
	_ =	strace $0x9FFFFFFF  }
0xc3: {  	(tm) =	ssettm $0x7FFFFFFF  }
tec
execute0_lowered:
.L_overlay_start_1:
0x0: {  	(tag) =	ssettag $0x1  }
0x1: {  	s0 =	rddreg [dreg:$0x0]  }
0x2: {  	s1 =	rddreg [dreg:$0x1]  }
0x3: {  	s2 =	rddreg [dreg:$0x2]  }
0x4: {  	s3 =	simm.s32 $0x0;
	s11 =	stileid.u32;
	s4 =	srdreg.scid  }
0x5: {  	s12 =	simm.s32 $0x100;
	s13 =	simm.s32 $0x880;
	s14 =	simm.s32 $0x180  }
0x6: {  	s16 =	simm.s32 $0x900;
	s17 =	simm.s32 $0x200;
	s18 =	simm.s32 $0x980  }
0x7: {  	s19 =	simm.s32 $0x280;
	[smem:$0x7FF] =	sst s3;
	s9 =	sadd.s32 $0xD000, s0  }
0x8: {  	s20 =	simm.s32 $0xA00;
	_ =	strace $0x8000004A;
	[dreg:$0x14] =	wrdreg s9  }
0x9: {  	s21 =	simm.s32 $0x300;
	s22 =	simm.s32 $0xA80;
	[dreg:$0x6] =	wrdreg s12  }
0xa: {  	s23 =	simm.s32 $0x380;
	s28 =	simm.s32 $0x680;
	[dreg:$0x7] =	wrdreg s13  }
0xb: {  	s29 =	simm.s32 $0xE00;
	s30 =	simm.s32 $0x700;
	[dreg:$0x8] =	wrdreg s14  }
0xc: {  	s31 =	simm.s32 $0xE80;
	s5 =	sshll.u32 s11, $0x9;
	[dreg:$0x9] =	wrdreg s16  }
0xd: {  	s6 =	sand.u32 $0x1, s4;
	s4 =	sadd.s32 $0xF800, s0;
	[dreg:$0xa] =	wrdreg s17  }
0xe: {  	s10 =	smul.u32 $0x50000, s11;
	s7 =	sadd.s32 s5, s0;
	[dreg:$0xb] =	wrdreg s18  }
0xf: {  	s8 =	smul.u32 $0x28000, s6;
	s24 =	ssub.s32 $0x2, s6;
	[dreg:$0xc] =	wrdreg s19  }
0x10: {  	s6 =	sshll.u32 s6, $0x8;
	s1 =	sadd.s32 s5, s1;
	[dreg:$0xd] =	wrdreg s20  }
0x11: {  	s5 =	smul.u32 $0x2800, s11;
	s12 =	simm.s32 $0x1000;
	[dreg:$0xe] =	wrdreg s21  }
0x12: {  	s13 =	simm.s32 $0x5000;
	s14 =	simm.s32 $0x1;
	[dreg:$0xf] =	wrdreg s22  }
0x13: {  	[dreg:$0x10] =	wrdreg s23;
	s16 =	simm.s32 $0x2;
	s17 =	simm.s32 $0x4  }
0x14: {  	s18 =	simm.s32 $0x480;
	s19 =	simm.s32 $0xC00;
	s20 =	simm.s32 $0x500  }
0x15: {  	s21 =	simm.s32 $0xC80;
	s22 =	simm.s32 $0x580;
	s23 =	simm.s32 $0xD00  }
0x16: {  	s25 =	sshrl.u32 s24, $0x1;
	s26 =	sshrl.u32 s10, $0x2;
	s7 =	sadd.s32 s6, s7  }
0x17: {  	s10 =	sshll.u32 s11, $0x6;
	s1 =	sadd.s32 s6, s1;
	s11 =	simm.s32 $0x80  }
0x18: {  	s0 =	sadd.s32 s8, s0;
	s8 =	ssub.s32 s24, s25;
	s9 =	sadd.s32 s26, s2  }
0x19: {  	s7 =	sadd.s32 $0x3000, s7;
	[dreg:$0x5] =	wrdreg s1;
	s24 =	simm.s32 $0xB00  }
0x1a: {  	s25 =	simm.s32 $0xB80;
	s26 =	simm.s32 $0x400;
	[dreg:$0x4] =	wrdreg s7  }
0x1b: {  	s1 =	simm.s32 $0xF00;
	s7 =	sor.u32 $0x1C05, s10;
	[dreg:$0x11] =	wrdreg s24  }
0x1c: {  	s0 =	sadd.s32 $0x36A00, s0;
	s15 =	smax.u32 s8, $0x1;
	[dreg:$0x12] =	wrdreg s25  }
0x1d: {  	s8 =	sshrl.u32 s9, $0x3;
	s9 =	simm.s32 $0x5;
	[dreg:$0x13] =	wrdreg s26  }
0x1e: {  	s10 =	simm.s32 $0x800;
	s25 =	simm.s32 $0x600;
	[dreg:$0x16] =	wrdreg s15  }
0x1f: {  	s26 =	simm.s32 $0xD80;
	s24 =	simm.s32 $0x0;
	[dreg:$0x15] =	wrdreg s7  }
0x20: {  	s15 =	simm.s32 $0x3;
	s0 =	sadd.s32 s5, s0;
	[dreg:$0x17] =	wrdreg s8  }
0x21: {  	s5 =	simm.s32 $0xF80;
	[dreg:$0x18] =	wrdreg s0;
	s0 =	simm.s32 $0x780  }
.LBB2_1:
0x22: {  	[dreg:$0x19] =	wrdreg s24  }
0x23: {  	s6 =	rddreg [dreg:$0x14]  }
0x24: {  	[spmem:s8], [sflag:s7] =	dma.local [hbm:s6], $0x2800  }
0x25: {  	_ =	swait.ge [sflag:s9], $0x2800  }
0x26: {  	[sflag:s9] =	ssyncset.done $0x0  }
0x27: {  	[sflag:s9] =	ssyncadd.s32 $0xFFFFD800  }
0x28: {  	[bflag:$0x0] =	sbarrier.arrive $0xFFFF  }
0x29: {  	s24 =	rddreg [dreg:$0x4]  }
0x2a: {  	s6 =	sadd.s32 $0x0, s24  }
0x2b: {  	[tilespmem:s3], [sflag:$0x5] =	stream.linear.gather [hbm4b:s6+s3], $0x800, $0x38;
	[tilespmem:$0x1D000] =	vst v63  }
0x2c: {  	_ =	swait.ge [sflag:s9], $0x800  }
0x2d: {  	s7 =	rddreg [dreg:$0x5];
	[sflag:s9] =	ssyncset.done $0x0  }
0x2e: {  	[sflag:s9] =	ssyncadd.s32 $0xFFFFF800;
	s6 =	sadd.s32 $0x0, s7  }
0x2f: {  	[tilespmem:s10], [sflag:$0x5] =	stream.linear.gather [hbm4b:s6+s3], $0x800, $0x38;
	[tilespmem:$0x1D000] =	vst v63  }
0x30: {  	_ =	swait.ge [sflag:s9], $0x800  }
0x31: {  	[sflag:s9] =	ssyncset.done $0x0  }
0x32: {  	[sflag:s9] =	ssyncadd.s32 $0xFFFFF800  }
0x33: {  	[tilespmem:s12], [sflag:$0x1] =	stream.indirect.gather [hbm4b:s4+s11], $0x80, s3, s11, $0xb8;
	[tilespmem:$0x1D000] =	vst v63  }
0x34: {  	_ = 	snop  }
0x35: {  	[tilespmem:s13], [sflag:$0x2] =	stream.indirect.gather [hbm4b:s4+s11], $0x80, s11, s11, $0xb8;
	[tilespmem:$0x1D000] =	vst v63  }
0x36: {  	_ =	swait.ge [sflag:s14], $0x4000  }
0x37: {  	[sflag:s14] =	ssyncset.done $0x0  }
0x38: {  	[sflag:s14] =	ssyncadd.s32 $0xFFFFC000  }
0x39: {  	[spmem:s2] =	stream.indirect.scatter.add.f32 [tilespmem:s12], [sflag:$0x3], $0x80, s10, s11, $0xb8;
	[tilespmem:$0x1D000] =	vst v63  }
0x3a: {  	_ =	swait.ge [sflag:s15], $0x4000  }
0x3b: {  	[sflag:s15] =	ssyncset.done $0x0  }
0x3c: {  	s8 =	rddreg [dreg:$0x6];
	[sflag:s15] =	ssyncadd.s32 $0xFFFFC000  }
0x3d: {  	[tilespmem:s12], [sflag:$0x1] =	stream.indirect.gather [hbm4b:s4+s11], $0x80, s8, s11, $0xb8;
	[tilespmem:$0x1D000] =	vst v63  }
0x3e: {  	_ =	swait.ge [sflag:s16], $0x4000  }
0x3f: {  	[sflag:s16] =	ssyncset.done $0x0  }
0x40: {  	s24 =	rddreg [dreg:$0x7];
	[sflag:s16] =	ssyncadd.s32 $0xFFFFC000  }
0x41: {  	[spmem:s2] =	stream.indirect.scatter.add.f32 [tilespmem:s13], [sflag:$0x4], $0x80, s24, s11, $0xb8;
	[tilespmem:$0x1D000] =	vst v63  }
0x42: {  	_ =	swait.ge [sflag:s17], $0x4000  }
0x43: {  	[sflag:s17] =	ssyncset.done $0x0  }
0x44: {  	s7 =	rddreg [dreg:$0x8];
	[sflag:s17] =	ssyncadd.s32 $0xFFFFC000  }
0x45: {  	[tilespmem:s13], [sflag:$0x2] =	stream.indirect.gather [hbm4b:s4+s11], $0x80, s7, s11, $0xb8;
	[tilespmem:$0x1D000] =	vst v63  }
0x46: {  	_ =	swait.ge [sflag:s14], $0x4000  }
0x47: {  	[sflag:s14] =	ssyncset.done $0x0  }
0x48: {  	s8 =	rddreg [dreg:$0x9];
	[sflag:s14] =	ssyncadd.s32 $0xFFFFC000  }
0x49: {  	[spmem:s2] =	stream.indirect.scatter.add.f32 [tilespmem:s12], [sflag:$0x3], $0x80, s8, s11, $0xb8;
	[tilespmem:$0x1D000] =	vst v63  }
0x4a: {  	_ =	swait.ge [sflag:s15], $0x4000  }
0x4b: {  	[sflag:s15] =	ssyncset.done $0x0  }
0x4c: {  	s24 =	rddreg [dreg:$0xa];
	[sflag:s15] =	ssyncadd.s32 $0xFFFFC000  }
0x4d: {  	[tilespmem:s12], [sflag:$0x1] =	stream.indirect.gather [hbm4b:s4+s11], $0x80, s24, s11, $0xb8;
	[tilespmem:$0x1D000] =	vst v63  }
0x4e: {  	_ =	swait.ge [sflag:s16], $0x4000  }
0x4f: {  	[sflag:s16] =	ssyncset.done $0x0  }
0x50: {  	s7 =	rddreg [dreg:$0xb];
	[sflag:s16] =	ssyncadd.s32 $0xFFFFC000  }
0x51: {  	[spmem:s2] =	stream.indirect.scatter.add.f32 [tilespmem:s13], [sflag:$0x4], $0x80, s7, s11, $0xb8;
	[tilespmem:$0x1D000] =	vst v63  }
0x52: {  	_ =	swait.ge [sflag:s17], $0x4000  }
0x53: {  	[sflag:s17] =	ssyncset.done $0x0  }
0x54: {  	s8 =	rddreg [dreg:$0xc];
	[sflag:s17] =	ssyncadd.s32 $0xFFFFC000  }
0x55: {  	[tilespmem:s13], [sflag:$0x2] =	stream.indirect.gather [hbm4b:s4+s11], $0x80, s8, s11, $0xb8;
	[tilespmem:$0x1D000] =	vst v63  }
0x56: {  	_ =	swait.ge [sflag:s14], $0x4000  }
0x57: {  	[sflag:s14] =	ssyncset.done $0x0  }
0x58: {  	s24 =	rddreg [dreg:$0xd];
	[sflag:s14] =	ssyncadd.s32 $0xFFFFC000  }
0x59: {  	[spmem:s2] =	stream.indirect.scatter.add.f32 [tilespmem:s12], [sflag:$0x3], $0x80, s24, s11, $0xb8;
	[tilespmem:$0x1D000] =	vst v63  }
0x5a: {  	_ =	swait.ge [sflag:s15], $0x4000  }
0x5b: {  	[sflag:s15] =	ssyncset.done $0x0  }
0x5c: {  	s7 =	rddreg [dreg:$0xe];
	[sflag:s15] =	ssyncadd.s32 $0xFFFFC000  }
0x5d: {  	[tilespmem:s12], [sflag:$0x1] =	stream.indirect.gather [hbm4b:s4+s11], $0x80, s7, s11, $0xb8;
	[tilespmem:$0x1D000] =	vst v63  }
0x5e: {  	_ =	swait.ge [sflag:s16], $0x4000  }
0x5f: {  	[sflag:s16] =	ssyncset.done $0x0  }
0x60: {  	s8 =	rddreg [dreg:$0xf];
	[sflag:s16] =	ssyncadd.s32 $0xFFFFC000  }
0x61: {  	[spmem:s2] =	stream.indirect.scatter.add.f32 [tilespmem:s13], [sflag:$0x4], $0x80, s8, s11, $0xb8;
	[tilespmem:$0x1D000] =	vst v63  }
0x62: {  	_ =	swait.ge [sflag:s17], $0x4000  }
0x63: {  	[sflag:s17] =	ssyncset.done $0x0  }
0x64: {  	s24 =	rddreg [dreg:$0x10];
	[sflag:s17] =	ssyncadd.s32 $0xFFFFC000  }
0x65: {  	[tilespmem:s13], [sflag:$0x2] =	stream.indirect.gather [hbm4b:s4+s11], $0x80, s24, s11, $0xb8;
	[tilespmem:$0x1D000] =	vst v63  }
0x66: {  	_ =	swait.ge [sflag:s14], $0x4000  }
0x67: {  	[sflag:s14] =	ssyncset.done $0x0  }
0x68: {  	s7 =	rddreg [dreg:$0x11];
	[sflag:s14] =	ssyncadd.s32 $0xFFFFC000  }
0x69: {  	[spmem:s2] =	stream.indirect.scatter.add.f32 [tilespmem:s12], [sflag:$0x3], $0x80, s7, s11, $0xb8;
	[tilespmem:$0x1D000] =	vst v63  }
0x6a: {  	_ =	swait.ge [sflag:s16], $0x4000  }
0x6b: {  	[sflag:s16] =	ssyncset.done $0x0  }
0x6c: {  	s8 =	rddreg [dreg:$0x12];
	[sflag:s16] =	ssyncadd.s32 $0xFFFFC000  }
0x6d: {  	[spmem:s2] =	stream.indirect.scatter.add.f32 [tilespmem:s13], [sflag:$0x4], $0x80, s8, s11, $0xb8;
	[tilespmem:$0x1D000] =	vst v63  }
0x6e: {  	_ =	swait.ge [sflag:s15], $0x4000  }
0x6f: {  	[sflag:s15] =	ssyncset.done $0x0  }
0x70: {  	[sflag:s15] =	ssyncadd.s32 $0xFFFFC000  }
0x71: {  	_ =	swait.ge [sflag:s17], $0x4000  }
0x72: {  	[sflag:s17] =	ssyncset.done $0x0  }
0x73: {  	s24 =	rddreg [dreg:$0x13];
	[sflag:s17] =	ssyncadd.s32 $0xFFFFC000  }
0x74: {  	[tilespmem:s12], [sflag:$0x1] =	stream.indirect.gather [hbm4b:s4+s11], $0x80, s24, s11, $0xb8;
	[tilespmem:$0x1D000] =	vst v63  }
0x75: {  	_ = 	snop  }
0x76: {  	[tilespmem:s13], [sflag:$0x2] =	stream.indirect.gather [hbm4b:s4+s11], $0x80, s18, s11, $0xb8;
	[tilespmem:$0x1D000] =	vst v63  }
0x77: {  	_ =	swait.ge [sflag:s14], $0x4000  }
0x78: {  	[sflag:s14] =	ssyncset.done $0x0  }
0x79: {  	[sflag:s14] =	ssyncadd.s32 $0xFFFFC000  }
0x7a: {  	[spmem:s2] =	stream.indirect.scatter.add.f32 [tilespmem:s12], [sflag:$0x3], $0x80, s19, s11, $0xb8;
	[tilespmem:$0x1D000] =	vst v63  }
0x7b: {  	_ =	swait.ge [sflag:s15], $0x4000  }
0x7c: {  	[sflag:s15] =	ssyncset.done $0x0  }
0x7d: {  	[sflag:s15] =	ssyncadd.s32 $0xFFFFC000  }
0x7e: {  	[tilespmem:s12], [sflag:$0x1] =	stream.indirect.gather [hbm4b:s4+s11], $0x80, s20, s11, $0xb8;
	[tilespmem:$0x1D000] =	vst v63  }
0x7f: {  	_ =	swait.ge [sflag:s16], $0x4000  }
0x80: {  	[sflag:s16] =	ssyncset.done $0x0  }
0x81: {  	[sflag:s16] =	ssyncadd.s32 $0xFFFFC000  }
0x82: {  	[spmem:s2] =	stream.indirect.scatter.add.f32 [tilespmem:s13], [sflag:$0x4], $0x80, s21, s11, $0xb8;
	[tilespmem:$0x1D000] =	vst v63  }
0x83: {  	_ =	swait.ge [sflag:s17], $0x4000  }
0x84: {  	[sflag:s17] =	ssyncset.done $0x0  }
0x85: {  	[sflag:s17] =	ssyncadd.s32 $0xFFFFC000  }
0x86: {  	[tilespmem:s13], [sflag:$0x2] =	stream.indirect.gather [hbm4b:s4+s11], $0x80, s22, s11, $0xb8;
	[tilespmem:$0x1D000] =	vst v63  }
0x87: {  	_ =	swait.ge [sflag:s14], $0x4000  }
0x88: {  	[sflag:s14] =	ssyncset.done $0x0  }
0x89: {  	[sflag:s14] =	ssyncadd.s32 $0xFFFFC000  }
0x8a: {  	[spmem:s2] =	stream.indirect.scatter.add.f32 [tilespmem:s12], [sflag:$0x3], $0x80, s23, s11, $0xb8;
	[tilespmem:$0x1D000] =	vst v63  }
0x8b: {  	_ =	swait.ge [sflag:s15], $0x4000  }
0x8c: {  	[sflag:s15] =	ssyncset.done $0x0  }
0x8d: {  	[sflag:s15] =	ssyncadd.s32 $0xFFFFC000  }
0x8e: {  	[tilespmem:s12], [sflag:$0x1] =	stream.indirect.gather [hbm4b:s4+s11], $0x80, s25, s11, $0xb8;
	[tilespmem:$0x1D000] =	vst v63  }
0x8f: {  	_ =	swait.ge [sflag:s16], $0x4000  }
0x90: {  	[sflag:s16] =	ssyncset.done $0x0  }
0x91: {  	[sflag:s16] =	ssyncadd.s32 $0xFFFFC000  }
0x92: {  	[spmem:s2] =	stream.indirect.scatter.add.f32 [tilespmem:s13], [sflag:$0x4], $0x80, s26, s11, $0xb8;
	[tilespmem:$0x1D000] =	vst v63  }
0x93: {  	_ =	swait.ge [sflag:s17], $0x4000  }
0x94: {  	[sflag:s17] =	ssyncset.done $0x0  }
0x95: {  	[sflag:s17] =	ssyncadd.s32 $0xFFFFC000  }
0x96: {  	[tilespmem:s13], [sflag:$0x2] =	stream.indirect.gather [hbm4b:s4+s11], $0x80, s28, s11, $0xb8;
	[tilespmem:$0x1D000] =	vst v63  }
0x97: {  	_ =	swait.ge [sflag:s14], $0x4000  }
0x98: {  	[sflag:s14] =	ssyncset.done $0x0  }
0x99: {  	[sflag:s14] =	ssyncadd.s32 $0xFFFFC000  }
0x9a: {  	[spmem:s2] =	stream.indirect.scatter.add.f32 [tilespmem:s12], [sflag:$0x3], $0x80, s29, s11, $0xb8;
	[tilespmem:$0x1D000] =	vst v63  }
0x9b: {  	_ =	swait.ge [sflag:s15], $0x4000  }
0x9c: {  	[sflag:s15] =	ssyncset.done $0x0  }
0x9d: {  	[sflag:s15] =	ssyncadd.s32 $0xFFFFC000  }
0x9e: {  	[tilespmem:s12], [sflag:$0x1] =	stream.indirect.gather [hbm4b:s4+s11], $0x80, s30, s11, $0xb8;
	[tilespmem:$0x1D000] =	vst v63  }
0x9f: {  	_ =	swait.ge [sflag:s16], $0x4000  }
0xa0: {  	[sflag:s16] =	ssyncset.done $0x0  }
0xa1: {  	[sflag:s16] =	ssyncadd.s32 $0xFFFFC000  }
0xa2: {  	[spmem:s2] =	stream.indirect.scatter.add.f32 [tilespmem:s13], [sflag:$0x4], $0x80, s31, s11, $0xb8;
	[tilespmem:$0x1D000] =	vst v63  }
0xa3: {  	_ =	swait.ge [sflag:s17], $0x4000  }
0xa4: {  	[sflag:s17] =	ssyncset.done $0x0  }
0xa5: {  	[sflag:s17] =	ssyncadd.s32 $0xFFFFC000  }
0xa6: {  	[tilespmem:s13], [sflag:$0x2] =	stream.indirect.gather [hbm4b:s4+s11], $0x80, s0, s11, $0xb8;
	[tilespmem:$0x1D000] =	vst v63  }
0xa7: {  	_ =	swait.ge [sflag:s14], $0x4000  }
0xa8: {  	[sflag:s14] =	ssyncset.done $0x0  }
0xa9: {  	[sflag:s14] =	ssyncadd.s32 $0xFFFFC000  }
0xaa: {  	[spmem:s2] =	stream.indirect.scatter.add.f32 [tilespmem:s12], [sflag:$0x3], $0x80, s1, s11, $0xb8;
	[tilespmem:$0x1D000] =	vst v63  }
0xab: {  	_ =	swait.ge [sflag:s16], $0x4000  }
0xac: {  	[sflag:s16] =	ssyncset.done $0x0  }
0xad: {  	[sflag:s16] =	ssyncadd.s32 $0xFFFFC000  }
0xae: {  	[spmem:s2] =	stream.indirect.scatter.add.f32 [tilespmem:s13], [sflag:$0x4], $0x80, s5, s11, $0xb8;
	[tilespmem:$0x1D000] =	vst v63  }
0xaf: {  	_ =	swait.ge [sflag:s15], $0x4000  }
0xb0: {  	[sflag:s15] =	ssyncset.done $0x0  }
0xb1: {  	[sflag:s15] =	ssyncadd.s32 $0xFFFFC000  }
0xb2: {  	s6 =	simm.s32 $0x4000;
	_ =	swait.ge [sflag:s17], $0x4000  }
0xb3: {  	s24 =	simm.s32 $0x2000;
	s8 =	rddreg [dreg:$0x4];
	[sflag:s17] =	ssyncset.done $0x0  }
.LBB2_2:
0xb4: {  	[sflag:s17] =	ssyncadd.s32 $0xFFFFC000;
	s8 =	sadd.s32 s24, s8  }
0xb5: {  	[tilespmem:s3], [sflag:$0x5] =	stream.linear.gather [hbm4b:s8+s3], $0x800, $0x38;
	[tilespmem:$0x1D000] =	vst v63  }
0xb6: {  	_ =	swait.ge [sflag:s9], $0x800  }
0xb7: {  	s8 =	rddreg [dreg:$0x5];
	[sflag:s9] =	ssyncset.done $0x0  }
0xb8: {  	[sflag:s9] =	ssyncadd.s32 $0xFFFFF800;
	s8 =	sadd.s32 s24, s8  }
0xb9: {  	[tilespmem:s10], [sflag:$0x5] =	stream.linear.gather [hbm4b:s8+s3], $0x800, $0x38;
	[tilespmem:$0x1D000] =	vst v63  }
0xba: {  	_ =	swait.ge [sflag:s9], $0x800  }
0xbb: {  	[sflag:s9] =	ssyncset.done $0x0  }
0xbc: {  	[sflag:s9] =	ssyncadd.s32 $0xFFFFF800  }
0xbd: {  	[tilespmem:s12], [sflag:$0x1] =	stream.indirect.gather [hbm4b:s4+s11], $0x80, s3, s11, $0xb8;
	[tilespmem:$0x1D000] =	vst v63  }
0xbe: {  	_ = 	snop  }
0xbf: {  	[tilespmem:s13], [sflag:$0x2] =	stream.indirect.gather [hbm4b:s4+s11], $0x80, s11, s11, $0xb8;
	[tilespmem:$0x1D000] =	vst v63  }
0xc0: {  	_ =	swait.ge [sflag:s14], $0x4000  }
0xc1: {  	[sflag:s14] =	ssyncset.done $0x0  }
0xc2: {  	[sflag:s14] =	ssyncadd.s32 $0xFFFFC000  }
0xc3: {  	[spmem:s2] =	stream.indirect.scatter.add.f32 [tilespmem:s12], [sflag:$0x3], $0x80, s10, s11, $0xb8;
	[tilespmem:$0x1D000] =	vst v63  }
0xc4: {  	_ =	swait.ge [sflag:s15], $0x4000  }
0xc5: {  	[sflag:s15] =	ssyncset.done $0x0  }
0xc6: {  	s8 =	rddreg [dreg:$0x6];
	[sflag:s15] =	ssyncadd.s32 $0xFFFFC000  }
0xc7: {  	[tilespmem:s12], [sflag:$0x1] =	stream.indirect.gather [hbm4b:s4+s11], $0x80, s8, s11, $0xb8;
	[tilespmem:$0x1D000] =	vst v63  }
0xc8: {  	_ =	swait.ge [sflag:s16], $0x4000  }
0xc9: {  	[sflag:s16] =	ssyncset.done $0x0  }
0xca: {  	s8 =	rddreg [dreg:$0x7];
	[sflag:s16] =	ssyncadd.s32 $0xFFFFC000  }
0xcb: {  	[spmem:s2] =	stream.indirect.scatter.add.f32 [tilespmem:s13], [sflag:$0x4], $0x80, s8, s11, $0xb8;
	[tilespmem:$0x1D000] =	vst v63  }
0xcc: {  	_ =	swait.ge [sflag:s17], $0x4000  }
0xcd: {  	[sflag:s17] =	ssyncset.done $0x0  }
0xce: {  	s8 =	rddreg [dreg:$0x8];
	[sflag:s17] =	ssyncadd.s32 $0xFFFFC000  }
0xcf: {  	[tilespmem:s13], [sflag:$0x2] =	stream.indirect.gather [hbm4b:s4+s11], $0x80, s8, s11, $0xb8;
	[tilespmem:$0x1D000] =	vst v63  }
0xd0: {  	_ =	swait.ge [sflag:s14], $0x4000  }
0xd1: {  	[sflag:s14] =	ssyncset.done $0x0  }
0xd2: {  	s8 =	rddreg [dreg:$0x9];
	[sflag:s14] =	ssyncadd.s32 $0xFFFFC000  }
0xd3: {  	[spmem:s2] =	stream.indirect.scatter.add.f32 [tilespmem:s12], [sflag:$0x3], $0x80, s8, s11, $0xb8;
	[tilespmem:$0x1D000] =	vst v63  }
0xd4: {  	_ =	swait.ge [sflag:s15], $0x4000  }
0xd5: {  	[sflag:s15] =	ssyncset.done $0x0  }
0xd6: {  	s8 =	rddreg [dreg:$0xa];
	[sflag:s15] =	ssyncadd.s32 $0xFFFFC000  }
0xd7: {  	[tilespmem:s12], [sflag:$0x1] =	stream.indirect.gather [hbm4b:s4+s11], $0x80, s8, s11, $0xb8;
	[tilespmem:$0x1D000] =	vst v63  }
0xd8: {  	_ =	swait.ge [sflag:s16], $0x4000  }
0xd9: {  	[sflag:s16] =	ssyncset.done $0x0  }
0xda: {  	s8 =	rddreg [dreg:$0xb];
	[sflag:s16] =	ssyncadd.s32 $0xFFFFC000  }
0xdb: {  	[spmem:s2] =	stream.indirect.scatter.add.f32 [tilespmem:s13], [sflag:$0x4], $0x80, s8, s11, $0xb8;
	[tilespmem:$0x1D000] =	vst v63  }
0xdc: {  	_ =	swait.ge [sflag:s17], $0x4000  }
0xdd: {  	[sflag:s17] =	ssyncset.done $0x0  }
0xde: {  	s8 =	rddreg [dreg:$0xc];
	[sflag:s17] =	ssyncadd.s32 $0xFFFFC000  }
0xdf: {  	[tilespmem:s13], [sflag:$0x2] =	stream.indirect.gather [hbm4b:s4+s11], $0x80, s8, s11, $0xb8;
	[tilespmem:$0x1D000] =	vst v63  }
0xe0: {  	_ =	swait.ge [sflag:s14], $0x4000  }
0xe1: {  	[sflag:s14] =	ssyncset.done $0x0  }
0xe2: {  	s8 =	rddreg [dreg:$0xd];
	[sflag:s14] =	ssyncadd.s32 $0xFFFFC000  }
0xe3: {  	[spmem:s2] =	stream.indirect.scatter.add.f32 [tilespmem:s12], [sflag:$0x3], $0x80, s8, s11, $0xb8;
	[tilespmem:$0x1D000] =	vst v63  }
0xe4: {  	_ =	swait.ge [sflag:s15], $0x4000  }
0xe5: {  	[sflag:s15] =	ssyncset.done $0x0  }
0xe6: {  	s8 =	rddreg [dreg:$0xe];
	[sflag:s15] =	ssyncadd.s32 $0xFFFFC000  }
0xe7: {  	[tilespmem:s12], [sflag:$0x1] =	stream.indirect.gather [hbm4b:s4+s11], $0x80, s8, s11, $0xb8;
	[tilespmem:$0x1D000] =	vst v63  }
0xe8: {  	_ =	swait.ge [sflag:s16], $0x4000  }
0xe9: {  	[sflag:s16] =	ssyncset.done $0x0  }
0xea: {  	s8 =	rddreg [dreg:$0xf];
	[sflag:s16] =	ssyncadd.s32 $0xFFFFC000  }
0xeb: {  	[spmem:s2] =	stream.indirect.scatter.add.f32 [tilespmem:s13], [sflag:$0x4], $0x80, s8, s11, $0xb8;
	[tilespmem:$0x1D000] =	vst v63  }
0xec: {  	_ =	swait.ge [sflag:s17], $0x4000  }
0xed: {  	[sflag:s17] =	ssyncset.done $0x0  }
0xee: {  	s8 =	rddreg [dreg:$0x10];
	[sflag:s17] =	ssyncadd.s32 $0xFFFFC000  }
0xef: {  	[tilespmem:s13], [sflag:$0x2] =	stream.indirect.gather [hbm4b:s4+s11], $0x80, s8, s11, $0xb8;
	[tilespmem:$0x1D000] =	vst v63  }
0xf0: {  	_ =	swait.ge [sflag:s14], $0x4000  }
0xf1: {  	[sflag:s14] =	ssyncset.done $0x0  }
0xf2: {  	s8 =	rddreg [dreg:$0x11];
	[sflag:s14] =	ssyncadd.s32 $0xFFFFC000  }
0xf3: {  	[spmem:s2] =	stream.indirect.scatter.add.f32 [tilespmem:s12], [sflag:$0x3], $0x80, s8, s11, $0xb8;
	[tilespmem:$0x1D000] =	vst v63  }
0xf4: {  	_ =	swait.ge [sflag:s16], $0x4000  }
0xf5: {  	[sflag:s16] =	ssyncset.done $0x0  }
0xf6: {  	s8 =	rddreg [dreg:$0x12];
	[sflag:s16] =	ssyncadd.s32 $0xFFFFC000  }
0xf7: {  	[spmem:s2] =	stream.indirect.scatter.add.f32 [tilespmem:s13], [sflag:$0x4], $0x80, s8, s11, $0xb8;
	[tilespmem:$0x1D000] =	vst v63  }
0xf8: {  	_ =	swait.ge [sflag:s15], $0x4000  }
0xf9: {  	[sflag:s15] =	ssyncset.done $0x0  }
0xfa: {  	[sflag:s15] =	ssyncadd.s32 $0xFFFFC000  }
0xfb: {  	_ =	swait.ge [sflag:s17], $0x4000  }
0xfc: {  	[sflag:s17] =	ssyncset.done $0x0  }
0xfd: {  	s8 =	rddreg [dreg:$0x13];
	[sflag:s17] =	ssyncadd.s32 $0xFFFFC000  }
0xfe: {  	[tilespmem:s12], [sflag:$0x1] =	stream.indirect.gather [hbm4b:s4+s11], $0x80, s8, s11, $0xb8;
	[tilespmem:$0x1D000] =	vst v63  }
0xff: {  	_ = 	snop  }
0x100: {  	[tilespmem:s13], [sflag:$0x2] =	stream.indirect.gather [hbm4b:s4+s11], $0x80, s18, s11, $0xb8;
	[tilespmem:$0x1D000] =	vst v63  }
0x101: {  	_ =	swait.ge [sflag:s14], $0x4000  }
0x102: {  	[sflag:s14] =	ssyncset.done $0x0  }
0x103: {  	[sflag:s14] =	ssyncadd.s32 $0xFFFFC000  }
0x104: {  	[spmem:s2] =	stream.indirect.scatter.add.f32 [tilespmem:s12], [sflag:$0x3], $0x80, s19, s11, $0xb8;
	[tilespmem:$0x1D000] =	vst v63  }
0x105: {  	_ =	swait.ge [sflag:s15], $0x4000  }
0x106: {  	[sflag:s15] =	ssyncset.done $0x0  }
0x107: {  	[sflag:s15] =	ssyncadd.s32 $0xFFFFC000  }
0x108: {  	[tilespmem:s12], [sflag:$0x1] =	stream.indirect.gather [hbm4b:s4+s11], $0x80, s20, s11, $0xb8;
	[tilespmem:$0x1D000] =	vst v63  }
0x109: {  	_ =	swait.ge [sflag:s16], $0x4000  }
0x10a: {  	[sflag:s16] =	ssyncset.done $0x0  }
0x10b: {  	[sflag:s16] =	ssyncadd.s32 $0xFFFFC000  }
0x10c: {  	[spmem:s2] =	stream.indirect.scatter.add.f32 [tilespmem:s13], [sflag:$0x4], $0x80, s21, s11, $0xb8;
	[tilespmem:$0x1D000] =	vst v63  }
0x10d: {  	_ =	swait.ge [sflag:s17], $0x4000  }
0x10e: {  	[sflag:s17] =	ssyncset.done $0x0  }
0x10f: {  	[sflag:s17] =	ssyncadd.s32 $0xFFFFC000  }
0x110: {  	[tilespmem:s13], [sflag:$0x2] =	stream.indirect.gather [hbm4b:s4+s11], $0x80, s22, s11, $0xb8;
	[tilespmem:$0x1D000] =	vst v63  }
0x111: {  	_ =	swait.ge [sflag:s14], $0x4000  }
0x112: {  	[sflag:s14] =	ssyncset.done $0x0  }
0x113: {  	[sflag:s14] =	ssyncadd.s32 $0xFFFFC000  }
0x114: {  	[spmem:s2] =	stream.indirect.scatter.add.f32 [tilespmem:s12], [sflag:$0x3], $0x80, s23, s11, $0xb8;
	[tilespmem:$0x1D000] =	vst v63  }
0x115: {  	_ =	swait.ge [sflag:s15], $0x4000  }
0x116: {  	[sflag:s15] =	ssyncset.done $0x0  }
0x117: {  	[sflag:s15] =	ssyncadd.s32 $0xFFFFC000  }
0x118: {  	[tilespmem:s12], [sflag:$0x1] =	stream.indirect.gather [hbm4b:s4+s11], $0x80, s25, s11, $0xb8;
	[tilespmem:$0x1D000] =	vst v63  }
0x119: {  	_ =	swait.ge [sflag:s16], $0x4000  }
0x11a: {  	[sflag:s16] =	ssyncset.done $0x0  }
0x11b: {  	[sflag:s16] =	ssyncadd.s32 $0xFFFFC000  }
0x11c: {  	[spmem:s2] =	stream.indirect.scatter.add.f32 [tilespmem:s13], [sflag:$0x4], $0x80, s26, s11, $0xb8;
	[tilespmem:$0x1D000] =	vst v63  }
0x11d: {  	_ =	swait.ge [sflag:s17], $0x4000  }
0x11e: {  	[sflag:s17] =	ssyncset.done $0x0  }
0x11f: {  	[sflag:s17] =	ssyncadd.s32 $0xFFFFC000  }
0x120: {  	[tilespmem:s13], [sflag:$0x2] =	stream.indirect.gather [hbm4b:s4+s11], $0x80, s28, s11, $0xb8;
	[tilespmem:$0x1D000] =	vst v63  }
0x121: {  	_ =	swait.ge [sflag:s14], $0x4000  }
0x122: {  	[sflag:s14] =	ssyncset.done $0x0  }
0x123: {  	[sflag:s14] =	ssyncadd.s32 $0xFFFFC000  }
0x124: {  	[spmem:s2] =	stream.indirect.scatter.add.f32 [tilespmem:s12], [sflag:$0x3], $0x80, s29, s11, $0xb8;
	[tilespmem:$0x1D000] =	vst v63  }
0x125: {  	_ =	swait.ge [sflag:s15], $0x4000  }
0x126: {  	[sflag:s15] =	ssyncset.done $0x0  }
0x127: {  	[sflag:s15] =	ssyncadd.s32 $0xFFFFC000  }
0x128: {  	[tilespmem:s12], [sflag:$0x1] =	stream.indirect.gather [hbm4b:s4+s11], $0x80, s30, s11, $0xb8;
	[tilespmem:$0x1D000] =	vst v63  }
0x129: {  	_ =	swait.ge [sflag:s16], $0x4000  }
0x12a: {  	[sflag:s16] =	ssyncset.done $0x0  }
0x12b: {  	[sflag:s16] =	ssyncadd.s32 $0xFFFFC000  }
0x12c: {  	[spmem:s2] =	stream.indirect.scatter.add.f32 [tilespmem:s13], [sflag:$0x4], $0x80, s31, s11, $0xb8;
	[tilespmem:$0x1D000] =	vst v63  }
0x12d: {  	_ =	swait.ge [sflag:s17], $0x4000  }
0x12e: {  	[sflag:s17] =	ssyncset.done $0x0  }
0x12f: {  	[sflag:s17] =	ssyncadd.s32 $0xFFFFC000  }
0x130: {  	[tilespmem:s13], [sflag:$0x2] =	stream.indirect.gather [hbm4b:s4+s11], $0x80, s0, s11, $0xb8;
	[tilespmem:$0x1D000] =	vst v63  }
0x131: {  	_ =	swait.ge [sflag:s14], $0x4000  }
0x132: {  	[sflag:s14] =	ssyncset.done $0x0  }
0x133: {  	[sflag:s14] =	ssyncadd.s32 $0xFFFFC000  }
0x134: {  	[spmem:s2] =	stream.indirect.scatter.add.f32 [tilespmem:s12], [sflag:$0x3], $0x80, s1, s11, $0xb8;
	[tilespmem:$0x1D000] =	vst v63  }
0x135: {  	_ =	swait.ge [sflag:s16], $0x4000  }
0x136: {  	[sflag:s16] =	ssyncset.done $0x0  }
0x137: {  	p0 =	sne.s32 s6, $0x8000;
	[sflag:s16] =	ssyncadd.s32 $0xFFFFC000  }
0x138: {  	[spmem:s2] =	stream.indirect.scatter.add.f32 [tilespmem:s13], [sflag:$0x4], $0x80, s5, s11, $0xb8;
	[tilespmem:$0x1D000] =	vst v63  }
.Ltmp0:
0x139: {  	_ =	swait.ge [sflag:s15], $0x4000;
	(pc) =	sbr.rel @p0 .LBB2_2-.Ltmp0, $4  }
0x13a: {  	[sflag:s15] =	ssyncset.done $0x0  }
0x13b: {  	[sflag:s15] =	ssyncadd.s32 $0xFFFFC000  }
0x13c: {  	s7 =	smov.u32 s6;
	s6 =	sadd.s32 $0x2000, s6;
	_ =	swait.ge [sflag:s17], $0x4000  }
0x13d: {  	s24 =	smov.u32 s7;
	s8 =	rddreg [dreg:$0x4];
	[sflag:s17] =	ssyncset.done $0x0  }
0x13e: {  	[sflag:s17] =	ssyncadd.s32 $0xFFFFC000;
	s6 =	sadd.s32 s24, s8  }
0x13f: {  	[tilespmem:s3], [sflag:$0x5] =	stream.linear.gather [hbm4b:s6+s3], $0x800, $0x38;
	[tilespmem:$0x1D000] =	vst v63  }
0x140: {  	_ =	swait.ge [sflag:s9], $0x800  }
0x141: {  	s8 =	rddreg [dreg:$0x5];
	[sflag:s9] =	ssyncset.done $0x0  }
0x142: {  	s6 =	sadd.s32 s24, s8;
	[sflag:s9] =	ssyncadd.s32 $0xFFFFF800  }
0x143: {  	[tilespmem:s10], [sflag:$0x5] =	stream.linear.gather [hbm4b:s6+s3], $0x800, $0x38;
	[tilespmem:$0x1D000] =	vst v63  }
0x144: {  	_ =	swait.ge [sflag:s9], $0x800  }
0x145: {  	[sflag:s9] =	ssyncset.done $0x0  }
0x146: {  	[sflag:s9] =	ssyncadd.s32 $0xFFFFF800  }
0x147: {  	[tilespmem:s12], [sflag:$0x1] =	stream.indirect.gather [hbm4b:s4+s11], $0x80, s3, s11, $0xb8;
	[tilespmem:$0x1D000] =	vst v63  }
0x148: {  	_ = 	snop  }
0x149: {  	[tilespmem:s13], [sflag:$0x2] =	stream.indirect.gather [hbm4b:s4+s11], $0x80, s11, s11, $0xb8;
	[tilespmem:$0x1D000] =	vst v63  }
0x14a: {  	_ =	swait.ge [sflag:s14], $0x4000  }
0x14b: {  	[sflag:s14] =	ssyncset.done $0x0  }
0x14c: {  	[sflag:s14] =	ssyncadd.s32 $0xFFFFC000  }
0x14d: {  	[spmem:s2] =	stream.indirect.scatter.add.f32 [tilespmem:s12], [sflag:$0x3], $0x80, s10, s11, $0xb8;
	[tilespmem:$0x1D000] =	vst v63  }
0x14e: {  	_ =	swait.ge [sflag:s15], $0x4000  }
0x14f: {  	[sflag:s15] =	ssyncset.done $0x0  }
0x150: {  	s7 =	rddreg [dreg:$0x6];
	[sflag:s15] =	ssyncadd.s32 $0xFFFFC000  }
0x151: {  	[tilespmem:s12], [sflag:$0x1] =	stream.indirect.gather [hbm4b:s4+s11], $0x80, s7, s11, $0xb8;
	[tilespmem:$0x1D000] =	vst v63  }
0x152: {  	_ =	swait.ge [sflag:s16], $0x4000  }
0x153: {  	[sflag:s16] =	ssyncset.done $0x0  }
0x154: {  	s8 =	rddreg [dreg:$0x7];
	[sflag:s16] =	ssyncadd.s32 $0xFFFFC000  }
0x155: {  	[spmem:s2] =	stream.indirect.scatter.add.f32 [tilespmem:s13], [sflag:$0x4], $0x80, s8, s11, $0xb8;
	[tilespmem:$0x1D000] =	vst v63  }
0x156: {  	_ =	swait.ge [sflag:s17], $0x4000  }
0x157: {  	[sflag:s17] =	ssyncset.done $0x0  }
0x158: {  	s24 =	rddreg [dreg:$0x8];
	[sflag:s17] =	ssyncadd.s32 $0xFFFFC000  }
0x159: {  	[tilespmem:s13], [sflag:$0x2] =	stream.indirect.gather [hbm4b:s4+s11], $0x80, s24, s11, $0xb8;
	[tilespmem:$0x1D000] =	vst v63  }
0x15a: {  	_ =	swait.ge [sflag:s14], $0x4000  }
0x15b: {  	[sflag:s14] =	ssyncset.done $0x0  }
0x15c: {  	s7 =	rddreg [dreg:$0x9];
	[sflag:s14] =	ssyncadd.s32 $0xFFFFC000  }
0x15d: {  	[spmem:s2] =	stream.indirect.scatter.add.f32 [tilespmem:s12], [sflag:$0x3], $0x80, s7, s11, $0xb8;
	[tilespmem:$0x1D000] =	vst v63  }
0x15e: {  	_ =	swait.ge [sflag:s15], $0x4000  }
0x15f: {  	[sflag:s15] =	ssyncset.done $0x0  }
0x160: {  	s8 =	rddreg [dreg:$0xa];
	[sflag:s15] =	ssyncadd.s32 $0xFFFFC000  }
0x161: {  	[tilespmem:s12], [sflag:$0x1] =	stream.indirect.gather [hbm4b:s4+s11], $0x80, s8, s11, $0xb8;
	[tilespmem:$0x1D000] =	vst v63  }
0x162: {  	_ =	swait.ge [sflag:s16], $0x4000  }
0x163: {  	[sflag:s16] =	ssyncset.done $0x0  }
0x164: {  	s24 =	rddreg [dreg:$0xb];
	[sflag:s16] =	ssyncadd.s32 $0xFFFFC000  }
0x165: {  	[spmem:s2] =	stream.indirect.scatter.add.f32 [tilespmem:s13], [sflag:$0x4], $0x80, s24, s11, $0xb8;
	[tilespmem:$0x1D000] =	vst v63  }
0x166: {  	_ =	swait.ge [sflag:s17], $0x4000  }
0x167: {  	[sflag:s17] =	ssyncset.done $0x0  }
0x168: {  	s7 =	rddreg [dreg:$0xc];
	[sflag:s17] =	ssyncadd.s32 $0xFFFFC000  }
0x169: {  	[tilespmem:s13], [sflag:$0x2] =	stream.indirect.gather [hbm4b:s4+s11], $0x80, s7, s11, $0xb8;
	[tilespmem:$0x1D000] =	vst v63  }
0x16a: {  	_ =	swait.ge [sflag:s14], $0x4000  }
0x16b: {  	[sflag:s14] =	ssyncset.done $0x0  }
0x16c: {  	s8 =	rddreg [dreg:$0xd];
	[sflag:s14] =	ssyncadd.s32 $0xFFFFC000  }
0x16d: {  	[spmem:s2] =	stream.indirect.scatter.add.f32 [tilespmem:s12], [sflag:$0x3], $0x80, s8, s11, $0xb8;
	[tilespmem:$0x1D000] =	vst v63  }
0x16e: {  	_ =	swait.ge [sflag:s15], $0x4000  }
0x16f: {  	[sflag:s15] =	ssyncset.done $0x0  }
0x170: {  	s24 =	rddreg [dreg:$0xe];
	[sflag:s15] =	ssyncadd.s32 $0xFFFFC000  }
0x171: {  	[tilespmem:s12], [sflag:$0x1] =	stream.indirect.gather [hbm4b:s4+s11], $0x80, s24, s11, $0xb8;
	[tilespmem:$0x1D000] =	vst v63  }
0x172: {  	_ =	swait.ge [sflag:s16], $0x4000  }
0x173: {  	[sflag:s16] =	ssyncset.done $0x0  }
0x174: {  	s7 =	rddreg [dreg:$0xf];
	[sflag:s16] =	ssyncadd.s32 $0xFFFFC000  }
0x175: {  	[spmem:s2] =	stream.indirect.scatter.add.f32 [tilespmem:s13], [sflag:$0x4], $0x80, s7, s11, $0xb8;
	[tilespmem:$0x1D000] =	vst v63  }
0x176: {  	_ =	swait.ge [sflag:s17], $0x4000  }
0x177: {  	[sflag:s17] =	ssyncset.done $0x0  }
0x178: {  	s8 =	rddreg [dreg:$0x10];
	[sflag:s17] =	ssyncadd.s32 $0xFFFFC000  }
0x179: {  	[tilespmem:s13], [sflag:$0x2] =	stream.indirect.gather [hbm4b:s4+s11], $0x80, s8, s11, $0xb8;
	[tilespmem:$0x1D000] =	vst v63  }
0x17a: {  	_ =	swait.ge [sflag:s14], $0x4000  }
0x17b: {  	[sflag:s14] =	ssyncset.done $0x0  }
0x17c: {  	s24 =	rddreg [dreg:$0x11];
	[sflag:s14] =	ssyncadd.s32 $0xFFFFC000  }
0x17d: {  	[spmem:s2] =	stream.indirect.scatter.add.f32 [tilespmem:s12], [sflag:$0x3], $0x80, s24, s11, $0xb8;
	[tilespmem:$0x1D000] =	vst v63  }
0x17e: {  	_ =	swait.ge [sflag:s16], $0x4000  }
0x17f: {  	[sflag:s16] =	ssyncset.done $0x0  }
0x180: {  	s7 =	rddreg [dreg:$0x12];
	[sflag:s16] =	ssyncadd.s32 $0xFFFFC000  }
0x181: {  	[spmem:s2] =	stream.indirect.scatter.add.f32 [tilespmem:s13], [sflag:$0x4], $0x80, s7, s11, $0xb8;
	[tilespmem:$0x1D000] =	vst v63  }
0x182: {  	_ =	swait.ge [sflag:s15], $0x4000  }
0x183: {  	[sflag:s15] =	ssyncset.done $0x0  }
0x184: {  	[sflag:s15] =	ssyncadd.s32 $0xFFFFC000  }
0x185: {  	_ =	swait.ge [sflag:s17], $0x4000  }
0x186: {  	[sflag:s17] =	ssyncset.done $0x0  }
0x187: {  	s8 =	rddreg [dreg:$0x13];
	[sflag:s17] =	ssyncadd.s32 $0xFFFFC000  }
0x188: {  	[tilespmem:s12], [sflag:$0x1] =	stream.indirect.gather [hbm4b:s4+s11], $0x80, s8, s11, $0xb8;
	[tilespmem:$0x1D000] =	vst v63  }
0x189: {  	_ = 	snop  }
0x18a: {  	[tilespmem:s13], [sflag:$0x2] =	stream.indirect.gather [hbm4b:s4+s11], $0x80, s18, s11, $0xb8;
	[tilespmem:$0x1D000] =	vst v63  }
0x18b: {  	_ =	swait.ge [sflag:s14], $0x4000  }
0x18c: {  	[sflag:s14] =	ssyncset.done $0x0  }
0x18d: {  	[sflag:s14] =	ssyncadd.s32 $0xFFFFC000  }
0x18e: {  	[spmem:s2] =	stream.indirect.scatter.add.f32 [tilespmem:s12], [sflag:$0x3], $0x80, s19, s11, $0xb8;
	[tilespmem:$0x1D000] =	vst v63  }
0x18f: {  	_ =	swait.ge [sflag:s15], $0x4000  }
0x190: {  	[sflag:s15] =	ssyncset.done $0x0  }
0x191: {  	[sflag:s15] =	ssyncadd.s32 $0xFFFFC000  }
0x192: {  	[tilespmem:s12], [sflag:$0x1] =	stream.indirect.gather [hbm4b:s4+s11], $0x80, s20, s11, $0xb8;
	[tilespmem:$0x1D000] =	vst v63  }
0x193: {  	_ =	swait.ge [sflag:s16], $0x4000  }
0x194: {  	[sflag:s16] =	ssyncset.done $0x0  }
0x195: {  	[sflag:s16] =	ssyncadd.s32 $0xFFFFC000  }
0x196: {  	[spmem:s2] =	stream.indirect.scatter.add.f32 [tilespmem:s13], [sflag:$0x4], $0x80, s21, s11, $0xb8;
	[tilespmem:$0x1D000] =	vst v63  }
0x197: {  	_ =	swait.ge [sflag:s17], $0x4000  }
0x198: {  	[sflag:s17] =	ssyncset.done $0x0  }
0x199: {  	[sflag:s17] =	ssyncadd.s32 $0xFFFFC000  }
0x19a: {  	[tilespmem:s13], [sflag:$0x2] =	stream.indirect.gather [hbm4b:s4+s11], $0x80, s22, s11, $0xb8;
	[tilespmem:$0x1D000] =	vst v63  }
0x19b: {  	_ =	swait.ge [sflag:s14], $0x4000  }
0x19c: {  	[sflag:s14] =	ssyncset.done $0x0  }
0x19d: {  	[sflag:s14] =	ssyncadd.s32 $0xFFFFC000  }
0x19e: {  	[spmem:s2] =	stream.indirect.scatter.add.f32 [tilespmem:s12], [sflag:$0x3], $0x80, s23, s11, $0xb8;
	[tilespmem:$0x1D000] =	vst v63  }
0x19f: {  	_ =	swait.ge [sflag:s15], $0x4000  }
0x1a0: {  	[sflag:s15] =	ssyncset.done $0x0  }
0x1a1: {  	[sflag:s15] =	ssyncadd.s32 $0xFFFFC000  }
0x1a2: {  	[tilespmem:s12], [sflag:$0x1] =	stream.indirect.gather [hbm4b:s4+s11], $0x80, s25, s11, $0xb8;
	[tilespmem:$0x1D000] =	vst v63  }
0x1a3: {  	_ =	swait.ge [sflag:s16], $0x4000  }
0x1a4: {  	[sflag:s16] =	ssyncset.done $0x0  }
0x1a5: {  	[sflag:s16] =	ssyncadd.s32 $0xFFFFC000  }
0x1a6: {  	[spmem:s2] =	stream.indirect.scatter.add.f32 [tilespmem:s13], [sflag:$0x4], $0x80, s26, s11, $0xb8;
	[tilespmem:$0x1D000] =	vst v63  }
0x1a7: {  	_ =	swait.ge [sflag:s17], $0x4000  }
0x1a8: {  	[sflag:s17] =	ssyncset.done $0x0  }
0x1a9: {  	[sflag:s17] =	ssyncadd.s32 $0xFFFFC000  }
0x1aa: {  	[tilespmem:s13], [sflag:$0x2] =	stream.indirect.gather [hbm4b:s4+s11], $0x80, s28, s11, $0xb8;
	[tilespmem:$0x1D000] =	vst v63  }
0x1ab: {  	_ =	swait.ge [sflag:s14], $0x4000  }
0x1ac: {  	[sflag:s14] =	ssyncset.done $0x0  }
0x1ad: {  	[sflag:s14] =	ssyncadd.s32 $0xFFFFC000  }
0x1ae: {  	[spmem:s2] =	stream.indirect.scatter.add.f32 [tilespmem:s12], [sflag:$0x3], $0x80, s29, s11, $0xb8;
	[tilespmem:$0x1D000] =	vst v63  }
0x1af: {  	_ =	swait.ge [sflag:s15], $0x4000  }
0x1b0: {  	[sflag:s15] =	ssyncset.done $0x0  }
0x1b1: {  	[sflag:s15] =	ssyncadd.s32 $0xFFFFC000  }
0x1b2: {  	[tilespmem:s12], [sflag:$0x1] =	stream.indirect.gather [hbm4b:s4+s11], $0x80, s30, s11, $0xb8;
	[tilespmem:$0x1D000] =	vst v63  }
0x1b3: {  	_ =	swait.ge [sflag:s16], $0x4000  }
0x1b4: {  	[sflag:s16] =	ssyncset.done $0x0  }
0x1b5: {  	[sflag:s16] =	ssyncadd.s32 $0xFFFFC000  }
0x1b6: {  	[spmem:s2] =	stream.indirect.scatter.add.f32 [tilespmem:s13], [sflag:$0x4], $0x80, s31, s11, $0xb8;
	[tilespmem:$0x1D000] =	vst v63  }
0x1b7: {  	_ =	swait.ge [sflag:s17], $0x4000  }
0x1b8: {  	[sflag:s17] =	ssyncset.done $0x0  }
0x1b9: {  	[sflag:s17] =	ssyncadd.s32 $0xFFFFC000  }
0x1ba: {  	[tilespmem:s13], [sflag:$0x2] =	stream.indirect.gather [hbm4b:s4+s11], $0x80, s0, s11, $0xb8;
	[tilespmem:$0x1D000] =	vst v63  }
0x1bb: {  	_ =	swait.ge [sflag:s14], $0x4000  }
0x1bc: {  	[sflag:s14] =	ssyncset.done $0x0  }
0x1bd: {  	[sflag:s14] =	ssyncadd.s32 $0xFFFFC000  }
0x1be: {  	[spmem:s2] =	stream.indirect.scatter.add.f32 [tilespmem:s12], [sflag:$0x3], $0x80, s1, s11, $0xb8;
	[tilespmem:$0x1D000] =	vst v63  }
0x1bf: {  	_ =	swait.ge [sflag:s16], $0x4000  }
0x1c0: {  	[sflag:s16] =	ssyncset.done $0x0  }
0x1c1: {  	[sflag:s16] =	ssyncadd.s32 $0xFFFFC000  }
0x1c2: {  	[spmem:s2] =	stream.indirect.scatter.add.f32 [tilespmem:s13], [sflag:$0x4], $0x80, s5, s11, $0xb8;
	[tilespmem:$0x1D000] =	vst v63  }
0x1c3: {  	_ =	swait.ge [sflag:s15], $0x4000  }
0x1c4: {  	[sflag:s15] =	ssyncset.done $0x0  }
0x1c5: {  	[sflag:s15] =	ssyncadd.s32 $0xFFFFC000  }
0x1c6: {  	_ =	swait.ge [sflag:s17], $0x4000  }
0x1c7: {  	[sflag:s17] =	ssyncset.done $0x0  }
0x1c8: {  	[sflag:s17] =	ssyncadd.s32 $0xFFFFC000  }
0x1c9: {  	[bflag:$0x0] =	sbarrier.arrive $0xFFFF  }
0x1ca: {  	s7 =	rddreg [dreg:$0x15]  }
0x1cb: {  	s8 =	rddreg [dreg:$0x17]  }
0x1cc: {  	s24 =	rddreg [dreg:$0x18]  }
0x1cd: {  	[hbm:s24], [sflag:s7] =	dma.local [spmem:s8], $0x2800  }
0x1ce: {  	_ =	swait.ge [sflag:s9], $0x2800  }
0x1cf: {  	s6 =	rddreg [dreg:$0x19]  }
0x1d0: {  	s24 =	sadd.s32 $0x1, s6;
	s6 =	rddreg [dreg:$0x16]  }
0x1d1: {  	p0 =	sne.s32 s24, s6  }
.Ltmp1:
0x1d2: {  	_ = 	snop;
	(pc) =	sbr.rel @p0 .LBB2_1-.Ltmp1, $3  }
0x1d3: {  	_ =	sdelay $0x1  }
0x1d4: {  	[sflag:s9] =	ssyncset.done $0x0  }
0x1d5: {  	[sflag:s9] =	ssyncadd.s32 $0xFFFFD800  }
0x1d6: {  	_ =	sfence.sel $0x180000  }
0x1d7: {  	[bflag:$0x0] =	sbarrier.arrive $0xFFFF  }
0x1d8: {  	_ =	strace $0x9000004A  }
0x1d9: {  	s0 =	stileid.u32;
	[bflag:$0x2] =	sbarrier.arrive $0xFFFF  }
0x1da: {  	p0 =	sne.s32 s0, $0x0;
	s0 =	rddreg [dreg:$0x3]  }
0x1db: {  	s0 =	sadd.s32 @!p0 $0x100000, s0  }
0x1dc: {  	[sflag:s0] =	ssyncadd.tile.s32 @!p0 $0x1;
	_ =	shalt  }
.Lfunc_end2:
_tile_overlayer_lowered:
.L_overlay_start_2:
0x1dd: {  	(tag) =	ssettag $0x2  }
0x1de: {  	s0 =	rddreg [dreg:$0x0];
	s2 =	stileid.u32  }
0x1df: {  	s1 =	rddreg [dreg:$0x1];
	p0 =	sne.s32 s2, $0x0  }
0x1e0: {  	s3 =	rddreg [dreg:$0x2];
	[bflag:$0x3] =	sbarrier.arrive $0xFFFF;
	s2 =	simm.s32 @!p0 $0x1C05  }
0x1e1: {  	[timem:s3], [sflag:s2] =	dma.local @!p0 [hbm:s0], s1  }
0x1e2: {  	s0 =	simm.s32 @!p0 $0x5  }
0x1e3: {  	_ =	swait.ge @!p0 [sflag:s0], s1  }
0x1e4: {  	s1 =	ssub.s32 @!p0 $0x0, s1;
	[sflag:s0] =	ssyncset.done @!p0 $0x0  }
0x1e5: {  	[sflag:s0] =	ssyncadd.s32 @!p0 s1  }
0x1e6: {  	[bflag:$0x3] =	sbarrier.arrive $0xFFFF  }
0x1e7: {  	_ =	shalt  }

// kernel: kernel.14.cloned.1.call-start
scs
__scs_entry_jumppad:
0x0: {  	(pc) =	sbr.rel $0x88, $3  }
0x1: {  	(tag) =	ssettag $0x0;
	lr =	simm.s32 $0x1  }
0x2: {  	[smem:$0x3F95] =	sst lr;
	_ =	strace $0xD0000000  }
0x3: {  	_ = 	snop  }
0x4: {  	_ = 	snop  }
0x5: {  	_ = 	snop  }
0x6: {  	_ = 	snop  }
0x7: {  	_ = 	snop  }
__scs_overlays_trampoline_lowered:
0x8: {  	[smem:$0x3FA4] =	sst s0  }
0x9: {  	[smem:$0x3FA5] =	sst s1  }
0xa: {  	[smem:$0x3FA6] =	sst s2  }
0xb: {  	[smem:$0x3FA7] =	sst s3  }
0xc: {  	[smem:$0x3FA8] =	sst s4  }
0xd: {  	[smem:$0x3FA9] =	sst s5  }
0xe: {  	[smem:$0x3FAA] =	sst s6  }
0xf: {  	[smem:$0x3FAB] =	sst s7  }
0x10: {  	[smem:$0x3FAC] =	sst s8  }
0x11: {  	[smem:$0x3FAD] =	sst s9;
	s0 =	simm.s32 @!p0 $0x0  }
0x12: {  	s1 =	sld [smem:$0x3F93];
	s0 =	simm.s32 @p0 $0x1  }
0x13: {  	[smem:$0x3FAE] =	sst s0;
	s0 =	simm.s32 @!p1 $0x0  }
0x14: {  	s2 =	sld [smem:$0x3F92];
	s0 =	simm.s32 @p1 $0x1  }
0x15: {  	[smem:$0x3FAF] =	sst s0;
	s0 =	simm.s32 @!p2 $0x0  }
0x16: {  	s3 =	sld [smem:$0x3FDB];
	s0 =	simm.s32 @p2 $0x1  }
0x17: {  	s4 =	simm.s32 $0x1BF5;
	[smem:$0x3FB1] =	sst s0  }
0x18: {  	s0 =	sld [smem:$0x3F94];
	_ =	swait.ge [sflag:s4], $0x0  }
0x19: {  	s7 =	sld [smem:$0x3F95]  }
0x1a: {  	s8 =	sadd.s32 $0xFFFFE003, lr  }
0x1b: {  	s9 =	sadd.s32 $0xFFFFFEF7, lr;
	s5 =	simm.s32 $0xFFFFFFFF;
	p2 =	slt.u32 s8, $0xFFFFF086  }
0x1c: {  	p1 =	slt.u32 s9, $0xF7A;
	s5 =	simm.s32 @!p2 $0x0  }
0x1d: {  	s5 =	simm.s32 @p1 $0x1;
	p0 =	seq.s32 s7, s2  }
0x1e: {  	s7 =	smul.u32 @!p0 $0xF7A, s2;
	p2 =	seq.s32 @!p0 s5, $0x0  }
0x1f: {  	s9 =	smul.u32 $0xF7A, s1;
	s8 =	simm.s32 @!p0 $0x1BF5;
	p2 =	por !p2, p0  }
0x20: {  	[sflag:s8] =	ssyncset.s32 @!p0 $0xFFFFF086;
	s6 =	sadd.s32 @!p0 s3, s7;
	s7 =	simm.s32 @!p0 $0x108  }
0x21: {  	s3 =	sadd.s32 s3, s9;
	s6 =	sadd.s32 @!p0 $0x88, s6;
	s7 =	simm.s32 @p2 $0x1082  }
0x22: {  	[simem:s7], [sflag:s8] =	dma.local @!p0 [hbm:s6], $0xF7A  }
0x23: {  	s9 =	sor.u32 $0xD0000000, s2;
	s6 =	simm.s32 $0x108;
	_ =	swait.ge @!p0 [sflag:s8], $0x0  }
0x24: {  	s3 =	sadd.s32 $0x88, s3;
	s6 =	simm.s32 @!p1 $0x1082;
	[sflag:s4] =	ssyncset.s32 $0xFFFFF086  }
0x25: {  	[simem:s6], [sflag:s4] =	dma.local [hbm:s3], $0xF7A  }
0x26: {  	[smem:$0x3F95] =	sst s1;
	(tag) =	ssettag s2;
	_ =	strace s9  }
0x27: {  	s1 =	sld [smem:$0x3FA5]  }
0x28: {  	s2 =	sld [smem:$0x3FA6]  }
0x29: {  	s4 =	sld [smem:$0x3FA8]  }
0x2a: {  	p0 =	seq.s32 s5, $0x0;
	s5 =	sld [smem:$0x3FA9]  }
0x2b: {  	s6 =	sld [smem:$0x3FAA]  }
0x2c: {  	s7 =	sld [smem:$0x3FAB]  }
0x2d: {  	s3 =	simm.s32 $0x108;
	s8 =	sld [smem:$0x3FAC]  }
0x2e: {  	s3 =	simm.s32 @!p0 $0x1082;
	s9 =	sld [smem:$0x3FAD]  }
0x2f: {  	lr =	sadd.s32 s0, s3;
	s0 =	sld [smem:$0x3FA4]  }
0x30: {  	s3 =	sld [smem:$0x3FA7]  }
0x31: {  	[smem:$0x3FB0] =	sst s10  }
0x32: {  	s10 =	sld [smem:$0x3FAE];
	_ =	sdelay $0x3  }
0x33: {  	p0 =	seq.s32 s10, $0x1;
	s10 =	sld [smem:$0x3FB0];
	_ =	sdelay $0x3  }
0x34: {  	[smem:$0x3FB0] =	sst s10  }
0x35: {  	s10 =	sld [smem:$0x3FAF];
	_ =	sdelay $0x3  }
0x36: {  	p1 =	seq.s32 s10, $0x1;
	s10 =	sld [smem:$0x3FB0];
	_ =	sdelay $0x3  }
0x37: {  	[smem:$0x3FB0] =	sst s10  }
0x38: {  	s10 =	sld [smem:$0x3FB1]  }
0x39: {  	_ = 	snop;
	(pc) =	sbr.ind lr, $3  }
0x3a: {  	_ = 	snop  }
0x3b: {  	_ = 	snop  }
0x3c: {  	p2 =	seq.s32 s10, $0x1;
	s10 =	sld [smem:$0x3FB0]  }
0x3d: {  	_ =	shalt  }
0x3e: {  	_ =	shalt  }
0x3f: {  	_ =	shalt  }
0x40: {  	_ =	shalt  }
0x41: {  	_ =	shalt  }
0x42: {  	_ =	shalt  }
0x43: {  	_ =	shalt  }
0x44: {  	_ =	shalt  }
0x45: {  	_ =	shalt  }
0x46: {  	_ =	shalt  }
0x47: {  	_ =	shalt  }
0x48: {  	_ =	shalt  }
0x49: {  	_ =	shalt  }
0x4a: {  	_ =	shalt  }
0x4b: {  	_ =	shalt  }
0x4c: {  	_ =	shalt  }
0x4d: {  	_ =	shalt  }
0x4e: {  	_ =	shalt  }
0x4f: {  	_ =	shalt  }
0x50: {  	_ =	shalt  }
0x51: {  	_ =	shalt  }
0x52: {  	_ =	shalt  }
0x53: {  	_ =	shalt  }
0x54: {  	_ =	shalt  }
0x55: {  	_ =	shalt  }
0x56: {  	_ =	shalt  }
0x57: {  	_ =	shalt  }
0x58: {  	_ =	shalt  }
0x59: {  	_ =	shalt  }
0x5a: {  	_ =	shalt  }
0x5b: {  	_ =	shalt  }
0x5c: {  	_ =	shalt  }
0x5d: {  	_ =	shalt  }
0x5e: {  	_ =	shalt  }
0x5f: {  	_ =	shalt  }
0x60: {  	_ =	shalt  }
0x61: {  	_ =	shalt  }
0x62: {  	_ =	shalt  }
0x63: {  	_ =	shalt  }
0x64: {  	_ =	shalt  }
0x65: {  	_ =	shalt  }
0x66: {  	_ =	shalt  }
0x67: {  	_ =	shalt  }
0x68: {  	_ =	shalt  }
0x69: {  	_ =	shalt  }
0x6a: {  	_ =	shalt  }
0x6b: {  	_ =	shalt  }
0x6c: {  	_ =	shalt  }
0x6d: {  	_ =	shalt  }
0x6e: {  	_ =	shalt  }
0x6f: {  	_ =	shalt  }
0x70: {  	_ =	shalt  }
0x71: {  	_ =	shalt  }
0x72: {  	_ =	shalt  }
0x73: {  	_ =	shalt  }
0x74: {  	_ =	shalt  }
0x75: {  	_ =	shalt  }
0x76: {  	_ =	shalt  }
0x77: {  	_ =	shalt  }
0x78: {  	_ =	shalt  }
0x79: {  	_ =	shalt  }
0x7a: {  	_ =	shalt  }
0x7b: {  	_ =	shalt  }
0x7c: {  	_ =	shalt  }
0x7d: {  	_ =	shalt  }
0x7e: {  	_ =	shalt  }
0x7f: {  	_ =	shalt  }
0x80: {  	_ =	shalt  }
0x81: {  	_ =	shalt  }
0x82: {  	_ =	shalt  }
0x83: {  	_ =	shalt  }
0x84: {  	_ =	shalt  }
0x85: {  	_ =	shalt  }
0x86: {  	_ =	shalt  }
0x87: {  	_ =	shalt  }
.Lfunc_end0:
.L_simem_size_0:
called_computation.2_lowered:
.L_overlay_start_0:
0x88: {  	s2 =	sld [smem:$0x3FD9]  }
0x89: {  	s3 =	sld [smem:$0x3FFE];
	_ =	sdelay $0x1  }
0x8a: {  	s1 =	srdreg.scid  }
0x8b: {  	s0 =	sand.u32 $0x1, s1  }
0x8c: {  	s17 =	sshll.u32 s0, $0xA;
	s2 =	sadd.s32 s3, s2  }
0x8d: {  	s2 =	sadd.s32 s2, s17  }
0x8e: {  	[smem:$0x3FBC] =	sst s2  }
0x8f: {  	_ = 	snop  }
0x90: {  	s2 =	sld [smem:$0x3FD0];
	(tm) =	ssettm $0x1  }
0x91: {  	s18 =	sld [smem:$0x3FFB];
	_ =	sdelay $0x3  }
0x92: {  	_ =	strace s18  }
0x93: {  	s3 =	sld [smem:$0x3FFC];
	_ =	sdelay $0x3  }
0x94: {  	_ =	strace s3  }
0x95: {  	s3 =	sld [smem:$0x3FFD];
	_ =	sdelay $0x3  }
0x96: {  	_ =	strace s3  }
0x97: {  	_ =	strace $0x8FFFFFFF  }
0x98: {  	s19 =	sld [smem:$0x3FDB];
	_ =	sdelay $0x1  }
0x99: {  	s4 =	simm.s32 $_scs_section_size  }
0x9a: {  	s5 =	simm.s32 $_size__tile_overlayer_lowered;
	s6 =	simm.s32 $_tile_overlayer_lowered  }
0x9b: {  	s22 =	simm.s32 $0x1BFF;
	s21 =	sshll.u32 s6, $0x1;
	s3 =	sadd.s32 s4, s19  }
0x9c: {  	s7 =	simm.s32 $0x0;
	s20 =	sshll.u32 s5, $0x1;
	s5 =	sadd.s32 s21, s3  }
0x9d: {  	[timem:s7], [sflag:s22] =	dma.local [hbm:s5], s20  }
0x9e: {  	_ =	swait.ge [sflag:s22], s20  }
0x9f: {  	s4 =	ssub.s32 $0x0, s20;
	[sflag:s22] =	ssyncset.done $0x0  }
0xa0: {  	[sflag:s22] =	ssyncadd.s32 s4;
	_ =	sdelay $0x1  }
0xa1: {  	s23 =	simm.s32 $0x1B8B  }
0xa2: {  	_ =	swait.ge [sflag:s23], $0x1  }
0xa3: {  	[sflag:s23] =	ssyncset.done $0x0  }
0xa4: {  	s25 =	simm.s32 $0x1B8E;
	s24 =	sld [smem:$0x3FFE];
	[sflag:s23] =	ssyncadd.s32 $0xFFFFFFFF  }
0xa5: {  	s26 =	simm.s32 $execute0_lowered;
	[smem:$0x3FD2] =	sst s25  }
0xa6: {  	s5 =	sshll.u32 s26, $0x1;
	_ =	strace $0x8000004C;
	[dreg:$0x1] =	wrdreg $0xFFFFFFFF  }
0xa7: {  	s28 =	simm.s32 $_size_execute0_lowered;
	s3 =	sadd.s32 s3, s5;
	[dreg:$0x0] =	wrdreg $0x0  }
0xa8: {  	s5 =	sshll.u32 s28, $0x1;
	[dreg:$0x2] =	wrdreg s3  }
0xa9: {  	[dreg:$0x3] =	wrdreg s5  }
0xaa: {  	[dreg:$0x4] =	wrdreg $0xC0  }
0xab: {  	_ =	task [dreg:s7], $0x5FFFF  }
0xac: {  	[dreg:$0x1] =	wrdreg $0xFFFFFFFF  }
0xad: {  	[dreg:$0x0] =	wrdreg $0x60  }
0xae: {  	[dreg:$0x2] =	wrdreg s24  }
0xaf: {  	[dreg:$0x3] =	wrdreg s2  }
0xb0: {  	[dreg:$0x4] =	wrdreg $0x90000  }
0xb1: {  	[dreg:$0x5] =	wrdreg $0x9  }
0xb2: {  	_ =	task.clear_ibuf [dreg:s7], $0x6FFFF;
	_ =	strace $0x9000004C  }
0xb3: {  	s29 =	simm.s32 $0x9;
	_ =	strace $0x8000004E  }
0xb4: {  	_ =	swait.ge [sflag:s29], $0x1  }
0xb5: {  	[sflag:s29] =	ssyncadd.s32 $0xFFFFFFFF  }
0xb6: {  	_ =	strace $0x9000004E  }
0xb7: {  	_ =	sfence  }
0xb8: {  	s30 =	sld [smem:$0x0];
	_ =	sdelay $0x2  }
0xb9: {  	s31 =	sshll.u32 s1, $0xD;
	s1 =	sshrl.u32 s1, $0x2  }
0xba: {  	s3 =	sand.u32 $0x4000, s31;
	s1 =	sadd.s32 s1, s30  }
0xbb: {  	s0 =	sor.u32 s3, s0;
	s1 =	sshll.u32 s1, $0x11  }
0xbc: {  	s0 =	sor.u32 s1, s0  }
0xbd: {  	s0 =	sadd.s32 $0x8F2B, s0  }
0xbe: {  	[sflag:s0] =	ssyncadd.remote.s32 $0x1  }
0xbf: {  	_ =	sfence.sel $0xFFFF  }
0xc0: {  	[dreg:$0x0] =	wrdreg $0xFFFFFFFF;
	(pc) =	sbr.abs _section_cstart, $3  }
0xc1: {  	[dreg:$0x1] =	wrdreg $0xFFFFFFFF  }
0xc2: {  	_ =	task.clear_ibuf [dreg:s7], $0x2FFFF;
	_ =	strace $0x9FFFFFFF  }
0xc3: {  	(tm) =	ssettm $0x7FFFFFFF  }
tec
execute0_lowered:
.L_overlay_start_1:
0x0: {  	(tag) =	ssettag $0x1  }
0x1: {  	s0 =	rddreg [dreg:$0x0]  }
0x2: {  	s1 =	rddreg [dreg:$0x1]  }
0x3: {  	s2 =	rddreg [dreg:$0x2]  }
0x4: {  	s3 =	simm.s32 $0x0;
	s11 =	stileid.u32;
	s4 =	srdreg.scid  }
0x5: {  	s12 =	simm.s32 $0x100;
	s13 =	simm.s32 $0x880;
	s14 =	simm.s32 $0x180  }
0x6: {  	s16 =	simm.s32 $0x900;
	s17 =	simm.s32 $0x200;
	s18 =	simm.s32 $0x980  }
0x7: {  	s19 =	simm.s32 $0x280;
	[smem:$0x7FF] =	sst s3;
	s9 =	sadd.s32 $0xD000, s0  }
0x8: {  	s20 =	simm.s32 $0xA00;
	_ =	strace $0x8000004D;
	[dreg:$0x14] =	wrdreg s9  }
0x9: {  	s21 =	simm.s32 $0x300;
	s22 =	simm.s32 $0xA80;
	[dreg:$0x6] =	wrdreg s12  }
0xa: {  	s23 =	simm.s32 $0x380;
	s28 =	simm.s32 $0x680;
	[dreg:$0x7] =	wrdreg s13  }
0xb: {  	s29 =	simm.s32 $0xE00;
	s30 =	simm.s32 $0x700;
	[dreg:$0x8] =	wrdreg s14  }
0xc: {  	s31 =	simm.s32 $0xE80;
	s5 =	sshll.u32 s11, $0x9;
	[dreg:$0x9] =	wrdreg s16  }
0xd: {  	s6 =	sand.u32 $0x1, s4;
	s4 =	sadd.s32 $0xF800, s0;
	[dreg:$0xa] =	wrdreg s17  }
0xe: {  	s10 =	smul.u32 $0x50000, s11;
	s7 =	sadd.s32 s5, s0;
	[dreg:$0xb] =	wrdreg s18  }
0xf: {  	s8 =	smul.u32 $0x28000, s6;
	s24 =	ssub.s32 $0x2, s6;
	[dreg:$0xc] =	wrdreg s19  }
0x10: {  	s6 =	sshll.u32 s6, $0x8;
	s1 =	sadd.s32 s5, s1;
	[dreg:$0xd] =	wrdreg s20  }
0x11: {  	s5 =	smul.u32 $0x2800, s11;
	s12 =	simm.s32 $0x1000;
	[dreg:$0xe] =	wrdreg s21  }
0x12: {  	s13 =	simm.s32 $0x5000;
	s14 =	simm.s32 $0x1;
	[dreg:$0xf] =	wrdreg s22  }
0x13: {  	[dreg:$0x10] =	wrdreg s23;
	s16 =	simm.s32 $0x2;
	s17 =	simm.s32 $0x4  }
0x14: {  	s18 =	simm.s32 $0x480;
	s19 =	simm.s32 $0xC00;
	s20 =	simm.s32 $0x500  }
0x15: {  	s21 =	simm.s32 $0xC80;
	s22 =	simm.s32 $0x580;
	s23 =	simm.s32 $0xD00  }
0x16: {  	s25 =	sshrl.u32 s24, $0x1;
	s26 =	sshrl.u32 s10, $0x2;
	s7 =	sadd.s32 s6, s7  }
0x17: {  	s10 =	sshll.u32 s11, $0x6;
	s1 =	sadd.s32 s6, s1;
	s11 =	simm.s32 $0x80  }
0x18: {  	s0 =	sadd.s32 s8, s0;
	s8 =	ssub.s32 s24, s25;
	s9 =	sadd.s32 s26, s2  }
0x19: {  	s7 =	sadd.s32 $0x3000, s7;
	[dreg:$0x5] =	wrdreg s1;
	s24 =	simm.s32 $0xB00  }
0x1a: {  	s25 =	simm.s32 $0xB80;
	s26 =	simm.s32 $0x400;
	[dreg:$0x4] =	wrdreg s7  }
0x1b: {  	s1 =	simm.s32 $0xF00;
	s7 =	sor.u32 $0x1C05, s10;
	[dreg:$0x11] =	wrdreg s24  }
0x1c: {  	s0 =	sadd.s32 $0x36A00, s0;
	s15 =	smax.u32 s8, $0x1;
	[dreg:$0x12] =	wrdreg s25  }
0x1d: {  	s8 =	sshrl.u32 s9, $0x3;
	s9 =	simm.s32 $0x5;
	[dreg:$0x13] =	wrdreg s26  }
0x1e: {  	s10 =	simm.s32 $0x800;
	s25 =	simm.s32 $0x600;
	[dreg:$0x16] =	wrdreg s15  }
0x1f: {  	s26 =	simm.s32 $0xD80;
	s24 =	simm.s32 $0x0;
	[dreg:$0x15] =	wrdreg s7  }
0x20: {  	s15 =	simm.s32 $0x3;
	s0 =	sadd.s32 s5, s0;
	[dreg:$0x17] =	wrdreg s8  }
0x21: {  	s5 =	simm.s32 $0xF80;
	[dreg:$0x18] =	wrdreg s0;
	s0 =	simm.s32 $0x780  }
.LBB2_1:
0x22: {  	[dreg:$0x19] =	wrdreg s24  }
0x23: {  	s6 =	rddreg [dreg:$0x14]  }
0x24: {  	[spmem:s8], [sflag:s7] =	dma.local [hbm:s6], $0x2800  }
0x25: {  	_ =	swait.ge [sflag:s9], $0x2800  }
0x26: {  	[sflag:s9] =	ssyncset.done $0x0  }
0x27: {  	[sflag:s9] =	ssyncadd.s32 $0xFFFFD800  }
0x28: {  	[bflag:$0x0] =	sbarrier.arrive $0xFFFF  }
0x29: {  	s24 =	rddreg [dreg:$0x4]  }
0x2a: {  	s6 =	sadd.s32 $0x0, s24  }
0x2b: {  	[tilespmem:s3], [sflag:$0x5] =	stream.linear.gather [hbm4b:s6+s3], $0x800, $0x38;
	[tilespmem:$0x1D000] =	vst v63  }
0x2c: {  	_ =	swait.ge [sflag:s9], $0x800  }
0x2d: {  	s7 =	rddreg [dreg:$0x5];
	[sflag:s9] =	ssyncset.done $0x0  }
0x2e: {  	[sflag:s9] =	ssyncadd.s32 $0xFFFFF800;
	s6 =	sadd.s32 $0x0, s7  }
0x2f: {  	[tilespmem:s10], [sflag:$0x5] =	stream.linear.gather [hbm4b:s6+s3], $0x800, $0x38;
	[tilespmem:$0x1D000] =	vst v63  }
0x30: {  	_ =	swait.ge [sflag:s9], $0x800  }
0x31: {  	[sflag:s9] =	ssyncset.done $0x0  }
0x32: {  	[sflag:s9] =	ssyncadd.s32 $0xFFFFF800  }
0x33: {  	[tilespmem:s12], [sflag:$0x1] =	stream.indirect.gather [hbm4b:s4+s11], $0x80, s3, s11, $0xb8;
	[tilespmem:$0x1D000] =	vst v63  }
0x34: {  	_ = 	snop  }
0x35: {  	[tilespmem:s13], [sflag:$0x2] =	stream.indirect.gather [hbm4b:s4+s11], $0x80, s11, s11, $0xb8;
	[tilespmem:$0x1D000] =	vst v63  }
0x36: {  	_ =	swait.ge [sflag:s14], $0x4000  }
0x37: {  	[sflag:s14] =	ssyncset.done $0x0  }
0x38: {  	[sflag:s14] =	ssyncadd.s32 $0xFFFFC000  }
0x39: {  	[spmem:s2] =	stream.indirect.scatter.add.f32 [tilespmem:s12], [sflag:$0x3], $0x80, s10, s11, $0xb8;
	[tilespmem:$0x1D000] =	vst v63  }
0x3a: {  	_ =	swait.ge [sflag:s15], $0x4000  }
0x3b: {  	[sflag:s15] =	ssyncset.done $0x0  }
0x3c: {  	s8 =	rddreg [dreg:$0x6];
	[sflag:s15] =	ssyncadd.s32 $0xFFFFC000  }
0x3d: {  	[tilespmem:s12], [sflag:$0x1] =	stream.indirect.gather [hbm4b:s4+s11], $0x80, s8, s11, $0xb8;
	[tilespmem:$0x1D000] =	vst v63  }
0x3e: {  	_ =	swait.ge [sflag:s16], $0x4000  }
0x3f: {  	[sflag:s16] =	ssyncset.done $0x0  }
0x40: {  	s24 =	rddreg [dreg:$0x7];
	[sflag:s16] =	ssyncadd.s32 $0xFFFFC000  }
0x41: {  	[spmem:s2] =	stream.indirect.scatter.add.f32 [tilespmem:s13], [sflag:$0x4], $0x80, s24, s11, $0xb8;
	[tilespmem:$0x1D000] =	vst v63  }
0x42: {  	_ =	swait.ge [sflag:s17], $0x4000  }
0x43: {  	[sflag:s17] =	ssyncset.done $0x0  }
0x44: {  	s7 =	rddreg [dreg:$0x8];
	[sflag:s17] =	ssyncadd.s32 $0xFFFFC000  }
0x45: {  	[tilespmem:s13], [sflag:$0x2] =	stream.indirect.gather [hbm4b:s4+s11], $0x80, s7, s11, $0xb8;
	[tilespmem:$0x1D000] =	vst v63  }
0x46: {  	_ =	swait.ge [sflag:s14], $0x4000  }
0x47: {  	[sflag:s14] =	ssyncset.done $0x0  }
0x48: {  	s8 =	rddreg [dreg:$0x9];
	[sflag:s14] =	ssyncadd.s32 $0xFFFFC000  }
0x49: {  	[spmem:s2] =	stream.indirect.scatter.add.f32 [tilespmem:s12], [sflag:$0x3], $0x80, s8, s11, $0xb8;
	[tilespmem:$0x1D000] =	vst v63  }
0x4a: {  	_ =	swait.ge [sflag:s15], $0x4000  }
0x4b: {  	[sflag:s15] =	ssyncset.done $0x0  }
0x4c: {  	s24 =	rddreg [dreg:$0xa];
	[sflag:s15] =	ssyncadd.s32 $0xFFFFC000  }
0x4d: {  	[tilespmem:s12], [sflag:$0x1] =	stream.indirect.gather [hbm4b:s4+s11], $0x80, s24, s11, $0xb8;
	[tilespmem:$0x1D000] =	vst v63  }
0x4e: {  	_ =	swait.ge [sflag:s16], $0x4000  }
0x4f: {  	[sflag:s16] =	ssyncset.done $0x0  }
0x50: {  	s7 =	rddreg [dreg:$0xb];
	[sflag:s16] =	ssyncadd.s32 $0xFFFFC000  }
0x51: {  	[spmem:s2] =	stream.indirect.scatter.add.f32 [tilespmem:s13], [sflag:$0x4], $0x80, s7, s11, $0xb8;
	[tilespmem:$0x1D000] =	vst v63  }
0x52: {  	_ =	swait.ge [sflag:s17], $0x4000  }
0x53: {  	[sflag:s17] =	ssyncset.done $0x0  }
0x54: {  	s8 =	rddreg [dreg:$0xc];
	[sflag:s17] =	ssyncadd.s32 $0xFFFFC000  }
0x55: {  	[tilespmem:s13], [sflag:$0x2] =	stream.indirect.gather [hbm4b:s4+s11], $0x80, s8, s11, $0xb8;
	[tilespmem:$0x1D000] =	vst v63  }
0x56: {  	_ =	swait.ge [sflag:s14], $0x4000  }
0x57: {  	[sflag:s14] =	ssyncset.done $0x0  }
0x58: {  	s24 =	rddreg [dreg:$0xd];
	[sflag:s14] =	ssyncadd.s32 $0xFFFFC000  }
0x59: {  	[spmem:s2] =	stream.indirect.scatter.add.f32 [tilespmem:s12], [sflag:$0x3], $0x80, s24, s11, $0xb8;
	[tilespmem:$0x1D000] =	vst v63  }
0x5a: {  	_ =	swait.ge [sflag:s15], $0x4000  }
0x5b: {  	[sflag:s15] =	ssyncset.done $0x0  }
0x5c: {  	s7 =	rddreg [dreg:$0xe];
	[sflag:s15] =	ssyncadd.s32 $0xFFFFC000  }
0x5d: {  	[tilespmem:s12], [sflag:$0x1] =	stream.indirect.gather [hbm4b:s4+s11], $0x80, s7, s11, $0xb8;
	[tilespmem:$0x1D000] =	vst v63  }
0x5e: {  	_ =	swait.ge [sflag:s16], $0x4000  }
0x5f: {  	[sflag:s16] =	ssyncset.done $0x0  }
0x60: {  	s8 =	rddreg [dreg:$0xf];
	[sflag:s16] =	ssyncadd.s32 $0xFFFFC000  }
0x61: {  	[spmem:s2] =	stream.indirect.scatter.add.f32 [tilespmem:s13], [sflag:$0x4], $0x80, s8, s11, $0xb8;
	[tilespmem:$0x1D000] =	vst v63  }
0x62: {  	_ =	swait.ge [sflag:s17], $0x4000  }
0x63: {  	[sflag:s17] =	ssyncset.done $0x0  }
0x64: {  	s24 =	rddreg [dreg:$0x10];
	[sflag:s17] =	ssyncadd.s32 $0xFFFFC000  }
0x65: {  	[tilespmem:s13], [sflag:$0x2] =	stream.indirect.gather [hbm4b:s4+s11], $0x80, s24, s11, $0xb8;
	[tilespmem:$0x1D000] =	vst v63  }
0x66: {  	_ =	swait.ge [sflag:s14], $0x4000  }
0x67: {  	[sflag:s14] =	ssyncset.done $0x0  }
0x68: {  	s7 =	rddreg [dreg:$0x11];
	[sflag:s14] =	ssyncadd.s32 $0xFFFFC000  }
0x69: {  	[spmem:s2] =	stream.indirect.scatter.add.f32 [tilespmem:s12], [sflag:$0x3], $0x80, s7, s11, $0xb8;
	[tilespmem:$0x1D000] =	vst v63  }
0x6a: {  	_ =	swait.ge [sflag:s16], $0x4000  }
0x6b: {  	[sflag:s16] =	ssyncset.done $0x0  }
0x6c: {  	s8 =	rddreg [dreg:$0x12];
	[sflag:s16] =	ssyncadd.s32 $0xFFFFC000  }
0x6d: {  	[spmem:s2] =	stream.indirect.scatter.add.f32 [tilespmem:s13], [sflag:$0x4], $0x80, s8, s11, $0xb8;
	[tilespmem:$0x1D000] =	vst v63  }
0x6e: {  	_ =	swait.ge [sflag:s15], $0x4000  }
0x6f: {  	[sflag:s15] =	ssyncset.done $0x0  }
0x70: {  	[sflag:s15] =	ssyncadd.s32 $0xFFFFC000  }
0x71: {  	_ =	swait.ge [sflag:s17], $0x4000  }
0x72: {  	[sflag:s17] =	ssyncset.done $0x0  }
0x73: {  	s24 =	rddreg [dreg:$0x13];
	[sflag:s17] =	ssyncadd.s32 $0xFFFFC000  }
0x74: {  	[tilespmem:s12], [sflag:$0x1] =	stream.indirect.gather [hbm4b:s4+s11], $0x80, s24, s11, $0xb8;
	[tilespmem:$0x1D000] =	vst v63  }
0x75: {  	_ = 	snop  }
0x76: {  	[tilespmem:s13], [sflag:$0x2] =	stream.indirect.gather [hbm4b:s4+s11], $0x80, s18, s11, $0xb8;
	[tilespmem:$0x1D000] =	vst v63  }
0x77: {  	_ =	swait.ge [sflag:s14], $0x4000  }
0x78: {  	[sflag:s14] =	ssyncset.done $0x0  }
0x79: {  	[sflag:s14] =	ssyncadd.s32 $0xFFFFC000  }
0x7a: {  	[spmem:s2] =	stream.indirect.scatter.add.f32 [tilespmem:s12], [sflag:$0x3], $0x80, s19, s11, $0xb8;
	[tilespmem:$0x1D000] =	vst v63  }
0x7b: {  	_ =	swait.ge [sflag:s15], $0x4000  }
0x7c: {  	[sflag:s15] =	ssyncset.done $0x0  }
0x7d: {  	[sflag:s15] =	ssyncadd.s32 $0xFFFFC000  }
0x7e: {  	[tilespmem:s12], [sflag:$0x1] =	stream.indirect.gather [hbm4b:s4+s11], $0x80, s20, s11, $0xb8;
	[tilespmem:$0x1D000] =	vst v63  }
0x7f: {  	_ =	swait.ge [sflag:s16], $0x4000  }
0x80: {  	[sflag:s16] =	ssyncset.done $0x0  }
0x81: {  	[sflag:s16] =	ssyncadd.s32 $0xFFFFC000  }
0x82: {  	[spmem:s2] =	stream.indirect.scatter.add.f32 [tilespmem:s13], [sflag:$0x4], $0x80, s21, s11, $0xb8;
	[tilespmem:$0x1D000] =	vst v63  }
0x83: {  	_ =	swait.ge [sflag:s17], $0x4000  }
0x84: {  	[sflag:s17] =	ssyncset.done $0x0  }
0x85: {  	[sflag:s17] =	ssyncadd.s32 $0xFFFFC000  }
0x86: {  	[tilespmem:s13], [sflag:$0x2] =	stream.indirect.gather [hbm4b:s4+s11], $0x80, s22, s11, $0xb8;
	[tilespmem:$0x1D000] =	vst v63  }
0x87: {  	_ =	swait.ge [sflag:s14], $0x4000  }
0x88: {  	[sflag:s14] =	ssyncset.done $0x0  }
0x89: {  	[sflag:s14] =	ssyncadd.s32 $0xFFFFC000  }
0x8a: {  	[spmem:s2] =	stream.indirect.scatter.add.f32 [tilespmem:s12], [sflag:$0x3], $0x80, s23, s11, $0xb8;
	[tilespmem:$0x1D000] =	vst v63  }
0x8b: {  	_ =	swait.ge [sflag:s15], $0x4000  }
0x8c: {  	[sflag:s15] =	ssyncset.done $0x0  }
0x8d: {  	[sflag:s15] =	ssyncadd.s32 $0xFFFFC000  }
0x8e: {  	[tilespmem:s12], [sflag:$0x1] =	stream.indirect.gather [hbm4b:s4+s11], $0x80, s25, s11, $0xb8;
	[tilespmem:$0x1D000] =	vst v63  }
0x8f: {  	_ =	swait.ge [sflag:s16], $0x4000  }
0x90: {  	[sflag:s16] =	ssyncset.done $0x0  }
0x91: {  	[sflag:s16] =	ssyncadd.s32 $0xFFFFC000  }
0x92: {  	[spmem:s2] =	stream.indirect.scatter.add.f32 [tilespmem:s13], [sflag:$0x4], $0x80, s26, s11, $0xb8;
	[tilespmem:$0x1D000] =	vst v63  }
0x93: {  	_ =	swait.ge [sflag:s17], $0x4000  }
0x94: {  	[sflag:s17] =	ssyncset.done $0x0  }
0x95: {  	[sflag:s17] =	ssyncadd.s32 $0xFFFFC000  }
0x96: {  	[tilespmem:s13], [sflag:$0x2] =	stream.indirect.gather [hbm4b:s4+s11], $0x80, s28, s11, $0xb8;
	[tilespmem:$0x1D000] =	vst v63  }
0x97: {  	_ =	swait.ge [sflag:s14], $0x4000  }
0x98: {  	[sflag:s14] =	ssyncset.done $0x0  }
0x99: {  	[sflag:s14] =	ssyncadd.s32 $0xFFFFC000  }
0x9a: {  	[spmem:s2] =	stream.indirect.scatter.add.f32 [tilespmem:s12], [sflag:$0x3], $0x80, s29, s11, $0xb8;
	[tilespmem:$0x1D000] =	vst v63  }
0x9b: {  	_ =	swait.ge [sflag:s15], $0x4000  }
0x9c: {  	[sflag:s15] =	ssyncset.done $0x0  }
0x9d: {  	[sflag:s15] =	ssyncadd.s32 $0xFFFFC000  }
0x9e: {  	[tilespmem:s12], [sflag:$0x1] =	stream.indirect.gather [hbm4b:s4+s11], $0x80, s30, s11, $0xb8;
	[tilespmem:$0x1D000] =	vst v63  }
0x9f: {  	_ =	swait.ge [sflag:s16], $0x4000  }
0xa0: {  	[sflag:s16] =	ssyncset.done $0x0  }
0xa1: {  	[sflag:s16] =	ssyncadd.s32 $0xFFFFC000  }
0xa2: {  	[spmem:s2] =	stream.indirect.scatter.add.f32 [tilespmem:s13], [sflag:$0x4], $0x80, s31, s11, $0xb8;
	[tilespmem:$0x1D000] =	vst v63  }
0xa3: {  	_ =	swait.ge [sflag:s17], $0x4000  }
0xa4: {  	[sflag:s17] =	ssyncset.done $0x0  }
0xa5: {  	[sflag:s17] =	ssyncadd.s32 $0xFFFFC000  }
0xa6: {  	[tilespmem:s13], [sflag:$0x2] =	stream.indirect.gather [hbm4b:s4+s11], $0x80, s0, s11, $0xb8;
	[tilespmem:$0x1D000] =	vst v63  }
0xa7: {  	_ =	swait.ge [sflag:s14], $0x4000  }
0xa8: {  	[sflag:s14] =	ssyncset.done $0x0  }
0xa9: {  	[sflag:s14] =	ssyncadd.s32 $0xFFFFC000  }
0xaa: {  	[spmem:s2] =	stream.indirect.scatter.add.f32 [tilespmem:s12], [sflag:$0x3], $0x80, s1, s11, $0xb8;
	[tilespmem:$0x1D000] =	vst v63  }
0xab: {  	_ =	swait.ge [sflag:s16], $0x4000  }
0xac: {  	[sflag:s16] =	ssyncset.done $0x0  }
0xad: {  	[sflag:s16] =	ssyncadd.s32 $0xFFFFC000  }
0xae: {  	[spmem:s2] =	stream.indirect.scatter.add.f32 [tilespmem:s13], [sflag:$0x4], $0x80, s5, s11, $0xb8;
	[tilespmem:$0x1D000] =	vst v63  }
0xaf: {  	_ =	swait.ge [sflag:s15], $0x4000  }
0xb0: {  	[sflag:s15] =	ssyncset.done $0x0  }
0xb1: {  	[sflag:s15] =	ssyncadd.s32 $0xFFFFC000  }
0xb2: {  	s6 =	simm.s32 $0x4000;
	_ =	swait.ge [sflag:s17], $0x4000  }
0xb3: {  	s24 =	simm.s32 $0x2000;
	s8 =	rddreg [dreg:$0x4];
	[sflag:s17] =	ssyncset.done $0x0  }
.LBB2_2:
0xb4: {  	[sflag:s17] =	ssyncadd.s32 $0xFFFFC000;
	s8 =	sadd.s32 s24, s8  }
0xb5: {  	[tilespmem:s3], [sflag:$0x5] =	stream.linear.gather [hbm4b:s8+s3], $0x800, $0x38;
	[tilespmem:$0x1D000] =	vst v63  }
0xb6: {  	_ =	swait.ge [sflag:s9], $0x800  }
0xb7: {  	s8 =	rddreg [dreg:$0x5];
	[sflag:s9] =	ssyncset.done $0x0  }
0xb8: {  	[sflag:s9] =	ssyncadd.s32 $0xFFFFF800;
	s8 =	sadd.s32 s24, s8  }
0xb9: {  	[tilespmem:s10], [sflag:$0x5] =	stream.linear.gather [hbm4b:s8+s3], $0x800, $0x38;
	[tilespmem:$0x1D000] =	vst v63  }
0xba: {  	_ =	swait.ge [sflag:s9], $0x800  }
0xbb: {  	[sflag:s9] =	ssyncset.done $0x0  }
0xbc: {  	[sflag:s9] =	ssyncadd.s32 $0xFFFFF800  }
0xbd: {  	[tilespmem:s12], [sflag:$0x1] =	stream.indirect.gather [hbm4b:s4+s11], $0x80, s3, s11, $0xb8;
	[tilespmem:$0x1D000] =	vst v63  }
0xbe: {  	_ = 	snop  }
0xbf: {  	[tilespmem:s13], [sflag:$0x2] =	stream.indirect.gather [hbm4b:s4+s11], $0x80, s11, s11, $0xb8;
	[tilespmem:$0x1D000] =	vst v63  }
0xc0: {  	_ =	swait.ge [sflag:s14], $0x4000  }
0xc1: {  	[sflag:s14] =	ssyncset.done $0x0  }
0xc2: {  	[sflag:s14] =	ssyncadd.s32 $0xFFFFC000  }
0xc3: {  	[spmem:s2] =	stream.indirect.scatter.add.f32 [tilespmem:s12], [sflag:$0x3], $0x80, s10, s11, $0xb8;
	[tilespmem:$0x1D000] =	vst v63  }
0xc4: {  	_ =	swait.ge [sflag:s15], $0x4000  }
0xc5: {  	[sflag:s15] =	ssyncset.done $0x0  }
0xc6: {  	s8 =	rddreg [dreg:$0x6];
	[sflag:s15] =	ssyncadd.s32 $0xFFFFC000  }
0xc7: {  	[tilespmem:s12], [sflag:$0x1] =	stream.indirect.gather [hbm4b:s4+s11], $0x80, s8, s11, $0xb8;
	[tilespmem:$0x1D000] =	vst v63  }
0xc8: {  	_ =	swait.ge [sflag:s16], $0x4000  }
0xc9: {  	[sflag:s16] =	ssyncset.done $0x0  }
0xca: {  	s8 =	rddreg [dreg:$0x7];
	[sflag:s16] =	ssyncadd.s32 $0xFFFFC000  }
0xcb: {  	[spmem:s2] =	stream.indirect.scatter.add.f32 [tilespmem:s13], [sflag:$0x4], $0x80, s8, s11, $0xb8;
	[tilespmem:$0x1D000] =	vst v63  }
0xcc: {  	_ =	swait.ge [sflag:s17], $0x4000  }
0xcd: {  	[sflag:s17] =	ssyncset.done $0x0  }
0xce: {  	s8 =	rddreg [dreg:$0x8];
	[sflag:s17] =	ssyncadd.s32 $0xFFFFC000  }
0xcf: {  	[tilespmem:s13], [sflag:$0x2] =	stream.indirect.gather [hbm4b:s4+s11], $0x80, s8, s11, $0xb8;
	[tilespmem:$0x1D000] =	vst v63  }
0xd0: {  	_ =	swait.ge [sflag:s14], $0x4000  }
0xd1: {  	[sflag:s14] =	ssyncset.done $0x0  }
0xd2: {  	s8 =	rddreg [dreg:$0x9];
	[sflag:s14] =	ssyncadd.s32 $0xFFFFC000  }
0xd3: {  	[spmem:s2] =	stream.indirect.scatter.add.f32 [tilespmem:s12], [sflag:$0x3], $0x80, s8, s11, $0xb8;
	[tilespmem:$0x1D000] =	vst v63  }
0xd4: {  	_ =	swait.ge [sflag:s15], $0x4000  }
0xd5: {  	[sflag:s15] =	ssyncset.done $0x0  }
0xd6: {  	s8 =	rddreg [dreg:$0xa];
	[sflag:s15] =	ssyncadd.s32 $0xFFFFC000  }
0xd7: {  	[tilespmem:s12], [sflag:$0x1] =	stream.indirect.gather [hbm4b:s4+s11], $0x80, s8, s11, $0xb8;
	[tilespmem:$0x1D000] =	vst v63  }
0xd8: {  	_ =	swait.ge [sflag:s16], $0x4000  }
0xd9: {  	[sflag:s16] =	ssyncset.done $0x0  }
0xda: {  	s8 =	rddreg [dreg:$0xb];
	[sflag:s16] =	ssyncadd.s32 $0xFFFFC000  }
0xdb: {  	[spmem:s2] =	stream.indirect.scatter.add.f32 [tilespmem:s13], [sflag:$0x4], $0x80, s8, s11, $0xb8;
	[tilespmem:$0x1D000] =	vst v63  }
0xdc: {  	_ =	swait.ge [sflag:s17], $0x4000  }
0xdd: {  	[sflag:s17] =	ssyncset.done $0x0  }
0xde: {  	s8 =	rddreg [dreg:$0xc];
	[sflag:s17] =	ssyncadd.s32 $0xFFFFC000  }
0xdf: {  	[tilespmem:s13], [sflag:$0x2] =	stream.indirect.gather [hbm4b:s4+s11], $0x80, s8, s11, $0xb8;
	[tilespmem:$0x1D000] =	vst v63  }
0xe0: {  	_ =	swait.ge [sflag:s14], $0x4000  }
0xe1: {  	[sflag:s14] =	ssyncset.done $0x0  }
0xe2: {  	s8 =	rddreg [dreg:$0xd];
	[sflag:s14] =	ssyncadd.s32 $0xFFFFC000  }
0xe3: {  	[spmem:s2] =	stream.indirect.scatter.add.f32 [tilespmem:s12], [sflag:$0x3], $0x80, s8, s11, $0xb8;
	[tilespmem:$0x1D000] =	vst v63  }
0xe4: {  	_ =	swait.ge [sflag:s15], $0x4000  }
0xe5: {  	[sflag:s15] =	ssyncset.done $0x0  }
0xe6: {  	s8 =	rddreg [dreg:$0xe];
	[sflag:s15] =	ssyncadd.s32 $0xFFFFC000  }
0xe7: {  	[tilespmem:s12], [sflag:$0x1] =	stream.indirect.gather [hbm4b:s4+s11], $0x80, s8, s11, $0xb8;
	[tilespmem:$0x1D000] =	vst v63  }
0xe8: {  	_ =	swait.ge [sflag:s16], $0x4000  }
0xe9: {  	[sflag:s16] =	ssyncset.done $0x0  }
0xea: {  	s8 =	rddreg [dreg:$0xf];
	[sflag:s16] =	ssyncadd.s32 $0xFFFFC000  }
0xeb: {  	[spmem:s2] =	stream.indirect.scatter.add.f32 [tilespmem:s13], [sflag:$0x4], $0x80, s8, s11, $0xb8;
	[tilespmem:$0x1D000] =	vst v63  }
0xec: {  	_ =	swait.ge [sflag:s17], $0x4000  }
0xed: {  	[sflag:s17] =	ssyncset.done $0x0  }
0xee: {  	s8 =	rddreg [dreg:$0x10];
	[sflag:s17] =	ssyncadd.s32 $0xFFFFC000  }
0xef: {  	[tilespmem:s13], [sflag:$0x2] =	stream.indirect.gather [hbm4b:s4+s11], $0x80, s8, s11, $0xb8;
	[tilespmem:$0x1D000] =	vst v63  }
0xf0: {  	_ =	swait.ge [sflag:s14], $0x4000  }
0xf1: {  	[sflag:s14] =	ssyncset.done $0x0  }
0xf2: {  	s8 =	rddreg [dreg:$0x11];
	[sflag:s14] =	ssyncadd.s32 $0xFFFFC000  }
0xf3: {  	[spmem:s2] =	stream.indirect.scatter.add.f32 [tilespmem:s12], [sflag:$0x3], $0x80, s8, s11, $0xb8;
	[tilespmem:$0x1D000] =	vst v63  }
0xf4: {  	_ =	swait.ge [sflag:s16], $0x4000  }
0xf5: {  	[sflag:s16] =	ssyncset.done $0x0  }
0xf6: {  	s8 =	rddreg [dreg:$0x12];
	[sflag:s16] =	ssyncadd.s32 $0xFFFFC000  }
0xf7: {  	[spmem:s2] =	stream.indirect.scatter.add.f32 [tilespmem:s13], [sflag:$0x4], $0x80, s8, s11, $0xb8;
	[tilespmem:$0x1D000] =	vst v63  }
0xf8: {  	_ =	swait.ge [sflag:s15], $0x4000  }
0xf9: {  	[sflag:s15] =	ssyncset.done $0x0  }
0xfa: {  	[sflag:s15] =	ssyncadd.s32 $0xFFFFC000  }
0xfb: {  	_ =	swait.ge [sflag:s17], $0x4000  }
0xfc: {  	[sflag:s17] =	ssyncset.done $0x0  }
0xfd: {  	s8 =	rddreg [dreg:$0x13];
	[sflag:s17] =	ssyncadd.s32 $0xFFFFC000  }
0xfe: {  	[tilespmem:s12], [sflag:$0x1] =	stream.indirect.gather [hbm4b:s4+s11], $0x80, s8, s11, $0xb8;
	[tilespmem:$0x1D000] =	vst v63  }
0xff: {  	_ = 	snop  }
0x100: {  	[tilespmem:s13], [sflag:$0x2] =	stream.indirect.gather [hbm4b:s4+s11], $0x80, s18, s11, $0xb8;
	[tilespmem:$0x1D000] =	vst v63  }
0x101: {  	_ =	swait.ge [sflag:s14], $0x4000  }
0x102: {  	[sflag:s14] =	ssyncset.done $0x0  }
0x103: {  	[sflag:s14] =	ssyncadd.s32 $0xFFFFC000  }
0x104: {  	[spmem:s2] =	stream.indirect.scatter.add.f32 [tilespmem:s12], [sflag:$0x3], $0x80, s19, s11, $0xb8;
	[tilespmem:$0x1D000] =	vst v63  }
0x105: {  	_ =	swait.ge [sflag:s15], $0x4000  }
0x106: {  	[sflag:s15] =	ssyncset.done $0x0  }
0x107: {  	[sflag:s15] =	ssyncadd.s32 $0xFFFFC000  }
0x108: {  	[tilespmem:s12], [sflag:$0x1] =	stream.indirect.gather [hbm4b:s4+s11], $0x80, s20, s11, $0xb8;
	[tilespmem:$0x1D000] =	vst v63  }
0x109: {  	_ =	swait.ge [sflag:s16], $0x4000  }
0x10a: {  	[sflag:s16] =	ssyncset.done $0x0  }
0x10b: {  	[sflag:s16] =	ssyncadd.s32 $0xFFFFC000  }
0x10c: {  	[spmem:s2] =	stream.indirect.scatter.add.f32 [tilespmem:s13], [sflag:$0x4], $0x80, s21, s11, $0xb8;
	[tilespmem:$0x1D000] =	vst v63  }
0x10d: {  	_ =	swait.ge [sflag:s17], $0x4000  }
0x10e: {  	[sflag:s17] =	ssyncset.done $0x0  }
0x10f: {  	[sflag:s17] =	ssyncadd.s32 $0xFFFFC000  }
0x110: {  	[tilespmem:s13], [sflag:$0x2] =	stream.indirect.gather [hbm4b:s4+s11], $0x80, s22, s11, $0xb8;
	[tilespmem:$0x1D000] =	vst v63  }
0x111: {  	_ =	swait.ge [sflag:s14], $0x4000  }
0x112: {  	[sflag:s14] =	ssyncset.done $0x0  }
0x113: {  	[sflag:s14] =	ssyncadd.s32 $0xFFFFC000  }
0x114: {  	[spmem:s2] =	stream.indirect.scatter.add.f32 [tilespmem:s12], [sflag:$0x3], $0x80, s23, s11, $0xb8;
	[tilespmem:$0x1D000] =	vst v63  }
0x115: {  	_ =	swait.ge [sflag:s15], $0x4000  }
0x116: {  	[sflag:s15] =	ssyncset.done $0x0  }
0x117: {  	[sflag:s15] =	ssyncadd.s32 $0xFFFFC000  }
0x118: {  	[tilespmem:s12], [sflag:$0x1] =	stream.indirect.gather [hbm4b:s4+s11], $0x80, s25, s11, $0xb8;
	[tilespmem:$0x1D000] =	vst v63  }
0x119: {  	_ =	swait.ge [sflag:s16], $0x4000  }
0x11a: {  	[sflag:s16] =	ssyncset.done $0x0  }
0x11b: {  	[sflag:s16] =	ssyncadd.s32 $0xFFFFC000  }
0x11c: {  	[spmem:s2] =	stream.indirect.scatter.add.f32 [tilespmem:s13], [sflag:$0x4], $0x80, s26, s11, $0xb8;
	[tilespmem:$0x1D000] =	vst v63  }
0x11d: {  	_ =	swait.ge [sflag:s17], $0x4000  }
0x11e: {  	[sflag:s17] =	ssyncset.done $0x0  }
0x11f: {  	[sflag:s17] =	ssyncadd.s32 $0xFFFFC000  }
0x120: {  	[tilespmem:s13], [sflag:$0x2] =	stream.indirect.gather [hbm4b:s4+s11], $0x80, s28, s11, $0xb8;
	[tilespmem:$0x1D000] =	vst v63  }
0x121: {  	_ =	swait.ge [sflag:s14], $0x4000  }
0x122: {  	[sflag:s14] =	ssyncset.done $0x0  }
0x123: {  	[sflag:s14] =	ssyncadd.s32 $0xFFFFC000  }
0x124: {  	[spmem:s2] =	stream.indirect.scatter.add.f32 [tilespmem:s12], [sflag:$0x3], $0x80, s29, s11, $0xb8;
	[tilespmem:$0x1D000] =	vst v63  }
0x125: {  	_ =	swait.ge [sflag:s15], $0x4000  }
0x126: {  	[sflag:s15] =	ssyncset.done $0x0  }
0x127: {  	[sflag:s15] =	ssyncadd.s32 $0xFFFFC000  }
0x128: {  	[tilespmem:s12], [sflag:$0x1] =	stream.indirect.gather [hbm4b:s4+s11], $0x80, s30, s11, $0xb8;
	[tilespmem:$0x1D000] =	vst v63  }
0x129: {  	_ =	swait.ge [sflag:s16], $0x4000  }
0x12a: {  	[sflag:s16] =	ssyncset.done $0x0  }
0x12b: {  	[sflag:s16] =	ssyncadd.s32 $0xFFFFC000  }
0x12c: {  	[spmem:s2] =	stream.indirect.scatter.add.f32 [tilespmem:s13], [sflag:$0x4], $0x80, s31, s11, $0xb8;
	[tilespmem:$0x1D000] =	vst v63  }
0x12d: {  	_ =	swait.ge [sflag:s17], $0x4000  }
0x12e: {  	[sflag:s17] =	ssyncset.done $0x0  }
0x12f: {  	[sflag:s17] =	ssyncadd.s32 $0xFFFFC000  }
0x130: {  	[tilespmem:s13], [sflag:$0x2] =	stream.indirect.gather [hbm4b:s4+s11], $0x80, s0, s11, $0xb8;
	[tilespmem:$0x1D000] =	vst v63  }
0x131: {  	_ =	swait.ge [sflag:s14], $0x4000  }
0x132: {  	[sflag:s14] =	ssyncset.done $0x0  }
0x133: {  	[sflag:s14] =	ssyncadd.s32 $0xFFFFC000  }
0x134: {  	[spmem:s2] =	stream.indirect.scatter.add.f32 [tilespmem:s12], [sflag:$0x3], $0x80, s1, s11, $0xb8;
	[tilespmem:$0x1D000] =	vst v63  }
0x135: {  	_ =	swait.ge [sflag:s16], $0x4000  }
0x136: {  	[sflag:s16] =	ssyncset.done $0x0  }
0x137: {  	p0 =	sne.s32 s6, $0x8000;
	[sflag:s16] =	ssyncadd.s32 $0xFFFFC000  }
0x138: {  	[spmem:s2] =	stream.indirect.scatter.add.f32 [tilespmem:s13], [sflag:$0x4], $0x80, s5, s11, $0xb8;
	[tilespmem:$0x1D000] =	vst v63  }
.Ltmp0:
0x139: {  	_ =	swait.ge [sflag:s15], $0x4000;
	(pc) =	sbr.rel @p0 .LBB2_2-.Ltmp0, $4  }
0x13a: {  	[sflag:s15] =	ssyncset.done $0x0  }
0x13b: {  	[sflag:s15] =	ssyncadd.s32 $0xFFFFC000  }
0x13c: {  	s7 =	smov.u32 s6;
	s6 =	sadd.s32 $0x2000, s6;
	_ =	swait.ge [sflag:s17], $0x4000  }
0x13d: {  	s24 =	smov.u32 s7;
	s8 =	rddreg [dreg:$0x4];
	[sflag:s17] =	ssyncset.done $0x0  }
0x13e: {  	[sflag:s17] =	ssyncadd.s32 $0xFFFFC000;
	s6 =	sadd.s32 s24, s8  }
0x13f: {  	[tilespmem:s3], [sflag:$0x5] =	stream.linear.gather [hbm4b:s6+s3], $0x800, $0x38;
	[tilespmem:$0x1D000] =	vst v63  }
0x140: {  	_ =	swait.ge [sflag:s9], $0x800  }
0x141: {  	s8 =	rddreg [dreg:$0x5];
	[sflag:s9] =	ssyncset.done $0x0  }
0x142: {  	s6 =	sadd.s32 s24, s8;
	[sflag:s9] =	ssyncadd.s32 $0xFFFFF800  }
0x143: {  	[tilespmem:s10], [sflag:$0x5] =	stream.linear.gather [hbm4b:s6+s3], $0x800, $0x38;
	[tilespmem:$0x1D000] =	vst v63  }
0x144: {  	_ =	swait.ge [sflag:s9], $0x800  }
0x145: {  	[sflag:s9] =	ssyncset.done $0x0  }
0x146: {  	[sflag:s9] =	ssyncadd.s32 $0xFFFFF800  }
0x147: {  	[tilespmem:s12], [sflag:$0x1] =	stream.indirect.gather [hbm4b:s4+s11], $0x80, s3, s11, $0xb8;
	[tilespmem:$0x1D000] =	vst v63  }
0x148: {  	_ = 	snop  }
0x149: {  	[tilespmem:s13], [sflag:$0x2] =	stream.indirect.gather [hbm4b:s4+s11], $0x80, s11, s11, $0xb8;
	[tilespmem:$0x1D000] =	vst v63  }
0x14a: {  	_ =	swait.ge [sflag:s14], $0x4000  }
0x14b: {  	[sflag:s14] =	ssyncset.done $0x0  }
0x14c: {  	[sflag:s14] =	ssyncadd.s32 $0xFFFFC000  }
0x14d: {  	[spmem:s2] =	stream.indirect.scatter.add.f32 [tilespmem:s12], [sflag:$0x3], $0x80, s10, s11, $0xb8;
	[tilespmem:$0x1D000] =	vst v63  }
0x14e: {  	_ =	swait.ge [sflag:s15], $0x4000  }
0x14f: {  	[sflag:s15] =	ssyncset.done $0x0  }
0x150: {  	s7 =	rddreg [dreg:$0x6];
	[sflag:s15] =	ssyncadd.s32 $0xFFFFC000  }
0x151: {  	[tilespmem:s12], [sflag:$0x1] =	stream.indirect.gather [hbm4b:s4+s11], $0x80, s7, s11, $0xb8;
	[tilespmem:$0x1D000] =	vst v63  }
0x152: {  	_ =	swait.ge [sflag:s16], $0x4000  }
0x153: {  	[sflag:s16] =	ssyncset.done $0x0  }
0x154: {  	s8 =	rddreg [dreg:$0x7];
	[sflag:s16] =	ssyncadd.s32 $0xFFFFC000  }
0x155: {  	[spmem:s2] =	stream.indirect.scatter.add.f32 [tilespmem:s13], [sflag:$0x4], $0x80, s8, s11, $0xb8;
	[tilespmem:$0x1D000] =	vst v63  }
0x156: {  	_ =	swait.ge [sflag:s17], $0x4000  }
0x157: {  	[sflag:s17] =	ssyncset.done $0x0  }
0x158: {  	s24 =	rddreg [dreg:$0x8];
	[sflag:s17] =	ssyncadd.s32 $0xFFFFC000  }
0x159: {  	[tilespmem:s13], [sflag:$0x2] =	stream.indirect.gather [hbm4b:s4+s11], $0x80, s24, s11, $0xb8;
	[tilespmem:$0x1D000] =	vst v63  }
0x15a: {  	_ =	swait.ge [sflag:s14], $0x4000  }
0x15b: {  	[sflag:s14] =	ssyncset.done $0x0  }
0x15c: {  	s7 =	rddreg [dreg:$0x9];
	[sflag:s14] =	ssyncadd.s32 $0xFFFFC000  }
0x15d: {  	[spmem:s2] =	stream.indirect.scatter.add.f32 [tilespmem:s12], [sflag:$0x3], $0x80, s7, s11, $0xb8;
	[tilespmem:$0x1D000] =	vst v63  }
0x15e: {  	_ =	swait.ge [sflag:s15], $0x4000  }
0x15f: {  	[sflag:s15] =	ssyncset.done $0x0  }
0x160: {  	s8 =	rddreg [dreg:$0xa];
	[sflag:s15] =	ssyncadd.s32 $0xFFFFC000  }
0x161: {  	[tilespmem:s12], [sflag:$0x1] =	stream.indirect.gather [hbm4b:s4+s11], $0x80, s8, s11, $0xb8;
	[tilespmem:$0x1D000] =	vst v63  }
0x162: {  	_ =	swait.ge [sflag:s16], $0x4000  }
0x163: {  	[sflag:s16] =	ssyncset.done $0x0  }
0x164: {  	s24 =	rddreg [dreg:$0xb];
	[sflag:s16] =	ssyncadd.s32 $0xFFFFC000  }
0x165: {  	[spmem:s2] =	stream.indirect.scatter.add.f32 [tilespmem:s13], [sflag:$0x4], $0x80, s24, s11, $0xb8;
	[tilespmem:$0x1D000] =	vst v63  }
0x166: {  	_ =	swait.ge [sflag:s17], $0x4000  }
0x167: {  	[sflag:s17] =	ssyncset.done $0x0  }
0x168: {  	s7 =	rddreg [dreg:$0xc];
	[sflag:s17] =	ssyncadd.s32 $0xFFFFC000  }
0x169: {  	[tilespmem:s13], [sflag:$0x2] =	stream.indirect.gather [hbm4b:s4+s11], $0x80, s7, s11, $0xb8;
	[tilespmem:$0x1D000] =	vst v63  }
0x16a: {  	_ =	swait.ge [sflag:s14], $0x4000  }
0x16b: {  	[sflag:s14] =	ssyncset.done $0x0  }
0x16c: {  	s8 =	rddreg [dreg:$0xd];
	[sflag:s14] =	ssyncadd.s32 $0xFFFFC000  }
0x16d: {  	[spmem:s2] =	stream.indirect.scatter.add.f32 [tilespmem:s12], [sflag:$0x3], $0x80, s8, s11, $0xb8;
	[tilespmem:$0x1D000] =	vst v63  }
0x16e: {  	_ =	swait.ge [sflag:s15], $0x4000  }
0x16f: {  	[sflag:s15] =	ssyncset.done $0x0  }
0x170: {  	s24 =	rddreg [dreg:$0xe];
	[sflag:s15] =	ssyncadd.s32 $0xFFFFC000  }
0x171: {  	[tilespmem:s12], [sflag:$0x1] =	stream.indirect.gather [hbm4b:s4+s11], $0x80, s24, s11, $0xb8;
	[tilespmem:$0x1D000] =	vst v63  }
0x172: {  	_ =	swait.ge [sflag:s16], $0x4000  }
0x173: {  	[sflag:s16] =	ssyncset.done $0x0  }
0x174: {  	s7 =	rddreg [dreg:$0xf];
	[sflag:s16] =	ssyncadd.s32 $0xFFFFC000  }
0x175: {  	[spmem:s2] =	stream.indirect.scatter.add.f32 [tilespmem:s13], [sflag:$0x4], $0x80, s7, s11, $0xb8;
	[tilespmem:$0x1D000] =	vst v63  }
0x176: {  	_ =	swait.ge [sflag:s17], $0x4000  }
0x177: {  	[sflag:s17] =	ssyncset.done $0x0  }
0x178: {  	s8 =	rddreg [dreg:$0x10];
	[sflag:s17] =	ssyncadd.s32 $0xFFFFC000  }
0x179: {  	[tilespmem:s13], [sflag:$0x2] =	stream.indirect.gather [hbm4b:s4+s11], $0x80, s8, s11, $0xb8;
	[tilespmem:$0x1D000] =	vst v63  }
0x17a: {  	_ =	swait.ge [sflag:s14], $0x4000  }
0x17b: {  	[sflag:s14] =	ssyncset.done $0x0  }
0x17c: {  	s24 =	rddreg [dreg:$0x11];
	[sflag:s14] =	ssyncadd.s32 $0xFFFFC000  }
0x17d: {  	[spmem:s2] =	stream.indirect.scatter.add.f32 [tilespmem:s12], [sflag:$0x3], $0x80, s24, s11, $0xb8;
	[tilespmem:$0x1D000] =	vst v63  }
0x17e: {  	_ =	swait.ge [sflag:s16], $0x4000  }
0x17f: {  	[sflag:s16] =	ssyncset.done $0x0  }
0x180: {  	s7 =	rddreg [dreg:$0x12];
	[sflag:s16] =	ssyncadd.s32 $0xFFFFC000  }
0x181: {  	[spmem:s2] =	stream.indirect.scatter.add.f32 [tilespmem:s13], [sflag:$0x4], $0x80, s7, s11, $0xb8;
	[tilespmem:$0x1D000] =	vst v63  }
0x182: {  	_ =	swait.ge [sflag:s15], $0x4000  }
0x183: {  	[sflag:s15] =	ssyncset.done $0x0  }
0x184: {  	[sflag:s15] =	ssyncadd.s32 $0xFFFFC000  }
0x185: {  	_ =	swait.ge [sflag:s17], $0x4000  }
0x186: {  	[sflag:s17] =	ssyncset.done $0x0  }
0x187: {  	s8 =	rddreg [dreg:$0x13];
	[sflag:s17] =	ssyncadd.s32 $0xFFFFC000  }
0x188: {  	[tilespmem:s12], [sflag:$0x1] =	stream.indirect.gather [hbm4b:s4+s11], $0x80, s8, s11, $0xb8;
	[tilespmem:$0x1D000] =	vst v63  }
0x189: {  	_ = 	snop  }
0x18a: {  	[tilespmem:s13], [sflag:$0x2] =	stream.indirect.gather [hbm4b:s4+s11], $0x80, s18, s11, $0xb8;
	[tilespmem:$0x1D000] =	vst v63  }
0x18b: {  	_ =	swait.ge [sflag:s14], $0x4000  }
0x18c: {  	[sflag:s14] =	ssyncset.done $0x0  }
0x18d: {  	[sflag:s14] =	ssyncadd.s32 $0xFFFFC000  }
0x18e: {  	[spmem:s2] =	stream.indirect.scatter.add.f32 [tilespmem:s12], [sflag:$0x3], $0x80, s19, s11, $0xb8;
	[tilespmem:$0x1D000] =	vst v63  }
0x18f: {  	_ =	swait.ge [sflag:s15], $0x4000  }
0x190: {  	[sflag:s15] =	ssyncset.done $0x0  }
0x191: {  	[sflag:s15] =	ssyncadd.s32 $0xFFFFC000  }
0x192: {  	[tilespmem:s12], [sflag:$0x1] =	stream.indirect.gather [hbm4b:s4+s11], $0x80, s20, s11, $0xb8;
	[tilespmem:$0x1D000] =	vst v63  }
0x193: {  	_ =	swait.ge [sflag:s16], $0x4000  }
0x194: {  	[sflag:s16] =	ssyncset.done $0x0  }
0x195: {  	[sflag:s16] =	ssyncadd.s32 $0xFFFFC000  }
0x196: {  	[spmem:s2] =	stream.indirect.scatter.add.f32 [tilespmem:s13], [sflag:$0x4], $0x80, s21, s11, $0xb8;
	[tilespmem:$0x1D000] =	vst v63  }
0x197: {  	_ =	swait.ge [sflag:s17], $0x4000  }
0x198: {  	[sflag:s17] =	ssyncset.done $0x0  }
0x199: {  	[sflag:s17] =	ssyncadd.s32 $0xFFFFC000  }
0x19a: {  	[tilespmem:s13], [sflag:$0x2] =	stream.indirect.gather [hbm4b:s4+s11], $0x80, s22, s11, $0xb8;
	[tilespmem:$0x1D000] =	vst v63  }
0x19b: {  	_ =	swait.ge [sflag:s14], $0x4000  }
0x19c: {  	[sflag:s14] =	ssyncset.done $0x0  }
0x19d: {  	[sflag:s14] =	ssyncadd.s32 $0xFFFFC000  }
0x19e: {  	[spmem:s2] =	stream.indirect.scatter.add.f32 [tilespmem:s12], [sflag:$0x3], $0x80, s23, s11, $0xb8;
	[tilespmem:$0x1D000] =	vst v63  }
0x19f: {  	_ =	swait.ge [sflag:s15], $0x4000  }
0x1a0: {  	[sflag:s15] =	ssyncset.done $0x0  }
0x1a1: {  	[sflag:s15] =	ssyncadd.s32 $0xFFFFC000  }
0x1a2: {  	[tilespmem:s12], [sflag:$0x1] =	stream.indirect.gather [hbm4b:s4+s11], $0x80, s25, s11, $0xb8;
	[tilespmem:$0x1D000] =	vst v63  }
0x1a3: {  	_ =	swait.ge [sflag:s16], $0x4000  }
0x1a4: {  	[sflag:s16] =	ssyncset.done $0x0  }
0x1a5: {  	[sflag:s16] =	ssyncadd.s32 $0xFFFFC000  }
0x1a6: {  	[spmem:s2] =	stream.indirect.scatter.add.f32 [tilespmem:s13], [sflag:$0x4], $0x80, s26, s11, $0xb8;
	[tilespmem:$0x1D000] =	vst v63  }
0x1a7: {  	_ =	swait.ge [sflag:s17], $0x4000  }
0x1a8: {  	[sflag:s17] =	ssyncset.done $0x0  }
0x1a9: {  	[sflag:s17] =	ssyncadd.s32 $0xFFFFC000  }
0x1aa: {  	[tilespmem:s13], [sflag:$0x2] =	stream.indirect.gather [hbm4b:s4+s11], $0x80, s28, s11, $0xb8;
	[tilespmem:$0x1D000] =	vst v63  }
0x1ab: {  	_ =	swait.ge [sflag:s14], $0x4000  }
0x1ac: {  	[sflag:s14] =	ssyncset.done $0x0  }
0x1ad: {  	[sflag:s14] =	ssyncadd.s32 $0xFFFFC000  }
0x1ae: {  	[spmem:s2] =	stream.indirect.scatter.add.f32 [tilespmem:s12], [sflag:$0x3], $0x80, s29, s11, $0xb8;
	[tilespmem:$0x1D000] =	vst v63  }
0x1af: {  	_ =	swait.ge [sflag:s15], $0x4000  }
0x1b0: {  	[sflag:s15] =	ssyncset.done $0x0  }
0x1b1: {  	[sflag:s15] =	ssyncadd.s32 $0xFFFFC000  }
0x1b2: {  	[tilespmem:s12], [sflag:$0x1] =	stream.indirect.gather [hbm4b:s4+s11], $0x80, s30, s11, $0xb8;
	[tilespmem:$0x1D000] =	vst v63  }
0x1b3: {  	_ =	swait.ge [sflag:s16], $0x4000  }
0x1b4: {  	[sflag:s16] =	ssyncset.done $0x0  }
0x1b5: {  	[sflag:s16] =	ssyncadd.s32 $0xFFFFC000  }
0x1b6: {  	[spmem:s2] =	stream.indirect.scatter.add.f32 [tilespmem:s13], [sflag:$0x4], $0x80, s31, s11, $0xb8;
	[tilespmem:$0x1D000] =	vst v63  }
0x1b7: {  	_ =	swait.ge [sflag:s17], $0x4000  }
0x1b8: {  	[sflag:s17] =	ssyncset.done $0x0  }
0x1b9: {  	[sflag:s17] =	ssyncadd.s32 $0xFFFFC000  }
0x1ba: {  	[tilespmem:s13], [sflag:$0x2] =	stream.indirect.gather [hbm4b:s4+s11], $0x80, s0, s11, $0xb8;
	[tilespmem:$0x1D000] =	vst v63  }
0x1bb: {  	_ =	swait.ge [sflag:s14], $0x4000  }
0x1bc: {  	[sflag:s14] =	ssyncset.done $0x0  }
0x1bd: {  	[sflag:s14] =	ssyncadd.s32 $0xFFFFC000  }
0x1be: {  	[spmem:s2] =	stream.indirect.scatter.add.f32 [tilespmem:s12], [sflag:$0x3], $0x80, s1, s11, $0xb8;
	[tilespmem:$0x1D000] =	vst v63  }
0x1bf: {  	_ =	swait.ge [sflag:s16], $0x4000  }
0x1c0: {  	[sflag:s16] =	ssyncset.done $0x0  }
0x1c1: {  	[sflag:s16] =	ssyncadd.s32 $0xFFFFC000  }
0x1c2: {  	[spmem:s2] =	stream.indirect.scatter.add.f32 [tilespmem:s13], [sflag:$0x4], $0x80, s5, s11, $0xb8;
	[tilespmem:$0x1D000] =	vst v63  }
0x1c3: {  	_ =	swait.ge [sflag:s15], $0x4000  }
0x1c4: {  	[sflag:s15] =	ssyncset.done $0x0  }
0x1c5: {  	[sflag:s15] =	ssyncadd.s32 $0xFFFFC000  }
0x1c6: {  	_ =	swait.ge [sflag:s17], $0x4000  }
0x1c7: {  	[sflag:s17] =	ssyncset.done $0x0  }
0x1c8: {  	[sflag:s17] =	ssyncadd.s32 $0xFFFFC000  }
0x1c9: {  	[bflag:$0x0] =	sbarrier.arrive $0xFFFF  }
0x1ca: {  	s7 =	rddreg [dreg:$0x15]  }
0x1cb: {  	s8 =	rddreg [dreg:$0x17]  }
0x1cc: {  	s24 =	rddreg [dreg:$0x18]  }
0x1cd: {  	[hbm:s24], [sflag:s7] =	dma.local [spmem:s8], $0x2800  }
0x1ce: {  	_ =	swait.ge [sflag:s9], $0x2800  }
0x1cf: {  	s6 =	rddreg [dreg:$0x19]  }
0x1d0: {  	s24 =	sadd.s32 $0x1, s6;
	s6 =	rddreg [dreg:$0x16]  }
0x1d1: {  	p0 =	sne.s32 s24, s6  }
.Ltmp1:
0x1d2: {  	_ = 	snop;
	(pc) =	sbr.rel @p0 .LBB2_1-.Ltmp1, $3  }
0x1d3: {  	_ =	sdelay $0x1  }
0x1d4: {  	[sflag:s9] =	ssyncset.done $0x0  }
0x1d5: {  	[sflag:s9] =	ssyncadd.s32 $0xFFFFD800  }
0x1d6: {  	_ =	sfence.sel $0x180000  }
0x1d7: {  	[bflag:$0x0] =	sbarrier.arrive $0xFFFF  }
0x1d8: {  	_ =	strace $0x9000004D  }
0x1d9: {  	s0 =	stileid.u32;
	[bflag:$0x2] =	sbarrier.arrive $0xFFFF  }
0x1da: {  	p0 =	sne.s32 s0, $0x0;
	s0 =	rddreg [dreg:$0x3]  }
0x1db: {  	s0 =	sadd.s32 @!p0 $0x100000, s0  }
0x1dc: {  	[sflag:s0] =	ssyncadd.tile.s32 @!p0 $0x1;
	_ =	shalt  }
.Lfunc_end2:
_tile_overlayer_lowered:
.L_overlay_start_2:
0x1dd: {  	(tag) =	ssettag $0x2  }
0x1de: {  	s0 =	rddreg [dreg:$0x0];
	s2 =	stileid.u32  }
0x1df: {  	s1 =	rddreg [dreg:$0x1];
	p0 =	sne.s32 s2, $0x0  }
0x1e0: {  	s3 =	rddreg [dreg:$0x2];
	[bflag:$0x3] =	sbarrier.arrive $0xFFFF;
	s2 =	simm.s32 @!p0 $0x1C05  }
0x1e1: {  	[timem:s3], [sflag:s2] =	dma.local @!p0 [hbm:s0], s1  }
0x1e2: {  	s0 =	simm.s32 @!p0 $0x5  }
0x1e3: {  	_ =	swait.ge @!p0 [sflag:s0], s1  }
0x1e4: {  	s1 =	ssub.s32 @!p0 $0x0, s1;
	[sflag:s0] =	ssyncset.done @!p0 $0x0  }
0x1e5: {  	[sflag:s0] =	ssyncadd.s32 @!p0 s1  }
0x1e6: {  	[bflag:$0x3] =	sbarrier.arrive $0xFFFF  }
0x1e7: {  	_ =	shalt  }

// kernel: kernel.8.cloned.1.call-start
scs
__scs_entry_jumppad:
0x0: {  	(pc) =	sbr.rel $0x88, $3  }
0x1: {  	(tag) =	ssettag $0x0;
	lr =	simm.s32 $0x1  }
0x2: {  	[smem:$0x3F95] =	sst lr;
	_ =	strace $0xD0000000  }
0x3: {  	_ = 	snop  }
0x4: {  	_ = 	snop  }
0x5: {  	_ = 	snop  }
0x6: {  	_ = 	snop  }
0x7: {  	_ = 	snop  }
__scs_overlays_trampoline_lowered:
0x8: {  	[smem:$0x3FA4] =	sst s0  }
0x9: {  	[smem:$0x3FA5] =	sst s1  }
0xa: {  	[smem:$0x3FA6] =	sst s2  }
0xb: {  	[smem:$0x3FA7] =	sst s3  }
0xc: {  	[smem:$0x3FA8] =	sst s4  }
0xd: {  	[smem:$0x3FA9] =	sst s5  }
0xe: {  	[smem:$0x3FAA] =	sst s6  }
0xf: {  	[smem:$0x3FAB] =	sst s7  }
0x10: {  	[smem:$0x3FAC] =	sst s8  }
0x11: {  	[smem:$0x3FAD] =	sst s9;
	s0 =	simm.s32 @!p0 $0x0  }
0x12: {  	s1 =	sld [smem:$0x3F93];
	s0 =	simm.s32 @p0 $0x1  }
0x13: {  	[smem:$0x3FAE] =	sst s0;
	s0 =	simm.s32 @!p1 $0x0  }
0x14: {  	s2 =	sld [smem:$0x3F92];
	s0 =	simm.s32 @p1 $0x1  }
0x15: {  	[smem:$0x3FAF] =	sst s0;
	s0 =	simm.s32 @!p2 $0x0  }
0x16: {  	s3 =	sld [smem:$0x3FDB];
	s0 =	simm.s32 @p2 $0x1  }
0x17: {  	s4 =	simm.s32 $0x1BF5;
	[smem:$0x3FB1] =	sst s0  }
0x18: {  	s0 =	sld [smem:$0x3F94];
	_ =	swait.ge [sflag:s4], $0x0  }
0x19: {  	s7 =	sld [smem:$0x3F95]  }
0x1a: {  	s8 =	sadd.s32 $0xFFFFE003, lr  }
0x1b: {  	s9 =	sadd.s32 $0xFFFFFEF7, lr;
	s5 =	simm.s32 $0xFFFFFFFF;
	p2 =	slt.u32 s8, $0xFFFFF086  }
0x1c: {  	p1 =	slt.u32 s9, $0xF7A;
	s5 =	simm.s32 @!p2 $0x0  }
0x1d: {  	s5 =	simm.s32 @p1 $0x1;
	p0 =	seq.s32 s7, s2  }
0x1e: {  	s7 =	smul.u32 @!p0 $0xF7A, s2;
	p2 =	seq.s32 @!p0 s5, $0x0  }
0x1f: {  	s9 =	smul.u32 $0xF7A, s1;
	s8 =	simm.s32 @!p0 $0x1BF5;
	p2 =	por !p2, p0  }
0x20: {  	[sflag:s8] =	ssyncset.s32 @!p0 $0xFFFFF086;
	s6 =	sadd.s32 @!p0 s3, s7;
	s7 =	simm.s32 @!p0 $0x108  }
0x21: {  	s3 =	sadd.s32 s3, s9;
	s6 =	sadd.s32 @!p0 $0x88, s6;
	s7 =	simm.s32 @p2 $0x1082  }
0x22: {  	[simem:s7], [sflag:s8] =	dma.local @!p0 [hbm:s6], $0xF7A  }
0x23: {  	s9 =	sor.u32 $0xD0000000, s2;
	s6 =	simm.s32 $0x108;
	_ =	swait.ge @!p0 [sflag:s8], $0x0  }
0x24: {  	s3 =	sadd.s32 $0x88, s3;
	s6 =	simm.s32 @!p1 $0x1082;
	[sflag:s4] =	ssyncset.s32 $0xFFFFF086  }
0x25: {  	[simem:s6], [sflag:s4] =	dma.local [hbm:s3], $0xF7A  }
0x26: {  	[smem:$0x3F95] =	sst s1;
	(tag) =	ssettag s2;
	_ =	strace s9  }
0x27: {  	s1 =	sld [smem:$0x3FA5]  }
0x28: {  	s2 =	sld [smem:$0x3FA6]  }
0x29: {  	s4 =	sld [smem:$0x3FA8]  }
0x2a: {  	p0 =	seq.s32 s5, $0x0;
	s5 =	sld [smem:$0x3FA9]  }
0x2b: {  	s6 =	sld [smem:$0x3FAA]  }
0x2c: {  	s7 =	sld [smem:$0x3FAB]  }
0x2d: {  	s3 =	simm.s32 $0x108;
	s8 =	sld [smem:$0x3FAC]  }
0x2e: {  	s3 =	simm.s32 @!p0 $0x1082;
	s9 =	sld [smem:$0x3FAD]  }
0x2f: {  	lr =	sadd.s32 s0, s3;
	s0 =	sld [smem:$0x3FA4]  }
0x30: {  	s3 =	sld [smem:$0x3FA7]  }
0x31: {  	[smem:$0x3FB0] =	sst s10  }
0x32: {  	s10 =	sld [smem:$0x3FAE];
	_ =	sdelay $0x3  }
0x33: {  	p0 =	seq.s32 s10, $0x1;
	s10 =	sld [smem:$0x3FB0];
	_ =	sdelay $0x3  }
0x34: {  	[smem:$0x3FB0] =	sst s10  }
0x35: {  	s10 =	sld [smem:$0x3FAF];
	_ =	sdelay $0x3  }
0x36: {  	p1 =	seq.s32 s10, $0x1;
	s10 =	sld [smem:$0x3FB0];
	_ =	sdelay $0x3  }
0x37: {  	[smem:$0x3FB0] =	sst s10  }
0x38: {  	s10 =	sld [smem:$0x3FB1]  }
0x39: {  	_ = 	snop;
	(pc) =	sbr.ind lr, $3  }
0x3a: {  	_ = 	snop  }
0x3b: {  	_ = 	snop  }
0x3c: {  	p2 =	seq.s32 s10, $0x1;
	s10 =	sld [smem:$0x3FB0]  }
0x3d: {  	_ =	shalt  }
0x3e: {  	_ =	shalt  }
0x3f: {  	_ =	shalt  }
0x40: {  	_ =	shalt  }
0x41: {  	_ =	shalt  }
0x42: {  	_ =	shalt  }
0x43: {  	_ =	shalt  }
0x44: {  	_ =	shalt  }
0x45: {  	_ =	shalt  }
0x46: {  	_ =	shalt  }
0x47: {  	_ =	shalt  }
0x48: {  	_ =	shalt  }
0x49: {  	_ =	shalt  }
0x4a: {  	_ =	shalt  }
0x4b: {  	_ =	shalt  }
0x4c: {  	_ =	shalt  }
0x4d: {  	_ =	shalt  }
0x4e: {  	_ =	shalt  }
0x4f: {  	_ =	shalt  }
0x50: {  	_ =	shalt  }
0x51: {  	_ =	shalt  }
0x52: {  	_ =	shalt  }
0x53: {  	_ =	shalt  }
0x54: {  	_ =	shalt  }
0x55: {  	_ =	shalt  }
0x56: {  	_ =	shalt  }
0x57: {  	_ =	shalt  }
0x58: {  	_ =	shalt  }
0x59: {  	_ =	shalt  }
0x5a: {  	_ =	shalt  }
0x5b: {  	_ =	shalt  }
0x5c: {  	_ =	shalt  }
0x5d: {  	_ =	shalt  }
0x5e: {  	_ =	shalt  }
0x5f: {  	_ =	shalt  }
0x60: {  	_ =	shalt  }
0x61: {  	_ =	shalt  }
0x62: {  	_ =	shalt  }
0x63: {  	_ =	shalt  }
0x64: {  	_ =	shalt  }
0x65: {  	_ =	shalt  }
0x66: {  	_ =	shalt  }
0x67: {  	_ =	shalt  }
0x68: {  	_ =	shalt  }
0x69: {  	_ =	shalt  }
0x6a: {  	_ =	shalt  }
0x6b: {  	_ =	shalt  }
0x6c: {  	_ =	shalt  }
0x6d: {  	_ =	shalt  }
0x6e: {  	_ =	shalt  }
0x6f: {  	_ =	shalt  }
0x70: {  	_ =	shalt  }
0x71: {  	_ =	shalt  }
0x72: {  	_ =	shalt  }
0x73: {  	_ =	shalt  }
0x74: {  	_ =	shalt  }
0x75: {  	_ =	shalt  }
0x76: {  	_ =	shalt  }
0x77: {  	_ =	shalt  }
0x78: {  	_ =	shalt  }
0x79: {  	_ =	shalt  }
0x7a: {  	_ =	shalt  }
0x7b: {  	_ =	shalt  }
0x7c: {  	_ =	shalt  }
0x7d: {  	_ =	shalt  }
0x7e: {  	_ =	shalt  }
0x7f: {  	_ =	shalt  }
0x80: {  	_ =	shalt  }
0x81: {  	_ =	shalt  }
0x82: {  	_ =	shalt  }
0x83: {  	_ =	shalt  }
0x84: {  	_ =	shalt  }
0x85: {  	_ =	shalt  }
0x86: {  	_ =	shalt  }
0x87: {  	_ =	shalt  }
.Lfunc_end0:
.L_simem_size_0:
called_computation_lowered:
.L_overlay_start_0:
0x88: {  	s2 =	sld [smem:$0x3FD9]  }
0x89: {  	s3 =	sld [smem:$0x3FFE];
	_ =	sdelay $0x1  }
0x8a: {  	s1 =	srdreg.scid  }
0x8b: {  	s0 =	sand.u32 $0x1, s1  }
0x8c: {  	s17 =	sshll.u32 s0, $0xA;
	s2 =	sadd.s32 s3, s2  }
0x8d: {  	s2 =	sadd.s32 s2, s17  }
0x8e: {  	[smem:$0x3FBC] =	sst s2  }
0x8f: {  	_ = 	snop  }
0x90: {  	s2 =	sld [smem:$0x3FC9]  }
0x91: {  	s18 =	sld [smem:$0x3FD0];
	(tm) =	ssettm $0x1  }
0x92: {  	s4 =	sld [smem:$0x3FFB];
	_ =	sdelay $0x3  }
0x93: {  	_ =	strace s4  }
0x94: {  	s4 =	sld [smem:$0x3FFC];
	_ =	sdelay $0x3  }
0x95: {  	_ =	strace s4  }
0x96: {  	s4 =	sld [smem:$0x3FFD];
	_ =	sdelay $0x3  }
0x97: {  	_ =	strace s4  }
0x98: {  	_ =	strace $0x8FFFFFFF  }
0x99: {  	s19 =	sld [smem:$0x3FDB];
	_ =	sdelay $0x1  }
0x9a: {  	s5 =	simm.s32 $_scs_section_size  }
0x9b: {  	s6 =	simm.s32 $_size__tile_overlayer_lowered;
	s7 =	simm.s32 $_tile_overlayer_lowered  }
0x9c: {  	s22 =	simm.s32 $0x1BFF;
	s21 =	sshll.u32 s7, $0x1;
	s4 =	sadd.s32 s5, s19  }
0x9d: {  	s8 =	simm.s32 $0x0;
	s20 =	sshll.u32 s6, $0x1;
	s6 =	sadd.s32 s21, s4  }
0x9e: {  	[timem:s8], [sflag:s22] =	dma.local [hbm:s6], s20  }
0x9f: {  	_ =	swait.ge [sflag:s22], s20  }
0xa0: {  	s5 =	ssub.s32 $0x0, s20;
	[sflag:s22] =	ssyncset.done $0x0  }
0xa1: {  	[sflag:s22] =	ssyncadd.s32 s5;
	_ =	sdelay $0x1  }
0xa2: {  	s23 =	simm.s32 $0x1B8B  }
0xa3: {  	_ =	swait.ge [sflag:s23], $0x1  }
0xa4: {  	[sflag:s23] =	ssyncset.done $0x0  }
0xa5: {  	s25 =	simm.s32 $0x1B8E;
	s24 =	sld [smem:$0x3FFE];
	[sflag:s23] =	ssyncadd.s32 $0xFFFFFFFF  }
0xa6: {  	s26 =	simm.s32 $execute0_lowered;
	[smem:$0x3FD2] =	sst s25  }
0xa7: {  	s6 =	sshll.u32 s26, $0x1;
	_ =	strace $0x80000046;
	[dreg:$0x1] =	wrdreg $0xFFFFFFFF  }
0xa8: {  	s28 =	simm.s32 $_size_execute0_lowered;
	s4 =	sadd.s32 s4, s6;
	[dreg:$0x0] =	wrdreg $0x0  }
0xa9: {  	s6 =	sshll.u32 s28, $0x1;
	[dreg:$0x2] =	wrdreg s4  }
0xaa: {  	[dreg:$0x3] =	wrdreg s6  }
0xab: {  	[dreg:$0x4] =	wrdreg $0xC0  }
0xac: {  	_ =	task [dreg:s8], $0x5FFFF  }
0xad: {  	[dreg:$0x1] =	wrdreg $0xFFFFFFFF  }
0xae: {  	[dreg:$0x0] =	wrdreg $0x60  }
0xaf: {  	[dreg:$0x2] =	wrdreg s2  }
0xb0: {  	[dreg:$0x3] =	wrdreg s24  }
0xb1: {  	[dreg:$0x4] =	wrdreg s18  }
0xb2: {  	[dreg:$0x5] =	wrdreg $0x90000  }
0xb3: {  	[dreg:$0x6] =	wrdreg $0x9  }
0xb4: {  	_ =	task.clear_ibuf [dreg:s8], $0x7FFFF;
	_ =	strace $0x90000046  }
0xb5: {  	s29 =	simm.s32 $0x9;
	_ =	strace $0x80000048  }
0xb6: {  	_ =	swait.ge [sflag:s29], $0x1  }
0xb7: {  	[sflag:s29] =	ssyncadd.s32 $0xFFFFFFFF  }
0xb8: {  	_ =	strace $0x90000048  }
0xb9: {  	_ =	sfence  }
0xba: {  	s30 =	sld [smem:$0x0];
	_ =	sdelay $0x2  }
0xbb: {  	s31 =	sshll.u32 s1, $0xD;
	s1 =	sshrl.u32 s1, $0x2  }
0xbc: {  	s3 =	sand.u32 $0x4000, s31;
	s1 =	sadd.s32 s1, s30  }
0xbd: {  	s0 =	sor.u32 s3, s0;
	s1 =	sshll.u32 s1, $0x11  }
0xbe: {  	s0 =	sor.u32 s1, s0  }
0xbf: {  	s0 =	sadd.s32 $0x8F2B, s0  }
0xc0: {  	[sflag:s0] =	ssyncadd.remote.s32 $0x1  }
0xc1: {  	_ =	sfence.sel $0xFFFF  }
0xc2: {  	[dreg:$0x0] =	wrdreg $0xFFFFFFFF;
	(pc) =	sbr.abs _section_cstart, $3  }
0xc3: {  	[dreg:$0x1] =	wrdreg $0xFFFFFFFF  }
0xc4: {  	_ =	task.clear_ibuf [dreg:s8], $0x2FFFF;
	_ =	strace $0x9FFFFFFF  }
0xc5: {  	(tm) =	ssettm $0x7FFFFFFF  }
tec
execute0_lowered:
.L_overlay_start_1:
0x0: {  	(tag) =	ssettag $0x1  }
0x1: {  	s1 =	rddreg [dreg:$0x0]  }
0x2: {  	s0 =	rddreg [dreg:$0x1]  }
0x3: {  	s2 =	rddreg [dreg:$0x2]  }
0x4: {  	s3 =	rddreg [dreg:$0x3];
	s4 =	simm.s32 $0x0;
	s11 =	stileid.u32  }
0x5: {  	s5 =	srdreg.scid;
	s12 =	simm.s32 $0x100;
	s13 =	simm.s32 $0x880  }
0x6: {  	s14 =	simm.s32 $0x180;
	[smem:$0x7FF] =	sst s4;
	s9 =	sadd.s32 $0xD000, s0  }
0x7: {  	s16 =	simm.s32 $0x900;
	_ =	strace $0x80000047;
	[dreg:$0x15] =	wrdreg s9  }
0x8: {  	s17 =	simm.s32 $0x200;
	s18 =	simm.s32 $0x980;
	[dreg:$0x7] =	wrdreg s12  }
0x9: {  	s19 =	simm.s32 $0x280;
	s20 =	simm.s32 $0xA00;
	[dreg:$0x8] =	wrdreg s13  }
0xa: {  	s21 =	simm.s32 $0x300;
	s22 =	simm.s32 $0xA80;
	[dreg:$0x9] =	wrdreg s14  }
0xb: {  	s23 =	simm.s32 $0x380;
	s28 =	simm.s32 $0x680;
	[dreg:$0xa] =	wrdreg s16  }
0xc: {  	s29 =	simm.s32 $0xE00;
	s30 =	simm.s32 $0x700;
	[dreg:$0xb] =	wrdreg s17  }
0xd: {  	s31 =	simm.s32 $0xE80;
	s6 =	sshll.u32 s11, $0x9;
	[dreg:$0xc] =	wrdreg s18  }
0xe: {  	s5 =	sand.u32 $0x1, s5;
	s10 =	smul.u32 $0x50000, s11;
	[dreg:$0xd] =	wrdreg s19  }
0xf: {  	s7 =	sadd.s32 s6, s0;
	s8 =	smul.u32 $0x28000, s5;
	[dreg:$0xe] =	wrdreg s20  }
0x10: {  	s24 =	ssub.s32 $0x2, s5;
	s5 =	sshll.u32 s5, $0x8;
	[dreg:$0xf] =	wrdreg s21  }
0x11: {  	s2 =	sadd.s32 s6, s2;
	s12 =	simm.s32 $0x1000;
	[dreg:$0x10] =	wrdreg s22  }
0x12: {  	s13 =	simm.s32 $0x5000;
	s14 =	simm.s32 $0x1;
	[dreg:$0x11] =	wrdreg s23  }
0x13: {  	s16 =	simm.s32 $0x2;
	s17 =	simm.s32 $0x4;
	s18 =	simm.s32 $0x480  }
0x14: {  	s19 =	simm.s32 $0xC00;
	s20 =	simm.s32 $0x500;
	s21 =	simm.s32 $0xC80  }
0x15: {  	s22 =	simm.s32 $0x580;
	s23 =	simm.s32 $0xD00;
	s25 =	sshrl.u32 s24, $0x1  }
0x16: {  	s26 =	sshrl.u32 s10, $0x2;
	s7 =	sadd.s32 s5, s7;
	s10 =	sshll.u32 s11, $0x6  }
0x17: {  	s2 =	sadd.s32 s5, s2;
	s5 =	smul.u32 $0x2800, s11;
	s11 =	simm.s32 $0x80  }
0x18: {  	s0 =	sadd.s32 s8, s0;
	s8 =	ssub.s32 s24, s25;
	s9 =	sadd.s32 s26, s3  }
0x19: {  	s7 =	sadd.s32 $0x3000, s7;
	[dreg:$0x6] =	wrdreg s2;
	s24 =	simm.s32 $0xB00  }
0x1a: {  	s25 =	simm.s32 $0xB80;
	s26 =	simm.s32 $0x400;
	[dreg:$0x5] =	wrdreg s7  }
0x1b: {  	s2 =	simm.s32 $0xF00;
	s7 =	sor.u32 $0x1C05, s10;
	[dreg:$0x12] =	wrdreg s24  }
0x1c: {  	s0 =	sadd.s32 $0xF800, s0;
	s15 =	smax.u32 s8, $0x1;
	[dreg:$0x13] =	wrdreg s25  }
0x1d: {  	s8 =	sshrl.u32 s9, $0x3;
	s9 =	simm.s32 $0x5;
	[dreg:$0x14] =	wrdreg s26  }
0x1e: {  	s10 =	simm.s32 $0x800;
	s25 =	simm.s32 $0x600;
	[dreg:$0x17] =	wrdreg s15  }
0x1f: {  	s26 =	simm.s32 $0xD80;
	s24 =	simm.s32 $0x0;
	[dreg:$0x16] =	wrdreg s7  }
0x20: {  	s15 =	simm.s32 $0x3;
	s0 =	sadd.s32 s5, s0;
	[dreg:$0x18] =	wrdreg s8  }
0x21: {  	s5 =	simm.s32 $0xF80;
	[dreg:$0x19] =	wrdreg s0;
	s0 =	simm.s32 $0x780  }
.LBB2_1:
0x22: {  	[dreg:$0x1a] =	wrdreg s24  }
0x23: {  	s6 =	rddreg [dreg:$0x15]  }
0x24: {  	[spmem:s8], [sflag:s7] =	dma.local [hbm:s6], $0x2800  }
0x25: {  	_ =	swait.ge [sflag:s9], $0x2800  }
0x26: {  	[sflag:s9] =	ssyncset.done $0x0  }
0x27: {  	[sflag:s9] =	ssyncadd.s32 $0xFFFFD800  }
0x28: {  	[bflag:$0x0] =	sbarrier.arrive $0xFFFF  }
0x29: {  	s24 =	rddreg [dreg:$0x5]  }
0x2a: {  	s6 =	sadd.s32 $0x0, s24  }
0x2b: {  	[tilespmem:s4], [sflag:$0x5] =	stream.linear.gather [hbm4b:s6+s4], $0x800, $0x38;
	[tilespmem:$0x1D000] =	vst v63  }
0x2c: {  	_ =	swait.ge [sflag:s9], $0x800  }
0x2d: {  	s7 =	rddreg [dreg:$0x6];
	[sflag:s9] =	ssyncset.done $0x0  }
0x2e: {  	[sflag:s9] =	ssyncadd.s32 $0xFFFFF800;
	s6 =	sadd.s32 $0x0, s7  }
0x2f: {  	[tilespmem:s10], [sflag:$0x5] =	stream.linear.gather [hbm4b:s6+s4], $0x800, $0x38;
	[tilespmem:$0x1D000] =	vst v63  }
0x30: {  	_ =	swait.ge [sflag:s9], $0x800  }
0x31: {  	[sflag:s9] =	ssyncset.done $0x0  }
0x32: {  	[sflag:s9] =	ssyncadd.s32 $0xFFFFF800  }
0x33: {  	[tilespmem:s12], [sflag:$0x1] =	stream.indirect.gather [hbm4b:s1+s11], $0x80, s4, s11, $0xb8;
	[tilespmem:$0x1D000] =	vst v63  }
0x34: {  	_ = 	snop  }
0x35: {  	[tilespmem:s13], [sflag:$0x2] =	stream.indirect.gather [hbm4b:s1+s11], $0x80, s11, s11, $0xb8;
	[tilespmem:$0x1D000] =	vst v63  }
0x36: {  	_ =	swait.ge [sflag:s14], $0x4000  }
0x37: {  	[sflag:s14] =	ssyncset.done $0x0  }
0x38: {  	[sflag:s14] =	ssyncadd.s32 $0xFFFFC000  }
0x39: {  	[spmem:s3] =	stream.indirect.scatter.add.f32 [tilespmem:s12], [sflag:$0x3], $0x80, s10, s11, $0xb8;
	[tilespmem:$0x1D000] =	vst v63  }
0x3a: {  	_ =	swait.ge [sflag:s15], $0x4000  }
0x3b: {  	[sflag:s15] =	ssyncset.done $0x0  }
0x3c: {  	s8 =	rddreg [dreg:$0x7];
	[sflag:s15] =	ssyncadd.s32 $0xFFFFC000  }
0x3d: {  	[tilespmem:s12], [sflag:$0x1] =	stream.indirect.gather [hbm4b:s1+s11], $0x80, s8, s11, $0xb8;
	[tilespmem:$0x1D000] =	vst v63  }
0x3e: {  	_ =	swait.ge [sflag:s16], $0x4000  }
0x3f: {  	[sflag:s16] =	ssyncset.done $0x0  }
0x40: {  	s24 =	rddreg [dreg:$0x8];
	[sflag:s16] =	ssyncadd.s32 $0xFFFFC000  }
0x41: {  	[spmem:s3] =	stream.indirect.scatter.add.f32 [tilespmem:s13], [sflag:$0x4], $0x80, s24, s11, $0xb8;
	[tilespmem:$0x1D000] =	vst v63  }
0x42: {  	_ =	swait.ge [sflag:s17], $0x4000  }
0x43: {  	[sflag:s17] =	ssyncset.done $0x0  }
0x44: {  	s7 =	rddreg [dreg:$0x9];
	[sflag:s17] =	ssyncadd.s32 $0xFFFFC000  }
0x45: {  	[tilespmem:s13], [sflag:$0x2] =	stream.indirect.gather [hbm4b:s1+s11], $0x80, s7, s11, $0xb8;
	[tilespmem:$0x1D000] =	vst v63  }
0x46: {  	_ =	swait.ge [sflag:s14], $0x4000  }
0x47: {  	[sflag:s14] =	ssyncset.done $0x0  }
0x48: {  	s8 =	rddreg [dreg:$0xa];
	[sflag:s14] =	ssyncadd.s32 $0xFFFFC000  }
0x49: {  	[spmem:s3] =	stream.indirect.scatter.add.f32 [tilespmem:s12], [sflag:$0x3], $0x80, s8, s11, $0xb8;
	[tilespmem:$0x1D000] =	vst v63  }
0x4a: {  	_ =	swait.ge [sflag:s15], $0x4000  }
0x4b: {  	[sflag:s15] =	ssyncset.done $0x0  }
0x4c: {  	s24 =	rddreg [dreg:$0xb];
	[sflag:s15] =	ssyncadd.s32 $0xFFFFC000  }
0x4d: {  	[tilespmem:s12], [sflag:$0x1] =	stream.indirect.gather [hbm4b:s1+s11], $0x80, s24, s11, $0xb8;
	[tilespmem:$0x1D000] =	vst v63  }
0x4e: {  	_ =	swait.ge [sflag:s16], $0x4000  }
0x4f: {  	[sflag:s16] =	ssyncset.done $0x0  }
0x50: {  	s7 =	rddreg [dreg:$0xc];
	[sflag:s16] =	ssyncadd.s32 $0xFFFFC000  }
0x51: {  	[spmem:s3] =	stream.indirect.scatter.add.f32 [tilespmem:s13], [sflag:$0x4], $0x80, s7, s11, $0xb8;
	[tilespmem:$0x1D000] =	vst v63  }
0x52: {  	_ =	swait.ge [sflag:s17], $0x4000  }
0x53: {  	[sflag:s17] =	ssyncset.done $0x0  }
0x54: {  	s8 =	rddreg [dreg:$0xd];
	[sflag:s17] =	ssyncadd.s32 $0xFFFFC000  }
0x55: {  	[tilespmem:s13], [sflag:$0x2] =	stream.indirect.gather [hbm4b:s1+s11], $0x80, s8, s11, $0xb8;
	[tilespmem:$0x1D000] =	vst v63  }
0x56: {  	_ =	swait.ge [sflag:s14], $0x4000  }
0x57: {  	[sflag:s14] =	ssyncset.done $0x0  }
0x58: {  	s24 =	rddreg [dreg:$0xe];
	[sflag:s14] =	ssyncadd.s32 $0xFFFFC000  }
0x59: {  	[spmem:s3] =	stream.indirect.scatter.add.f32 [tilespmem:s12], [sflag:$0x3], $0x80, s24, s11, $0xb8;
	[tilespmem:$0x1D000] =	vst v63  }
0x5a: {  	_ =	swait.ge [sflag:s15], $0x4000  }
0x5b: {  	[sflag:s15] =	ssyncset.done $0x0  }
0x5c: {  	s7 =	rddreg [dreg:$0xf];
	[sflag:s15] =	ssyncadd.s32 $0xFFFFC000  }
0x5d: {  	[tilespmem:s12], [sflag:$0x1] =	stream.indirect.gather [hbm4b:s1+s11], $0x80, s7, s11, $0xb8;
	[tilespmem:$0x1D000] =	vst v63  }
0x5e: {  	_ =	swait.ge [sflag:s16], $0x4000  }
0x5f: {  	[sflag:s16] =	ssyncset.done $0x0  }
0x60: {  	s8 =	rddreg [dreg:$0x10];
	[sflag:s16] =	ssyncadd.s32 $0xFFFFC000  }
0x61: {  	[spmem:s3] =	stream.indirect.scatter.add.f32 [tilespmem:s13], [sflag:$0x4], $0x80, s8, s11, $0xb8;
	[tilespmem:$0x1D000] =	vst v63  }
0x62: {  	_ =	swait.ge [sflag:s17], $0x4000  }
0x63: {  	[sflag:s17] =	ssyncset.done $0x0  }
0x64: {  	s24 =	rddreg [dreg:$0x11];
	[sflag:s17] =	ssyncadd.s32 $0xFFFFC000  }
0x65: {  	[tilespmem:s13], [sflag:$0x2] =	stream.indirect.gather [hbm4b:s1+s11], $0x80, s24, s11, $0xb8;
	[tilespmem:$0x1D000] =	vst v63  }
0x66: {  	_ =	swait.ge [sflag:s14], $0x4000  }
0x67: {  	[sflag:s14] =	ssyncset.done $0x0  }
0x68: {  	s7 =	rddreg [dreg:$0x12];
	[sflag:s14] =	ssyncadd.s32 $0xFFFFC000  }
0x69: {  	[spmem:s3] =	stream.indirect.scatter.add.f32 [tilespmem:s12], [sflag:$0x3], $0x80, s7, s11, $0xb8;
	[tilespmem:$0x1D000] =	vst v63  }
0x6a: {  	_ =	swait.ge [sflag:s16], $0x4000  }
0x6b: {  	[sflag:s16] =	ssyncset.done $0x0  }
0x6c: {  	s8 =	rddreg [dreg:$0x13];
	[sflag:s16] =	ssyncadd.s32 $0xFFFFC000  }
0x6d: {  	[spmem:s3] =	stream.indirect.scatter.add.f32 [tilespmem:s13], [sflag:$0x4], $0x80, s8, s11, $0xb8;
	[tilespmem:$0x1D000] =	vst v63  }
0x6e: {  	_ =	swait.ge [sflag:s15], $0x4000  }
0x6f: {  	[sflag:s15] =	ssyncset.done $0x0  }
0x70: {  	[sflag:s15] =	ssyncadd.s32 $0xFFFFC000  }
0x71: {  	_ =	swait.ge [sflag:s17], $0x4000  }
0x72: {  	[sflag:s17] =	ssyncset.done $0x0  }
0x73: {  	s24 =	rddreg [dreg:$0x14];
	[sflag:s17] =	ssyncadd.s32 $0xFFFFC000  }
0x74: {  	[tilespmem:s12], [sflag:$0x1] =	stream.indirect.gather [hbm4b:s1+s11], $0x80, s24, s11, $0xb8;
	[tilespmem:$0x1D000] =	vst v63  }
0x75: {  	_ = 	snop  }
0x76: {  	[tilespmem:s13], [sflag:$0x2] =	stream.indirect.gather [hbm4b:s1+s11], $0x80, s18, s11, $0xb8;
	[tilespmem:$0x1D000] =	vst v63  }
0x77: {  	_ =	swait.ge [sflag:s14], $0x4000  }
0x78: {  	[sflag:s14] =	ssyncset.done $0x0  }
0x79: {  	[sflag:s14] =	ssyncadd.s32 $0xFFFFC000  }
0x7a: {  	[spmem:s3] =	stream.indirect.scatter.add.f32 [tilespmem:s12], [sflag:$0x3], $0x80, s19, s11, $0xb8;
	[tilespmem:$0x1D000] =	vst v63  }
0x7b: {  	_ =	swait.ge [sflag:s15], $0x4000  }
0x7c: {  	[sflag:s15] =	ssyncset.done $0x0  }
0x7d: {  	[sflag:s15] =	ssyncadd.s32 $0xFFFFC000  }
0x7e: {  	[tilespmem:s12], [sflag:$0x1] =	stream.indirect.gather [hbm4b:s1+s11], $0x80, s20, s11, $0xb8;
	[tilespmem:$0x1D000] =	vst v63  }
0x7f: {  	_ =	swait.ge [sflag:s16], $0x4000  }
0x80: {  	[sflag:s16] =	ssyncset.done $0x0  }
0x81: {  	[sflag:s16] =	ssyncadd.s32 $0xFFFFC000  }
0x82: {  	[spmem:s3] =	stream.indirect.scatter.add.f32 [tilespmem:s13], [sflag:$0x4], $0x80, s21, s11, $0xb8;
	[tilespmem:$0x1D000] =	vst v63  }
0x83: {  	_ =	swait.ge [sflag:s17], $0x4000  }
0x84: {  	[sflag:s17] =	ssyncset.done $0x0  }
0x85: {  	[sflag:s17] =	ssyncadd.s32 $0xFFFFC000  }
0x86: {  	[tilespmem:s13], [sflag:$0x2] =	stream.indirect.gather [hbm4b:s1+s11], $0x80, s22, s11, $0xb8;
	[tilespmem:$0x1D000] =	vst v63  }
0x87: {  	_ =	swait.ge [sflag:s14], $0x4000  }
0x88: {  	[sflag:s14] =	ssyncset.done $0x0  }
0x89: {  	[sflag:s14] =	ssyncadd.s32 $0xFFFFC000  }
0x8a: {  	[spmem:s3] =	stream.indirect.scatter.add.f32 [tilespmem:s12], [sflag:$0x3], $0x80, s23, s11, $0xb8;
	[tilespmem:$0x1D000] =	vst v63  }
0x8b: {  	_ =	swait.ge [sflag:s15], $0x4000  }
0x8c: {  	[sflag:s15] =	ssyncset.done $0x0  }
0x8d: {  	[sflag:s15] =	ssyncadd.s32 $0xFFFFC000  }
0x8e: {  	[tilespmem:s12], [sflag:$0x1] =	stream.indirect.gather [hbm4b:s1+s11], $0x80, s25, s11, $0xb8;
	[tilespmem:$0x1D000] =	vst v63  }
0x8f: {  	_ =	swait.ge [sflag:s16], $0x4000  }
0x90: {  	[sflag:s16] =	ssyncset.done $0x0  }
0x91: {  	[sflag:s16] =	ssyncadd.s32 $0xFFFFC000  }
0x92: {  	[spmem:s3] =	stream.indirect.scatter.add.f32 [tilespmem:s13], [sflag:$0x4], $0x80, s26, s11, $0xb8;
	[tilespmem:$0x1D000] =	vst v63  }
0x93: {  	_ =	swait.ge [sflag:s17], $0x4000  }
0x94: {  	[sflag:s17] =	ssyncset.done $0x0  }
0x95: {  	[sflag:s17] =	ssyncadd.s32 $0xFFFFC000  }
0x96: {  	[tilespmem:s13], [sflag:$0x2] =	stream.indirect.gather [hbm4b:s1+s11], $0x80, s28, s11, $0xb8;
	[tilespmem:$0x1D000] =	vst v63  }
0x97: {  	_ =	swait.ge [sflag:s14], $0x4000  }
0x98: {  	[sflag:s14] =	ssyncset.done $0x0  }
0x99: {  	[sflag:s14] =	ssyncadd.s32 $0xFFFFC000  }
0x9a: {  	[spmem:s3] =	stream.indirect.scatter.add.f32 [tilespmem:s12], [sflag:$0x3], $0x80, s29, s11, $0xb8;
	[tilespmem:$0x1D000] =	vst v63  }
0x9b: {  	_ =	swait.ge [sflag:s15], $0x4000  }
0x9c: {  	[sflag:s15] =	ssyncset.done $0x0  }
0x9d: {  	[sflag:s15] =	ssyncadd.s32 $0xFFFFC000  }
0x9e: {  	[tilespmem:s12], [sflag:$0x1] =	stream.indirect.gather [hbm4b:s1+s11], $0x80, s30, s11, $0xb8;
	[tilespmem:$0x1D000] =	vst v63  }
0x9f: {  	_ =	swait.ge [sflag:s16], $0x4000  }
0xa0: {  	[sflag:s16] =	ssyncset.done $0x0  }
0xa1: {  	[sflag:s16] =	ssyncadd.s32 $0xFFFFC000  }
0xa2: {  	[spmem:s3] =	stream.indirect.scatter.add.f32 [tilespmem:s13], [sflag:$0x4], $0x80, s31, s11, $0xb8;
	[tilespmem:$0x1D000] =	vst v63  }
0xa3: {  	_ =	swait.ge [sflag:s17], $0x4000  }
0xa4: {  	[sflag:s17] =	ssyncset.done $0x0  }
0xa5: {  	[sflag:s17] =	ssyncadd.s32 $0xFFFFC000  }
0xa6: {  	[tilespmem:s13], [sflag:$0x2] =	stream.indirect.gather [hbm4b:s1+s11], $0x80, s0, s11, $0xb8;
	[tilespmem:$0x1D000] =	vst v63  }
0xa7: {  	_ =	swait.ge [sflag:s14], $0x4000  }
0xa8: {  	[sflag:s14] =	ssyncset.done $0x0  }
0xa9: {  	[sflag:s14] =	ssyncadd.s32 $0xFFFFC000  }
0xaa: {  	[spmem:s3] =	stream.indirect.scatter.add.f32 [tilespmem:s12], [sflag:$0x3], $0x80, s2, s11, $0xb8;
	[tilespmem:$0x1D000] =	vst v63  }
0xab: {  	_ =	swait.ge [sflag:s16], $0x4000  }
0xac: {  	[sflag:s16] =	ssyncset.done $0x0  }
0xad: {  	[sflag:s16] =	ssyncadd.s32 $0xFFFFC000  }
0xae: {  	[spmem:s3] =	stream.indirect.scatter.add.f32 [tilespmem:s13], [sflag:$0x4], $0x80, s5, s11, $0xb8;
	[tilespmem:$0x1D000] =	vst v63  }
0xaf: {  	_ =	swait.ge [sflag:s15], $0x4000  }
0xb0: {  	[sflag:s15] =	ssyncset.done $0x0  }
0xb1: {  	[sflag:s15] =	ssyncadd.s32 $0xFFFFC000  }
0xb2: {  	s6 =	simm.s32 $0x4000;
	_ =	swait.ge [sflag:s17], $0x4000  }
0xb3: {  	s24 =	simm.s32 $0x2000;
	s8 =	rddreg [dreg:$0x5];
	[sflag:s17] =	ssyncset.done $0x0  }
.LBB2_2:
0xb4: {  	[sflag:s17] =	ssyncadd.s32 $0xFFFFC000;
	s8 =	sadd.s32 s24, s8  }
0xb5: {  	[tilespmem:s4], [sflag:$0x5] =	stream.linear.gather [hbm4b:s8+s4], $0x800, $0x38;
	[tilespmem:$0x1D000] =	vst v63  }
0xb6: {  	_ =	swait.ge [sflag:s9], $0x800  }
0xb7: {  	s8 =	rddreg [dreg:$0x6];
	[sflag:s9] =	ssyncset.done $0x0  }
0xb8: {  	[sflag:s9] =	ssyncadd.s32 $0xFFFFF800;
	s8 =	sadd.s32 s24, s8  }
0xb9: {  	[tilespmem:s10], [sflag:$0x5] =	stream.linear.gather [hbm4b:s8+s4], $0x800, $0x38;
	[tilespmem:$0x1D000] =	vst v63  }
0xba: {  	_ =	swait.ge [sflag:s9], $0x800  }
0xbb: {  	[sflag:s9] =	ssyncset.done $0x0  }
0xbc: {  	[sflag:s9] =	ssyncadd.s32 $0xFFFFF800  }
0xbd: {  	[tilespmem:s12], [sflag:$0x1] =	stream.indirect.gather [hbm4b:s1+s11], $0x80, s4, s11, $0xb8;
	[tilespmem:$0x1D000] =	vst v63  }
0xbe: {  	_ = 	snop  }
0xbf: {  	[tilespmem:s13], [sflag:$0x2] =	stream.indirect.gather [hbm4b:s1+s11], $0x80, s11, s11, $0xb8;
	[tilespmem:$0x1D000] =	vst v63  }
0xc0: {  	_ =	swait.ge [sflag:s14], $0x4000  }
0xc1: {  	[sflag:s14] =	ssyncset.done $0x0  }
0xc2: {  	[sflag:s14] =	ssyncadd.s32 $0xFFFFC000  }
0xc3: {  	[spmem:s3] =	stream.indirect.scatter.add.f32 [tilespmem:s12], [sflag:$0x3], $0x80, s10, s11, $0xb8;
	[tilespmem:$0x1D000] =	vst v63  }
0xc4: {  	_ =	swait.ge [sflag:s15], $0x4000  }
0xc5: {  	[sflag:s15] =	ssyncset.done $0x0  }
0xc6: {  	s8 =	rddreg [dreg:$0x7];
	[sflag:s15] =	ssyncadd.s32 $0xFFFFC000  }
0xc7: {  	[tilespmem:s12], [sflag:$0x1] =	stream.indirect.gather [hbm4b:s1+s11], $0x80, s8, s11, $0xb8;
	[tilespmem:$0x1D000] =	vst v63  }
0xc8: {  	_ =	swait.ge [sflag:s16], $0x4000  }
0xc9: {  	[sflag:s16] =	ssyncset.done $0x0  }
0xca: {  	s8 =	rddreg [dreg:$0x8];
	[sflag:s16] =	ssyncadd.s32 $0xFFFFC000  }
0xcb: {  	[spmem:s3] =	stream.indirect.scatter.add.f32 [tilespmem:s13], [sflag:$0x4], $0x80, s8, s11, $0xb8;
	[tilespmem:$0x1D000] =	vst v63  }
0xcc: {  	_ =	swait.ge [sflag:s17], $0x4000  }
0xcd: {  	[sflag:s17] =	ssyncset.done $0x0  }
0xce: {  	s8 =	rddreg [dreg:$0x9];
	[sflag:s17] =	ssyncadd.s32 $0xFFFFC000  }
0xcf: {  	[tilespmem:s13], [sflag:$0x2] =	stream.indirect.gather [hbm4b:s1+s11], $0x80, s8, s11, $0xb8;
	[tilespmem:$0x1D000] =	vst v63  }
0xd0: {  	_ =	swait.ge [sflag:s14], $0x4000  }
0xd1: {  	[sflag:s14] =	ssyncset.done $0x0  }
0xd2: {  	s8 =	rddreg [dreg:$0xa];
	[sflag:s14] =	ssyncadd.s32 $0xFFFFC000  }
0xd3: {  	[spmem:s3] =	stream.indirect.scatter.add.f32 [tilespmem:s12], [sflag:$0x3], $0x80, s8, s11, $0xb8;
	[tilespmem:$0x1D000] =	vst v63  }
0xd4: {  	_ =	swait.ge [sflag:s15], $0x4000  }
0xd5: {  	[sflag:s15] =	ssyncset.done $0x0  }
0xd6: {  	s8 =	rddreg [dreg:$0xb];
	[sflag:s15] =	ssyncadd.s32 $0xFFFFC000  }
0xd7: {  	[tilespmem:s12], [sflag:$0x1] =	stream.indirect.gather [hbm4b:s1+s11], $0x80, s8, s11, $0xb8;
	[tilespmem:$0x1D000] =	vst v63  }
0xd8: {  	_ =	swait.ge [sflag:s16], $0x4000  }
0xd9: {  	[sflag:s16] =	ssyncset.done $0x0  }
0xda: {  	s8 =	rddreg [dreg:$0xc];
	[sflag:s16] =	ssyncadd.s32 $0xFFFFC000  }
0xdb: {  	[spmem:s3] =	stream.indirect.scatter.add.f32 [tilespmem:s13], [sflag:$0x4], $0x80, s8, s11, $0xb8;
	[tilespmem:$0x1D000] =	vst v63  }
0xdc: {  	_ =	swait.ge [sflag:s17], $0x4000  }
0xdd: {  	[sflag:s17] =	ssyncset.done $0x0  }
0xde: {  	s8 =	rddreg [dreg:$0xd];
	[sflag:s17] =	ssyncadd.s32 $0xFFFFC000  }
0xdf: {  	[tilespmem:s13], [sflag:$0x2] =	stream.indirect.gather [hbm4b:s1+s11], $0x80, s8, s11, $0xb8;
	[tilespmem:$0x1D000] =	vst v63  }
0xe0: {  	_ =	swait.ge [sflag:s14], $0x4000  }
0xe1: {  	[sflag:s14] =	ssyncset.done $0x0  }
0xe2: {  	s8 =	rddreg [dreg:$0xe];
	[sflag:s14] =	ssyncadd.s32 $0xFFFFC000  }
0xe3: {  	[spmem:s3] =	stream.indirect.scatter.add.f32 [tilespmem:s12], [sflag:$0x3], $0x80, s8, s11, $0xb8;
	[tilespmem:$0x1D000] =	vst v63  }
0xe4: {  	_ =	swait.ge [sflag:s15], $0x4000  }
0xe5: {  	[sflag:s15] =	ssyncset.done $0x0  }
0xe6: {  	s8 =	rddreg [dreg:$0xf];
	[sflag:s15] =	ssyncadd.s32 $0xFFFFC000  }
0xe7: {  	[tilespmem:s12], [sflag:$0x1] =	stream.indirect.gather [hbm4b:s1+s11], $0x80, s8, s11, $0xb8;
	[tilespmem:$0x1D000] =	vst v63  }
0xe8: {  	_ =	swait.ge [sflag:s16], $0x4000  }
0xe9: {  	[sflag:s16] =	ssyncset.done $0x0  }
0xea: {  	s8 =	rddreg [dreg:$0x10];
	[sflag:s16] =	ssyncadd.s32 $0xFFFFC000  }
0xeb: {  	[spmem:s3] =	stream.indirect.scatter.add.f32 [tilespmem:s13], [sflag:$0x4], $0x80, s8, s11, $0xb8;
	[tilespmem:$0x1D000] =	vst v63  }
0xec: {  	_ =	swait.ge [sflag:s17], $0x4000  }
0xed: {  	[sflag:s17] =	ssyncset.done $0x0  }
0xee: {  	s8 =	rddreg [dreg:$0x11];
	[sflag:s17] =	ssyncadd.s32 $0xFFFFC000  }
0xef: {  	[tilespmem:s13], [sflag:$0x2] =	stream.indirect.gather [hbm4b:s1+s11], $0x80, s8, s11, $0xb8;
	[tilespmem:$0x1D000] =	vst v63  }
0xf0: {  	_ =	swait.ge [sflag:s14], $0x4000  }
0xf1: {  	[sflag:s14] =	ssyncset.done $0x0  }
0xf2: {  	s8 =	rddreg [dreg:$0x12];
	[sflag:s14] =	ssyncadd.s32 $0xFFFFC000  }
0xf3: {  	[spmem:s3] =	stream.indirect.scatter.add.f32 [tilespmem:s12], [sflag:$0x3], $0x80, s8, s11, $0xb8;
	[tilespmem:$0x1D000] =	vst v63  }
0xf4: {  	_ =	swait.ge [sflag:s16], $0x4000  }
0xf5: {  	[sflag:s16] =	ssyncset.done $0x0  }
0xf6: {  	s8 =	rddreg [dreg:$0x13];
	[sflag:s16] =	ssyncadd.s32 $0xFFFFC000  }
0xf7: {  	[spmem:s3] =	stream.indirect.scatter.add.f32 [tilespmem:s13], [sflag:$0x4], $0x80, s8, s11, $0xb8;
	[tilespmem:$0x1D000] =	vst v63  }
0xf8: {  	_ =	swait.ge [sflag:s15], $0x4000  }
0xf9: {  	[sflag:s15] =	ssyncset.done $0x0  }
0xfa: {  	[sflag:s15] =	ssyncadd.s32 $0xFFFFC000  }
0xfb: {  	_ =	swait.ge [sflag:s17], $0x4000  }
0xfc: {  	[sflag:s17] =	ssyncset.done $0x0  }
0xfd: {  	s8 =	rddreg [dreg:$0x14];
	[sflag:s17] =	ssyncadd.s32 $0xFFFFC000  }
0xfe: {  	[tilespmem:s12], [sflag:$0x1] =	stream.indirect.gather [hbm4b:s1+s11], $0x80, s8, s11, $0xb8;
	[tilespmem:$0x1D000] =	vst v63  }
0xff: {  	_ = 	snop  }
0x100: {  	[tilespmem:s13], [sflag:$0x2] =	stream.indirect.gather [hbm4b:s1+s11], $0x80, s18, s11, $0xb8;
	[tilespmem:$0x1D000] =	vst v63  }
0x101: {  	_ =	swait.ge [sflag:s14], $0x4000  }
0x102: {  	[sflag:s14] =	ssyncset.done $0x0  }
0x103: {  	[sflag:s14] =	ssyncadd.s32 $0xFFFFC000  }
0x104: {  	[spmem:s3] =	stream.indirect.scatter.add.f32 [tilespmem:s12], [sflag:$0x3], $0x80, s19, s11, $0xb8;
	[tilespmem:$0x1D000] =	vst v63  }
0x105: {  	_ =	swait.ge [sflag:s15], $0x4000  }
0x106: {  	[sflag:s15] =	ssyncset.done $0x0  }
0x107: {  	[sflag:s15] =	ssyncadd.s32 $0xFFFFC000  }
0x108: {  	[tilespmem:s12], [sflag:$0x1] =	stream.indirect.gather [hbm4b:s1+s11], $0x80, s20, s11, $0xb8;
	[tilespmem:$0x1D000] =	vst v63  }
0x109: {  	_ =	swait.ge [sflag:s16], $0x4000  }
0x10a: {  	[sflag:s16] =	ssyncset.done $0x0  }
0x10b: {  	[sflag:s16] =	ssyncadd.s32 $0xFFFFC000  }
0x10c: {  	[spmem:s3] =	stream.indirect.scatter.add.f32 [tilespmem:s13], [sflag:$0x4], $0x80, s21, s11, $0xb8;
	[tilespmem:$0x1D000] =	vst v63  }
0x10d: {  	_ =	swait.ge [sflag:s17], $0x4000  }
0x10e: {  	[sflag:s17] =	ssyncset.done $0x0  }
0x10f: {  	[sflag:s17] =	ssyncadd.s32 $0xFFFFC000  }
0x110: {  	[tilespmem:s13], [sflag:$0x2] =	stream.indirect.gather [hbm4b:s1+s11], $0x80, s22, s11, $0xb8;
	[tilespmem:$0x1D000] =	vst v63  }
0x111: {  	_ =	swait.ge [sflag:s14], $0x4000  }
0x112: {  	[sflag:s14] =	ssyncset.done $0x0  }
0x113: {  	[sflag:s14] =	ssyncadd.s32 $0xFFFFC000  }
0x114: {  	[spmem:s3] =	stream.indirect.scatter.add.f32 [tilespmem:s12], [sflag:$0x3], $0x80, s23, s11, $0xb8;
	[tilespmem:$0x1D000] =	vst v63  }
0x115: {  	_ =	swait.ge [sflag:s15], $0x4000  }
0x116: {  	[sflag:s15] =	ssyncset.done $0x0  }
0x117: {  	[sflag:s15] =	ssyncadd.s32 $0xFFFFC000  }
0x118: {  	[tilespmem:s12], [sflag:$0x1] =	stream.indirect.gather [hbm4b:s1+s11], $0x80, s25, s11, $0xb8;
	[tilespmem:$0x1D000] =	vst v63  }
0x119: {  	_ =	swait.ge [sflag:s16], $0x4000  }
0x11a: {  	[sflag:s16] =	ssyncset.done $0x0  }
0x11b: {  	[sflag:s16] =	ssyncadd.s32 $0xFFFFC000  }
0x11c: {  	[spmem:s3] =	stream.indirect.scatter.add.f32 [tilespmem:s13], [sflag:$0x4], $0x80, s26, s11, $0xb8;
	[tilespmem:$0x1D000] =	vst v63  }
0x11d: {  	_ =	swait.ge [sflag:s17], $0x4000  }
0x11e: {  	[sflag:s17] =	ssyncset.done $0x0  }
0x11f: {  	[sflag:s17] =	ssyncadd.s32 $0xFFFFC000  }
0x120: {  	[tilespmem:s13], [sflag:$0x2] =	stream.indirect.gather [hbm4b:s1+s11], $0x80, s28, s11, $0xb8;
	[tilespmem:$0x1D000] =	vst v63  }
0x121: {  	_ =	swait.ge [sflag:s14], $0x4000  }
0x122: {  	[sflag:s14] =	ssyncset.done $0x0  }
0x123: {  	[sflag:s14] =	ssyncadd.s32 $0xFFFFC000  }
0x124: {  	[spmem:s3] =	stream.indirect.scatter.add.f32 [tilespmem:s12], [sflag:$0x3], $0x80, s29, s11, $0xb8;
	[tilespmem:$0x1D000] =	vst v63  }
0x125: {  	_ =	swait.ge [sflag:s15], $0x4000  }
0x126: {  	[sflag:s15] =	ssyncset.done $0x0  }
0x127: {  	[sflag:s15] =	ssyncadd.s32 $0xFFFFC000  }
0x128: {  	[tilespmem:s12], [sflag:$0x1] =	stream.indirect.gather [hbm4b:s1+s11], $0x80, s30, s11, $0xb8;
	[tilespmem:$0x1D000] =	vst v63  }
0x129: {  	_ =	swait.ge [sflag:s16], $0x4000  }
0x12a: {  	[sflag:s16] =	ssyncset.done $0x0  }
0x12b: {  	[sflag:s16] =	ssyncadd.s32 $0xFFFFC000  }
0x12c: {  	[spmem:s3] =	stream.indirect.scatter.add.f32 [tilespmem:s13], [sflag:$0x4], $0x80, s31, s11, $0xb8;
	[tilespmem:$0x1D000] =	vst v63  }
0x12d: {  	_ =	swait.ge [sflag:s17], $0x4000  }
0x12e: {  	[sflag:s17] =	ssyncset.done $0x0  }
0x12f: {  	[sflag:s17] =	ssyncadd.s32 $0xFFFFC000  }
0x130: {  	[tilespmem:s13], [sflag:$0x2] =	stream.indirect.gather [hbm4b:s1+s11], $0x80, s0, s11, $0xb8;
	[tilespmem:$0x1D000] =	vst v63  }
0x131: {  	_ =	swait.ge [sflag:s14], $0x4000  }
0x132: {  	[sflag:s14] =	ssyncset.done $0x0  }
0x133: {  	[sflag:s14] =	ssyncadd.s32 $0xFFFFC000  }
0x134: {  	[spmem:s3] =	stream.indirect.scatter.add.f32 [tilespmem:s12], [sflag:$0x3], $0x80, s2, s11, $0xb8;
	[tilespmem:$0x1D000] =	vst v63  }
0x135: {  	_ =	swait.ge [sflag:s16], $0x4000  }
0x136: {  	[sflag:s16] =	ssyncset.done $0x0  }
0x137: {  	p0 =	sne.s32 s6, $0x8000;
	[sflag:s16] =	ssyncadd.s32 $0xFFFFC000  }
0x138: {  	[spmem:s3] =	stream.indirect.scatter.add.f32 [tilespmem:s13], [sflag:$0x4], $0x80, s5, s11, $0xb8;
	[tilespmem:$0x1D000] =	vst v63  }
.Ltmp0:
0x139: {  	_ =	swait.ge [sflag:s15], $0x4000;
	(pc) =	sbr.rel @p0 .LBB2_2-.Ltmp0, $4  }
0x13a: {  	[sflag:s15] =	ssyncset.done $0x0  }
0x13b: {  	[sflag:s15] =	ssyncadd.s32 $0xFFFFC000  }
0x13c: {  	s7 =	smov.u32 s6;
	s6 =	sadd.s32 $0x2000, s6;
	_ =	swait.ge [sflag:s17], $0x4000  }
0x13d: {  	s24 =	smov.u32 s7;
	s8 =	rddreg [dreg:$0x5];
	[sflag:s17] =	ssyncset.done $0x0  }
0x13e: {  	[sflag:s17] =	ssyncadd.s32 $0xFFFFC000;
	s6 =	sadd.s32 s24, s8  }
0x13f: {  	[tilespmem:s4], [sflag:$0x5] =	stream.linear.gather [hbm4b:s6+s4], $0x800, $0x38;
	[tilespmem:$0x1D000] =	vst v63  }
0x140: {  	_ =	swait.ge [sflag:s9], $0x800  }
0x141: {  	s8 =	rddreg [dreg:$0x6];
	[sflag:s9] =	ssyncset.done $0x0  }
0x142: {  	s6 =	sadd.s32 s24, s8;
	[sflag:s9] =	ssyncadd.s32 $0xFFFFF800  }
0x143: {  	[tilespmem:s10], [sflag:$0x5] =	stream.linear.gather [hbm4b:s6+s4], $0x800, $0x38;
	[tilespmem:$0x1D000] =	vst v63  }
0x144: {  	_ =	swait.ge [sflag:s9], $0x800  }
0x145: {  	[sflag:s9] =	ssyncset.done $0x0  }
0x146: {  	[sflag:s9] =	ssyncadd.s32 $0xFFFFF800  }
0x147: {  	[tilespmem:s12], [sflag:$0x1] =	stream.indirect.gather [hbm4b:s1+s11], $0x80, s4, s11, $0xb8;
	[tilespmem:$0x1D000] =	vst v63  }
0x148: {  	_ = 	snop  }
0x149: {  	[tilespmem:s13], [sflag:$0x2] =	stream.indirect.gather [hbm4b:s1+s11], $0x80, s11, s11, $0xb8;
	[tilespmem:$0x1D000] =	vst v63  }
0x14a: {  	_ =	swait.ge [sflag:s14], $0x4000  }
0x14b: {  	[sflag:s14] =	ssyncset.done $0x0  }
0x14c: {  	[sflag:s14] =	ssyncadd.s32 $0xFFFFC000  }
0x14d: {  	[spmem:s3] =	stream.indirect.scatter.add.f32 [tilespmem:s12], [sflag:$0x3], $0x80, s10, s11, $0xb8;
	[tilespmem:$0x1D000] =	vst v63  }
0x14e: {  	_ =	swait.ge [sflag:s15], $0x4000  }
0x14f: {  	[sflag:s15] =	ssyncset.done $0x0  }
0x150: {  	s7 =	rddreg [dreg:$0x7];
	[sflag:s15] =	ssyncadd.s32 $0xFFFFC000  }
0x151: {  	[tilespmem:s12], [sflag:$0x1] =	stream.indirect.gather [hbm4b:s1+s11], $0x80, s7, s11, $0xb8;
	[tilespmem:$0x1D000] =	vst v63  }
0x152: {  	_ =	swait.ge [sflag:s16], $0x4000  }
0x153: {  	[sflag:s16] =	ssyncset.done $0x0  }
0x154: {  	s8 =	rddreg [dreg:$0x8];
	[sflag:s16] =	ssyncadd.s32 $0xFFFFC000  }
0x155: {  	[spmem:s3] =	stream.indirect.scatter.add.f32 [tilespmem:s13], [sflag:$0x4], $0x80, s8, s11, $0xb8;
	[tilespmem:$0x1D000] =	vst v63  }
0x156: {  	_ =	swait.ge [sflag:s17], $0x4000  }
0x157: {  	[sflag:s17] =	ssyncset.done $0x0  }
0x158: {  	s24 =	rddreg [dreg:$0x9];
	[sflag:s17] =	ssyncadd.s32 $0xFFFFC000  }
0x159: {  	[tilespmem:s13], [sflag:$0x2] =	stream.indirect.gather [hbm4b:s1+s11], $0x80, s24, s11, $0xb8;
	[tilespmem:$0x1D000] =	vst v63  }
0x15a: {  	_ =	swait.ge [sflag:s14], $0x4000  }
0x15b: {  	[sflag:s14] =	ssyncset.done $0x0  }
0x15c: {  	s7 =	rddreg [dreg:$0xa];
	[sflag:s14] =	ssyncadd.s32 $0xFFFFC000  }
0x15d: {  	[spmem:s3] =	stream.indirect.scatter.add.f32 [tilespmem:s12], [sflag:$0x3], $0x80, s7, s11, $0xb8;
	[tilespmem:$0x1D000] =	vst v63  }
0x15e: {  	_ =	swait.ge [sflag:s15], $0x4000  }
0x15f: {  	[sflag:s15] =	ssyncset.done $0x0  }
0x160: {  	s8 =	rddreg [dreg:$0xb];
	[sflag:s15] =	ssyncadd.s32 $0xFFFFC000  }
0x161: {  	[tilespmem:s12], [sflag:$0x1] =	stream.indirect.gather [hbm4b:s1+s11], $0x80, s8, s11, $0xb8;
	[tilespmem:$0x1D000] =	vst v63  }
0x162: {  	_ =	swait.ge [sflag:s16], $0x4000  }
0x163: {  	[sflag:s16] =	ssyncset.done $0x0  }
0x164: {  	s24 =	rddreg [dreg:$0xc];
	[sflag:s16] =	ssyncadd.s32 $0xFFFFC000  }
0x165: {  	[spmem:s3] =	stream.indirect.scatter.add.f32 [tilespmem:s13], [sflag:$0x4], $0x80, s24, s11, $0xb8;
	[tilespmem:$0x1D000] =	vst v63  }
0x166: {  	_ =	swait.ge [sflag:s17], $0x4000  }
0x167: {  	[sflag:s17] =	ssyncset.done $0x0  }
0x168: {  	s7 =	rddreg [dreg:$0xd];
	[sflag:s17] =	ssyncadd.s32 $0xFFFFC000  }
0x169: {  	[tilespmem:s13], [sflag:$0x2] =	stream.indirect.gather [hbm4b:s1+s11], $0x80, s7, s11, $0xb8;
	[tilespmem:$0x1D000] =	vst v63  }
0x16a: {  	_ =	swait.ge [sflag:s14], $0x4000  }
0x16b: {  	[sflag:s14] =	ssyncset.done $0x0  }
0x16c: {  	s8 =	rddreg [dreg:$0xe];
	[sflag:s14] =	ssyncadd.s32 $0xFFFFC000  }
0x16d: {  	[spmem:s3] =	stream.indirect.scatter.add.f32 [tilespmem:s12], [sflag:$0x3], $0x80, s8, s11, $0xb8;
	[tilespmem:$0x1D000] =	vst v63  }
0x16e: {  	_ =	swait.ge [sflag:s15], $0x4000  }
0x16f: {  	[sflag:s15] =	ssyncset.done $0x0  }
0x170: {  	s24 =	rddreg [dreg:$0xf];
	[sflag:s15] =	ssyncadd.s32 $0xFFFFC000  }
0x171: {  	[tilespmem:s12], [sflag:$0x1] =	stream.indirect.gather [hbm4b:s1+s11], $0x80, s24, s11, $0xb8;
	[tilespmem:$0x1D000] =	vst v63  }
0x172: {  	_ =	swait.ge [sflag:s16], $0x4000  }
0x173: {  	[sflag:s16] =	ssyncset.done $0x0  }
0x174: {  	s7 =	rddreg [dreg:$0x10];
	[sflag:s16] =	ssyncadd.s32 $0xFFFFC000  }
0x175: {  	[spmem:s3] =	stream.indirect.scatter.add.f32 [tilespmem:s13], [sflag:$0x4], $0x80, s7, s11, $0xb8;
	[tilespmem:$0x1D000] =	vst v63  }
0x176: {  	_ =	swait.ge [sflag:s17], $0x4000  }
0x177: {  	[sflag:s17] =	ssyncset.done $0x0  }
0x178: {  	s8 =	rddreg [dreg:$0x11];
	[sflag:s17] =	ssyncadd.s32 $0xFFFFC000  }
0x179: {  	[tilespmem:s13], [sflag:$0x2] =	stream.indirect.gather [hbm4b:s1+s11], $0x80, s8, s11, $0xb8;
	[tilespmem:$0x1D000] =	vst v63  }
0x17a: {  	_ =	swait.ge [sflag:s14], $0x4000  }
0x17b: {  	[sflag:s14] =	ssyncset.done $0x0  }
0x17c: {  	s24 =	rddreg [dreg:$0x12];
	[sflag:s14] =	ssyncadd.s32 $0xFFFFC000  }
0x17d: {  	[spmem:s3] =	stream.indirect.scatter.add.f32 [tilespmem:s12], [sflag:$0x3], $0x80, s24, s11, $0xb8;
	[tilespmem:$0x1D000] =	vst v63  }
0x17e: {  	_ =	swait.ge [sflag:s16], $0x4000  }
0x17f: {  	[sflag:s16] =	ssyncset.done $0x0  }
0x180: {  	s7 =	rddreg [dreg:$0x13];
	[sflag:s16] =	ssyncadd.s32 $0xFFFFC000  }
0x181: {  	[spmem:s3] =	stream.indirect.scatter.add.f32 [tilespmem:s13], [sflag:$0x4], $0x80, s7, s11, $0xb8;
	[tilespmem:$0x1D000] =	vst v63  }
0x182: {  	_ =	swait.ge [sflag:s15], $0x4000  }
0x183: {  	[sflag:s15] =	ssyncset.done $0x0  }
0x184: {  	[sflag:s15] =	ssyncadd.s32 $0xFFFFC000  }
0x185: {  	_ =	swait.ge [sflag:s17], $0x4000  }
0x186: {  	[sflag:s17] =	ssyncset.done $0x0  }
0x187: {  	s8 =	rddreg [dreg:$0x14];
	[sflag:s17] =	ssyncadd.s32 $0xFFFFC000  }
0x188: {  	[tilespmem:s12], [sflag:$0x1] =	stream.indirect.gather [hbm4b:s1+s11], $0x80, s8, s11, $0xb8;
	[tilespmem:$0x1D000] =	vst v63  }
0x189: {  	_ = 	snop  }
0x18a: {  	[tilespmem:s13], [sflag:$0x2] =	stream.indirect.gather [hbm4b:s1+s11], $0x80, s18, s11, $0xb8;
	[tilespmem:$0x1D000] =	vst v63  }
0x18b: {  	_ =	swait.ge [sflag:s14], $0x4000  }
0x18c: {  	[sflag:s14] =	ssyncset.done $0x0  }
0x18d: {  	[sflag:s14] =	ssyncadd.s32 $0xFFFFC000  }
0x18e: {  	[spmem:s3] =	stream.indirect.scatter.add.f32 [tilespmem:s12], [sflag:$0x3], $0x80, s19, s11, $0xb8;
	[tilespmem:$0x1D000] =	vst v63  }
0x18f: {  	_ =	swait.ge [sflag:s15], $0x4000  }
0x190: {  	[sflag:s15] =	ssyncset.done $0x0  }
0x191: {  	[sflag:s15] =	ssyncadd.s32 $0xFFFFC000  }
0x192: {  	[tilespmem:s12], [sflag:$0x1] =	stream.indirect.gather [hbm4b:s1+s11], $0x80, s20, s11, $0xb8;
	[tilespmem:$0x1D000] =	vst v63  }
0x193: {  	_ =	swait.ge [sflag:s16], $0x4000  }
0x194: {  	[sflag:s16] =	ssyncset.done $0x0  }
0x195: {  	[sflag:s16] =	ssyncadd.s32 $0xFFFFC000  }
0x196: {  	[spmem:s3] =	stream.indirect.scatter.add.f32 [tilespmem:s13], [sflag:$0x4], $0x80, s21, s11, $0xb8;
	[tilespmem:$0x1D000] =	vst v63  }
0x197: {  	_ =	swait.ge [sflag:s17], $0x4000  }
0x198: {  	[sflag:s17] =	ssyncset.done $0x0  }
0x199: {  	[sflag:s17] =	ssyncadd.s32 $0xFFFFC000  }
0x19a: {  	[tilespmem:s13], [sflag:$0x2] =	stream.indirect.gather [hbm4b:s1+s11], $0x80, s22, s11, $0xb8;
	[tilespmem:$0x1D000] =	vst v63  }
0x19b: {  	_ =	swait.ge [sflag:s14], $0x4000  }
0x19c: {  	[sflag:s14] =	ssyncset.done $0x0  }
0x19d: {  	[sflag:s14] =	ssyncadd.s32 $0xFFFFC000  }
0x19e: {  	[spmem:s3] =	stream.indirect.scatter.add.f32 [tilespmem:s12], [sflag:$0x3], $0x80, s23, s11, $0xb8;
	[tilespmem:$0x1D000] =	vst v63  }
0x19f: {  	_ =	swait.ge [sflag:s15], $0x4000  }
0x1a0: {  	[sflag:s15] =	ssyncset.done $0x0  }
0x1a1: {  	[sflag:s15] =	ssyncadd.s32 $0xFFFFC000  }
0x1a2: {  	[tilespmem:s12], [sflag:$0x1] =	stream.indirect.gather [hbm4b:s1+s11], $0x80, s25, s11, $0xb8;
	[tilespmem:$0x1D000] =	vst v63  }
0x1a3: {  	_ =	swait.ge [sflag:s16], $0x4000  }
0x1a4: {  	[sflag:s16] =	ssyncset.done $0x0  }
0x1a5: {  	[sflag:s16] =	ssyncadd.s32 $0xFFFFC000  }
0x1a6: {  	[spmem:s3] =	stream.indirect.scatter.add.f32 [tilespmem:s13], [sflag:$0x4], $0x80, s26, s11, $0xb8;
	[tilespmem:$0x1D000] =	vst v63  }
0x1a7: {  	_ =	swait.ge [sflag:s17], $0x4000  }
0x1a8: {  	[sflag:s17] =	ssyncset.done $0x0  }
0x1a9: {  	[sflag:s17] =	ssyncadd.s32 $0xFFFFC000  }
0x1aa: {  	[tilespmem:s13], [sflag:$0x2] =	stream.indirect.gather [hbm4b:s1+s11], $0x80, s28, s11, $0xb8;
	[tilespmem:$0x1D000] =	vst v63  }
0x1ab: {  	_ =	swait.ge [sflag:s14], $0x4000  }
0x1ac: {  	[sflag:s14] =	ssyncset.done $0x0  }
0x1ad: {  	[sflag:s14] =	ssyncadd.s32 $0xFFFFC000  }
0x1ae: {  	[spmem:s3] =	stream.indirect.scatter.add.f32 [tilespmem:s12], [sflag:$0x3], $0x80, s29, s11, $0xb8;
	[tilespmem:$0x1D000] =	vst v63  }
0x1af: {  	_ =	swait.ge [sflag:s15], $0x4000  }
0x1b0: {  	[sflag:s15] =	ssyncset.done $0x0  }
0x1b1: {  	[sflag:s15] =	ssyncadd.s32 $0xFFFFC000  }
0x1b2: {  	[tilespmem:s12], [sflag:$0x1] =	stream.indirect.gather [hbm4b:s1+s11], $0x80, s30, s11, $0xb8;
	[tilespmem:$0x1D000] =	vst v63  }
0x1b3: {  	_ =	swait.ge [sflag:s16], $0x4000  }
0x1b4: {  	[sflag:s16] =	ssyncset.done $0x0  }
0x1b5: {  	[sflag:s16] =	ssyncadd.s32 $0xFFFFC000  }
0x1b6: {  	[spmem:s3] =	stream.indirect.scatter.add.f32 [tilespmem:s13], [sflag:$0x4], $0x80, s31, s11, $0xb8;
	[tilespmem:$0x1D000] =	vst v63  }
0x1b7: {  	_ =	swait.ge [sflag:s17], $0x4000  }
0x1b8: {  	[sflag:s17] =	ssyncset.done $0x0  }
0x1b9: {  	[sflag:s17] =	ssyncadd.s32 $0xFFFFC000  }
0x1ba: {  	[tilespmem:s13], [sflag:$0x2] =	stream.indirect.gather [hbm4b:s1+s11], $0x80, s0, s11, $0xb8;
	[tilespmem:$0x1D000] =	vst v63  }
0x1bb: {  	_ =	swait.ge [sflag:s14], $0x4000  }
0x1bc: {  	[sflag:s14] =	ssyncset.done $0x0  }
0x1bd: {  	[sflag:s14] =	ssyncadd.s32 $0xFFFFC000  }
0x1be: {  	[spmem:s3] =	stream.indirect.scatter.add.f32 [tilespmem:s12], [sflag:$0x3], $0x80, s2, s11, $0xb8;
	[tilespmem:$0x1D000] =	vst v63  }
0x1bf: {  	_ =	swait.ge [sflag:s16], $0x4000  }
0x1c0: {  	[sflag:s16] =	ssyncset.done $0x0  }
0x1c1: {  	[sflag:s16] =	ssyncadd.s32 $0xFFFFC000  }
0x1c2: {  	[spmem:s3] =	stream.indirect.scatter.add.f32 [tilespmem:s13], [sflag:$0x4], $0x80, s5, s11, $0xb8;
	[tilespmem:$0x1D000] =	vst v63  }
0x1c3: {  	_ =	swait.ge [sflag:s15], $0x4000  }
0x1c4: {  	[sflag:s15] =	ssyncset.done $0x0  }
0x1c5: {  	[sflag:s15] =	ssyncadd.s32 $0xFFFFC000  }
0x1c6: {  	_ =	swait.ge [sflag:s17], $0x4000  }
0x1c7: {  	[sflag:s17] =	ssyncset.done $0x0  }
0x1c8: {  	[sflag:s17] =	ssyncadd.s32 $0xFFFFC000  }
0x1c9: {  	[bflag:$0x0] =	sbarrier.arrive $0xFFFF  }
0x1ca: {  	s7 =	rddreg [dreg:$0x16]  }
0x1cb: {  	s8 =	rddreg [dreg:$0x18]  }
0x1cc: {  	s24 =	rddreg [dreg:$0x19]  }
0x1cd: {  	[hbm:s24], [sflag:s7] =	dma.local [spmem:s8], $0x2800  }
0x1ce: {  	_ =	swait.ge [sflag:s9], $0x2800  }
0x1cf: {  	s6 =	rddreg [dreg:$0x1a]  }
0x1d0: {  	s24 =	sadd.s32 $0x1, s6;
	s6 =	rddreg [dreg:$0x17]  }
0x1d1: {  	p0 =	sne.s32 s24, s6  }
.Ltmp1:
0x1d2: {  	_ = 	snop;
	(pc) =	sbr.rel @p0 .LBB2_1-.Ltmp1, $3  }
0x1d3: {  	_ =	sdelay $0x1  }
0x1d4: {  	[sflag:s9] =	ssyncset.done $0x0  }
0x1d5: {  	[sflag:s9] =	ssyncadd.s32 $0xFFFFD800  }
0x1d6: {  	_ =	sfence.sel $0x180000  }
0x1d7: {  	[bflag:$0x0] =	sbarrier.arrive $0xFFFF  }
0x1d8: {  	_ =	strace $0x90000047  }
0x1d9: {  	s0 =	stileid.u32;
	[bflag:$0x2] =	sbarrier.arrive $0xFFFF  }
0x1da: {  	p0 =	sne.s32 s0, $0x0;
	s0 =	rddreg [dreg:$0x4]  }
0x1db: {  	s0 =	sadd.s32 @!p0 $0x100000, s0  }
0x1dc: {  	[sflag:s0] =	ssyncadd.tile.s32 @!p0 $0x1;
	_ =	shalt  }
.Lfunc_end2:
_tile_overlayer_lowered:
.L_overlay_start_2:
0x1dd: {  	(tag) =	ssettag $0x2  }
0x1de: {  	s0 =	rddreg [dreg:$0x0];
	s2 =	stileid.u32  }
0x1df: {  	s1 =	rddreg [dreg:$0x1];
	p0 =	sne.s32 s2, $0x0  }
0x1e0: {  	s3 =	rddreg [dreg:$0x2];
	[bflag:$0x3] =	sbarrier.arrive $0xFFFF;
	s2 =	simm.s32 @!p0 $0x1C05  }
0x1e1: {  	[timem:s3], [sflag:s2] =	dma.local @!p0 [hbm:s0], s1  }
0x1e2: {  	s0 =	simm.s32 @!p0 $0x5  }
0x1e3: {  	_ =	swait.ge @!p0 [sflag:s0], s1  }
0x1e4: {  	s1 =	ssub.s32 @!p0 $0x0, s1;
	[sflag:s0] =	ssyncset.done @!p0 $0x0  }
0x1e5: {  	[sflag:s0] =	ssyncadd.s32 @!p0 s1  }
0x1e6: {  	[bflag:$0x3] =	sbarrier.arrive $0xFFFF  }
0x1e7: {  	_ =	shalt  }

</sc_bundles>
